<compile_context>
chip_gen: v7x
topology: tpu7x:2x2x1
jax: 0.10.2.dev20260603
libtpu: 0.0.44.dev20260713+nightly
codegen_flags: <defaults>
</compile_context>

<pallas_src>
import functools

import jax
import jax.numpy as jnp
from jax import lax
from jax.experimental import pallas as pl
from jax.experimental.pallas import tpu as pltpu
from jax.experimental.pallas import tpu_sc as plsc

_N = 50000
_E = 800000
_B = 64
_SEQ = 128
_HID = 256
_PROJ = 512
_NCLS = 1000

_RB = 1024
_NP = 51200
_G = _NP // _RB
_MD16 = 288

_NCORE = 2
_NSUB = 16
_RPP = _NP // 10
_NPASS = 5
_SROWS = _RPP
_EW = _E // _NSUB
_WIN = 2000
_NWIN = _EW // _WIN
_KB = 128
_NBUF = 2
_SEL = 2176
_ZSH = _SROWS // _NSUB
_ZR = 8

_F32 = jnp.float32
_BF16 = jnp.bfloat16
_I32 = jnp.int32



def _mlp1_body(x_ref, w_ref, b_ref, o16_ref):
    i = pl.program_id(0)
    h = jnp.dot(x_ref[...], w_ref[...], preferred_element_type=_F32)
    live = (i * _RB + lax.broadcasted_iota(_I32, (_RB, 1), 0)) < _N
    hr = jnp.where(live, jnp.maximum(h + b_ref[...], 0.0), 0.0)
    o16_ref[:, :_HID] = hr.astype(_BF16)
    lane16 = lax.broadcasted_iota(_I32, (_RB, _MD16 - _HID), 1)
    o16_ref[:, _HID:] = jnp.where(live & (lane16 == 0), 1.0, 0.0).astype(_BF16)


def _mlp2_pool_body(x_ref, w1_ref, b1_ref, md_ref, bt_ref, w_ref, b_ref,
                    sums_ref, cnt_ref):
    i = pl.program_id(0)
    h = jnp.maximum(jnp.dot(x_ref[...], w1_ref[...],
                            preferred_element_type=_F32) + b1_ref[...], 0.0)
    msg = md_ref[:, :_HID].astype(_F32)
    deg = md_ref[:, _HID:_HID + 1].astype(_F32)
    m = msg / jnp.maximum(deg, 1.0)
    Hb = jnp.dot((h + m).astype(_BF16),
                 w_ref[...].astype(_BF16), preferred_element_type=_F32)
    Hb = jnp.maximum(Hb + b_ref[...], 0.0)
    bt = bt_ref[0]
    seg = lax.broadcasted_iota(_I32, (_B, _RB), 0)
    mask = (seg == bt).astype(_BF16)
    psum = jnp.dot(mask, Hb.astype(_BF16), preferred_element_type=_F32)
    pcnt = jnp.sum(mask.astype(_F32), axis=1, keepdims=True)

    @pl.when(i == 0)
    def _init():
        sums_ref[...] = psum
        cnt_ref[...] = jnp.broadcast_to(pcnt, (_B, 128))

    @pl.when(i > 0)
    def _acc():
        sums_ref[...] += psum
        cnt_ref[...] += jnp.broadcast_to(pcnt, (_B, 128))


def _head_body(sums_ref, cnt_ref, wp_ref, bp_ref, wc_ref, bc_ref, o_ref):
    cnt = cnt_ref[:, 0:1]
    hag = sums_ref[...] / jnp.maximum(cnt, 1.0)
    t = jnp.dot(hag, wp_ref[...], preferred_element_type=_F32) + bp_ref[...]
    o_ref[...] = jnp.dot(t, wc_ref[...], preferred_element_type=_F32) + bc_ref[...]


def _node_mlp1(xp, W1p, b1):
    return pl.pallas_call(
        _mlp1_body,
        grid=(_G,),
        in_specs=[
            pl.BlockSpec((_RB, 16), lambda i: (i, 0)),
            pl.BlockSpec((16, _HID), lambda i: (0, 0)),
            pl.BlockSpec((1, _HID), lambda i: (0, 0)),
        ],
        out_specs=pl.BlockSpec((_RB, _MD16), lambda i: (i, 0)),
        out_shape=jax.ShapeDtypeStruct((_NP, _MD16), _BF16),
    )(xp, W1p, b1)


def _node_mlp2_pool(xp, W1p, b1, mdp, bt3, W2, b2):
    return pl.pallas_call(
        _mlp2_pool_body,
        grid=(_G,),
        in_specs=[
            pl.BlockSpec((_RB, 16), lambda i: (i, 0)),
            pl.BlockSpec((16, _HID), lambda i: (0, 0)),
            pl.BlockSpec((1, _HID), lambda i: (0, 0)),
            pl.BlockSpec((_RB, _MD16), lambda i: (i, 0)),
            pl.BlockSpec((1, 1, _RB), lambda i: (i, 0, 0)),
            pl.BlockSpec((_HID, _HID), lambda i: (0, 0)),
            pl.BlockSpec((1, _HID), lambda i: (0, 0)),
        ],
        out_specs=[
            pl.BlockSpec((_B, _HID), lambda i: (0, 0)),
            pl.BlockSpec((_B, 128), lambda i: (0, 0)),
        ],
        out_shape=[
            jax.ShapeDtypeStruct((_B, _HID), _F32),
            jax.ShapeDtypeStruct((_B, 128), _F32),
        ],
    )(xp, W1p, b1, mdp, bt3, W2, b2)


def _head(sums, cnt, Wp, bp, Wc, bc):
    return pl.pallas_call(
        _head_body,
        in_specs=[
            pl.BlockSpec((_B, _HID), lambda: (0, 0)),
            pl.BlockSpec((_B, 128), lambda: (0, 0)),
            pl.BlockSpec((_HID, _PROJ), lambda: (0, 0)),
            pl.BlockSpec((1, _PROJ), lambda: (0, 0)),
            pl.BlockSpec((_PROJ, _NCLS), lambda: (0, 0)),
            pl.BlockSpec((1, _NCLS), lambda: (0, 0)),
        ],
        out_specs=pl.BlockSpec((_B, _NCLS), lambda: (0, 0)),
        out_shape=jax.ShapeDtypeStruct((_B, _NCLS), _F32),
    )(sums, cnt, Wp, bp, Wc, bc)



def _sc_body(src_hbm, dst_hbm, hp_hbm, out_hbm,
             srcw0, dstw0, srcw1, dstw1, sel_src, sel_loc,
             srcb0, locb0, srcb1, locb1, rows0, rows1, zbuf,
             acc, esemA, esemB, gsem0, gsem1, ssem0, ssem1, zsem):
    c = lax.axis_index("c")
    s = lax.axis_index("s")
    lanes = lax.broadcasted_iota(_I32, (16,), 0)
    pad_src = _N + lanes * 8
    pad_loc = lanes
    srcbs, locbs, rowss = (srcb0, srcb1), (locb0, locb1), (rows0, rows1)
    gsems, ssems = (gsem0, gsem1), (ssem0, ssem1)

    def _zb(i, _):
        r = i // (_MD16 // 32)
        k = i - r * (_MD16 // 32)
        zbuf[r, pl.ds(k * 32, 32)] = jnp.zeros((32,), _BF16)
        return 0
    lax.fori_loop(0, _ZR * (_MD16 // 32), _zb, 0)

    def _stage_gather(t, j):
        for k in range(_KB // 16):
            srcbs[t][pl.ds(k * 16, 16)] = sel_src[pl.ds(j * _KB + k * 16, 16)]
            locbs[t][pl.ds(k * 16, 16)] = sel_loc[pl.ds(j * _KB + k * 16, 16)]
        pltpu.async_copy(hp_hbm.at[srcbs[t]], rowss[t], gsems[t])

    def _wait_gather(t):
        pltpu.make_async_copy(hp_hbm.at[srcbs[t]], rowss[t], gsems[t]).wait()

    def _issue_scatter(t):
        pltpu.async_copy(rowss[t], acc.at[locbs[t]], ssems[t], add=True)

    def _drain_scatter(t):
        pltpu.make_async_copy(rowss[t], acc.at[locbs[t]], ssems[t]).wait()

    def _pass(p, _):
        base = (2 * p + c) * _RPP

        plsc.subcore_barrier()
        z0 = s * _ZSH
        zds = [pltpu.async_copy(zbuf, acc.at[pl.ds(z0 + _ZR * k, _ZR)], zsem)
               for k in range(_ZSH // _ZR)]
        for d in zds:
            d.wait()
        plsc.subcore_barrier()

        def _process(sw, dw, carry):
            cnt, p0, p1 = carry
            pends = (p0, p1)

            def _compact(i, cv):
                d = dw[pl.ds(i * 16, 16)]
                sv = sw[pl.ds(i * 16, 16)]
                loc = d - base
                m = (loc >= 0) & (loc < _RPP)
                mi = jnp.where(m, jnp.int32(1), jnp.int32(0))
                pos = plsc.cumsum(mi) - mi + cv
                plsc.store_scatter(sel_loc, [pos], loc, mask=m)
                plsc.store_scatter(sel_src, [pos], sv, mask=m)
                return cv + plsc.all_reduce_population_count(m)
            cnt_v = lax.fori_loop(0, _WIN // 16, _compact,
                                  jnp.broadcast_to(cnt, (16,)))
            cnt = jnp.max(cnt_v)

            nf = cnt // _KB

            def _grp(g, _):
                for t in range(_NBUF):
                    j = _NBUF * g + t
                    @pl.when(j < nf)
                    def _():
                        @pl.when((g > 0) | (pends[t] > 0))
                        def _():
                            _drain_scatter(t)
                        _stage_gather(t, j)
                for t in range(_NBUF):
                    j = _NBUF * g + t
                    @pl.when(j < nf)
                    def _():
                        _wait_gather(t)
                        _issue_scatter(t)
                return 0
            lax.fori_loop(0, (nf + _NBUF - 1) // _NBUF, _grp, 0)

            roff = nf * _KB
            for k in range(_KB // 16):
                sv = sel_src[pl.ds(roff + k * 16, 16)]
                lv = sel_loc[pl.ds(roff + k * 16, 16)]
                sel_src[pl.ds(k * 16, 16)] = sv
                sel_loc[pl.ds(k * 16, 16)] = lv
            p0 = jnp.where(nf >= 1, jnp.int32(1), p0)
            p1 = jnp.where(nf >= 2, jnp.int32(1), p1)
            return cnt - roff, p0, p1

        def _issue(w, sw, dw, sem):
            e0 = s * _EW + w * _WIN
            pltpu.async_copy(src_hbm.at[pl.ds(e0, _WIN)], sw, sem)
            pltpu.async_copy(dst_hbm.at[pl.ds(e0, _WIN)], dw, sem)

        def _drain(sw, dw, sem):
            pltpu.make_async_copy(src_hbm.at[pl.ds(0, _WIN)], sw, sem).wait()
            pltpu.make_async_copy(src_hbm.at[pl.ds(0, _WIN)], dw, sem).wait()

        _issue(0, srcw0, dstw0, esemA)

        def _pair(w2, carry):
            w = 2 * w2
            _issue(w + 1, srcw1, dstw1, esemB)
            _drain(srcw0, dstw0, esemA)
            carry = _process(srcw0, dstw0, carry)
            _issue(w + 2, srcw0, dstw0, esemA)
            _drain(srcw1, dstw1, esemB)
            carry = _process(srcw1, dstw1, carry)
            return carry

        zero = jnp.int32(0)
        carry = lax.fori_loop(0, (_NWIN - 1) // 2, _pair, (zero, zero, zero))
        _drain(srcw0, dstw0, esemA)
        cnt, p0, p1 = _process(srcw0, dstw0, carry)

        @pl.when(p0 > 0)
        def _():
            _drain_scatter(0)

        @pl.when(p1 > 0)
        def _():
            _drain_scatter(1)

        for k in range(_KB // 16):
            sel_src[pl.ds(cnt + k * 16, 16)] = pad_src
            sel_loc[pl.ds(cnt + k * 16, 16)] = pad_loc

        @pl.when(cnt > 0)
        def _():
            _stage_gather(0, 0)
            _wait_gather(0)
            _issue_scatter(0)
            _drain_scatter(0)

        plsc.subcore_barrier()
        rb = _RPP // _NSUB
        pltpu.sync_copy(acc.at[pl.ds(s * rb, rb)],
                        out_hbm.at[pl.ds(base + s * rb, rb)])
        return 0

    lax.fori_loop(0, _NPASS, _pass, 0)


@functools.partial(jax.jit, static_argnums=())
def _sc_msgdeg(src, dst, hp16):
    mesh = plsc.VectorSubcoreMesh(core_axis_name="c", subcore_axis_name="s")
    f = pl.kernel(
        _sc_body,
        out_type=jax.ShapeDtypeStruct((_NP, _MD16), _BF16),
        mesh=mesh,
        compiler_params=pltpu.CompilerParams(needs_layout_passes=False,
                                             use_tc_tiling_on_sc=False),
        scratch_types=[
            pltpu.VMEM((_WIN,), _I32),
            pltpu.VMEM((_WIN,), _I32),
            pltpu.VMEM((_WIN,), _I32),
            pltpu.VMEM((_WIN,), _I32),
            pltpu.VMEM((_SEL,), _I32),
            pltpu.VMEM((_SEL,), _I32),
            pltpu.VMEM((_KB,), _I32),
            pltpu.VMEM((_KB,), _I32),
            pltpu.VMEM((_KB,), _I32),
            pltpu.VMEM((_KB,), _I32),
            pltpu.VMEM((_KB, _MD16), _BF16),
            pltpu.VMEM((_KB, _MD16), _BF16),
            pltpu.VMEM((_ZR, _MD16), _BF16),
            pltpu.VMEM_SHARED((_SROWS, _MD16), _BF16),
            pltpu.SemaphoreType.DMA,
            pltpu.SemaphoreType.DMA,
            pltpu.SemaphoreType.DMA,
            pltpu.SemaphoreType.DMA,
            pltpu.SemaphoreType.DMA,
            pltpu.SemaphoreType.DMA,
            pltpu.SemaphoreType.DMA,
        ],
    )
    return f(src, dst, hp16)


def kernel(x, edge_index, batch, W1, b1, W2, b2, Wp, bp, Wc, bc):
    xp = jnp.zeros((_NP, 16), _F32).at[:_N, :11].set(x)
    W1p = jnp.zeros((16, _HID), _F32).at[:11, :].set(W1)
    hp16 = _node_mlp1(xp, W1p, b1.reshape(1, _HID))

    mdp = _sc_msgdeg(edge_index[0], edge_index[1], hp16)

    btp = jnp.full((_NP,), _B, _I32).at[:_N].set(batch).reshape(_G, 1, _RB)
    sums, cnt = _node_mlp2_pool(xp, W1p, b1.reshape(1, _HID), mdp, btp,
                                W2, b2.reshape(1, _HID))
    logits = _head(sums, cnt, Wp, bp.reshape(1, _PROJ), Wc, bc.reshape(1, _NCLS))
    return jnp.broadcast_to(logits[None], (_SEQ, _B, _NCLS))

# --- scband reference (transcript-rebuilt; emitter-appended) ---
"""Pipeline reference for scband-ocrmodel-gnnonly-2018634629682 (READ-ONLY COPY).

The authoritative reference and input builder live on the scoring server;
editing this copy changes nothing except your own understanding.
"""

import jax, jax.numpy as jnp
import numpy as np

N = 50000
E = 800000
B = 64
SEQ = 128
HID = 256
PROJ = 512
NUM_CLASSES = 1000


def setup_inputs(seed: int = 0) -> dict:
    key = jax.random.key(seed)
    ks = jax.random.split(key, 12)
    x = jax.random.normal(ks[0], (N, 11), dtype=jnp.float32)
    edge_index = jax.random.randint(ks[1], (2, E), 0, N, dtype=jnp.int32)
    batch = jnp.sort(jax.random.randint(ks[2], (N,), 0, B, dtype=jnp.int32))
    # GNNEncoder params (input_dim=11 -> hidden_dim=256, one message-passing layer)
    W1 = jax.random.normal(ks[3], (11, HID), dtype=jnp.float32) * 0.05
    b1 = jnp.zeros((HID,), dtype=jnp.float32)
    W2 = jax.random.normal(ks[4], (HID, HID), dtype=jnp.float32) * 0.05
    b2 = jnp.zeros((HID,), dtype=jnp.float32)
    # projection 256 -> 512
    Wp = jax.random.normal(ks[5], (HID, PROJ), dtype=jnp.float32) * 0.05
    bp = jnp.zeros((PROJ,), dtype=jnp.float32)
    # classifier 512 -> num_classes
    Wc = jax.random.normal(ks[6], (PROJ, NUM_CLASSES), dtype=jnp.float32) * 0.05
    bc = jnp.zeros((NUM_CLASSES,), dtype=jnp.float32)
    return {"x": x, "edge_index": edge_index, "batch": batch,
            "W1": W1, "b1": b1, "W2": W2, "b2": b2,
            "Wp": Wp, "bp": bp, "Wc": Wc, "bc": bc}


def reference(x, edge_index, batch, W1, b1, W2, b2, Wp, bp, Wc, bc):
    # GNNEncoder: node MLP + mean-neighbor message passing
    h = jax.nn.relu(x @ W1 + b1)
    src = edge_index[0]
    dst = edge_index[1]
    msg = jax.ops.segment_sum(h[src], dst, num_segments=N)
    deg = jax.ops.segment_sum(jnp.ones((E,), jnp.float32), dst, num_segments=N)
    msg = msg / jnp.maximum(deg, 1.0)[:, None]
    H = jax.nn.relu((h + msg) @ W2 + b2)
    # per-graph mean pooling (segment mean over batch ids); empty graph -> zeros
    sums = jax.ops.segment_sum(H, batch, num_segments=B)
    cnt = jax.ops.segment_sum(jnp.ones((N,), jnp.float32), batch, num_segments=B)
    h_agg = sums / jnp.maximum(cnt, 1.0)[:, None]
    # repeat each pooled vector max_seq_len times: [B, SEQ, HID]
    U = jnp.broadcast_to(h_agg[:, None, :], (B, SEQ, HID))
    U = U @ Wp + bp
    logits = U @ Wc + bc
    return jnp.transpose(logits, (1, 0, 2))

if __name__ == "__main__":
    import jax
    _d = setup_inputs()
    print(jax.jit(kernel)(*tuple(_d.values())))

</pallas_src>

<mosaic_0001>
#map = affine_map<(d0, d1) -> (0)>
#map1 = affine_map<(d0, d1) -> (0, 0)>
module attributes {stable_mosaic.version = 14 : i64} {
  func.func @_sc_body(%arg0: i32, %arg1: i32, %arg2: memref<800000xi32, #tpu.memory_space<hbm>>, %arg3: memref<800000xi32, #tpu.memory_space<hbm>>, %arg4: memref<51200x288xbf16, #tpu.memory_space<hbm>>, %arg5: memref<51200x288xbf16, #tpu.memory_space<hbm>>, %arg6: memref<2000xi32, #tpu.memory_space<vmem>>, %arg7: memref<2000xi32, #tpu.memory_space<vmem>>, %arg8: memref<2000xi32, #tpu.memory_space<vmem>>, %arg9: memref<2000xi32, #tpu.memory_space<vmem>>, %arg10: memref<2176xi32, #tpu.memory_space<vmem>>, %arg11: memref<2176xi32, #tpu.memory_space<vmem>>, %arg12: memref<128xi32, #tpu.memory_space<vmem>>, %arg13: memref<128xi32, #tpu.memory_space<vmem>>, %arg14: memref<128xi32, #tpu.memory_space<vmem>>, %arg15: memref<128xi32, #tpu.memory_space<vmem>>, %arg16: memref<128x288xbf16, #tpu.memory_space<vmem>>, %arg17: memref<128x288xbf16, #tpu.memory_space<vmem>>, %arg18: memref<8x288xbf16, #tpu.memory_space<vmem>>, %arg19: memref<5120x288xbf16, #tpu.memory_space<vmem_shared>>, %arg20: memref<!tpu.dma_semaphore, #tpu.memory_space<semaphore_mem>>, %arg21: memref<!tpu.dma_semaphore, #tpu.memory_space<semaphore_mem>>, %arg22: memref<!tpu.dma_semaphore, #tpu.memory_space<semaphore_mem>>, %arg23: memref<!tpu.dma_semaphore, #tpu.memory_space<semaphore_mem>>, %arg24: memref<!tpu.dma_semaphore, #tpu.memory_space<semaphore_mem>>, %arg25: memref<!tpu.dma_semaphore, #tpu.memory_space<semaphore_mem>>, %arg26: memref<!tpu.dma_semaphore, #tpu.memory_space<semaphore_mem>>) attributes {dimension_semantics = [#tpu.dimension_semantics<core_parallel>, #tpu.dimension_semantics<subcore_parallel>], iteration_bounds = array<i64: 2, 16>, scalar_prefetch = 0 : i64, scratch_operands = 21 : i64, tpu.core_type = #tpu.core_type<sc_vector_subcore>, window_params = [{transform_indices = #map}, {transform_indices = #map}, {transform_indices = #map1}, {transform_indices = #map1}]} {
    %iota3A = tpu.iota {dimensions = array<i32: 0>} : vector<16xi32>
    %mul3A = arith.constant 8 : i32
    %mul3A_0 = vector.broadcast %mul3A : i32 to vector<16xi32>
    %mul3A_1 = arith.muli %iota3A, %mul3A_0 : vector<16xi32>
    %add3A = arith.constant 50000 : i32
    %add3A_2 = vector.broadcast %add3A : i32 to vector<16xi32>
    %add3A_3 = arith.addi %add3A_2, %mul3A_1 : vector<16xi32>
    %scan3A = arith.constant 0 : i32
    %scan3A_4 = arith.constant 0 : i32
    %scan3A_5 = arith.constant 72 : i32
    %scan3A_6 = arith.addi %scan3A_4, %scan3A_5 : i32
    %scan3A_7 = arith.constant 1 : i32
    %scan3A_8 = scf.for %scan3A_17 = %scan3A_4 to %scan3A_6 step %scan3A_7 iter_args(%scan3A_18 = %scan3A) -> (i32)  : i32 {
      %jit3A = arith.constant 9 : i32
      %div3A = arith.divsi %scan3A_17, %jit3A : i32
      %sign3A = arith.constant 0 : i32
      %sign3A_19 = arith.cmpi sgt, %scan3A_17, %sign3A : i32
      %sign3A_20 = arith.extui %sign3A_19 : i1 to i32
      %sign3A_21 = arith.constant 0 : i32
      %sign3A_22 = arith.cmpi slt, %scan3A_17, %sign3A_21 : i32
      %sign3A_23 = arith.extui %sign3A_22 : i1 to i32
      %sign3A_24 = arith.subi %sign3A_20, %sign3A_23 : i32
      %sign3A_25 = arith.constant 0 : i32
      %sign3A_26 = arith.cmpi sgt, %jit3A, %sign3A_25 : i32
      %sign3A_27 = arith.extui %sign3A_26 : i1 to i32
      %sign3A_28 = arith.constant 0 : i32
      %sign3A_29 = arith.cmpi slt, %jit3A, %sign3A_28 : i32
      %sign3A_30 = arith.extui %sign3A_29 : i1 to i32
      %sign3A_31 = arith.subi %sign3A_27, %sign3A_30 : i32
      %ne3A = arith.cmpi ne, %sign3A_24, %sign3A_31 : i32
      %rem3A = arith.remsi %scan3A_17, %jit3A : i32
      %ne3A_32 = arith.constant 0 : i32
      %ne3A_33 = arith.cmpi ne, %rem3A, %ne3A_32 : i32
      %and3A = arith.andi %ne3A, %ne3A_33 : i1
      %sub3A = arith.constant 1 : i32
      %sub3A_34 = arith.subi %div3A, %sub3A : i32
      %select_n3A = arith.select %and3A, %sub3A_34, %div3A : i32
      %mul3A_35 = arith.constant 9 : i32
      %mul3A_36 = arith.muli %select_n3A, %mul3A_35 : i32
      %sub3A_37 = arith.subi %scan3A_17, %mul3A_36 : i32
      %broadcast_in_dim3A = arith.constant 0.000000e+00 : bf16
      %broadcast_in_dim3A_38 = vector.broadcast %broadcast_in_dim3A : bf16 to vector<32xbf16>
      %mul3A_39 = arith.constant 32 : i32
      %mul3A_40 = arith.muli %sub3A_37, %mul3A_39 : i32
      %swap3A = arith.index_cast %select_n3A : i32 to index
      %swap3A_41 = arith.index_cast %mul3A_40 : i32 to index
      %swap3A_42 = tpu.vector_load %arg18[%swap3A, %swap3A_41] {strides = array<i32>} : memref<8x288xbf16, #tpu.memory_space<vmem>>, vector<32xbf16>,
      tpu.vector_store %arg18[%swap3A, %swap3A_41], %broadcast_in_dim3A_38 {strides = array<i32>} : memref<8x288xbf16, #tpu.memory_space<vmem>>, vector<32xbf16>,
      %scan3A_43 = arith.constant 0 : i32
      scf.yield %scan3A_43 : i32
    }
    %scan3A_9 = arith.constant 72 : i32
    %scan3A_10 = arith.constant 0 : i32
    %scan3A_11 = arith.constant 0 : i32
    %scan3A_12 = arith.constant 5 : i32
    %scan3A_13 = arith.addi %scan3A_11, %scan3A_12 : i32
    %scan3A_14 = arith.constant 1 : i32
    %scan3A_15 = scf.for %scan3A_17 = %scan3A_11 to %scan3A_13 step %scan3A_14 iter_args(%scan3A_18 = %scan3A_10) -> (i32)  : i32 {
      %mul3A_19 = arith.constant 2 : i32
      %mul3A_20 = arith.muli %mul3A_19, %scan3A_17 : i32
      %add3A_21 = arith.addi %mul3A_20, %arg0 : i32
      %mul3A_22 = arith.constant 5120 : i32
      %mul3A_23 = arith.muli %add3A_21, %mul3A_22 : i32
      %barrier3A = arith.constant 0 : index
      tpu.barrier barrier_id(%barrier3A)
      %mul3A_24 = arith.constant 320 : i32
      %mul3A_25 = arith.muli %arg1, %mul3A_24 : i32
      %add3A_26 = arith.constant 0 : i32
      %add3A_27 = arith.addi %mul3A_25, %add3A_26 : i32
      %dma_start3A = arith.constant 0 : i32
      %dma_start3A_28 = tpu.memref_slice %arg19[%add3A_27, %dma_start3A] : memref<5120x288xbf16, #tpu.memory_space<vmem_shared>> -> memref<8x288xbf16, #tpu.memory_space<vmem_shared>>
      %dma_start3A_29 = arith.constant 0 : i32
      %dma_start3A_30 = tpu.memref_slice %arg19[%add3A_27, %dma_start3A_29] : memref<5120x288xbf16, #tpu.memory_space<vmem_shared>> -> memref<8x288xbf16, #tpu.memory_space<vmem_shared>>
      tpu.enqueue_dma source(%arg18 : memref<8x288xbf16, #tpu.memory_space<vmem>>) target(%dma_start3A_30 : memref<8x288xbf16, #tpu.memory_space<vmem_shared>>) target_semaphore(%arg26 : memref<!tpu.dma_semaphore, #tpu.memory_space<semaphore_mem>>)
      %add3A_31 = arith.constant 8 : i32
      %add3A_32 = arith.addi %mul3A_25, %add3A_31 : i32
      %dma_start3A_33 = arith.constant 0 : i32
      %dma_start3A_34 = tpu.memref_slice %arg19[%add3A_32, %dma_start3A_33] : memref<5120x288xbf16, #tpu.memory_space<vmem_shared>> -> memref<8x288xbf16, #tpu.memory_space<vmem_shared>>
      %dma_start3A_35 = arith.constant 0 : i32
      %dma_start3A_36 = tpu.memref_slice %arg19[%add3A_32, %dma_start3A_35] : memref<5120x288xbf16, #tpu.memory_space<vmem_shared>> -> memref<8x288xbf16, #tpu.memory_space<vmem_shared>>
      tpu.enqueue_dma source(%arg18 : memref<8x288xbf16, #tpu.memory_space<vmem>>) target(%dma_start3A_36 : memref<8x288xbf16, #tpu.memory_space<vmem_shared>>) target_semaphore(%arg26 : memref<!tpu.dma_semaphore, #tpu.memory_space<semaphore_mem>>)
      %add3A_37 = arith.constant 16 : i32
      %add3A_38 = arith.addi %mul3A_25, %add3A_37 : i32
      %dma_start3A_39 = arith.constant 0 : i32
      %dma_start3A_40 = tpu.memref_slice %arg19[%add3A_38, %dma_start3A_39] : memref<5120x288xbf16, #tpu.memory_space<vmem_shared>> -> memref<8x288xbf16, #tpu.memory_space<vmem_shared>>
      %dma_start3A_41 = arith.constant 0 : i32
      %dma_start3A_42 = tpu.memref_slice %arg19[%add3A_38, %dma_start3A_41] : memref<5120x288xbf16, #tpu.memory_space<vmem_shared>> -> memref<8x288xbf16, #tpu.memory_space<vmem_shared>>
      tpu.enqueue_dma source(%arg18 : memref<8x288xbf16, #tpu.memory_space<vmem>>) target(%dma_start3A_42 : memref<8x288xbf16, #tpu.memory_space<vmem_shared>>) target_semaphore(%arg26 : memref<!tpu.dma_semaphore, #tpu.memory_space<semaphore_mem>>)
      %add3A_43 = arith.constant 24 : i32
      %add3A_44 = arith.addi %mul3A_25, %add3A_43 : i32
      %dma_start3A_45 = arith.constant 0 : i32
      %dma_start3A_46 = tpu.memref_slice %arg19[%add3A_44, %dma_start3A_45] : memref<5120x288xbf16, #tpu.memory_space<vmem_shared>> -> memref<8x288xbf16, #tpu.memory_space<vmem_shared>>
      %dma_start3A_47 = arith.constant 0 : i32
      %dma_start3A_48 = tpu.memref_slice %arg19[%add3A_44, %dma_start3A_47] : memref<5120x288xbf16, #tpu.memory_space<vmem_shared>> -> memref<8x288xbf16, #tpu.memory_space<vmem_shared>>
      tpu.enqueue_dma source(%arg18 : memref<8x288xbf16, #tpu.memory_space<vmem>>) target(%dma_start3A_48 : memref<8x288xbf16, #tpu.memory_space<vmem_shared>>) target_semaphore(%arg26 : memref<!tpu.dma_semaphore, #tpu.memory_space<semaphore_mem>>)
      %add3A_49 = arith.constant 32 : i32
      %add3A_50 = arith.addi %mul3A_25, %add3A_49 : i32
      %dma_start3A_51 = arith.constant 0 : i32
      %dma_start3A_52 = tpu.memref_slice %arg19[%add3A_50, %dma_start3A_51] : memref<5120x288xbf16, #tpu.memory_space<vmem_shared>> -> memref<8x288xbf16, #tpu.memory_space<vmem_shared>>
      %dma_start3A_53 = arith.constant 0 : i32
      %dma_start3A_54 = tpu.memref_slice %arg19[%add3A_50, %dma_start3A_53] : memref<5120x288xbf16, #tpu.memory_space<vmem_shared>> -> memref<8x288xbf16, #tpu.memory_space<vmem_shared>>
      tpu.enqueue_dma source(%arg18 : memref<8x288xbf16, #tpu.memory_space<vmem>>) target(%dma_start3A_54 : memref<8x288xbf16, #tpu.memory_space<vmem_shared>>) target_semaphore(%arg26 : memref<!tpu.dma_semaphore, #tpu.memory_space<semaphore_mem>>)
      %add3A_55 = arith.constant 40 : i32
      %add3A_56 = arith.addi %mul3A_25, %add3A_55 : i32
      %dma_start3A_57 = arith.constant 0 : i32
      %dma_start3A_58 = tpu.memref_slice %arg19[%add3A_56, %dma_start3A_57] : memref<5120x288xbf16, #tpu.memory_space<vmem_shared>> -> memref<8x288xbf16, #tpu.memory_space<vmem_shared>>
      %dma_start3A_59 = arith.constant 0 : i32
      %dma_start3A_60 = tpu.memref_slice %arg19[%add3A_56, %dma_start3A_59] : memref<5120x288xbf16, #tpu.memory_space<vmem_shared>> -> memref<8x288xbf16, #tpu.memory_space<vmem_shared>>
      tpu.enqueue_dma source(%arg18 : memref<8x288xbf16, #tpu.memory_space<vmem>>) target(%dma_start3A_60 : memref<8x288xbf16, #tpu.memory_space<vmem_shared>>) target_semaphore(%arg26 : memref<!tpu.dma_semaphore, #tpu.memory_space<semaphore_mem>>)
      %add3A_61 = arith.constant 48 : i32
      %add3A_62 = arith.addi %mul3A_25, %add3A_61 : i32
      %dma_start3A_63 = arith.constant 0 : i32
      %dma_start3A_64 = tpu.memref_slice %arg19[%add3A_62, %dma_start3A_63] : memref<5120x288xbf16, #tpu.memory_space<vmem_shared>> -> memref<8x288xbf16, #tpu.memory_space<vmem_shared>>
      %dma_start3A_65 = arith.constant 0 : i32
      %dma_start3A_66 = tpu.memref_slice %arg19[%add3A_62, %dma_start3A_65] : memref<5120x288xbf16, #tpu.memory_space<vmem_shared>> -> memref<8x288xbf16, #tpu.memory_space<vmem_shared>>
      tpu.enqueue_dma source(%arg18 : memref<8x288xbf16, #tpu.memory_space<vmem>>) target(%dma_start3A_66 : memref<8x288xbf16, #tpu.memory_space<vmem_shared>>) target_semaphore(%arg26 : memref<!tpu.dma_semaphore, #tpu.memory_space<semaphore_mem>>)
      %add3A_67 = arith.constant 56 : i32
      %add3A_68 = arith.addi %mul3A_25, %add3A_67 : i32
      %dma_start3A_69 = arith.constant 0 : i32
      %dma_start3A_70 = tpu.memref_slice %arg19[%add3A_68, %dma_start3A_69] : memref<5120x288xbf16, #tpu.memory_space<vmem_shared>> -> memref<8x288xbf16, #tpu.memory_space<vmem_shared>>
      %dma_start3A_71 = arith.constant 0 : i32
      %dma_start3A_72 = tpu.memref_slice %arg19[%add3A_68, %dma_start3A_71] : memref<5120x288xbf16, #tpu.memory_space<vmem_shared>> -> memref<8x288xbf16, #tpu.memory_space<vmem_shared>>
      tpu.enqueue_dma source(%arg18 : memref<8x288xbf16, #tpu.memory_space<vmem>>) target(%dma_start3A_72 : memref<8x288xbf16, #tpu.memory_space<vmem_shared>>) target_semaphore(%arg26 : memref<!tpu.dma_semaphore, #tpu.memory_space<semaphore_mem>>)
      %add3A_73 = arith.constant 64 : i32
      %add3A_74 = arith.addi %mul3A_25, %add3A_73 : i32
      %dma_start3A_75 = arith.constant 0 : i32
      %dma_start3A_76 = tpu.memref_slice %arg19[%add3A_74, %dma_start3A_75] : memref<5120x288xbf16, #tpu.memory_space<vmem_shared>> -> memref<8x288xbf16, #tpu.memory_space<vmem_shared>>
      %dma_start3A_77 = arith.constant 0 : i32
      %dma_start3A_78 = tpu.memref_slice %arg19[%add3A_74, %dma_start3A_77] : memref<5120x288xbf16, #tpu.memory_space<vmem_shared>> -> memref<8x288xbf16, #tpu.memory_space<vmem_shared>>
      tpu.enqueue_dma source(%arg18 : memref<8x288xbf16, #tpu.memory_space<vmem>>) target(%dma_start3A_78 : memref<8x288xbf16, #tpu.memory_space<vmem_shared>>) target_semaphore(%arg26 : memref<!tpu.dma_semaphore, #tpu.memory_space<semaphore_mem>>)
      %add3A_79 = arith.constant 72 : i32
      %add3A_80 = arith.addi %mul3A_25, %add3A_79 : i32
      %dma_start3A_81 = arith.constant 0 : i32
      %dma_start3A_82 = tpu.memref_slice %arg19[%add3A_80, %dma_start3A_81] : memref<5120x288xbf16, #tpu.memory_space<vmem_shared>> -> memref<8x288xbf16, #tpu.memory_space<vmem_shared>>
      %dma_start3A_83 = arith.constant 0 : i32
      %dma_start3A_84 = tpu.memref_slice %arg19[%add3A_80, %dma_start3A_83] : memref<5120x288xbf16, #tpu.memory_space<vmem_shared>> -> memref<8x288xbf16, #tpu.memory_space<vmem_shared>>
      tpu.enqueue_dma source(%arg18 : memref<8x288xbf16, #tpu.memory_space<vmem>>) target(%dma_start3A_84 : memref<8x288xbf16, #tpu.memory_space<vmem_shared>>) target_semaphore(%arg26 : memref<!tpu.dma_semaphore, #tpu.memory_space<semaphore_mem>>)
      %add3A_85 = arith.constant 80 : i32
      %add3A_86 = arith.addi %mul3A_25, %add3A_85 : i32
      %dma_start3A_87 = arith.constant 0 : i32
      %dma_start3A_88 = tpu.memref_slice %arg19[%add3A_86, %dma_start3A_87] : memref<5120x288xbf16, #tpu.memory_space<vmem_shared>> -> memref<8x288xbf16, #tpu.memory_space<vmem_shared>>
      %dma_start3A_89 = arith.constant 0 : i32
      %dma_start3A_90 = tpu.memref_slice %arg19[%add3A_86, %dma_start3A_89] : memref<5120x288xbf16, #tpu.memory_space<vmem_shared>> -> memref<8x288xbf16, #tpu.memory_space<vmem_shared>>
      tpu.enqueue_dma source(%arg18 : memref<8x288xbf16, #tpu.memory_space<vmem>>) target(%dma_start3A_90 : memref<8x288xbf16, #tpu.memory_space<vmem_shared>>) target_semaphore(%arg26 : memref<!tpu.dma_semaphore, #tpu.memory_space<semaphore_mem>>)
      %add3A_91 = arith.constant 88 : i32
      %add3A_92 = arith.addi %mul3A_25, %add3A_91 : i32
      %dma_start3A_93 = arith.constant 0 : i32
      %dma_start3A_94 = tpu.memref_slice %arg19[%add3A_92, %dma_start3A_93] : memref<5120x288xbf16, #tpu.memory_space<vmem_shared>> -> memref<8x288xbf16, #tpu.memory_space<vmem_shared>>
      %dma_start3A_95 = arith.constant 0 : i32
      %dma_start3A_96 = tpu.memref_slice %arg19[%add3A_92, %dma_start3A_95] : memref<5120x288xbf16, #tpu.memory_space<vmem_shared>> -> memref<8x288xbf16, #tpu.memory_space<vmem_shared>>
      tpu.enqueue_dma source(%arg18 : memref<8x288xbf16, #tpu.memory_space<vmem>>) target(%dma_start3A_96 : memref<8x288xbf16, #tpu.memory_space<vmem_shared>>) target_semaphore(%arg26 : memref<!tpu.dma_semaphore, #tpu.memory_space<semaphore_mem>>)
      %add3A_97 = arith.constant 96 : i32
      %add3A_98 = arith.addi %mul3A_25, %add3A_97 : i32
      %dma_start3A_99 = arith.constant 0 : i32
      %dma_start3A_100 = tpu.memref_slice %arg19[%add3A_98, %dma_start3A_99] : memref<5120x288xbf16, #tpu.memory_space<vmem_shared>> -> memref<8x288xbf16, #tpu.memory_space<vmem_shared>>
      %dma_start3A_101 = arith.constant 0 : i32
      %dma_start3A_102 = tpu.memref_slice %arg19[%add3A_98, %dma_start3A_101] : memref<5120x288xbf16, #tpu.memory_space<vmem_shared>> -> memref<8x288xbf16, #tpu.memory_space<vmem_shared>>
      tpu.enqueue_dma source(%arg18 : memref<8x288xbf16, #tpu.memory_space<vmem>>) target(%dma_start3A_102 : memref<8x288xbf16, #tpu.memory_space<vmem_shared>>) target_semaphore(%arg26 : memref<!tpu.dma_semaphore, #tpu.memory_space<semaphore_mem>>)
      %add3A_103 = arith.constant 104 : i32
      %add3A_104 = arith.addi %mul3A_25, %add3A_103 : i32
      %dma_start3A_105 = arith.constant 0 : i32
      %dma_start3A_106 = tpu.memref_slice %arg19[%add3A_104, %dma_start3A_105] : memref<5120x288xbf16, #tpu.memory_space<vmem_shared>> -> memref<8x288xbf16, #tpu.memory_space<vmem_shared>>
      %dma_start3A_107 = arith.constant 0 : i32
      %dma_start3A_108 = tpu.memref_slice %arg19[%add3A_104, %dma_start3A_107] : memref<5120x288xbf16, #tpu.memory_space<vmem_shared>> -> memref<8x288xbf16, #tpu.memory_space<vmem_shared>>
      tpu.enqueue_dma source(%arg18 : memref<8x288xbf16, #tpu.memory_space<vmem>>) target(%dma_start3A_108 : memref<8x288xbf16, #tpu.memory_space<vmem_shared>>) target_semaphore(%arg26 : memref<!tpu.dma_semaphore, #tpu.memory_space<semaphore_mem>>)
      %add3A_109 = arith.constant 112 : i32
      %add3A_110 = arith.addi %mul3A_25, %add3A_109 : i32
      %dma_start3A_111 = arith.constant 0 : i32
      %dma_start3A_112 = tpu.memref_slice %arg19[%add3A_110, %dma_start3A_111] : memref<5120x288xbf16, #tpu.memory_space<vmem_shared>> -> memref<8x288xbf16, #tpu.memory_space<vmem_shared>>
      %dma_start3A_113 = arith.constant 0 : i32
      %dma_start3A_114 = tpu.memref_slice %arg19[%add3A_110, %dma_start3A_113] : memref<5120x288xbf16, #tpu.memory_space<vmem_shared>> -> memref<8x288xbf16, #tpu.memory_space<vmem_shared>>
      tpu.enqueue_dma source(%arg18 : memref<8x288xbf16, #tpu.memory_space<vmem>>) target(%dma_start3A_114 : memref<8x288xbf16, #tpu.memory_space<vmem_shared>>) target_semaphore(%arg26 : memref<!tpu.dma_semaphore, #tpu.memory_space<semaphore_mem>>)
      %add3A_115 = arith.constant 120 : i32
      %add3A_116 = arith.addi %mul3A_25, %add3A_115 : i32
      %dma_start3A_117 = arith.constant 0 : i32
      %dma_start3A_118 = tpu.memref_slice %arg19[%add3A_116, %dma_start3A_117] : memref<5120x288xbf16, #tpu.memory_space<vmem_shared>> -> memref<8x288xbf16, #tpu.memory_space<vmem_shared>>
      %dma_start3A_119 = arith.constant 0 : i32
      %dma_start3A_120 = tpu.memref_slice %arg19[%add3A_116, %dma_start3A_119] : memref<5120x288xbf16, #tpu.memory_space<vmem_shared>> -> memref<8x288xbf16, #tpu.memory_space<vmem_shared>>
      tpu.enqueue_dma source(%arg18 : memref<8x288xbf16, #tpu.memory_space<vmem>>) target(%dma_start3A_120 : memref<8x288xbf16, #tpu.memory_space<vmem_shared>>) target_semaphore(%arg26 : memref<!tpu.dma_semaphore, #tpu.memory_space<semaphore_mem>>)
      %add3A_121 = arith.constant 128 : i32
      %add3A_122 = arith.addi %mul3A_25, %add3A_121 : i32
      %dma_start3A_123 = arith.constant 0 : i32
      %dma_start3A_124 = tpu.memref_slice %arg19[%add3A_122, %dma_start3A_123] : memref<5120x288xbf16, #tpu.memory_space<vmem_shared>> -> memref<8x288xbf16, #tpu.memory_space<vmem_shared>>
      %dma_start3A_125 = arith.constant 0 : i32
      %dma_start3A_126 = tpu.memref_slice %arg19[%add3A_122, %dma_start3A_125] : memref<5120x288xbf16, #tpu.memory_space<vmem_shared>> -> memref<8x288xbf16, #tpu.memory_space<vmem_shared>>
      tpu.enqueue_dma source(%arg18 : memref<8x288xbf16, #tpu.memory_space<vmem>>) target(%dma_start3A_126 : memref<8x288xbf16, #tpu.memory_space<vmem_shared>>) target_semaphore(%arg26 : memref<!tpu.dma_semaphore, #tpu.memory_space<semaphore_mem>>)
      %add3A_127 = arith.constant 136 : i32
      %add3A_128 = arith.addi %mul3A_25, %add3A_127 : i32
      %dma_start3A_129 = arith.constant 0 : i32
      %dma_start3A_130 = tpu.memref_slice %arg19[%add3A_128, %dma_start3A_129] : memref<5120x288xbf16, #tpu.memory_space<vmem_shared>> -> memref<8x288xbf16, #tpu.memory_space<vmem_shared>>
      %dma_start3A_131 = arith.constant 0 : i32
      %dma_start3A_132 = tpu.memref_slice %arg19[%add3A_128, %dma_start3A_131] : memref<5120x288xbf16, #tpu.memory_space<vmem_shared>> -> memref<8x288xbf16, #tpu.memory_space<vmem_shared>>
      tpu.enqueue_dma source(%arg18 : memref<8x288xbf16, #tpu.memory_space<vmem>>) target(%dma_start3A_132 : memref<8x288xbf16, #tpu.memory_space<vmem_shared>>) target_semaphore(%arg26 : memref<!tpu.dma_semaphore, #tpu.memory_space<semaphore_mem>>)
      %add3A_133 = arith.constant 144 : i32
      %add3A_134 = arith.addi %mul3A_25, %add3A_133 : i32
      %dma_start3A_135 = arith.constant 0 : i32
      %dma_start3A_136 = tpu.memref_slice %arg19[%add3A_134, %dma_start3A_135] : memref<5120x288xbf16, #tpu.memory_space<vmem_shared>> -> memref<8x288xbf16, #tpu.memory_space<vmem_shared>>
      %dma_start3A_137 = arith.constant 0 : i32
      %dma_start3A_138 = tpu.memref_slice %arg19[%add3A_134, %dma_start3A_137] : memref<5120x288xbf16, #tpu.memory_space<vmem_shared>> -> memref<8x288xbf16, #tpu.memory_space<vmem_shared>>
      tpu.enqueue_dma source(%arg18 : memref<8x288xbf16, #tpu.memory_space<vmem>>) target(%dma_start3A_138 : memref<8x288xbf16, #tpu.memory_space<vmem_shared>>) target_semaphore(%arg26 : memref<!tpu.dma_semaphore, #tpu.memory_space<semaphore_mem>>)
      %add3A_139 = arith.constant 152 : i32
      %add3A_140 = arith.addi %mul3A_25, %add3A_139 : i32
      %dma_start3A_141 = arith.constant 0 : i32
      %dma_start3A_142 = tpu.memref_slice %arg19[%add3A_140, %dma_start3A_141] : memref<5120x288xbf16, #tpu.memory_space<vmem_shared>> -> memref<8x288xbf16, #tpu.memory_space<vmem_shared>>
      %dma_start3A_143 = arith.constant 0 : i32
      %dma_start3A_144 = tpu.memref_slice %arg19[%add3A_140, %dma_start3A_143] : memref<5120x288xbf16, #tpu.memory_space<vmem_shared>> -> memref<8x288xbf16, #tpu.memory_space<vmem_shared>>
      tpu.enqueue_dma source(%arg18 : memref<8x288xbf16, #tpu.memory_space<vmem>>) target(%dma_start3A_144 : memref<8x288xbf16, #tpu.memory_space<vmem_shared>>) target_semaphore(%arg26 : memref<!tpu.dma_semaphore, #tpu.memory_space<semaphore_mem>>)
      %add3A_145 = arith.constant 160 : i32
      %add3A_146 = arith.addi %mul3A_25, %add3A_145 : i32
      %dma_start3A_147 = arith.constant 0 : i32
      %dma_start3A_148 = tpu.memref_slice %arg19[%add3A_146, %dma_start3A_147] : memref<5120x288xbf16, #tpu.memory_space<vmem_shared>> -> memref<8x288xbf16, #tpu.memory_space<vmem_shared>>
      %dma_start3A_149 = arith.constant 0 : i32
      %dma_start3A_150 = tpu.memref_slice %arg19[%add3A_146, %dma_start3A_149] : memref<5120x288xbf16, #tpu.memory_space<vmem_shared>> -> memref<8x288xbf16, #tpu.memory_space<vmem_shared>>
      tpu.enqueue_dma source(%arg18 : memref<8x288xbf16, #tpu.memory_space<vmem>>) target(%dma_start3A_150 : memref<8x288xbf16, #tpu.memory_space<vmem_shared>>) target_semaphore(%arg26 : memref<!tpu.dma_semaphore, #tpu.memory_space<semaphore_mem>>)
      %add3A_151 = arith.constant 168 : i32
      %add3A_152 = arith.addi %mul3A_25, %add3A_151 : i32
      %dma_start3A_153 = arith.constant 0 : i32
      %dma_start3A_154 = tpu.memref_slice %arg19[%add3A_152, %dma_start3A_153] : memref<5120x288xbf16, #tpu.memory_space<vmem_shared>> -> memref<8x288xbf16, #tpu.memory_space<vmem_shared>>
      %dma_start3A_155 = arith.constant 0 : i32
      %dma_start3A_156 = tpu.memref_slice %arg19[%add3A_152, %dma_start3A_155] : memref<5120x288xbf16, #tpu.memory_space<vmem_shared>> -> memref<8x288xbf16, #tpu.memory_space<vmem_shared>>
      tpu.enqueue_dma source(%arg18 : memref<8x288xbf16, #tpu.memory_space<vmem>>) target(%dma_start3A_156 : memref<8x288xbf16, #tpu.memory_space<vmem_shared>>) target_semaphore(%arg26 : memref<!tpu.dma_semaphore, #tpu.memory_space<semaphore_mem>>)
      %add3A_157 = arith.constant 176 : i32
      %add3A_158 = arith.addi %mul3A_25, %add3A_157 : i32
      %dma_start3A_159 = arith.constant 0 : i32
      %dma_start3A_160 = tpu.memref_slice %arg19[%add3A_158, %dma_start3A_159] : memref<5120x288xbf16, #tpu.memory_space<vmem_shared>> -> memref<8x288xbf16, #tpu.memory_space<vmem_shared>>
      %dma_start3A_161 = arith.constant 0 : i32
      %dma_start3A_162 = tpu.memref_slice %arg19[%add3A_158, %dma_start3A_161] : memref<5120x288xbf16, #tpu.memory_space<vmem_shared>> -> memref<8x288xbf16, #tpu.memory_space<vmem_shared>>
      tpu.enqueue_dma source(%arg18 : memref<8x288xbf16, #tpu.memory_space<vmem>>) target(%dma_start3A_162 : memref<8x288xbf16, #tpu.memory_space<vmem_shared>>) target_semaphore(%arg26 : memref<!tpu.dma_semaphore, #tpu.memory_space<semaphore_mem>>)
      %add3A_163 = arith.constant 184 : i32
      %add3A_164 = arith.addi %mul3A_25, %add3A_163 : i32
      %dma_start3A_165 = arith.constant 0 : i32
      %dma_start3A_166 = tpu.memref_slice %arg19[%add3A_164, %dma_start3A_165] : memref<5120x288xbf16, #tpu.memory_space<vmem_shared>> -> memref<8x288xbf16, #tpu.memory_space<vmem_shared>>
      %dma_start3A_167 = arith.constant 0 : i32
      %dma_start3A_168 = tpu.memref_slice %arg19[%add3A_164, %dma_start3A_167] : memref<5120x288xbf16, #tpu.memory_space<vmem_shared>> -> memref<8x288xbf16, #tpu.memory_space<vmem_shared>>
      tpu.enqueue_dma source(%arg18 : memref<8x288xbf16, #tpu.memory_space<vmem>>) target(%dma_start3A_168 : memref<8x288xbf16, #tpu.memory_space<vmem_shared>>) target_semaphore(%arg26 : memref<!tpu.dma_semaphore, #tpu.memory_space<semaphore_mem>>)
      %add3A_169 = arith.constant 192 : i32
      %add3A_170 = arith.addi %mul3A_25, %add3A_169 : i32
      %dma_start3A_171 = arith.constant 0 : i32
      %dma_start3A_172 = tpu.memref_slice %arg19[%add3A_170, %dma_start3A_171] : memref<5120x288xbf16, #tpu.memory_space<vmem_shared>> -> memref<8x288xbf16, #tpu.memory_space<vmem_shared>>
      %dma_start3A_173 = arith.constant 0 : i32
      %dma_start3A_174 = tpu.memref_slice %arg19[%add3A_170, %dma_start3A_173] : memref<5120x288xbf16, #tpu.memory_space<vmem_shared>> -> memref<8x288xbf16, #tpu.memory_space<vmem_shared>>
      tpu.enqueue_dma source(%arg18 : memref<8x288xbf16, #tpu.memory_space<vmem>>) target(%dma_start3A_174 : memref<8x288xbf16, #tpu.memory_space<vmem_shared>>) target_semaphore(%arg26 : memref<!tpu.dma_semaphore, #tpu.memory_space<semaphore_mem>>)
      %add3A_175 = arith.constant 200 : i32
      %add3A_176 = arith.addi %mul3A_25, %add3A_175 : i32
      %dma_start3A_177 = arith.constant 0 : i32
      %dma_start3A_178 = tpu.memref_slice %arg19[%add3A_176, %dma_start3A_177] : memref<5120x288xbf16, #tpu.memory_space<vmem_shared>> -> memref<8x288xbf16, #tpu.memory_space<vmem_shared>>
      %dma_start3A_179 = arith.constant 0 : i32
      %dma_start3A_180 = tpu.memref_slice %arg19[%add3A_176, %dma_start3A_179] : memref<5120x288xbf16, #tpu.memory_space<vmem_shared>> -> memref<8x288xbf16, #tpu.memory_space<vmem_shared>>
      tpu.enqueue_dma source(%arg18 : memref<8x288xbf16, #tpu.memory_space<vmem>>) target(%dma_start3A_180 : memref<8x288xbf16, #tpu.memory_space<vmem_shared>>) target_semaphore(%arg26 : memref<!tpu.dma_semaphore, #tpu.memory_space<semaphore_mem>>)
      %add3A_181 = arith.constant 208 : i32
      %add3A_182 = arith.addi %mul3A_25, %add3A_181 : i32
      %dma_start3A_183 = arith.constant 0 : i32
      %dma_start3A_184 = tpu.memref_slice %arg19[%add3A_182, %dma_start3A_183] : memref<5120x288xbf16, #tpu.memory_space<vmem_shared>> -> memref<8x288xbf16, #tpu.memory_space<vmem_shared>>
      %dma_start3A_185 = arith.constant 0 : i32
      %dma_start3A_186 = tpu.memref_slice %arg19[%add3A_182, %dma_start3A_185] : memref<5120x288xbf16, #tpu.memory_space<vmem_shared>> -> memref<8x288xbf16, #tpu.memory_space<vmem_shared>>
      tpu.enqueue_dma source(%arg18 : memref<8x288xbf16, #tpu.memory_space<vmem>>) target(%dma_start3A_186 : memref<8x288xbf16, #tpu.memory_space<vmem_shared>>) target_semaphore(%arg26 : memref<!tpu.dma_semaphore, #tpu.memory_space<semaphore_mem>>)
      %add3A_187 = arith.constant 216 : i32
      %add3A_188 = arith.addi %mul3A_25, %add3A_187 : i32
      %dma_start3A_189 = arith.constant 0 : i32
      %dma_start3A_190 = tpu.memref_slice %arg19[%add3A_188, %dma_start3A_189] : memref<5120x288xbf16, #tpu.memory_space<vmem_shared>> -> memref<8x288xbf16, #tpu.memory_space<vmem_shared>>
      %dma_start3A_191 = arith.constant 0 : i32
      %dma_start3A_192 = tpu.memref_slice %arg19[%add3A_188, %dma_start3A_191] : memref<5120x288xbf16, #tpu.memory_space<vmem_shared>> -> memref<8x288xbf16, #tpu.memory_space<vmem_shared>>
      tpu.enqueue_dma source(%arg18 : memref<8x288xbf16, #tpu.memory_space<vmem>>) target(%dma_start3A_192 : memref<8x288xbf16, #tpu.memory_space<vmem_shared>>) target_semaphore(%arg26 : memref<!tpu.dma_semaphore, #tpu.memory_space<semaphore_mem>>)
      %add3A_193 = arith.constant 224 : i32
      %add3A_194 = arith.addi %mul3A_25, %add3A_193 : i32
      %dma_start3A_195 = arith.constant 0 : i32
      %dma_start3A_196 = tpu.memref_slice %arg19[%add3A_194, %dma_start3A_195] : memref<5120x288xbf16, #tpu.memory_space<vmem_shared>> -> memref<8x288xbf16, #tpu.memory_space<vmem_shared>>
      %dma_start3A_197 = arith.constant 0 : i32
      %dma_start3A_198 = tpu.memref_slice %arg19[%add3A_194, %dma_start3A_197] : memref<5120x288xbf16, #tpu.memory_space<vmem_shared>> -> memref<8x288xbf16, #tpu.memory_space<vmem_shared>>
      tpu.enqueue_dma source(%arg18 : memref<8x288xbf16, #tpu.memory_space<vmem>>) target(%dma_start3A_198 : memref<8x288xbf16, #tpu.memory_space<vmem_shared>>) target_semaphore(%arg26 : memref<!tpu.dma_semaphore, #tpu.memory_space<semaphore_mem>>)
      %add3A_199 = arith.constant 232 : i32
      %add3A_200 = arith.addi %mul3A_25, %add3A_199 : i32
      %dma_start3A_201 = arith.constant 0 : i32
      %dma_start3A_202 = tpu.memref_slice %arg19[%add3A_200, %dma_start3A_201] : memref<5120x288xbf16, #tpu.memory_space<vmem_shared>> -> memref<8x288xbf16, #tpu.memory_space<vmem_shared>>
      %dma_start3A_203 = arith.constant 0 : i32
      %dma_start3A_204 = tpu.memref_slice %arg19[%add3A_200, %dma_start3A_203] : memref<5120x288xbf16, #tpu.memory_space<vmem_shared>> -> memref<8x288xbf16, #tpu.memory_space<vmem_shared>>
      tpu.enqueue_dma source(%arg18 : memref<8x288xbf16, #tpu.memory_space<vmem>>) target(%dma_start3A_204 : memref<8x288xbf16, #tpu.memory_space<vmem_shared>>) target_semaphore(%arg26 : memref<!tpu.dma_semaphore, #tpu.memory_space<semaphore_mem>>)
      %add3A_205 = arith.constant 240 : i32
      %add3A_206 = arith.addi %mul3A_25, %add3A_205 : i32
      %dma_start3A_207 = arith.constant 0 : i32
      %dma_start3A_208 = tpu.memref_slice %arg19[%add3A_206, %dma_start3A_207] : memref<5120x288xbf16, #tpu.memory_space<vmem_shared>> -> memref<8x288xbf16, #tpu.memory_space<vmem_shared>>
      %dma_start3A_209 = arith.constant 0 : i32
      %dma_start3A_210 = tpu.memref_slice %arg19[%add3A_206, %dma_start3A_209] : memref<5120x288xbf16, #tpu.memory_space<vmem_shared>> -> memref<8x288xbf16, #tpu.memory_space<vmem_shared>>
      tpu.enqueue_dma source(%arg18 : memref<8x288xbf16, #tpu.memory_space<vmem>>) target(%dma_start3A_210 : memref<8x288xbf16, #tpu.memory_space<vmem_shared>>) target_semaphore(%arg26 : memref<!tpu.dma_semaphore, #tpu.memory_space<semaphore_mem>>)
      %add3A_211 = arith.constant 248 : i32
      %add3A_212 = arith.addi %mul3A_25, %add3A_211 : i32
      %dma_start3A_213 = arith.constant 0 : i32
      %dma_start3A_214 = tpu.memref_slice %arg19[%add3A_212, %dma_start3A_213] : memref<5120x288xbf16, #tpu.memory_space<vmem_shared>> -> memref<8x288xbf16, #tpu.memory_space<vmem_shared>>
      %dma_start3A_215 = arith.constant 0 : i32
      %dma_start3A_216 = tpu.memref_slice %arg19[%add3A_212, %dma_start3A_215] : memref<5120x288xbf16, #tpu.memory_space<vmem_shared>> -> memref<8x288xbf16, #tpu.memory_space<vmem_shared>>
      tpu.enqueue_dma source(%arg18 : memref<8x288xbf16, #tpu.memory_space<vmem>>) target(%dma_start3A_216 : memref<8x288xbf16, #tpu.memory_space<vmem_shared>>) target_semaphore(%arg26 : memref<!tpu.dma_semaphore, #tpu.memory_space<semaphore_mem>>)
      %add3A_217 = arith.constant 256 : i32
      %add3A_218 = arith.addi %mul3A_25, %add3A_217 : i32
      %dma_start3A_219 = arith.constant 0 : i32
      %dma_start3A_220 = tpu.memref_slice %arg19[%add3A_218, %dma_start3A_219] : memref<5120x288xbf16, #tpu.memory_space<vmem_shared>> -> memref<8x288xbf16, #tpu.memory_space<vmem_shared>>
      %dma_start3A_221 = arith.constant 0 : i32
      %dma_start3A_222 = tpu.memref_slice %arg19[%add3A_218, %dma_start3A_221] : memref<5120x288xbf16, #tpu.memory_space<vmem_shared>> -> memref<8x288xbf16, #tpu.memory_space<vmem_shared>>
      tpu.enqueue_dma source(%arg18 : memref<8x288xbf16, #tpu.memory_space<vmem>>) target(%dma_start3A_222 : memref<8x288xbf16, #tpu.memory_space<vmem_shared>>) target_semaphore(%arg26 : memref<!tpu.dma_semaphore, #tpu.memory_space<semaphore_mem>>)
      %add3A_223 = arith.constant 264 : i32
      %add3A_224 = arith.addi %mul3A_25, %add3A_223 : i32
      %dma_start3A_225 = arith.constant 0 : i32
      %dma_start3A_226 = tpu.memref_slice %arg19[%add3A_224, %dma_start3A_225] : memref<5120x288xbf16, #tpu.memory_space<vmem_shared>> -> memref<8x288xbf16, #tpu.memory_space<vmem_shared>>
      %dma_start3A_227 = arith.constant 0 : i32
      %dma_start3A_228 = tpu.memref_slice %arg19[%add3A_224, %dma_start3A_227] : memref<5120x288xbf16, #tpu.memory_space<vmem_shared>> -> memref<8x288xbf16, #tpu.memory_space<vmem_shared>>
      tpu.enqueue_dma source(%arg18 : memref<8x288xbf16, #tpu.memory_space<vmem>>) target(%dma_start3A_228 : memref<8x288xbf16, #tpu.memory_space<vmem_shared>>) target_semaphore(%arg26 : memref<!tpu.dma_semaphore, #tpu.memory_space<semaphore_mem>>)
      %add3A_229 = arith.constant 272 : i32
      %add3A_230 = arith.addi %mul3A_25, %add3A_229 : i32
      %dma_start3A_231 = arith.constant 0 : i32
      %dma_start3A_232 = tpu.memref_slice %arg19[%add3A_230, %dma_start3A_231] : memref<5120x288xbf16, #tpu.memory_space<vmem_shared>> -> memref<8x288xbf16, #tpu.memory_space<vmem_shared>>
      %dma_start3A_233 = arith.constant 0 : i32
      %dma_start3A_234 = tpu.memref_slice %arg19[%add3A_230, %dma_start3A_233] : memref<5120x288xbf16, #tpu.memory_space<vmem_shared>> -> memref<8x288xbf16, #tpu.memory_space<vmem_shared>>
      tpu.enqueue_dma source(%arg18 : memref<8x288xbf16, #tpu.memory_space<vmem>>) target(%dma_start3A_234 : memref<8x288xbf16, #tpu.memory_space<vmem_shared>>) target_semaphore(%arg26 : memref<!tpu.dma_semaphore, #tpu.memory_space<semaphore_mem>>)
      %add3A_235 = arith.constant 280 : i32
      %add3A_236 = arith.addi %mul3A_25, %add3A_235 : i32
      %dma_start3A_237 = arith.constant 0 : i32
      %dma_start3A_238 = tpu.memref_slice %arg19[%add3A_236, %dma_start3A_237] : memref<5120x288xbf16, #tpu.memory_space<vmem_shared>> -> memref<8x288xbf16, #tpu.memory_space<vmem_shared>>
      %dma_start3A_239 = arith.constant 0 : i32
      %dma_start3A_240 = tpu.memref_slice %arg19[%add3A_236, %dma_start3A_239] : memref<5120x288xbf16, #tpu.memory_space<vmem_shared>> -> memref<8x288xbf16, #tpu.memory_space<vmem_shared>>
      tpu.enqueue_dma source(%arg18 : memref<8x288xbf16, #tpu.memory_space<vmem>>) target(%dma_start3A_240 : memref<8x288xbf16, #tpu.memory_space<vmem_shared>>) target_semaphore(%arg26 : memref<!tpu.dma_semaphore, #tpu.memory_space<semaphore_mem>>)
      %add3A_241 = arith.constant 288 : i32
      %add3A_242 = arith.addi %mul3A_25, %add3A_241 : i32
      %dma_start3A_243 = arith.constant 0 : i32
      %dma_start3A_244 = tpu.memref_slice %arg19[%add3A_242, %dma_start3A_243] : memref<5120x288xbf16, #tpu.memory_space<vmem_shared>> -> memref<8x288xbf16, #tpu.memory_space<vmem_shared>>
      %dma_start3A_245 = arith.constant 0 : i32
      %dma_start3A_246 = tpu.memref_slice %arg19[%add3A_242, %dma_start3A_245] : memref<5120x288xbf16, #tpu.memory_space<vmem_shared>> -> memref<8x288xbf16, #tpu.memory_space<vmem_shared>>
      tpu.enqueue_dma source(%arg18 : memref<8x288xbf16, #tpu.memory_space<vmem>>) target(%dma_start3A_246 : memref<8x288xbf16, #tpu.memory_space<vmem_shared>>) target_semaphore(%arg26 : memref<!tpu.dma_semaphore, #tpu.memory_space<semaphore_mem>>)
      %add3A_247 = arith.constant 296 : i32
      %add3A_248 = arith.addi %mul3A_25, %add3A_247 : i32
      %dma_start3A_249 = arith.constant 0 : i32
      %dma_start3A_250 = tpu.memref_slice %arg19[%add3A_248, %dma_start3A_249] : memref<5120x288xbf16, #tpu.memory_space<vmem_shared>> -> memref<8x288xbf16, #tpu.memory_space<vmem_shared>>
      %dma_start3A_251 = arith.constant 0 : i32
      %dma_start3A_252 = tpu.memref_slice %arg19[%add3A_248, %dma_start3A_251] : memref<5120x288xbf16, #tpu.memory_space<vmem_shared>> -> memref<8x288xbf16, #tpu.memory_space<vmem_shared>>
      tpu.enqueue_dma source(%arg18 : memref<8x288xbf16, #tpu.memory_space<vmem>>) target(%dma_start3A_252 : memref<8x288xbf16, #tpu.memory_space<vmem_shared>>) target_semaphore(%arg26 : memref<!tpu.dma_semaphore, #tpu.memory_space<semaphore_mem>>)
      %add3A_253 = arith.constant 304 : i32
      %add3A_254 = arith.addi %mul3A_25, %add3A_253 : i32
      %dma_start3A_255 = arith.constant 0 : i32
      %dma_start3A_256 = tpu.memref_slice %arg19[%add3A_254, %dma_start3A_255] : memref<5120x288xbf16, #tpu.memory_space<vmem_shared>> -> memref<8x288xbf16, #tpu.memory_space<vmem_shared>>
      %dma_start3A_257 = arith.constant 0 : i32
      %dma_start3A_258 = tpu.memref_slice %arg19[%add3A_254, %dma_start3A_257] : memref<5120x288xbf16, #tpu.memory_space<vmem_shared>> -> memref<8x288xbf16, #tpu.memory_space<vmem_shared>>
      tpu.enqueue_dma source(%arg18 : memref<8x288xbf16, #tpu.memory_space<vmem>>) target(%dma_start3A_258 : memref<8x288xbf16, #tpu.memory_space<vmem_shared>>) target_semaphore(%arg26 : memref<!tpu.dma_semaphore, #tpu.memory_space<semaphore_mem>>)
      %add3A_259 = arith.constant 312 : i32
      %add3A_260 = arith.addi %mul3A_25, %add3A_259 : i32
      %dma_start3A_261 = arith.constant 0 : i32
      %dma_start3A_262 = tpu.memref_slice %arg19[%add3A_260, %dma_start3A_261] : memref<5120x288xbf16, #tpu.memory_space<vmem_shared>> -> memref<8x288xbf16, #tpu.memory_space<vmem_shared>>
      %dma_start3A_263 = arith.constant 0 : i32
      %dma_start3A_264 = tpu.memref_slice %arg19[%add3A_260, %dma_start3A_263] : memref<5120x288xbf16, #tpu.memory_space<vmem_shared>> -> memref<8x288xbf16, #tpu.memory_space<vmem_shared>>
      tpu.enqueue_dma source(%arg18 : memref<8x288xbf16, #tpu.memory_space<vmem>>) target(%dma_start3A_264 : memref<8x288xbf16, #tpu.memory_space<vmem_shared>>) target_semaphore(%arg26 : memref<!tpu.dma_semaphore, #tpu.memory_space<semaphore_mem>>)
      %dma_wait3A = arith.constant 0 : i32
      %dma_wait3A_265 = tpu.memref_slice %arg19[%add3A_27, %dma_wait3A] : memref<5120x288xbf16, #tpu.memory_space<vmem_shared>> -> memref<8x288xbf16, #tpu.memory_space<vmem_shared>>
      %dma_wait3A_266 = arith.constant 0 : i32
      %dma_wait3A_267 = tpu.memref_slice %arg19[%add3A_27, %dma_wait3A_266] : memref<5120x288xbf16, #tpu.memory_space<vmem_shared>> -> memref<8x288xbf16, #tpu.memory_space<vmem_shared>>
      tpu.wait_dma2 semaphore(%arg26 : memref<!tpu.dma_semaphore, #tpu.memory_space<semaphore_mem>>) src(%arg18 : memref<8x288xbf16, #tpu.memory_space<vmem>>) dst(%dma_wait3A_267 : memref<8x288xbf16, #tpu.memory_space<vmem_shared>>)
      %dma_wait3A_268 = arith.constant 0 : i32
      %dma_wait3A_269 = tpu.memref_slice %arg19[%add3A_32, %dma_wait3A_268] : memref<5120x288xbf16, #tpu.memory_space<vmem_shared>> -> memref<8x288xbf16, #tpu.memory_space<vmem_shared>>
      %dma_wait3A_270 = arith.constant 0 : i32
      %dma_wait3A_271 = tpu.memref_slice %arg19[%add3A_32, %dma_wait3A_270] : memref<5120x288xbf16, #tpu.memory_space<vmem_shared>> -> memref<8x288xbf16, #tpu.memory_space<vmem_shared>>
      tpu.wait_dma2 semaphore(%arg26 : memref<!tpu.dma_semaphore, #tpu.memory_space<semaphore_mem>>) src(%arg18 : memref<8x288xbf16, #tpu.memory_space<vmem>>) dst(%dma_wait3A_271 : memref<8x288xbf16, #tpu.memory_space<vmem_shared>>)
      %dma_wait3A_272 = arith.constant 0 : i32
      %dma_wait3A_273 = tpu.memref_slice %arg19[%add3A_38, %dma_wait3A_272] : memref<5120x288xbf16, #tpu.memory_space<vmem_shared>> -> memref<8x288xbf16, #tpu.memory_space<vmem_shared>>
      %dma_wait3A_274 = arith.constant 0 : i32
      %dma_wait3A_275 = tpu.memref_slice %arg19[%add3A_38, %dma_wait3A_274] : memref<5120x288xbf16, #tpu.memory_space<vmem_shared>> -> memref<8x288xbf16, #tpu.memory_space<vmem_shared>>
      tpu.wait_dma2 semaphore(%arg26 : memref<!tpu.dma_semaphore, #tpu.memory_space<semaphore_mem>>) src(%arg18 : memref<8x288xbf16, #tpu.memory_space<vmem>>) dst(%dma_wait3A_275 : memref<8x288xbf16, #tpu.memory_space<vmem_shared>>)
      %dma_wait3A_276 = arith.constant 0 : i32
      %dma_wait3A_277 = tpu.memref_slice %arg19[%add3A_44, %dma_wait3A_276] : memref<5120x288xbf16, #tpu.memory_space<vmem_shared>> -> memref<8x288xbf16, #tpu.memory_space<vmem_shared>>
      %dma_wait3A_278 = arith.constant 0 : i32
      %dma_wait3A_279 = tpu.memref_slice %arg19[%add3A_44, %dma_wait3A_278] : memref<5120x288xbf16, #tpu.memory_space<vmem_shared>> -> memref<8x288xbf16, #tpu.memory_space<vmem_shared>>
      tpu.wait_dma2 semaphore(%arg26 : memref<!tpu.dma_semaphore, #tpu.memory_space<semaphore_mem>>) src(%arg18 : memref<8x288xbf16, #tpu.memory_space<vmem>>) dst(%dma_wait3A_279 : memref<8x288xbf16, #tpu.memory_space<vmem_shared>>)
      %dma_wait3A_280 = arith.constant 0 : i32
      %dma_wait3A_281 = tpu.memref_slice %arg19[%add3A_50, %dma_wait3A_280] : memref<5120x288xbf16, #tpu.memory_space<vmem_shared>> -> memref<8x288xbf16, #tpu.memory_space<vmem_shared>>
      %dma_wait3A_282 = arith.constant 0 : i32
      %dma_wait3A_283 = tpu.memref_slice %arg19[%add3A_50, %dma_wait3A_282] : memref<5120x288xbf16, #tpu.memory_space<vmem_shared>> -> memref<8x288xbf16, #tpu.memory_space<vmem_shared>>
      tpu.wait_dma2 semaphore(%arg26 : memref<!tpu.dma_semaphore, #tpu.memory_space<semaphore_mem>>) src(%arg18 : memref<8x288xbf16, #tpu.memory_space<vmem>>) dst(%dma_wait3A_283 : memref<8x288xbf16, #tpu.memory_space<vmem_shared>>)
      %dma_wait3A_284 = arith.constant 0 : i32
      %dma_wait3A_285 = tpu.memref_slice %arg19[%add3A_56, %dma_wait3A_284] : memref<5120x288xbf16, #tpu.memory_space<vmem_shared>> -> memref<8x288xbf16, #tpu.memory_space<vmem_shared>>
      %dma_wait3A_286 = arith.constant 0 : i32
      %dma_wait3A_287 = tpu.memref_slice %arg19[%add3A_56, %dma_wait3A_286] : memref<5120x288xbf16, #tpu.memory_space<vmem_shared>> -> memref<8x288xbf16, #tpu.memory_space<vmem_shared>>
      tpu.wait_dma2 semaphore(%arg26 : memref<!tpu.dma_semaphore, #tpu.memory_space<semaphore_mem>>) src(%arg18 : memref<8x288xbf16, #tpu.memory_space<vmem>>) dst(%dma_wait3A_287 : memref<8x288xbf16, #tpu.memory_space<vmem_shared>>)
      %dma_wait3A_288 = arith.constant 0 : i32
      %dma_wait3A_289 = tpu.memref_slice %arg19[%add3A_62, %dma_wait3A_288] : memref<5120x288xbf16, #tpu.memory_space<vmem_shared>> -> memref<8x288xbf16, #tpu.memory_space<vmem_shared>>
      %dma_wait3A_290 = arith.constant 0 : i32
      %dma_wait3A_291 = tpu.memref_slice %arg19[%add3A_62, %dma_wait3A_290] : memref<5120x288xbf16, #tpu.memory_space<vmem_shared>> -> memref<8x288xbf16, #tpu.memory_space<vmem_shared>>
      tpu.wait_dma2 semaphore(%arg26 : memref<!tpu.dma_semaphore, #tpu.memory_space<semaphore_mem>>) src(%arg18 : memref<8x288xbf16, #tpu.memory_space<vmem>>) dst(%dma_wait3A_291 : memref<8x288xbf16, #tpu.memory_space<vmem_shared>>)
      %dma_wait3A_292 = arith.constant 0 : i32
      %dma_wait3A_293 = tpu.memref_slice %arg19[%add3A_68, %dma_wait3A_292] : memref<5120x288xbf16, #tpu.memory_space<vmem_shared>> -> memref<8x288xbf16, #tpu.memory_space<vmem_shared>>
      %dma_wait3A_294 = arith.constant 0 : i32
      %dma_wait3A_295 = tpu.memref_slice %arg19[%add3A_68, %dma_wait3A_294] : memref<5120x288xbf16, #tpu.memory_space<vmem_shared>> -> memref<8x288xbf16, #tpu.memory_space<vmem_shared>>
      tpu.wait_dma2 semaphore(%arg26 : memref<!tpu.dma_semaphore, #tpu.memory_space<semaphore_mem>>) src(%arg18 : memref<8x288xbf16, #tpu.memory_space<vmem>>) dst(%dma_wait3A_295 : memref<8x288xbf16, #tpu.memory_space<vmem_shared>>)
      %dma_wait3A_296 = arith.constant 0 : i32
      %dma_wait3A_297 = tpu.memref_slice %arg19[%add3A_74, %dma_wait3A_296] : memref<5120x288xbf16, #tpu.memory_space<vmem_shared>> -> memref<8x288xbf16, #tpu.memory_space<vmem_shared>>
      %dma_wait3A_298 = arith.constant 0 : i32
      %dma_wait3A_299 = tpu.memref_slice %arg19[%add3A_74, %dma_wait3A_298] : memref<5120x288xbf16, #tpu.memory_space<vmem_shared>> -> memref<8x288xbf16, #tpu.memory_space<vmem_shared>>
      tpu.wait_dma2 semaphore(%arg26 : memref<!tpu.dma_semaphore, #tpu.memory_space<semaphore_mem>>) src(%arg18 : memref<8x288xbf16, #tpu.memory_space<vmem>>) dst(%dma_wait3A_299 : memref<8x288xbf16, #tpu.memory_space<vmem_shared>>)
      %dma_wait3A_300 = arith.constant 0 : i32
      %dma_wait3A_301 = tpu.memref_slice %arg19[%add3A_80, %dma_wait3A_300] : memref<5120x288xbf16, #tpu.memory_space<vmem_shared>> -> memref<8x288xbf16, #tpu.memory_space<vmem_shared>>
      %dma_wait3A_302 = arith.constant 0 : i32
      %dma_wait3A_303 = tpu.memref_slice %arg19[%add3A_80, %dma_wait3A_302] : memref<5120x288xbf16, #tpu.memory_space<vmem_shared>> -> memref<8x288xbf16, #tpu.memory_space<vmem_shared>>
      tpu.wait_dma2 semaphore(%arg26 : memref<!tpu.dma_semaphore, #tpu.memory_space<semaphore_mem>>) src(%arg18 : memref<8x288xbf16, #tpu.memory_space<vmem>>) dst(%dma_wait3A_303 : memref<8x288xbf16, #tpu.memory_space<vmem_shared>>)
      %dma_wait3A_304 = arith.constant 0 : i32
      %dma_wait3A_305 = tpu.memref_slice %arg19[%add3A_86, %dma_wait3A_304] : memref<5120x288xbf16, #tpu.memory_space<vmem_shared>> -> memref<8x288xbf16, #tpu.memory_space<vmem_shared>>
      %dma_wait3A_306 = arith.constant 0 : i32
      %dma_wait3A_307 = tpu.memref_slice %arg19[%add3A_86, %dma_wait3A_306] : memref<5120x288xbf16, #tpu.memory_space<vmem_shared>> -> memref<8x288xbf16, #tpu.memory_space<vmem_shared>>
      tpu.wait_dma2 semaphore(%arg26 : memref<!tpu.dma_semaphore, #tpu.memory_space<semaphore_mem>>) src(%arg18 : memref<8x288xbf16, #tpu.memory_space<vmem>>) dst(%dma_wait3A_307 : memref<8x288xbf16, #tpu.memory_space<vmem_shared>>)
      %dma_wait3A_308 = arith.constant 0 : i32
      %dma_wait3A_309 = tpu.memref_slice %arg19[%add3A_92, %dma_wait3A_308] : memref<5120x288xbf16, #tpu.memory_space<vmem_shared>> -> memref<8x288xbf16, #tpu.memory_space<vmem_shared>>
      %dma_wait3A_310 = arith.constant 0 : i32
      %dma_wait3A_311 = tpu.memref_slice %arg19[%add3A_92, %dma_wait3A_310] : memref<5120x288xbf16, #tpu.memory_space<vmem_shared>> -> memref<8x288xbf16, #tpu.memory_space<vmem_shared>>
      tpu.wait_dma2 semaphore(%arg26 : memref<!tpu.dma_semaphore, #tpu.memory_space<semaphore_mem>>) src(%arg18 : memref<8x288xbf16, #tpu.memory_space<vmem>>) dst(%dma_wait3A_311 : memref<8x288xbf16, #tpu.memory_space<vmem_shared>>)
      %dma_wait3A_312 = arith.constant 0 : i32
      %dma_wait3A_313 = tpu.memref_slice %arg19[%add3A_98, %dma_wait3A_312] : memref<5120x288xbf16, #tpu.memory_space<vmem_shared>> -> memref<8x288xbf16, #tpu.memory_space<vmem_shared>>
      %dma_wait3A_314 = arith.constant 0 : i32
      %dma_wait3A_315 = tpu.memref_slice %arg19[%add3A_98, %dma_wait3A_314] : memref<5120x288xbf16, #tpu.memory_space<vmem_shared>> -> memref<8x288xbf16, #tpu.memory_space<vmem_shared>>
      tpu.wait_dma2 semaphore(%arg26 : memref<!tpu.dma_semaphore, #tpu.memory_space<semaphore_mem>>) src(%arg18 : memref<8x288xbf16, #tpu.memory_space<vmem>>) dst(%dma_wait3A_315 : memref<8x288xbf16, #tpu.memory_space<vmem_shared>>)
      %dma_wait3A_316 = arith.constant 0 : i32
      %dma_wait3A_317 = tpu.memref_slice %arg19[%add3A_104, %dma_wait3A_316] : memref<5120x288xbf16, #tpu.memory_space<vmem_shared>> -> memref<8x288xbf16, #tpu.memory_space<vmem_shared>>
      %dma_wait3A_318 = arith.constant 0 : i32
      %dma_wait3A_319 = tpu.memref_slice %arg19[%add3A_104, %dma_wait3A_318] : memref<5120x288xbf16, #tpu.memory_space<vmem_shared>> -> memref<8x288xbf16, #tpu.memory_space<vmem_shared>>
      tpu.wait_dma2 semaphore(%arg26 : memref<!tpu.dma_semaphore, #tpu.memory_space<semaphore_mem>>) src(%arg18 : memref<8x288xbf16, #tpu.memory_space<vmem>>) dst(%dma_wait3A_319 : memref<8x288xbf16, #tpu.memory_space<vmem_shared>>)
      %dma_wait3A_320 = arith.constant 0 : i32
      %dma_wait3A_321 = tpu.memref_slice %arg19[%add3A_110, %dma_wait3A_320] : memref<5120x288xbf16, #tpu.memory_space<vmem_shared>> -> memref<8x288xbf16, #tpu.memory_space<vmem_shared>>
      %dma_wait3A_322 = arith.constant 0 : i32
      %dma_wait3A_323 = tpu.memref_slice %arg19[%add3A_110, %dma_wait3A_322] : memref<5120x288xbf16, #tpu.memory_space<vmem_shared>> -> memref<8x288xbf16, #tpu.memory_space<vmem_shared>>
      tpu.wait_dma2 semaphore(%arg26 : memref<!tpu.dma_semaphore, #tpu.memory_space<semaphore_mem>>) src(%arg18 : memref<8x288xbf16, #tpu.memory_space<vmem>>) dst(%dma_wait3A_323 : memref<8x288xbf16, #tpu.memory_space<vmem_shared>>)
      %dma_wait3A_324 = arith.constant 0 : i32
      %dma_wait3A_325 = tpu.memref_slice %arg19[%add3A_116, %dma_wait3A_324] : memref<5120x288xbf16, #tpu.memory_space<vmem_shared>> -> memref<8x288xbf16, #tpu.memory_space<vmem_shared>>
      %dma_wait3A_326 = arith.constant 0 : i32
      %dma_wait3A_327 = tpu.memref_slice %arg19[%add3A_116, %dma_wait3A_326] : memref<5120x288xbf16, #tpu.memory_space<vmem_shared>> -> memref<8x288xbf16, #tpu.memory_space<vmem_shared>>
      tpu.wait_dma2 semaphore(%arg26 : memref<!tpu.dma_semaphore, #tpu.memory_space<semaphore_mem>>) src(%arg18 : memref<8x288xbf16, #tpu.memory_space<vmem>>) dst(%dma_wait3A_327 : memref<8x288xbf16, #tpu.memory_space<vmem_shared>>)
      %dma_wait3A_328 = arith.constant 0 : i32
      %dma_wait3A_329 = tpu.memref_slice %arg19[%add3A_122, %dma_wait3A_328] : memref<5120x288xbf16, #tpu.memory_space<vmem_shared>> -> memref<8x288xbf16, #tpu.memory_space<vmem_shared>>
      %dma_wait3A_330 = arith.constant 0 : i32
      %dma_wait3A_331 = tpu.memref_slice %arg19[%add3A_122, %dma_wait3A_330] : memref<5120x288xbf16, #tpu.memory_space<vmem_shared>> -> memref<8x288xbf16, #tpu.memory_space<vmem_shared>>
      tpu.wait_dma2 semaphore(%arg26 : memref<!tpu.dma_semaphore, #tpu.memory_space<semaphore_mem>>) src(%arg18 : memref<8x288xbf16, #tpu.memory_space<vmem>>) dst(%dma_wait3A_331 : memref<8x288xbf16, #tpu.memory_space<vmem_shared>>)
      %dma_wait3A_332 = arith.constant 0 : i32
      %dma_wait3A_333 = tpu.memref_slice %arg19[%add3A_128, %dma_wait3A_332] : memref<5120x288xbf16, #tpu.memory_space<vmem_shared>> -> memref<8x288xbf16, #tpu.memory_space<vmem_shared>>
      %dma_wait3A_334 = arith.constant 0 : i32
      %dma_wait3A_335 = tpu.memref_slice %arg19[%add3A_128, %dma_wait3A_334] : memref<5120x288xbf16, #tpu.memory_space<vmem_shared>> -> memref<8x288xbf16, #tpu.memory_space<vmem_shared>>
      tpu.wait_dma2 semaphore(%arg26 : memref<!tpu.dma_semaphore, #tpu.memory_space<semaphore_mem>>) src(%arg18 : memref<8x288xbf16, #tpu.memory_space<vmem>>) dst(%dma_wait3A_335 : memref<8x288xbf16, #tpu.memory_space<vmem_shared>>)
      %dma_wait3A_336 = arith.constant 0 : i32
      %dma_wait3A_337 = tpu.memref_slice %arg19[%add3A_134, %dma_wait3A_336] : memref<5120x288xbf16, #tpu.memory_space<vmem_shared>> -> memref<8x288xbf16, #tpu.memory_space<vmem_shared>>
      %dma_wait3A_338 = arith.constant 0 : i32
      %dma_wait3A_339 = tpu.memref_slice %arg19[%add3A_134, %dma_wait3A_338] : memref<5120x288xbf16, #tpu.memory_space<vmem_shared>> -> memref<8x288xbf16, #tpu.memory_space<vmem_shared>>
      tpu.wait_dma2 semaphore(%arg26 : memref<!tpu.dma_semaphore, #tpu.memory_space<semaphore_mem>>) src(%arg18 : memref<8x288xbf16, #tpu.memory_space<vmem>>) dst(%dma_wait3A_339 : memref<8x288xbf16, #tpu.memory_space<vmem_shared>>)
      %dma_wait3A_340 = arith.constant 0 : i32
      %dma_wait3A_341 = tpu.memref_slice %arg19[%add3A_140, %dma_wait3A_340] : memref<5120x288xbf16, #tpu.memory_space<vmem_shared>> -> memref<8x288xbf16, #tpu.memory_space<vmem_shared>>
      %dma_wait3A_342 = arith.constant 0 : i32
      %dma_wait3A_343 = tpu.memref_slice %arg19[%add3A_140, %dma_wait3A_342] : memref<5120x288xbf16, #tpu.memory_space<vmem_shared>> -> memref<8x288xbf16, #tpu.memory_space<vmem_shared>>
      tpu.wait_dma2 semaphore(%arg26 : memref<!tpu.dma_semaphore, #tpu.memory_space<semaphore_mem>>) src(%arg18 : memref<8x288xbf16, #tpu.memory_space<vmem>>) dst(%dma_wait3A_343 : memref<8x288xbf16, #tpu.memory_space<vmem_shared>>)
      %dma_wait3A_344 = arith.constant 0 : i32
      %dma_wait3A_345 = tpu.memref_slice %arg19[%add3A_146, %dma_wait3A_344] : memref<5120x288xbf16, #tpu.memory_space<vmem_shared>> -> memref<8x288xbf16, #tpu.memory_space<vmem_shared>>
      %dma_wait3A_346 = arith.constant 0 : i32
      %dma_wait3A_347 = tpu.memref_slice %arg19[%add3A_146, %dma_wait3A_346] : memref<5120x288xbf16, #tpu.memory_space<vmem_shared>> -> memref<8x288xbf16, #tpu.memory_space<vmem_shared>>
      tpu.wait_dma2 semaphore(%arg26 : memref<!tpu.dma_semaphore, #tpu.memory_space<semaphore_mem>>) src(%arg18 : memref<8x288xbf16, #tpu.memory_space<vmem>>) dst(%dma_wait3A_347 : memref<8x288xbf16, #tpu.memory_space<vmem_shared>>)
      %dma_wait3A_348 = arith.constant 0 : i32
      %dma_wait3A_349 = tpu.memref_slice %arg19[%add3A_152, %dma_wait3A_348] : memref<5120x288xbf16, #tpu.memory_space<vmem_shared>> -> memref<8x288xbf16, #tpu.memory_space<vmem_shared>>
      %dma_wait3A_350 = arith.constant 0 : i32
      %dma_wait3A_351 = tpu.memref_slice %arg19[%add3A_152, %dma_wait3A_350] : memref<5120x288xbf16, #tpu.memory_space<vmem_shared>> -> memref<8x288xbf16, #tpu.memory_space<vmem_shared>>
      tpu.wait_dma2 semaphore(%arg26 : memref<!tpu.dma_semaphore, #tpu.memory_space<semaphore_mem>>) src(%arg18 : memref<8x288xbf16, #tpu.memory_space<vmem>>) dst(%dma_wait3A_351 : memref<8x288xbf16, #tpu.memory_space<vmem_shared>>)
      %dma_wait3A_352 = arith.constant 0 : i32
      %dma_wait3A_353 = tpu.memref_slice %arg19[%add3A_158, %dma_wait3A_352] : memref<5120x288xbf16, #tpu.memory_space<vmem_shared>> -> memref<8x288xbf16, #tpu.memory_space<vmem_shared>>
      %dma_wait3A_354 = arith.constant 0 : i32
      %dma_wait3A_355 = tpu.memref_slice %arg19[%add3A_158, %dma_wait3A_354] : memref<5120x288xbf16, #tpu.memory_space<vmem_shared>> -> memref<8x288xbf16, #tpu.memory_space<vmem_shared>>
      tpu.wait_dma2 semaphore(%arg26 : memref<!tpu.dma_semaphore, #tpu.memory_space<semaphore_mem>>) src(%arg18 : memref<8x288xbf16, #tpu.memory_space<vmem>>) dst(%dma_wait3A_355 : memref<8x288xbf16, #tpu.memory_space<vmem_shared>>)
      %dma_wait3A_356 = arith.constant 0 : i32
      %dma_wait3A_357 = tpu.memref_slice %arg19[%add3A_164, %dma_wait3A_356] : memref<5120x288xbf16, #tpu.memory_space<vmem_shared>> -> memref<8x288xbf16, #tpu.memory_space<vmem_shared>>
      %dma_wait3A_358 = arith.constant 0 : i32
      %dma_wait3A_359 = tpu.memref_slice %arg19[%add3A_164, %dma_wait3A_358] : memref<5120x288xbf16, #tpu.memory_space<vmem_shared>> -> memref<8x288xbf16, #tpu.memory_space<vmem_shared>>
      tpu.wait_dma2 semaphore(%arg26 : memref<!tpu.dma_semaphore, #tpu.memory_space<semaphore_mem>>) src(%arg18 : memref<8x288xbf16, #tpu.memory_space<vmem>>) dst(%dma_wait3A_359 : memref<8x288xbf16, #tpu.memory_space<vmem_shared>>)
      %dma_wait3A_360 = arith.constant 0 : i32
      %dma_wait3A_361 = tpu.memref_slice %arg19[%add3A_170, %dma_wait3A_360] : memref<5120x288xbf16, #tpu.memory_space<vmem_shared>> -> memref<8x288xbf16, #tpu.memory_space<vmem_shared>>
      %dma_wait3A_362 = arith.constant 0 : i32
      %dma_wait3A_363 = tpu.memref_slice %arg19[%add3A_170, %dma_wait3A_362] : memref<5120x288xbf16, #tpu.memory_space<vmem_shared>> -> memref<8x288xbf16, #tpu.memory_space<vmem_shared>>
      tpu.wait_dma2 semaphore(%arg26 : memref<!tpu.dma_semaphore, #tpu.memory_space<semaphore_mem>>) src(%arg18 : memref<8x288xbf16, #tpu.memory_space<vmem>>) dst(%dma_wait3A_363 : memref<8x288xbf16, #tpu.memory_space<vmem_shared>>)
      %dma_wait3A_364 = arith.constant 0 : i32
      %dma_wait3A_365 = tpu.memref_slice %arg19[%add3A_176, %dma_wait3A_364] : memref<5120x288xbf16, #tpu.memory_space<vmem_shared>> -> memref<8x288xbf16, #tpu.memory_space<vmem_shared>>
      %dma_wait3A_366 = arith.constant 0 : i32
      %dma_wait3A_367 = tpu.memref_slice %arg19[%add3A_176, %dma_wait3A_366] : memref<5120x288xbf16, #tpu.memory_space<vmem_shared>> -> memref<8x288xbf16, #tpu.memory_space<vmem_shared>>
      tpu.wait_dma2 semaphore(%arg26 : memref<!tpu.dma_semaphore, #tpu.memory_space<semaphore_mem>>) src(%arg18 : memref<8x288xbf16, #tpu.memory_space<vmem>>) dst(%dma_wait3A_367 : memref<8x288xbf16, #tpu.memory_space<vmem_shared>>)
      %dma_wait3A_368 = arith.constant 0 : i32
      %dma_wait3A_369 = tpu.memref_slice %arg19[%add3A_182, %dma_wait3A_368] : memref<5120x288xbf16, #tpu.memory_space<vmem_shared>> -> memref<8x288xbf16, #tpu.memory_space<vmem_shared>>
      %dma_wait3A_370 = arith.constant 0 : i32
      %dma_wait3A_371 = tpu.memref_slice %arg19[%add3A_182, %dma_wait3A_370] : memref<5120x288xbf16, #tpu.memory_space<vmem_shared>> -> memref<8x288xbf16, #tpu.memory_space<vmem_shared>>
      tpu.wait_dma2 semaphore(%arg26 : memref<!tpu.dma_semaphore, #tpu.memory_space<semaphore_mem>>) src(%arg18 : memref<8x288xbf16, #tpu.memory_space<vmem>>) dst(%dma_wait3A_371 : memref<8x288xbf16, #tpu.memory_space<vmem_shared>>)
      %dma_wait3A_372 = arith.constant 0 : i32
      %dma_wait3A_373 = tpu.memref_slice %arg19[%add3A_188, %dma_wait3A_372] : memref<5120x288xbf16, #tpu.memory_space<vmem_shared>> -> memref<8x288xbf16, #tpu.memory_space<vmem_shared>>
      %dma_wait3A_374 = arith.constant 0 : i32
      %dma_wait3A_375 = tpu.memref_slice %arg19[%add3A_188, %dma_wait3A_374] : memref<5120x288xbf16, #tpu.memory_space<vmem_shared>> -> memref<8x288xbf16, #tpu.memory_space<vmem_shared>>
      tpu.wait_dma2 semaphore(%arg26 : memref<!tpu.dma_semaphore, #tpu.memory_space<semaphore_mem>>) src(%arg18 : memref<8x288xbf16, #tpu.memory_space<vmem>>) dst(%dma_wait3A_375 : memref<8x288xbf16, #tpu.memory_space<vmem_shared>>)
      %dma_wait3A_376 = arith.constant 0 : i32
      %dma_wait3A_377 = tpu.memref_slice %arg19[%add3A_194, %dma_wait3A_376] : memref<5120x288xbf16, #tpu.memory_space<vmem_shared>> -> memref<8x288xbf16, #tpu.memory_space<vmem_shared>>
      %dma_wait3A_378 = arith.constant 0 : i32
      %dma_wait3A_379 = tpu.memref_slice %arg19[%add3A_194, %dma_wait3A_378] : memref<5120x288xbf16, #tpu.memory_space<vmem_shared>> -> memref<8x288xbf16, #tpu.memory_space<vmem_shared>>
      tpu.wait_dma2 semaphore(%arg26 : memref<!tpu.dma_semaphore, #tpu.memory_space<semaphore_mem>>) src(%arg18 : memref<8x288xbf16, #tpu.memory_space<vmem>>) dst(%dma_wait3A_379 : memref<8x288xbf16, #tpu.memory_space<vmem_shared>>)
      %dma_wait3A_380 = arith.constant 0 : i32
      %dma_wait3A_381 = tpu.memref_slice %arg19[%add3A_200, %dma_wait3A_380] : memref<5120x288xbf16, #tpu.memory_space<vmem_shared>> -> memref<8x288xbf16, #tpu.memory_space<vmem_shared>>
      %dma_wait3A_382 = arith.constant 0 : i32
      %dma_wait3A_383 = tpu.memref_slice %arg19[%add3A_200, %dma_wait3A_382] : memref<5120x288xbf16, #tpu.memory_space<vmem_shared>> -> memref<8x288xbf16, #tpu.memory_space<vmem_shared>>
      tpu.wait_dma2 semaphore(%arg26 : memref<!tpu.dma_semaphore, #tpu.memory_space<semaphore_mem>>) src(%arg18 : memref<8x288xbf16, #tpu.memory_space<vmem>>) dst(%dma_wait3A_383 : memref<8x288xbf16, #tpu.memory_space<vmem_shared>>)
      %dma_wait3A_384 = arith.constant 0 : i32
      %dma_wait3A_385 = tpu.memref_slice %arg19[%add3A_206, %dma_wait3A_384] : memref<5120x288xbf16, #tpu.memory_space<vmem_shared>> -> memref<8x288xbf16, #tpu.memory_space<vmem_shared>>
      %dma_wait3A_386 = arith.constant 0 : i32
      %dma_wait3A_387 = tpu.memref_slice %arg19[%add3A_206, %dma_wait3A_386] : memref<5120x288xbf16, #tpu.memory_space<vmem_shared>> -> memref<8x288xbf16, #tpu.memory_space<vmem_shared>>
      tpu.wait_dma2 semaphore(%arg26 : memref<!tpu.dma_semaphore, #tpu.memory_space<semaphore_mem>>) src(%arg18 : memref<8x288xbf16, #tpu.memory_space<vmem>>) dst(%dma_wait3A_387 : memref<8x288xbf16, #tpu.memory_space<vmem_shared>>)
      %dma_wait3A_388 = arith.constant 0 : i32
      %dma_wait3A_389 = tpu.memref_slice %arg19[%add3A_212, %dma_wait3A_388] : memref<5120x288xbf16, #tpu.memory_space<vmem_shared>> -> memref<8x288xbf16, #tpu.memory_space<vmem_shared>>
      %dma_wait3A_390 = arith.constant 0 : i32
      %dma_wait3A_391 = tpu.memref_slice %arg19[%add3A_212, %dma_wait3A_390] : memref<5120x288xbf16, #tpu.memory_space<vmem_shared>> -> memref<8x288xbf16, #tpu.memory_space<vmem_shared>>
      tpu.wait_dma2 semaphore(%arg26 : memref<!tpu.dma_semaphore, #tpu.memory_space<semaphore_mem>>) src(%arg18 : memref<8x288xbf16, #tpu.memory_space<vmem>>) dst(%dma_wait3A_391 : memref<8x288xbf16, #tpu.memory_space<vmem_shared>>)
      %dma_wait3A_392 = arith.constant 0 : i32
      %dma_wait3A_393 = tpu.memref_slice %arg19[%add3A_218, %dma_wait3A_392] : memref<5120x288xbf16, #tpu.memory_space<vmem_shared>> -> memref<8x288xbf16, #tpu.memory_space<vmem_shared>>
      %dma_wait3A_394 = arith.constant 0 : i32
      %dma_wait3A_395 = tpu.memref_slice %arg19[%add3A_218, %dma_wait3A_394] : memref<5120x288xbf16, #tpu.memory_space<vmem_shared>> -> memref<8x288xbf16, #tpu.memory_space<vmem_shared>>
      tpu.wait_dma2 semaphore(%arg26 : memref<!tpu.dma_semaphore, #tpu.memory_space<semaphore_mem>>) src(%arg18 : memref<8x288xbf16, #tpu.memory_space<vmem>>) dst(%dma_wait3A_395 : memref<8x288xbf16, #tpu.memory_space<vmem_shared>>)
      %dma_wait3A_396 = arith.constant 0 : i32
      %dma_wait3A_397 = tpu.memref_slice %arg19[%add3A_224, %dma_wait3A_396] : memref<5120x288xbf16, #tpu.memory_space<vmem_shared>> -> memref<8x288xbf16, #tpu.memory_space<vmem_shared>>
      %dma_wait3A_398 = arith.constant 0 : i32
      %dma_wait3A_399 = tpu.memref_slice %arg19[%add3A_224, %dma_wait3A_398] : memref<5120x288xbf16, #tpu.memory_space<vmem_shared>> -> memref<8x288xbf16, #tpu.memory_space<vmem_shared>>
      tpu.wait_dma2 semaphore(%arg26 : memref<!tpu.dma_semaphore, #tpu.memory_space<semaphore_mem>>) src(%arg18 : memref<8x288xbf16, #tpu.memory_space<vmem>>) dst(%dma_wait3A_399 : memref<8x288xbf16, #tpu.memory_space<vmem_shared>>)
      %dma_wait3A_400 = arith.constant 0 : i32
      %dma_wait3A_401 = tpu.memref_slice %arg19[%add3A_230, %dma_wait3A_400] : memref<5120x288xbf16, #tpu.memory_space<vmem_shared>> -> memref<8x288xbf16, #tpu.memory_space<vmem_shared>>
      %dma_wait3A_402 = arith.constant 0 : i32
      %dma_wait3A_403 = tpu.memref_slice %arg19[%add3A_230, %dma_wait3A_402] : memref<5120x288xbf16, #tpu.memory_space<vmem_shared>> -> memref<8x288xbf16, #tpu.memory_space<vmem_shared>>
      tpu.wait_dma2 semaphore(%arg26 : memref<!tpu.dma_semaphore, #tpu.memory_space<semaphore_mem>>) src(%arg18 : memref<8x288xbf16, #tpu.memory_space<vmem>>) dst(%dma_wait3A_403 : memref<8x288xbf16, #tpu.memory_space<vmem_shared>>)
      %dma_wait3A_404 = arith.constant 0 : i32
      %dma_wait3A_405 = tpu.memref_slice %arg19[%add3A_236, %dma_wait3A_404] : memref<5120x288xbf16, #tpu.memory_space<vmem_shared>> -> memref<8x288xbf16, #tpu.memory_space<vmem_shared>>
      %dma_wait3A_406 = arith.constant 0 : i32
      %dma_wait3A_407 = tpu.memref_slice %arg19[%add3A_236, %dma_wait3A_406] : memref<5120x288xbf16, #tpu.memory_space<vmem_shared>> -> memref<8x288xbf16, #tpu.memory_space<vmem_shared>>
      tpu.wait_dma2 semaphore(%arg26 : memref<!tpu.dma_semaphore, #tpu.memory_space<semaphore_mem>>) src(%arg18 : memref<8x288xbf16, #tpu.memory_space<vmem>>) dst(%dma_wait3A_407 : memref<8x288xbf16, #tpu.memory_space<vmem_shared>>)
      %dma_wait3A_408 = arith.constant 0 : i32
      %dma_wait3A_409 = tpu.memref_slice %arg19[%add3A_242, %dma_wait3A_408] : memref<5120x288xbf16, #tpu.memory_space<vmem_shared>> -> memref<8x288xbf16, #tpu.memory_space<vmem_shared>>
      %dma_wait3A_410 = arith.constant 0 : i32
      %dma_wait3A_411 = tpu.memref_slice %arg19[%add3A_242, %dma_wait3A_410] : memref<5120x288xbf16, #tpu.memory_space<vmem_shared>> -> memref<8x288xbf16, #tpu.memory_space<vmem_shared>>
      tpu.wait_dma2 semaphore(%arg26 : memref<!tpu.dma_semaphore, #tpu.memory_space<semaphore_mem>>) src(%arg18 : memref<8x288xbf16, #tpu.memory_space<vmem>>) dst(%dma_wait3A_411 : memref<8x288xbf16, #tpu.memory_space<vmem_shared>>)
      %dma_wait3A_412 = arith.constant 0 : i32
      %dma_wait3A_413 = tpu.memref_slice %arg19[%add3A_248, %dma_wait3A_412] : memref<5120x288xbf16, #tpu.memory_space<vmem_shared>> -> memref<8x288xbf16, #tpu.memory_space<vmem_shared>>
      %dma_wait3A_414 = arith.constant 0 : i32
      %dma_wait3A_415 = tpu.memref_slice %arg19[%add3A_248, %dma_wait3A_414] : memref<5120x288xbf16, #tpu.memory_space<vmem_shared>> -> memref<8x288xbf16, #tpu.memory_space<vmem_shared>>
      tpu.wait_dma2 semaphore(%arg26 : memref<!tpu.dma_semaphore, #tpu.memory_space<semaphore_mem>>) src(%arg18 : memref<8x288xbf16, #tpu.memory_space<vmem>>) dst(%dma_wait3A_415 : memref<8x288xbf16, #tpu.memory_space<vmem_shared>>)
      %dma_wait3A_416 = arith.constant 0 : i32
      %dma_wait3A_417 = tpu.memref_slice %arg19[%add3A_254, %dma_wait3A_416] : memref<5120x288xbf16, #tpu.memory_space<vmem_shared>> -> memref<8x288xbf16, #tpu.memory_space<vmem_shared>>
      %dma_wait3A_418 = arith.constant 0 : i32
      %dma_wait3A_419 = tpu.memref_slice %arg19[%add3A_254, %dma_wait3A_418] : memref<5120x288xbf16, #tpu.memory_space<vmem_shared>> -> memref<8x288xbf16, #tpu.memory_space<vmem_shared>>
      tpu.wait_dma2 semaphore(%arg26 : memref<!tpu.dma_semaphore, #tpu.memory_space<semaphore_mem>>) src(%arg18 : memref<8x288xbf16, #tpu.memory_space<vmem>>) dst(%dma_wait3A_419 : memref<8x288xbf16, #tpu.memory_space<vmem_shared>>)
      %dma_wait3A_420 = arith.constant 0 : i32
      %dma_wait3A_421 = tpu.memref_slice %arg19[%add3A_260, %dma_wait3A_420] : memref<5120x288xbf16, #tpu.memory_space<vmem_shared>> -> memref<8x288xbf16, #tpu.memory_space<vmem_shared>>
      %dma_wait3A_422 = arith.constant 0 : i32
      %dma_wait3A_423 = tpu.memref_slice %arg19[%add3A_260, %dma_wait3A_422] : memref<5120x288xbf16, #tpu.memory_space<vmem_shared>> -> memref<8x288xbf16, #tpu.memory_space<vmem_shared>>
      tpu.wait_dma2 semaphore(%arg26 : memref<!tpu.dma_semaphore, #tpu.memory_space<semaphore_mem>>) src(%arg18 : memref<8x288xbf16, #tpu.memory_space<vmem>>) dst(%dma_wait3A_423 : memref<8x288xbf16, #tpu.memory_space<vmem_shared>>)
      %barrier3A_424 = arith.constant 0 : index
      tpu.barrier barrier_id(%barrier3A_424)
      %mul3A_425 = arith.constant 50000 : i32
      %mul3A_426 = arith.muli %arg1, %mul3A_425 : i32
      %add3A_427 = arith.constant 0 : i32
      %add3A_428 = arith.addi %mul3A_426, %add3A_427 : i32
      %dma_start3A_429 = tpu.memref_slice %arg2[%add3A_428] : memref<800000xi32, #tpu.memory_space<hbm>> -> memref<2000xi32, #tpu.memory_space<hbm>>
      %dma_start3A_430 = tpu.memref_slice %arg2[%add3A_428] : memref<800000xi32, #tpu.memory_space<hbm>> -> memref<2000xi32, #tpu.memory_space<hbm>>
      tpu.enqueue_dma source(%dma_start3A_430 : memref<2000xi32, #tpu.memory_space<hbm>>) target(%arg6 : memref<2000xi32, #tpu.memory_space<vmem>>) target_semaphore(%arg20 : memref<!tpu.dma_semaphore, #tpu.memory_space<semaphore_mem>>)
      %dma_start3A_431 = tpu.memref_slice %arg3[%add3A_428] : memref<800000xi32, #tpu.memory_space<hbm>> -> memref<2000xi32, #tpu.memory_space<hbm>>
      %dma_start3A_432 = tpu.memref_slice %arg3[%add3A_428] : memref<800000xi32, #tpu.memory_space<hbm>> -> memref<2000xi32, #tpu.memory_space<hbm>>
      tpu.enqueue_dma source(%dma_start3A_432 : memref<2000xi32, #tpu.memory_space<hbm>>) target(%arg7 : memref<2000xi32, #tpu.memory_space<vmem>>) target_semaphore(%arg20 : memref<!tpu.dma_semaphore, #tpu.memory_space<semaphore_mem>>)
      %scan3A_433 = arith.constant 0 : i32
      %scan3A_434 = arith.constant 0 : i32
      %scan3A_435 = arith.constant 0 : i32
      %scan3A_436 = arith.constant 0 : i32
      %scan3A_437 = arith.constant 12 : i32
      %scan3A_438 = arith.addi %scan3A_436, %scan3A_437 : i32
      %scan3A_439 = arith.constant 1 : i32
      %scan3A_440:3 = scf.for %scan3A_705 = %scan3A_436 to %scan3A_438 step %scan3A_439 iter_args(%scan3A_706 = %scan3A_433, %scan3A_707 = %scan3A_434, %scan3A_708 = %scan3A_435) -> (i32, i32, i32)  : i32 {
        %mul3A_709 = arith.constant 2 : i32
        %mul3A_710 = arith.muli %mul3A_709, %scan3A_705 : i32
        %add3A_711 = arith.constant 1 : i32
        %add3A_712 = arith.addi %mul3A_710, %add3A_711 : i32
        %mul3A_713 = arith.constant 50000 : i32
        %mul3A_714 = arith.muli %arg1, %mul3A_713 : i32
        %mul3A_715 = arith.constant 2000 : i32
        %mul3A_716 = arith.muli %add3A_712, %mul3A_715 : i32
        %add3A_717 = arith.addi %mul3A_714, %mul3A_716 : i32
        %dma_start3A_718 = tpu.memref_slice %arg2[%add3A_717] : memref<800000xi32, #tpu.memory_space<hbm>> -> memref<2000xi32, #tpu.memory_space<hbm>>
        %dma_start3A_719 = tpu.memref_slice %arg2[%add3A_717] : memref<800000xi32, #tpu.memory_space<hbm>> -> memref<2000xi32, #tpu.memory_space<hbm>>
        tpu.enqueue_dma source(%dma_start3A_719 : memref<2000xi32, #tpu.memory_space<hbm>>) target(%arg8 : memref<2000xi32, #tpu.memory_space<vmem>>) target_semaphore(%arg21 : memref<!tpu.dma_semaphore, #tpu.memory_space<semaphore_mem>>)
        %dma_start3A_720 = tpu.memref_slice %arg3[%add3A_717] : memref<800000xi32, #tpu.memory_space<hbm>> -> memref<2000xi32, #tpu.memory_space<hbm>>
        %dma_start3A_721 = tpu.memref_slice %arg3[%add3A_717] : memref<800000xi32, #tpu.memory_space<hbm>> -> memref<2000xi32, #tpu.memory_space<hbm>>
        tpu.enqueue_dma source(%dma_start3A_721 : memref<2000xi32, #tpu.memory_space<hbm>>) target(%arg9 : memref<2000xi32, #tpu.memory_space<vmem>>) target_semaphore(%arg21 : memref<!tpu.dma_semaphore, #tpu.memory_space<semaphore_mem>>)
        %dma_wait3A_722 = arith.constant 0 : i32
        %dma_wait3A_723 = tpu.memref_slice %arg2[%dma_wait3A_722] : memref<800000xi32, #tpu.memory_space<hbm>> -> memref<2000xi32, #tpu.memory_space<hbm>>
        %dma_wait3A_724 = arith.constant 0 : i32
        %dma_wait3A_725 = tpu.memref_slice %arg2[%dma_wait3A_724] : memref<800000xi32, #tpu.memory_space<hbm>> -> memref<2000xi32, #tpu.memory_space<hbm>>
        tpu.wait_dma2 semaphore(%arg20 : memref<!tpu.dma_semaphore, #tpu.memory_space<semaphore_mem>>) src(%dma_wait3A_725 : memref<2000xi32, #tpu.memory_space<hbm>>) dst(%arg6 : memref<2000xi32, #tpu.memory_space<vmem>>)
        %dma_wait3A_726 = arith.constant 0 : i32
        %dma_wait3A_727 = tpu.memref_slice %arg2[%dma_wait3A_726] : memref<800000xi32, #tpu.memory_space<hbm>> -> memref<2000xi32, #tpu.memory_space<hbm>>
        %dma_wait3A_728 = arith.constant 0 : i32
        %dma_wait3A_729 = tpu.memref_slice %arg2[%dma_wait3A_728] : memref<800000xi32, #tpu.memory_space<hbm>> -> memref<2000xi32, #tpu.memory_space<hbm>>
        tpu.wait_dma2 semaphore(%arg20 : memref<!tpu.dma_semaphore, #tpu.memory_space<semaphore_mem>>) src(%dma_wait3A_729 : memref<2000xi32, #tpu.memory_space<hbm>>) dst(%arg7 : memref<2000xi32, #tpu.memory_space<vmem>>)
        %broadcast_in_dim3A_730 = vector.broadcast %scan3A_706 : i32 to vector<16xi32>
        %scan3A_731 = arith.constant 0 : i32
        %scan3A_732 = arith.constant 125 : i32
        %scan3A_733 = arith.addi %scan3A_731, %scan3A_732 : i32
        %scan3A_734 = arith.constant 1 : i32
        %scan3A_735 = scf.for %scan3A_1121 = %scan3A_731 to %scan3A_733 step %scan3A_734 iter_args(%scan3A_1122 = %broadcast_in_dim3A_730) -> (vector<16xi32>)  : i32 {
          %mul3A_1123 = arith.constant 16 : i32
          %mul3A_1124 = arith.muli %scan3A_1121, %mul3A_1123 : i32
          %get3A_1125 = arith.index_cast %mul3A_1124 : i32 to index
          %get3A_1126 = tpu.vector_load %arg7[%get3A_1125] {strides = array<i32>} : memref<2000xi32, #tpu.memory_space<vmem>>, vector<16xi32>,
          %mul3A_1127 = arith.constant 16 : i32
          %mul3A_1128 = arith.muli %scan3A_1121, %mul3A_1127 : i32
          %get3A_1129 = arith.index_cast %mul3A_1128 : i32 to index
          %get3A_1130 = tpu.vector_load %arg6[%get3A_1129] {strides = array<i32>} : memref<2000xi32, #tpu.memory_space<vmem>>, vector<16xi32>,
          %sub3A_1131 = vector.broadcast %mul3A_23 : i32 to vector<16xi32>
          %sub3A_1132 = arith.subi %get3A_1126, %sub3A_1131 : vector<16xi32>
          %ge3A_1133 = arith.constant 0 : i32
          %ge3A_1134 = vector.broadcast %ge3A_1133 : i32 to vector<16xi32>
          %ge3A_1135 = arith.cmpi sge, %sub3A_1132, %ge3A_1134 : vector<16xi32>
          %lt3A = arith.constant 5120 : i32
          %lt3A_1136 = vector.broadcast %lt3A : i32 to vector<16xi32>
          %lt3A_1137 = arith.cmpi slt, %sub3A_1132, %lt3A_1136 : vector<16xi32>
          %and3A_1138 = arith.andi %ge3A_1135, %lt3A_1137 : vector<16xi1>
          %jit3A_1139 = arith.constant 1 : i32
          %jit3A_1140 = arith.constant 0 : i32
          %broadcast_in_dim3A_1141 = vector.broadcast %jit3A_1139 : i32 to vector<16xi32>
          %broadcast_in_dim3A_1142 = vector.broadcast %jit3A_1140 : i32 to vector<16xi32>
          %select_n3A_1143 = arith.select %and3A_1138, %broadcast_in_dim3A_1141, %broadcast_in_dim3A_1142 : vector<16xi1>, vector<16xi32>
          %broadcast_in_dim3A_1144 = arith.constant true
          %broadcast_in_dim3A_1145 = vector.broadcast %broadcast_in_dim3A_1144 : i1 to vector<16xi1>
          %masked_cumsum3A = tpu.scan <sum>, %select_n3A_1143 masked %broadcast_in_dim3A_1145 : vector<16xi32>, vector<16xi1> -> vector<16xi32>
          %sub3A_1146 = arith.subi %masked_cumsum3A, %select_n3A_1143 : vector<16xi32>
          %add3A_1147 = arith.addi %sub3A_1146, %scan3A_1122 : vector<16xi32>
          tpu.vector_store_idx %arg11[%add3A_1147], %sub3A_1132 masked %and3A_1138 : memref<2176xi32, #tpu.memory_space<vmem>>[vector<16xi32>], vector<16xi32>, vector<16xi1>
          tpu.vector_store_idx %arg10[%add3A_1147], %get3A_1130 masked %and3A_1138 : memref<2176xi32, #tpu.memory_space<vmem>>[vector<16xi32>], vector<16xi32>, vector<16xi1>
          %all_reduce_population_count3A = tpu.all_reduce %and3A_1138 {dim = 0 : i64, kind = #tpu.reduction_kind<sum>} : vector<16xi1> -> vector<16xi32>
          %add3A_1148 = arith.addi %scan3A_1122, %all_reduce_population_count3A : vector<16xi32>
          scf.yield %add3A_1148 : vector<16xi32>
        }
        %scan3A_736 = arith.constant 125 : i32
        %reduce_max3A_737 = arith.constant true
        %reduce_max3A_738 = vector.broadcast %reduce_max3A_737 : i1 to vector<16xi1>
        %reduce_max3A_739 = arith.constant -2147483648 : i32
        %reduce_max3A_740 = vector.broadcast %reduce_max3A_739 : i32 to vector<16xi32>
        %reduce_max3A_741 = arith.xori %scan3A_735, %reduce_max3A_740 : vector<16xi32>
        %reduce_max3A_742 = tpu.scan <max>, %reduce_max3A_741 masked %reduce_max3A_738 : vector<16xi32>, vector<16xi1> -> vector<16xi32>
        %reduce_max3A_743 = arith.xori %reduce_max3A_742, %reduce_max3A_740 : vector<16xi32>
        %reduce_max3A_744 = vector.extract %reduce_max3A_743[15] : i32 from vector<16xi32>
        %jit3A_745 = arith.constant 128 : i32
        %div3A_746 = arith.divsi %reduce_max3A_744, %jit3A_745 : i32
        %sign3A_747 = arith.constant 0 : i32
        %sign3A_748 = arith.cmpi sgt, %reduce_max3A_744, %sign3A_747 : i32
        %sign3A_749 = arith.extui %sign3A_748 : i1 to i32
        %sign3A_750 = arith.constant 0 : i32
        %sign3A_751 = arith.cmpi slt, %reduce_max3A_744, %sign3A_750 : i32
        %sign3A_752 = arith.extui %sign3A_751 : i1 to i32
        %sign3A_753 = arith.subi %sign3A_749, %sign3A_752 : i32
        %sign3A_754 = arith.constant 0 : i32
        %sign3A_755 = arith.cmpi sgt, %jit3A_745, %sign3A_754 : i32
        %sign3A_756 = arith.extui %sign3A_755 : i1 to i32
        %sign3A_757 = arith.constant 0 : i32
        %sign3A_758 = arith.cmpi slt, %jit3A_745, %sign3A_757 : i32
        %sign3A_759 = arith.extui %sign3A_758 : i1 to i32
        %sign3A_760 = arith.subi %sign3A_756, %sign3A_759 : i32
        %ne3A_761 = arith.cmpi ne, %sign3A_753, %sign3A_760 : i32
        %rem3A_762 = arith.remsi %reduce_max3A_744, %jit3A_745 : i32
        %ne3A_763 = arith.constant 0 : i32
        %ne3A_764 = arith.cmpi ne, %rem3A_762, %ne3A_763 : i32
        %and3A_765 = arith.andi %ne3A_761, %ne3A_764 : i1
        %sub3A_766 = arith.constant 1 : i32
        %sub3A_767 = arith.subi %div3A_746, %sub3A_766 : i32
        %select_n3A_768 = arith.select %and3A_765, %sub3A_767, %div3A_746 : i32
        %add3A_769 = arith.constant 2 : i32
        %add3A_770 = arith.addi %select_n3A_768, %add3A_769 : i32
        %sub3A_771 = arith.constant 1 : i32
        %sub3A_772 = arith.subi %add3A_770, %sub3A_771 : i32
        %jit3A_773 = arith.constant 2 : i32
        %div3A_774 = arith.divsi %sub3A_772, %jit3A_773 : i32
        %sign3A_775 = arith.constant 0 : i32
        %sign3A_776 = arith.cmpi sgt, %sub3A_772, %sign3A_775 : i32
        %sign3A_777 = arith.extui %sign3A_776 : i1 to i32
        %sign3A_778 = arith.constant 0 : i32
        %sign3A_779 = arith.cmpi slt, %sub3A_772, %sign3A_778 : i32
        %sign3A_780 = arith.extui %sign3A_779 : i1 to i32
        %sign3A_781 = arith.subi %sign3A_777, %sign3A_780 : i32
        %sign3A_782 = arith.constant 0 : i32
        %sign3A_783 = arith.cmpi sgt, %jit3A_773, %sign3A_782 : i32
        %sign3A_784 = arith.extui %sign3A_783 : i1 to i32
        %sign3A_785 = arith.constant 0 : i32
        %sign3A_786 = arith.cmpi slt, %jit3A_773, %sign3A_785 : i32
        %sign3A_787 = arith.extui %sign3A_786 : i1 to i32
        %sign3A_788 = arith.subi %sign3A_784, %sign3A_787 : i32
        %ne3A_789 = arith.cmpi ne, %sign3A_781, %sign3A_788 : i32
        %rem3A_790 = arith.remsi %sub3A_772, %jit3A_773 : i32
        %ne3A_791 = arith.constant 0 : i32
        %ne3A_792 = arith.cmpi ne, %rem3A_790, %ne3A_791 : i32
        %and3A_793 = arith.andi %ne3A_789, %ne3A_792 : i1
        %sub3A_794 = arith.constant 1 : i32
        %sub3A_795 = arith.subi %div3A_774, %sub3A_794 : i32
        %select_n3A_796 = arith.select %and3A_793, %sub3A_795, %div3A_774 : i32
        %while3A_797 = arith.constant 0 : i32
        %while3A_798 = arith.constant 0 : i32
        %while3A_799 = arith.subi %select_n3A_796, %while3A_797 : i32
        %while3A_800 = arith.addi %while3A_797, %while3A_799 : i32
        %while3A_801 = arith.constant 1 : i32
        %while3A_802 = arith.divsi %while3A_799, %while3A_801 : i32
        %while3A_803 = arith.muli %while3A_802, %while3A_801 : i32
        %while3A_804 = arith.addi %while3A_797, %while3A_803 : i32
        %while3A_805 = arith.constant 1 : i32
        %while3A_806 = scf.for %while3A_1121 = %while3A_797 to %while3A_804 step %while3A_805 iter_args(%while3A_1122 = %while3A_798) -> (i32)  : i32 {
          %mul3A_1123 = arith.constant 2 : i32
          %mul3A_1124 = arith.muli %mul3A_1123, %while3A_1121 : i32
          %add3A_1125 = arith.constant 0 : i32
          %add3A_1126 = arith.addi %mul3A_1124, %add3A_1125 : i32
          %lt3A = arith.cmpi slt, %add3A_1126, %select_n3A_768 : i32
          %convert_element_type3A_1127 = arith.extui %lt3A : i1 to i32
          %cond3A_1128 = arith.constant 0 : i32
          %cond3A_1129 = arith.cmpi ne, %convert_element_type3A_1127, %cond3A_1128 : i32
          scf.if %cond3A_1129 {
            %gt3A_1155 = arith.constant 0 : i32
            %gt3A_1156 = arith.cmpi sgt, %while3A_1121, %gt3A_1155 : i32
            %gt3A_1157 = arith.constant 0 : i32
            %gt3A_1158 = arith.cmpi sgt, %scan3A_707, %gt3A_1157 : i32
            %or3A = arith.ori %gt3A_1156, %gt3A_1158 : i1
            %convert_element_type3A_1159 = arith.extui %or3A : i1 to i32
            %cond3A_1160 = arith.constant 0 : i32
            %cond3A_1161 = arith.cmpi ne, %convert_element_type3A_1159, %cond3A_1160 : i32
            scf.if %cond3A_1161 {
              %dma_wait3A_1293 = arith.constant 0 : i32
              %dma_wait3A_1294 = arith.constant 0 : i32
              %dma_wait3A_1295 = tpu.memref_slice %arg19[%dma_wait3A_1293, %dma_wait3A_1294] : memref<5120x288xbf16, #tpu.memory_space<vmem_shared>> -> memref<5120x288xbf16, #tpu.memory_space<vmem_shared>>
              tpu.wait_indirect_dma semaphore(%arg24 : memref<!tpu.dma_semaphore, #tpu.memory_space<semaphore_mem>>) src(%arg16 : memref<128x288xbf16, #tpu.memory_space<vmem>>) dst(%dma_wait3A_1295 : memref<5120x288xbf16, #tpu.memory_space<vmem_shared>>)
            } else {
            }
            %mul3A_1162 = arith.constant 128 : i32
            %mul3A_1163 = arith.muli %add3A_1126, %mul3A_1162 : i32
            %add3A_1164 = arith.constant 0 : i32
            %add3A_1165 = arith.addi %mul3A_1163, %add3A_1164 : i32
            %get3A_1166 = arith.index_cast %add3A_1165 : i32 to index
            %get3A_1167 = tpu.vector_load %arg10[%get3A_1166] {strides = array<i32>} : memref<2176xi32, #tpu.memory_space<vmem>>, vector<16xi32>,
            %swap3A_1168 = arith.constant 0 : index
            %swap3A_1169 = tpu.vector_load %arg12[%swap3A_1168] {strides = array<i32>} : memref<128xi32, #tpu.memory_space<vmem>>, vector<16xi32>,
            tpu.vector_store %arg12[%swap3A_1168], %get3A_1167 {strides = array<i32>} : memref<128xi32, #tpu.memory_space<vmem>>, vector<16xi32>,
            %mul3A_1170 = arith.constant 128 : i32
            %mul3A_1171 = arith.muli %add3A_1126, %mul3A_1170 : i32
            %add3A_1172 = arith.constant 0 : i32
            %add3A_1173 = arith.addi %mul3A_1171, %add3A_1172 : i32
            %get3A_1174 = arith.index_cast %add3A_1173 : i32 to index
            %get3A_1175 = tpu.vector_load %arg11[%get3A_1174] {strides = array<i32>} : memref<2176xi32, #tpu.memory_space<vmem>>, vector<16xi32>,
            %swap3A_1176 = arith.constant 0 : index
            %swap3A_1177 = tpu.vector_load %arg13[%swap3A_1176] {strides = array<i32>} : memref<128xi32, #tpu.memory_space<vmem>>, vector<16xi32>,
            tpu.vector_store %arg13[%swap3A_1176], %get3A_1175 {strides = array<i32>} : memref<128xi32, #tpu.memory_space<vmem>>, vector<16xi32>,
            %mul3A_1178 = arith.constant 128 : i32
            %mul3A_1179 = arith.muli %add3A_1126, %mul3A_1178 : i32
            %add3A_1180 = arith.constant 16 : i32
            %add3A_1181 = arith.addi %mul3A_1179, %add3A_1180 : i32
            %get3A_1182 = arith.index_cast %add3A_1181 : i32 to index
            %get3A_1183 = tpu.vector_load %arg10[%get3A_1182] {strides = array<i32>} : memref<2176xi32, #tpu.memory_space<vmem>>, vector<16xi32>,
            %swap3A_1184 = arith.constant 16 : index
            %swap3A_1185 = tpu.vector_load %arg12[%swap3A_1184] {strides = array<i32>} : memref<128xi32, #tpu.memory_space<vmem>>, vector<16xi32>,
            tpu.vector_store %arg12[%swap3A_1184], %get3A_1183 {strides = array<i32>} : memref<128xi32, #tpu.memory_space<vmem>>, vector<16xi32>,
            %mul3A_1186 = arith.constant 128 : i32
            %mul3A_1187 = arith.muli %add3A_1126, %mul3A_1186 : i32
            %add3A_1188 = arith.constant 16 : i32
            %add3A_1189 = arith.addi %mul3A_1187, %add3A_1188 : i32
            %get3A_1190 = arith.index_cast %add3A_1189 : i32 to index
            %get3A_1191 = tpu.vector_load %arg11[%get3A_1190] {strides = array<i32>} : memref<2176xi32, #tpu.memory_space<vmem>>, vector<16xi32>,
            %swap3A_1192 = arith.constant 16 : index
            %swap3A_1193 = tpu.vector_load %arg13[%swap3A_1192] {strides = array<i32>} : memref<128xi32, #tpu.memory_space<vmem>>, vector<16xi32>,
            tpu.vector_store %arg13[%swap3A_1192], %get3A_1191 {strides = array<i32>} : memref<128xi32, #tpu.memory_space<vmem>>, vector<16xi32>,
            %mul3A_1194 = arith.constant 128 : i32
            %mul3A_1195 = arith.muli %add3A_1126, %mul3A_1194 : i32
            %add3A_1196 = arith.constant 32 : i32
            %add3A_1197 = arith.addi %mul3A_1195, %add3A_1196 : i32
            %get3A_1198 = arith.index_cast %add3A_1197 : i32 to index
            %get3A_1199 = tpu.vector_load %arg10[%get3A_1198] {strides = array<i32>} : memref<2176xi32, #tpu.memory_space<vmem>>, vector<16xi32>,
            %swap3A_1200 = arith.constant 32 : index
            %swap3A_1201 = tpu.vector_load %arg12[%swap3A_1200] {strides = array<i32>} : memref<128xi32, #tpu.memory_space<vmem>>, vector<16xi32>,
            tpu.vector_store %arg12[%swap3A_1200], %get3A_1199 {strides = array<i32>} : memref<128xi32, #tpu.memory_space<vmem>>, vector<16xi32>,
            %mul3A_1202 = arith.constant 128 : i32
            %mul3A_1203 = arith.muli %add3A_1126, %mul3A_1202 : i32
            %add3A_1204 = arith.constant 32 : i32
            %add3A_1205 = arith.addi %mul3A_1203, %add3A_1204 : i32
            %get3A_1206 = arith.index_cast %add3A_1205 : i32 to index
            %get3A_1207 = tpu.vector_load %arg11[%get3A_1206] {strides = array<i32>} : memref<2176xi32, #tpu.memory_space<vmem>>, vector<16xi32>,
            %swap3A_1208 = arith.constant 32 : index
            %swap3A_1209 = tpu.vector_load %arg13[%swap3A_1208] {strides = array<i32>} : memref<128xi32, #tpu.memory_space<vmem>>, vector<16xi32>,
            tpu.vector_store %arg13[%swap3A_1208], %get3A_1207 {strides = array<i32>} : memref<128xi32, #tpu.memory_space<vmem>>, vector<16xi32>,
            %mul3A_1210 = arith.constant 128 : i32
            %mul3A_1211 = arith.muli %add3A_1126, %mul3A_1210 : i32
            %add3A_1212 = arith.constant 48 : i32
            %add3A_1213 = arith.addi %mul3A_1211, %add3A_1212 : i32
            %get3A_1214 = arith.index_cast %add3A_1213 : i32 to index
            %get3A_1215 = tpu.vector_load %arg10[%get3A_1214] {strides = array<i32>} : memref<2176xi32, #tpu.memory_space<vmem>>, vector<16xi32>,
            %swap3A_1216 = arith.constant 48 : index
            %swap3A_1217 = tpu.vector_load %arg12[%swap3A_1216] {strides = array<i32>} : memref<128xi32, #tpu.memory_space<vmem>>, vector<16xi32>,
            tpu.vector_store %arg12[%swap3A_1216], %get3A_1215 {strides = array<i32>} : memref<128xi32, #tpu.memory_space<vmem>>, vector<16xi32>,
            %mul3A_1218 = arith.constant 128 : i32
            %mul3A_1219 = arith.muli %add3A_1126, %mul3A_1218 : i32
            %add3A_1220 = arith.constant 48 : i32
            %add3A_1221 = arith.addi %mul3A_1219, %add3A_1220 : i32
            %get3A_1222 = arith.index_cast %add3A_1221 : i32 to index
            %get3A_1223 = tpu.vector_load %arg11[%get3A_1222] {strides = array<i32>} : memref<2176xi32, #tpu.memory_space<vmem>>, vector<16xi32>,
            %swap3A_1224 = arith.constant 48 : index
            %swap3A_1225 = tpu.vector_load %arg13[%swap3A_1224] {strides = array<i32>} : memref<128xi32, #tpu.memory_space<vmem>>, vector<16xi32>,
            tpu.vector_store %arg13[%swap3A_1224], %get3A_1223 {strides = array<i32>} : memref<128xi32, #tpu.memory_space<vmem>>, vector<16xi32>,
            %mul3A_1226 = arith.constant 128 : i32
            %mul3A_1227 = arith.muli %add3A_1126, %mul3A_1226 : i32
            %add3A_1228 = arith.constant 64 : i32
            %add3A_1229 = arith.addi %mul3A_1227, %add3A_1228 : i32
            %get3A_1230 = arith.index_cast %add3A_1229 : i32 to index
            %get3A_1231 = tpu.vector_load %arg10[%get3A_1230] {strides = array<i32>} : memref<2176xi32, #tpu.memory_space<vmem>>, vector<16xi32>,
            %swap3A_1232 = arith.constant 64 : index
            %swap3A_1233 = tpu.vector_load %arg12[%swap3A_1232] {strides = array<i32>} : memref<128xi32, #tpu.memory_space<vmem>>, vector<16xi32>,
            tpu.vector_store %arg12[%swap3A_1232], %get3A_1231 {strides = array<i32>} : memref<128xi32, #tpu.memory_space<vmem>>, vector<16xi32>,
            %mul3A_1234 = arith.constant 128 : i32
            %mul3A_1235 = arith.muli %add3A_1126, %mul3A_1234 : i32
            %add3A_1236 = arith.constant 64 : i32
            %add3A_1237 = arith.addi %mul3A_1235, %add3A_1236 : i32
            %get3A_1238 = arith.index_cast %add3A_1237 : i32 to index
            %get3A_1239 = tpu.vector_load %arg11[%get3A_1238] {strides = array<i32>} : memref<2176xi32, #tpu.memory_space<vmem>>, vector<16xi32>,
            %swap3A_1240 = arith.constant 64 : index
            %swap3A_1241 = tpu.vector_load %arg13[%swap3A_1240] {strides = array<i32>} : memref<128xi32, #tpu.memory_space<vmem>>, vector<16xi32>,
            tpu.vector_store %arg13[%swap3A_1240], %get3A_1239 {strides = array<i32>} : memref<128xi32, #tpu.memory_space<vmem>>, vector<16xi32>,
            %mul3A_1242 = arith.constant 128 : i32
            %mul3A_1243 = arith.muli %add3A_1126, %mul3A_1242 : i32
            %add3A_1244 = arith.constant 80 : i32
            %add3A_1245 = arith.addi %mul3A_1243, %add3A_1244 : i32
            %get3A_1246 = arith.index_cast %add3A_1245 : i32 to index
            %get3A_1247 = tpu.vector_load %arg10[%get3A_1246] {strides = array<i32>} : memref<2176xi32, #tpu.memory_space<vmem>>, vector<16xi32>,
            %swap3A_1248 = arith.constant 80 : index
            %swap3A_1249 = tpu.vector_load %arg12[%swap3A_1248] {strides = array<i32>} : memref<128xi32, #tpu.memory_space<vmem>>, vector<16xi32>,
            tpu.vector_store %arg12[%swap3A_1248], %get3A_1247 {strides = array<i32>} : memref<128xi32, #tpu.memory_space<vmem>>, vector<16xi32>,
            %mul3A_1250 = arith.constant 128 : i32
            %mul3A_1251 = arith.muli %add3A_1126, %mul3A_1250 : i32
            %add3A_1252 = arith.constant 80 : i32
            %add3A_1253 = arith.addi %mul3A_1251, %add3A_1252 : i32
            %get3A_1254 = arith.index_cast %add3A_1253 : i32 to index
            %get3A_1255 = tpu.vector_load %arg11[%get3A_1254] {strides = array<i32>} : memref<2176xi32, #tpu.memory_space<vmem>>, vector<16xi32>,
            %swap3A_1256 = arith.constant 80 : index
            %swap3A_1257 = tpu.vector_load %arg13[%swap3A_1256] {strides = array<i32>} : memref<128xi32, #tpu.memory_space<vmem>>, vector<16xi32>,
            tpu.vector_store %arg13[%swap3A_1256], %get3A_1255 {strides = array<i32>} : memref<128xi32, #tpu.memory_space<vmem>>, vector<16xi32>,
            %mul3A_1258 = arith.constant 128 : i32
            %mul3A_1259 = arith.muli %add3A_1126, %mul3A_1258 : i32
            %add3A_1260 = arith.constant 96 : i32
            %add3A_1261 = arith.addi %mul3A_1259, %add3A_1260 : i32
            %get3A_1262 = arith.index_cast %add3A_1261 : i32 to index
            %get3A_1263 = tpu.vector_load %arg10[%get3A_1262] {strides = array<i32>} : memref<2176xi32, #tpu.memory_space<vmem>>, vector<16xi32>,
            %swap3A_1264 = arith.constant 96 : index
            %swap3A_1265 = tpu.vector_load %arg12[%swap3A_1264] {strides = array<i32>} : memref<128xi32, #tpu.memory_space<vmem>>, vector<16xi32>,
            tpu.vector_store %arg12[%swap3A_1264], %get3A_1263 {strides = array<i32>} : memref<128xi32, #tpu.memory_space<vmem>>, vector<16xi32>,
            %mul3A_1266 = arith.constant 128 : i32
            %mul3A_1267 = arith.muli %add3A_1126, %mul3A_1266 : i32
            %add3A_1268 = arith.constant 96 : i32
            %add3A_1269 = arith.addi %mul3A_1267, %add3A_1268 : i32
            %get3A_1270 = arith.index_cast %add3A_1269 : i32 to index
            %get3A_1271 = tpu.vector_load %arg11[%get3A_1270] {strides = array<i32>} : memref<2176xi32, #tpu.memory_space<vmem>>, vector<16xi32>,
            %swap3A_1272 = arith.constant 96 : index
            %swap3A_1273 = tpu.vector_load %arg13[%swap3A_1272] {strides = array<i32>} : memref<128xi32, #tpu.memory_space<vmem>>, vector<16xi32>,
            tpu.vector_store %arg13[%swap3A_1272], %get3A_1271 {strides = array<i32>} : memref<128xi32, #tpu.memory_space<vmem>>, vector<16xi32>,
            %mul3A_1274 = arith.constant 128 : i32
            %mul3A_1275 = arith.muli %add3A_1126, %mul3A_1274 : i32
            %add3A_1276 = arith.constant 112 : i32
            %add3A_1277 = arith.addi %mul3A_1275, %add3A_1276 : i32
            %get3A_1278 = arith.index_cast %add3A_1277 : i32 to index
            %get3A_1279 = tpu.vector_load %arg10[%get3A_1278] {strides = array<i32>} : memref<2176xi32, #tpu.memory_space<vmem>>, vector<16xi32>,
            %swap3A_1280 = arith.constant 112 : index
            %swap3A_1281 = tpu.vector_load %arg12[%swap3A_1280] {strides = array<i32>} : memref<128xi32, #tpu.memory_space<vmem>>, vector<16xi32>,
            tpu.vector_store %arg12[%swap3A_1280], %get3A_1279 {strides = array<i32>} : memref<128xi32, #tpu.memory_space<vmem>>, vector<16xi32>,
            %mul3A_1282 = arith.constant 128 : i32
            %mul3A_1283 = arith.muli %add3A_1126, %mul3A_1282 : i32
            %add3A_1284 = arith.constant 112 : i32
            %add3A_1285 = arith.addi %mul3A_1283, %add3A_1284 : i32
            %get3A_1286 = arith.index_cast %add3A_1285 : i32 to index
            %get3A_1287 = tpu.vector_load %arg11[%get3A_1286] {strides = array<i32>} : memref<2176xi32, #tpu.memory_space<vmem>>, vector<16xi32>,
            %swap3A_1288 = arith.constant 112 : index
            %swap3A_1289 = tpu.vector_load %arg13[%swap3A_1288] {strides = array<i32>} : memref<128xi32, #tpu.memory_space<vmem>>, vector<16xi32>,
            tpu.vector_store %arg13[%swap3A_1288], %get3A_1287 {strides = array<i32>} : memref<128xi32, #tpu.memory_space<vmem>>, vector<16xi32>,
            %dma_start3A_1290 = arith.constant 0 : i32
            %dma_start3A_1291 = arith.constant 0 : i32
            %dma_start3A_1292 = tpu.memref_slice %arg4[%dma_start3A_1290, %dma_start3A_1291] : memref<51200x288xbf16, #tpu.memory_space<hbm>> -> memref<51200x288xbf16, #tpu.memory_space<hbm>>
            tpu.enqueue_indirect_dma source(%dma_start3A_1292 : memref<51200x288xbf16, #tpu.memory_space<hbm>>) target(%arg16 : memref<128x288xbf16, #tpu.memory_space<vmem>>) offsets(%arg12 : memref<128xi32, #tpu.memory_space<vmem>>) semaphore(%arg22 : memref<!tpu.dma_semaphore, #tpu.memory_space<semaphore_mem>>)
          } else {
          }
          %mul3A_1130 = arith.constant 2 : i32
          %mul3A_1131 = arith.muli %mul3A_1130, %while3A_1121 : i32
          %add3A_1132 = arith.constant 1 : i32
          %add3A_1133 = arith.addi %mul3A_1131, %add3A_1132 : i32
          %lt3A_1134 = arith.cmpi slt, %add3A_1133, %select_n3A_768 : i32
          %convert_element_type3A_1135 = arith.extui %lt3A_1134 : i1 to i32
          %cond3A_1136 = arith.constant 0 : i32
          %cond3A_1137 = arith.cmpi ne, %convert_element_type3A_1135, %cond3A_1136 : i32
          scf.if %cond3A_1137 {
            %gt3A_1155 = arith.constant 0 : i32
            %gt3A_1156 = arith.cmpi sgt, %while3A_1121, %gt3A_1155 : i32
            %gt3A_1157 = arith.constant 0 : i32
            %gt3A_1158 = arith.cmpi sgt, %scan3A_708, %gt3A_1157 : i32
            %or3A = arith.ori %gt3A_1156, %gt3A_1158 : i1
            %convert_element_type3A_1159 = arith.extui %or3A : i1 to i32
            %cond3A_1160 = arith.constant 0 : i32
            %cond3A_1161 = arith.cmpi ne, %convert_element_type3A_1159, %cond3A_1160 : i32
            scf.if %cond3A_1161 {
              %dma_wait3A_1293 = arith.constant 0 : i32
              %dma_wait3A_1294 = arith.constant 0 : i32
              %dma_wait3A_1295 = tpu.memref_slice %arg19[%dma_wait3A_1293, %dma_wait3A_1294] : memref<5120x288xbf16, #tpu.memory_space<vmem_shared>> -> memref<5120x288xbf16, #tpu.memory_space<vmem_shared>>
              tpu.wait_indirect_dma semaphore(%arg25 : memref<!tpu.dma_semaphore, #tpu.memory_space<semaphore_mem>>) src(%arg17 : memref<128x288xbf16, #tpu.memory_space<vmem>>) dst(%dma_wait3A_1295 : memref<5120x288xbf16, #tpu.memory_space<vmem_shared>>)
            } else {
            }
            %mul3A_1162 = arith.constant 128 : i32
            %mul3A_1163 = arith.muli %add3A_1133, %mul3A_1162 : i32
            %add3A_1164 = arith.constant 0 : i32
            %add3A_1165 = arith.addi %mul3A_1163, %add3A_1164 : i32
            %get3A_1166 = arith.index_cast %add3A_1165 : i32 to index
            %get3A_1167 = tpu.vector_load %arg10[%get3A_1166] {strides = array<i32>} : memref<2176xi32, #tpu.memory_space<vmem>>, vector<16xi32>,
            %swap3A_1168 = arith.constant 0 : index
            %swap3A_1169 = tpu.vector_load %arg14[%swap3A_1168] {strides = array<i32>} : memref<128xi32, #tpu.memory_space<vmem>>, vector<16xi32>,
            tpu.vector_store %arg14[%swap3A_1168], %get3A_1167 {strides = array<i32>} : memref<128xi32, #tpu.memory_space<vmem>>, vector<16xi32>,
            %mul3A_1170 = arith.constant 128 : i32
            %mul3A_1171 = arith.muli %add3A_1133, %mul3A_1170 : i32
            %add3A_1172 = arith.constant 0 : i32
            %add3A_1173 = arith.addi %mul3A_1171, %add3A_1172 : i32
            %get3A_1174 = arith.index_cast %add3A_1173 : i32 to index
            %get3A_1175 = tpu.vector_load %arg11[%get3A_1174] {strides = array<i32>} : memref<2176xi32, #tpu.memory_space<vmem>>, vector<16xi32>,
            %swap3A_1176 = arith.constant 0 : index
            %swap3A_1177 = tpu.vector_load %arg15[%swap3A_1176] {strides = array<i32>} : memref<128xi32, #tpu.memory_space<vmem>>, vector<16xi32>,
            tpu.vector_store %arg15[%swap3A_1176], %get3A_1175 {strides = array<i32>} : memref<128xi32, #tpu.memory_space<vmem>>, vector<16xi32>,
            %mul3A_1178 = arith.constant 128 : i32
            %mul3A_1179 = arith.muli %add3A_1133, %mul3A_1178 : i32
            %add3A_1180 = arith.constant 16 : i32
            %add3A_1181 = arith.addi %mul3A_1179, %add3A_1180 : i32
            %get3A_1182 = arith.index_cast %add3A_1181 : i32 to index
            %get3A_1183 = tpu.vector_load %arg10[%get3A_1182] {strides = array<i32>} : memref<2176xi32, #tpu.memory_space<vmem>>, vector<16xi32>,
            %swap3A_1184 = arith.constant 16 : index
            %swap3A_1185 = tpu.vector_load %arg14[%swap3A_1184] {strides = array<i32>} : memref<128xi32, #tpu.memory_space<vmem>>, vector<16xi32>,
            tpu.vector_store %arg14[%swap3A_1184], %get3A_1183 {strides = array<i32>} : memref<128xi32, #tpu.memory_space<vmem>>, vector<16xi32>,
            %mul3A_1186 = arith.constant 128 : i32
            %mul3A_1187 = arith.muli %add3A_1133, %mul3A_1186 : i32
            %add3A_1188 = arith.constant 16 : i32
            %add3A_1189 = arith.addi %mul3A_1187, %add3A_1188 : i32
            %get3A_1190 = arith.index_cast %add3A_1189 : i32 to index
            %get3A_1191 = tpu.vector_load %arg11[%get3A_1190] {strides = array<i32>} : memref<2176xi32, #tpu.memory_space<vmem>>, vector<16xi32>,
            %swap3A_1192 = arith.constant 16 : index
            %swap3A_1193 = tpu.vector_load %arg15[%swap3A_1192] {strides = array<i32>} : memref<128xi32, #tpu.memory_space<vmem>>, vector<16xi32>,
            tpu.vector_store %arg15[%swap3A_1192], %get3A_1191 {strides = array<i32>} : memref<128xi32, #tpu.memory_space<vmem>>, vector<16xi32>,
            %mul3A_1194 = arith.constant 128 : i32
            %mul3A_1195 = arith.muli %add3A_1133, %mul3A_1194 : i32
            %add3A_1196 = arith.constant 32 : i32
            %add3A_1197 = arith.addi %mul3A_1195, %add3A_1196 : i32
            %get3A_1198 = arith.index_cast %add3A_1197 : i32 to index
            %get3A_1199 = tpu.vector_load %arg10[%get3A_1198] {strides = array<i32>} : memref<2176xi32, #tpu.memory_space<vmem>>, vector<16xi32>,
            %swap3A_1200 = arith.constant 32 : index
            %swap3A_1201 = tpu.vector_load %arg14[%swap3A_1200] {strides = array<i32>} : memref<128xi32, #tpu.memory_space<vmem>>, vector<16xi32>,
            tpu.vector_store %arg14[%swap3A_1200], %get3A_1199 {strides = array<i32>} : memref<128xi32, #tpu.memory_space<vmem>>, vector<16xi32>,
            %mul3A_1202 = arith.constant 128 : i32
            %mul3A_1203 = arith.muli %add3A_1133, %mul3A_1202 : i32
            %add3A_1204 = arith.constant 32 : i32
            %add3A_1205 = arith.addi %mul3A_1203, %add3A_1204 : i32
            %get3A_1206 = arith.index_cast %add3A_1205 : i32 to index
            %get3A_1207 = tpu.vector_load %arg11[%get3A_1206] {strides = array<i32>} : memref<2176xi32, #tpu.memory_space<vmem>>, vector<16xi32>,
            %swap3A_1208 = arith.constant 32 : index
            %swap3A_1209 = tpu.vector_load %arg15[%swap3A_1208] {strides = array<i32>} : memref<128xi32, #tpu.memory_space<vmem>>, vector<16xi32>,
            tpu.vector_store %arg15[%swap3A_1208], %get3A_1207 {strides = array<i32>} : memref<128xi32, #tpu.memory_space<vmem>>, vector<16xi32>,
            %mul3A_1210 = arith.constant 128 : i32
            %mul3A_1211 = arith.muli %add3A_1133, %mul3A_1210 : i32
            %add3A_1212 = arith.constant 48 : i32
            %add3A_1213 = arith.addi %mul3A_1211, %add3A_1212 : i32
            %get3A_1214 = arith.index_cast %add3A_1213 : i32 to index
            %get3A_1215 = tpu.vector_load %arg10[%get3A_1214] {strides = array<i32>} : memref<2176xi32, #tpu.memory_space<vmem>>, vector<16xi32>,
            %swap3A_1216 = arith.constant 48 : index
            %swap3A_1217 = tpu.vector_load %arg14[%swap3A_1216] {strides = array<i32>} : memref<128xi32, #tpu.memory_space<vmem>>, vector<16xi32>,
            tpu.vector_store %arg14[%swap3A_1216], %get3A_1215 {strides = array<i32>} : memref<128xi32, #tpu.memory_space<vmem>>, vector<16xi32>,
            %mul3A_1218 = arith.constant 128 : i32
            %mul3A_1219 = arith.muli %add3A_1133, %mul3A_1218 : i32
            %add3A_1220 = arith.constant 48 : i32
            %add3A_1221 = arith.addi %mul3A_1219, %add3A_1220 : i32
            %get3A_1222 = arith.index_cast %add3A_1221 : i32 to index
            %get3A_1223 = tpu.vector_load %arg11[%get3A_1222] {strides = array<i32>} : memref<2176xi32, #tpu.memory_space<vmem>>, vector<16xi32>,
            %swap3A_1224 = arith.constant 48 : index
            %swap3A_1225 = tpu.vector_load %arg15[%swap3A_1224] {strides = array<i32>} : memref<128xi32, #tpu.memory_space<vmem>>, vector<16xi32>,
            tpu.vector_store %arg15[%swap3A_1224], %get3A_1223 {strides = array<i32>} : memref<128xi32, #tpu.memory_space<vmem>>, vector<16xi32>,
            %mul3A_1226 = arith.constant 128 : i32
            %mul3A_1227 = arith.muli %add3A_1133, %mul3A_1226 : i32
            %add3A_1228 = arith.constant 64 : i32
            %add3A_1229 = arith.addi %mul3A_1227, %add3A_1228 : i32
            %get3A_1230 = arith.index_cast %add3A_1229 : i32 to index
            %get3A_1231 = tpu.vector_load %arg10[%get3A_1230] {strides = array<i32>} : memref<2176xi32, #tpu.memory_space<vmem>>, vector<16xi32>,
            %swap3A_1232 = arith.constant 64 : index
            %swap3A_1233 = tpu.vector_load %arg14[%swap3A_1232] {strides = array<i32>} : memref<128xi32, #tpu.memory_space<vmem>>, vector<16xi32>,
            tpu.vector_store %arg14[%swap3A_1232], %get3A_1231 {strides = array<i32>} : memref<128xi32, #tpu.memory_space<vmem>>, vector<16xi32>,
            %mul3A_1234 = arith.constant 128 : i32
            %mul3A_1235 = arith.muli %add3A_1133, %mul3A_1234 : i32
            %add3A_1236 = arith.constant 64 : i32
            %add3A_1237 = arith.addi %mul3A_1235, %add3A_1236 : i32
            %get3A_1238 = arith.index_cast %add3A_1237 : i32 to index
            %get3A_1239 = tpu.vector_load %arg11[%get3A_1238] {strides = array<i32>} : memref<2176xi32, #tpu.memory_space<vmem>>, vector<16xi32>,
            %swap3A_1240 = arith.constant 64 : index
            %swap3A_1241 = tpu.vector_load %arg15[%swap3A_1240] {strides = array<i32>} : memref<128xi32, #tpu.memory_space<vmem>>, vector<16xi32>,
            tpu.vector_store %arg15[%swap3A_1240], %get3A_1239 {strides = array<i32>} : memref<128xi32, #tpu.memory_space<vmem>>, vector<16xi32>,
            %mul3A_1242 = arith.constant 128 : i32
            %mul3A_1243 = arith.muli %add3A_1133, %mul3A_1242 : i32
            %add3A_1244 = arith.constant 80 : i32
            %add3A_1245 = arith.addi %mul3A_1243, %add3A_1244 : i32
            %get3A_1246 = arith.index_cast %add3A_1245 : i32 to index
            %get3A_1247 = tpu.vector_load %arg10[%get3A_1246] {strides = array<i32>} : memref<2176xi32, #tpu.memory_space<vmem>>, vector<16xi32>,
            %swap3A_1248 = arith.constant 80 : index
            %swap3A_1249 = tpu.vector_load %arg14[%swap3A_1248] {strides = array<i32>} : memref<128xi32, #tpu.memory_space<vmem>>, vector<16xi32>,
            tpu.vector_store %arg14[%swap3A_1248], %get3A_1247 {strides = array<i32>} : memref<128xi32, #tpu.memory_space<vmem>>, vector<16xi32>,
            %mul3A_1250 = arith.constant 128 : i32
            %mul3A_1251 = arith.muli %add3A_1133, %mul3A_1250 : i32
            %add3A_1252 = arith.constant 80 : i32
            %add3A_1253 = arith.addi %mul3A_1251, %add3A_1252 : i32
            %get3A_1254 = arith.index_cast %add3A_1253 : i32 to index
            %get3A_1255 = tpu.vector_load %arg11[%get3A_1254] {strides = array<i32>} : memref<2176xi32, #tpu.memory_space<vmem>>, vector<16xi32>,
            %swap3A_1256 = arith.constant 80 : index
            %swap3A_1257 = tpu.vector_load %arg15[%swap3A_1256] {strides = array<i32>} : memref<128xi32, #tpu.memory_space<vmem>>, vector<16xi32>,
            tpu.vector_store %arg15[%swap3A_1256], %get3A_1255 {strides = array<i32>} : memref<128xi32, #tpu.memory_space<vmem>>, vector<16xi32>,
            %mul3A_1258 = arith.constant 128 : i32
            %mul3A_1259 = arith.muli %add3A_1133, %mul3A_1258 : i32
            %add3A_1260 = arith.constant 96 : i32
            %add3A_1261 = arith.addi %mul3A_1259, %add3A_1260 : i32
            %get3A_1262 = arith.index_cast %add3A_1261 : i32 to index
            %get3A_1263 = tpu.vector_load %arg10[%get3A_1262] {strides = array<i32>} : memref<2176xi32, #tpu.memory_space<vmem>>, vector<16xi32>,
            %swap3A_1264 = arith.constant 96 : index
            %swap3A_1265 = tpu.vector_load %arg14[%swap3A_1264] {strides = array<i32>} : memref<128xi32, #tpu.memory_space<vmem>>, vector<16xi32>,
            tpu.vector_store %arg14[%swap3A_1264], %get3A_1263 {strides = array<i32>} : memref<128xi32, #tpu.memory_space<vmem>>, vector<16xi32>,
            %mul3A_1266 = arith.constant 128 : i32
            %mul3A_1267 = arith.muli %add3A_1133, %mul3A_1266 : i32
            %add3A_1268 = arith.constant 96 : i32
            %add3A_1269 = arith.addi %mul3A_1267, %add3A_1268 : i32
            %get3A_1270 = arith.index_cast %add3A_1269 : i32 to index
            %get3A_1271 = tpu.vector_load %arg11[%get3A_1270] {strides = array<i32>} : memref<2176xi32, #tpu.memory_space<vmem>>, vector<16xi32>,
            %swap3A_1272 = arith.constant 96 : index
            %swap3A_1273 = tpu.vector_load %arg15[%swap3A_1272] {strides = array<i32>} : memref<128xi32, #tpu.memory_space<vmem>>, vector<16xi32>,
            tpu.vector_store %arg15[%swap3A_1272], %get3A_1271 {strides = array<i32>} : memref<128xi32, #tpu.memory_space<vmem>>, vector<16xi32>,
            %mul3A_1274 = arith.constant 128 : i32
            %mul3A_1275 = arith.muli %add3A_1133, %mul3A_1274 : i32
            %add3A_1276 = arith.constant 112 : i32
            %add3A_1277 = arith.addi %mul3A_1275, %add3A_1276 : i32
            %get3A_1278 = arith.index_cast %add3A_1277 : i32 to index
            %get3A_1279 = tpu.vector_load %arg10[%get3A_1278] {strides = array<i32>} : memref<2176xi32, #tpu.memory_space<vmem>>, vector<16xi32>,
            %swap3A_1280 = arith.constant 112 : index
            %swap3A_1281 = tpu.vector_load %arg14[%swap3A_1280] {strides = array<i32>} : memref<128xi32, #tpu.memory_space<vmem>>, vector<16xi32>,
            tpu.vector_store %arg14[%swap3A_1280], %get3A_1279 {strides = array<i32>} : memref<128xi32, #tpu.memory_space<vmem>>, vector<16xi32>,
            %mul3A_1282 = arith.constant 128 : i32
            %mul3A_1283 = arith.muli %add3A_1133, %mul3A_1282 : i32
            %add3A_1284 = arith.constant 112 : i32
            %add3A_1285 = arith.addi %mul3A_1283, %add3A_1284 : i32
            %get3A_1286 = arith.index_cast %add3A_1285 : i32 to index
            %get3A_1287 = tpu.vector_load %arg11[%get3A_1286] {strides = array<i32>} : memref<2176xi32, #tpu.memory_space<vmem>>, vector<16xi32>,
            %swap3A_1288 = arith.constant 112 : index
            %swap3A_1289 = tpu.vector_load %arg15[%swap3A_1288] {strides = array<i32>} : memref<128xi32, #tpu.memory_space<vmem>>, vector<16xi32>,
            tpu.vector_store %arg15[%swap3A_1288], %get3A_1287 {strides = array<i32>} : memref<128xi32, #tpu.memory_space<vmem>>, vector<16xi32>,
            %dma_start3A_1290 = arith.constant 0 : i32
            %dma_start3A_1291 = arith.constant 0 : i32
            %dma_start3A_1292 = tpu.memref_slice %arg4[%dma_start3A_1290, %dma_start3A_1291] : memref<51200x288xbf16, #tpu.memory_space<hbm>> -> memref<51200x288xbf16, #tpu.memory_space<hbm>>
            tpu.enqueue_indirect_dma source(%dma_start3A_1292 : memref<51200x288xbf16, #tpu.memory_space<hbm>>) target(%arg17 : memref<128x288xbf16, #tpu.memory_space<vmem>>) offsets(%arg14 : memref<128xi32, #tpu.memory_space<vmem>>) semaphore(%arg23 : memref<!tpu.dma_semaphore, #tpu.memory_space<semaphore_mem>>)
          } else {
          }
          %mul3A_1138 = arith.constant 2 : i32
          %mul3A_1139 = arith.muli %mul3A_1138, %while3A_1121 : i32
          %add3A_1140 = arith.constant 0 : i32
          %add3A_1141 = arith.addi %mul3A_1139, %add3A_1140 : i32
          %lt3A_1142 = arith.cmpi slt, %add3A_1141, %select_n3A_768 : i32
          %convert_element_type3A_1143 = arith.extui %lt3A_1142 : i1 to i32
          %cond3A_1144 = arith.constant 0 : i32
          %cond3A_1145 = arith.cmpi ne, %convert_element_type3A_1143, %cond3A_1144 : i32
          scf.if %cond3A_1145 {
            %dma_wait3A_1155 = arith.constant 0 : i32
            %dma_wait3A_1156 = arith.constant 0 : i32
            %dma_wait3A_1157 = tpu.memref_slice %arg4[%dma_wait3A_1155, %dma_wait3A_1156] : memref<51200x288xbf16, #tpu.memory_space<hbm>> -> memref<51200x288xbf16, #tpu.memory_space<hbm>>
            tpu.wait_indirect_dma semaphore(%arg22 : memref<!tpu.dma_semaphore, #tpu.memory_space<semaphore_mem>>) src(%dma_wait3A_1157 : memref<51200x288xbf16, #tpu.memory_space<hbm>>) dst(%arg16 : memref<128x288xbf16, #tpu.memory_space<vmem>>)
            %dma_start3A_1158 = arith.constant 0 : i32
            %dma_start3A_1159 = arith.constant 0 : i32
            %dma_start3A_1160 = tpu.memref_slice %arg19[%dma_start3A_1158, %dma_start3A_1159] : memref<5120x288xbf16, #tpu.memory_space<vmem_shared>> -> memref<5120x288xbf16, #tpu.memory_space<vmem_shared>>
            tpu.enqueue_indirect_dma source(%arg16 : memref<128x288xbf16, #tpu.memory_space<vmem>>) target(%dma_start3A_1160 : memref<5120x288xbf16, #tpu.memory_space<vmem_shared>>) offsets(%arg13 : memref<128xi32, #tpu.memory_space<vmem>>) semaphore(%arg24 : memref<!tpu.dma_semaphore, #tpu.memory_space<semaphore_mem>>) {add = true}
          } else {
          }
          %mul3A_1146 = arith.constant 2 : i32
          %mul3A_1147 = arith.muli %mul3A_1146, %while3A_1121 : i32
          %add3A_1148 = arith.constant 1 : i32
          %add3A_1149 = arith.addi %mul3A_1147, %add3A_1148 : i32
          %lt3A_1150 = arith.cmpi slt, %add3A_1149, %select_n3A_768 : i32
          %convert_element_type3A_1151 = arith.extui %lt3A_1150 : i1 to i32
          %cond3A_1152 = arith.constant 0 : i32
          %cond3A_1153 = arith.cmpi ne, %convert_element_type3A_1151, %cond3A_1152 : i32
          scf.if %cond3A_1153 {
            %dma_wait3A_1155 = arith.constant 0 : i32
            %dma_wait3A_1156 = arith.constant 0 : i32
            %dma_wait3A_1157 = tpu.memref_slice %arg4[%dma_wait3A_1155, %dma_wait3A_1156] : memref<51200x288xbf16, #tpu.memory_space<hbm>> -> memref<51200x288xbf16, #tpu.memory_space<hbm>>
            tpu.wait_indirect_dma semaphore(%arg23 : memref<!tpu.dma_semaphore, #tpu.memory_space<semaphore_mem>>) src(%dma_wait3A_1157 : memref<51200x288xbf16, #tpu.memory_space<hbm>>) dst(%arg17 : memref<128x288xbf16, #tpu.memory_space<vmem>>)
            %dma_start3A_1158 = arith.constant 0 : i32
            %dma_start3A_1159 = arith.constant 0 : i32
            %dma_start3A_1160 = tpu.memref_slice %arg19[%dma_start3A_1158, %dma_start3A_1159] : memref<5120x288xbf16, #tpu.memory_space<vmem_shared>> -> memref<5120x288xbf16, #tpu.memory_space<vmem_shared>>
            tpu.enqueue_indirect_dma source(%arg17 : memref<128x288xbf16, #tpu.memory_space<vmem>>) target(%dma_start3A_1160 : memref<5120x288xbf16, #tpu.memory_space<vmem_shared>>) offsets(%arg15 : memref<128xi32, #tpu.memory_space<vmem>>) semaphore(%arg25 : memref<!tpu.dma_semaphore, #tpu.memory_space<semaphore_mem>>) {add = true}
          } else {
          }
          %while3A_1154 = arith.constant 0 : i32
          scf.yield %while3A_1154 : i32
        }
        %while3A_807 = arith.constant 1 : i32
        %while3A_808 = scf.for %while3A_1121 = %while3A_804 to %while3A_800 step %while3A_807 iter_args(%while3A_1122 = %while3A_806) -> (i32)  : i32 {
          %mul3A_1123 = arith.constant 2 : i32
          %mul3A_1124 = arith.muli %mul3A_1123, %while3A_1121 : i32
          %add3A_1125 = arith.constant 0 : i32
          %add3A_1126 = arith.addi %mul3A_1124, %add3A_1125 : i32
          %lt3A = arith.cmpi slt, %add3A_1126, %select_n3A_768 : i32
          %convert_element_type3A_1127 = arith.extui %lt3A : i1 to i32
          %cond3A_1128 = arith.constant 0 : i32
          %cond3A_1129 = arith.cmpi ne, %convert_element_type3A_1127, %cond3A_1128 : i32
          scf.if %cond3A_1129 {
            %gt3A_1155 = arith.constant 0 : i32
            %gt3A_1156 = arith.cmpi sgt, %while3A_1121, %gt3A_1155 : i32
            %gt3A_1157 = arith.constant 0 : i32
            %gt3A_1158 = arith.cmpi sgt, %scan3A_707, %gt3A_1157 : i32
            %or3A = arith.ori %gt3A_1156, %gt3A_1158 : i1
            %convert_element_type3A_1159 = arith.extui %or3A : i1 to i32
            %cond3A_1160 = arith.constant 0 : i32
            %cond3A_1161 = arith.cmpi ne, %convert_element_type3A_1159, %cond3A_1160 : i32
            scf.if %cond3A_1161 {
              %dma_wait3A_1293 = arith.constant 0 : i32
              %dma_wait3A_1294 = arith.constant 0 : i32
              %dma_wait3A_1295 = tpu.memref_slice %arg19[%dma_wait3A_1293, %dma_wait3A_1294] : memref<5120x288xbf16, #tpu.memory_space<vmem_shared>> -> memref<5120x288xbf16, #tpu.memory_space<vmem_shared>>
              tpu.wait_indirect_dma semaphore(%arg24 : memref<!tpu.dma_semaphore, #tpu.memory_space<semaphore_mem>>) src(%arg16 : memref<128x288xbf16, #tpu.memory_space<vmem>>) dst(%dma_wait3A_1295 : memref<5120x288xbf16, #tpu.memory_space<vmem_shared>>)
            } else {
            }
            %mul3A_1162 = arith.constant 128 : i32
            %mul3A_1163 = arith.muli %add3A_1126, %mul3A_1162 : i32
            %add3A_1164 = arith.constant 0 : i32
            %add3A_1165 = arith.addi %mul3A_1163, %add3A_1164 : i32
            %get3A_1166 = arith.index_cast %add3A_1165 : i32 to index
            %get3A_1167 = tpu.vector_load %arg10[%get3A_1166] {strides = array<i32>} : memref<2176xi32, #tpu.memory_space<vmem>>, vector<16xi32>,
            %swap3A_1168 = arith.constant 0 : index
            %swap3A_1169 = tpu.vector_load %arg12[%swap3A_1168] {strides = array<i32>} : memref<128xi32, #tpu.memory_space<vmem>>, vector<16xi32>,
            tpu.vector_store %arg12[%swap3A_1168], %get3A_1167 {strides = array<i32>} : memref<128xi32, #tpu.memory_space<vmem>>, vector<16xi32>,
            %mul3A_1170 = arith.constant 128 : i32
            %mul3A_1171 = arith.muli %add3A_1126, %mul3A_1170 : i32
            %add3A_1172 = arith.constant 0 : i32
            %add3A_1173 = arith.addi %mul3A_1171, %add3A_1172 : i32
            %get3A_1174 = arith.index_cast %add3A_1173 : i32 to index
            %get3A_1175 = tpu.vector_load %arg11[%get3A_1174] {strides = array<i32>} : memref<2176xi32, #tpu.memory_space<vmem>>, vector<16xi32>,
            %swap3A_1176 = arith.constant 0 : index
            %swap3A_1177 = tpu.vector_load %arg13[%swap3A_1176] {strides = array<i32>} : memref<128xi32, #tpu.memory_space<vmem>>, vector<16xi32>,
            tpu.vector_store %arg13[%swap3A_1176], %get3A_1175 {strides = array<i32>} : memref<128xi32, #tpu.memory_space<vmem>>, vector<16xi32>,
            %mul3A_1178 = arith.constant 128 : i32
            %mul3A_1179 = arith.muli %add3A_1126, %mul3A_1178 : i32
            %add3A_1180 = arith.constant 16 : i32
            %add3A_1181 = arith.addi %mul3A_1179, %add3A_1180 : i32
            %get3A_1182 = arith.index_cast %add3A_1181 : i32 to index
            %get3A_1183 = tpu.vector_load %arg10[%get3A_1182] {strides = array<i32>} : memref<2176xi32, #tpu.memory_space<vmem>>, vector<16xi32>,
            %swap3A_1184 = arith.constant 16 : index
            %swap3A_1185 = tpu.vector_load %arg12[%swap3A_1184] {strides = array<i32>} : memref<128xi32, #tpu.memory_space<vmem>>, vector<16xi32>,
            tpu.vector_store %arg12[%swap3A_1184], %get3A_1183 {strides = array<i32>} : memref<128xi32, #tpu.memory_space<vmem>>, vector<16xi32>,
            %mul3A_1186 = arith.constant 128 : i32
            %mul3A_1187 = arith.muli %add3A_1126, %mul3A_1186 : i32
            %add3A_1188 = arith.constant 16 : i32
            %add3A_1189 = arith.addi %mul3A_1187, %add3A_1188 : i32
            %get3A_1190 = arith.index_cast %add3A_1189 : i32 to index
            %get3A_1191 = tpu.vector_load %arg11[%get3A_1190] {strides = array<i32>} : memref<2176xi32, #tpu.memory_space<vmem>>, vector<16xi32>,
            %swap3A_1192 = arith.constant 16 : index
            %swap3A_1193 = tpu.vector_load %arg13[%swap3A_1192] {strides = array<i32>} : memref<128xi32, #tpu.memory_space<vmem>>, vector<16xi32>,
            tpu.vector_store %arg13[%swap3A_1192], %get3A_1191 {strides = array<i32>} : memref<128xi32, #tpu.memory_space<vmem>>, vector<16xi32>,
            %mul3A_1194 = arith.constant 128 : i32
            %mul3A_1195 = arith.muli %add3A_1126, %mul3A_1194 : i32
            %add3A_1196 = arith.constant 32 : i32
            %add3A_1197 = arith.addi %mul3A_1195, %add3A_1196 : i32
            %get3A_1198 = arith.index_cast %add3A_1197 : i32 to index
            %get3A_1199 = tpu.vector_load %arg10[%get3A_1198] {strides = array<i32>} : memref<2176xi32, #tpu.memory_space<vmem>>, vector<16xi32>,
            %swap3A_1200 = arith.constant 32 : index
            %swap3A_1201 = tpu.vector_load %arg12[%swap3A_1200] {strides = array<i32>} : memref<128xi32, #tpu.memory_space<vmem>>, vector<16xi32>,
            tpu.vector_store %arg12[%swap3A_1200], %get3A_1199 {strides = array<i32>} : memref<128xi32, #tpu.memory_space<vmem>>, vector<16xi32>,
            %mul3A_1202 = arith.constant 128 : i32
            %mul3A_1203 = arith.muli %add3A_1126, %mul3A_1202 : i32
            %add3A_1204 = arith.constant 32 : i32
            %add3A_1205 = arith.addi %mul3A_1203, %add3A_1204 : i32
            %get3A_1206 = arith.index_cast %add3A_1205 : i32 to index
            %get3A_1207 = tpu.vector_load %arg11[%get3A_1206] {strides = array<i32>} : memref<2176xi32, #tpu.memory_space<vmem>>, vector<16xi32>,
            %swap3A_1208 = arith.constant 32 : index
            %swap3A_1209 = tpu.vector_load %arg13[%swap3A_1208] {strides = array<i32>} : memref<128xi32, #tpu.memory_space<vmem>>, vector<16xi32>,
            tpu.vector_store %arg13[%swap3A_1208], %get3A_1207 {strides = array<i32>} : memref<128xi32, #tpu.memory_space<vmem>>, vector<16xi32>,
            %mul3A_1210 = arith.constant 128 : i32
            %mul3A_1211 = arith.muli %add3A_1126, %mul3A_1210 : i32
            %add3A_1212 = arith.constant 48 : i32
            %add3A_1213 = arith.addi %mul3A_1211, %add3A_1212 : i32
            %get3A_1214 = arith.index_cast %add3A_1213 : i32 to index
            %get3A_1215 = tpu.vector_load %arg10[%get3A_1214] {strides = array<i32>} : memref<2176xi32, #tpu.memory_space<vmem>>, vector<16xi32>,
            %swap3A_1216 = arith.constant 48 : index
            %swap3A_1217 = tpu.vector_load %arg12[%swap3A_1216] {strides = array<i32>} : memref<128xi32, #tpu.memory_space<vmem>>, vector<16xi32>,
            tpu.vector_store %arg12[%swap3A_1216], %get3A_1215 {strides = array<i32>} : memref<128xi32, #tpu.memory_space<vmem>>, vector<16xi32>,
            %mul3A_1218 = arith.constant 128 : i32
            %mul3A_1219 = arith.muli %add3A_1126, %mul3A_1218 : i32
            %add3A_1220 = arith.constant 48 : i32
            %add3A_1221 = arith.addi %mul3A_1219, %add3A_1220 : i32
            %get3A_1222 = arith.index_cast %add3A_1221 : i32 to index
            %get3A_1223 = tpu.vector_load %arg11[%get3A_1222] {strides = array<i32>} : memref<2176xi32, #tpu.memory_space<vmem>>, vector<16xi32>,
            %swap3A_1224 = arith.constant 48 : index
            %swap3A_1225 = tpu.vector_load %arg13[%swap3A_1224] {strides = array<i32>} : memref<128xi32, #tpu.memory_space<vmem>>, vector<16xi32>,
            tpu.vector_store %arg13[%swap3A_1224], %get3A_1223 {strides = array<i32>} : memref<128xi32, #tpu.memory_space<vmem>>, vector<16xi32>,
            %mul3A_1226 = arith.constant 128 : i32
            %mul3A_1227 = arith.muli %add3A_1126, %mul3A_1226 : i32
            %add3A_1228 = arith.constant 64 : i32
            %add3A_1229 = arith.addi %mul3A_1227, %add3A_1228 : i32
            %get3A_1230 = arith.index_cast %add3A_1229 : i32 to index
            %get3A_1231 = tpu.vector_load %arg10[%get3A_1230] {strides = array<i32>} : memref<2176xi32, #tpu.memory_space<vmem>>, vector<16xi32>,
            %swap3A_1232 = arith.constant 64 : index
            %swap3A_1233 = tpu.vector_load %arg12[%swap3A_1232] {strides = array<i32>} : memref<128xi32, #tpu.memory_space<vmem>>, vector<16xi32>,
            tpu.vector_store %arg12[%swap3A_1232], %get3A_1231 {strides = array<i32>} : memref<128xi32, #tpu.memory_space<vmem>>, vector<16xi32>,
            %mul3A_1234 = arith.constant 128 : i32
            %mul3A_1235 = arith.muli %add3A_1126, %mul3A_1234 : i32
            %add3A_1236 = arith.constant 64 : i32
            %add3A_1237 = arith.addi %mul3A_1235, %add3A_1236 : i32
            %get3A_1238 = arith.index_cast %add3A_1237 : i32 to index
            %get3A_1239 = tpu.vector_load %arg11[%get3A_1238] {strides = array<i32>} : memref<2176xi32, #tpu.memory_space<vmem>>, vector<16xi32>,
            %swap3A_1240 = arith.constant 64 : index
            %swap3A_1241 = tpu.vector_load %arg13[%swap3A_1240] {strides = array<i32>} : memref<128xi32, #tpu.memory_space<vmem>>, vector<16xi32>,
            tpu.vector_store %arg13[%swap3A_1240], %get3A_1239 {strides = array<i32>} : memref<128xi32, #tpu.memory_space<vmem>>, vector<16xi32>,
            %mul3A_1242 = arith.constant 128 : i32
            %mul3A_1243 = arith.muli %add3A_1126, %mul3A_1242 : i32
            %add3A_1244 = arith.constant 80 : i32
            %add3A_1245 = arith.addi %mul3A_1243, %add3A_1244 : i32
            %get3A_1246 = arith.index_cast %add3A_1245 : i32 to index
            %get3A_1247 = tpu.vector_load %arg10[%get3A_1246] {strides = array<i32>} : memref<2176xi32, #tpu.memory_space<vmem>>, vector<16xi32>,
            %swap3A_1248 = arith.constant 80 : index
            %swap3A_1249 = tpu.vector_load %arg12[%swap3A_1248] {strides = array<i32>} : memref<128xi32, #tpu.memory_space<vmem>>, vector<16xi32>,
            tpu.vector_store %arg12[%swap3A_1248], %get3A_1247 {strides = array<i32>} : memref<128xi32, #tpu.memory_space<vmem>>, vector<16xi32>,
            %mul3A_1250 = arith.constant 128 : i32
            %mul3A_1251 = arith.muli %add3A_1126, %mul3A_1250 : i32
            %add3A_1252 = arith.constant 80 : i32
            %add3A_1253 = arith.addi %mul3A_1251, %add3A_1252 : i32
            %get3A_1254 = arith.index_cast %add3A_1253 : i32 to index
            %get3A_1255 = tpu.vector_load %arg11[%get3A_1254] {strides = array<i32>} : memref<2176xi32, #tpu.memory_space<vmem>>, vector<16xi32>,
            %swap3A_1256 = arith.constant 80 : index
            %swap3A_1257 = tpu.vector_load %arg13[%swap3A_1256] {strides = array<i32>} : memref<128xi32, #tpu.memory_space<vmem>>, vector<16xi32>,
            tpu.vector_store %arg13[%swap3A_1256], %get3A_1255 {strides = array<i32>} : memref<128xi32, #tpu.memory_space<vmem>>, vector<16xi32>,
            %mul3A_1258 = arith.constant 128 : i32
            %mul3A_1259 = arith.muli %add3A_1126, %mul3A_1258 : i32
            %add3A_1260 = arith.constant 96 : i32
            %add3A_1261 = arith.addi %mul3A_1259, %add3A_1260 : i32
            %get3A_1262 = arith.index_cast %add3A_1261 : i32 to index
            %get3A_1263 = tpu.vector_load %arg10[%get3A_1262] {strides = array<i32>} : memref<2176xi32, #tpu.memory_space<vmem>>, vector<16xi32>,
            %swap3A_1264 = arith.constant 96 : index
            %swap3A_1265 = tpu.vector_load %arg12[%swap3A_1264] {strides = array<i32>} : memref<128xi32, #tpu.memory_space<vmem>>, vector<16xi32>,
            tpu.vector_store %arg12[%swap3A_1264], %get3A_1263 {strides = array<i32>} : memref<128xi32, #tpu.memory_space<vmem>>, vector<16xi32>,
            %mul3A_1266 = arith.constant 128 : i32
            %mul3A_1267 = arith.muli %add3A_1126, %mul3A_1266 : i32
            %add3A_1268 = arith.constant 96 : i32
            %add3A_1269 = arith.addi %mul3A_1267, %add3A_1268 : i32
            %get3A_1270 = arith.index_cast %add3A_1269 : i32 to index
            %get3A_1271 = tpu.vector_load %arg11[%get3A_1270] {strides = array<i32>} : memref<2176xi32, #tpu.memory_space<vmem>>, vector<16xi32>,
            %swap3A_1272 = arith.constant 96 : index
            %swap3A_1273 = tpu.vector_load %arg13[%swap3A_1272] {strides = array<i32>} : memref<128xi32, #tpu.memory_space<vmem>>, vector<16xi32>,
            tpu.vector_store %arg13[%swap3A_1272], %get3A_1271 {strides = array<i32>} : memref<128xi32, #tpu.memory_space<vmem>>, vector<16xi32>,
            %mul3A_1274 = arith.constant 128 : i32
            %mul3A_1275 = arith.muli %add3A_1126, %mul3A_1274 : i32
            %add3A_1276 = arith.constant 112 : i32
            %add3A_1277 = arith.addi %mul3A_1275, %add3A_1276 : i32
            %get3A_1278 = arith.index_cast %add3A_1277 : i32 to index
            %get3A_1279 = tpu.vector_load %arg10[%get3A_1278] {strides = array<i32>} : memref<2176xi32, #tpu.memory_space<vmem>>, vector<16xi32>,
            %swap3A_1280 = arith.constant 112 : index
            %swap3A_1281 = tpu.vector_load %arg12[%swap3A_1280] {strides = array<i32>} : memref<128xi32, #tpu.memory_space<vmem>>, vector<16xi32>,
            tpu.vector_store %arg12[%swap3A_1280], %get3A_1279 {strides = array<i32>} : memref<128xi32, #tpu.memory_space<vmem>>, vector<16xi32>,
            %mul3A_1282 = arith.constant 128 : i32
            %mul3A_1283 = arith.muli %add3A_1126, %mul3A_1282 : i32
            %add3A_1284 = arith.constant 112 : i32
            %add3A_1285 = arith.addi %mul3A_1283, %add3A_1284 : i32
            %get3A_1286 = arith.index_cast %add3A_1285 : i32 to index
            %get3A_1287 = tpu.vector_load %arg11[%get3A_1286] {strides = array<i32>} : memref<2176xi32, #tpu.memory_space<vmem>>, vector<16xi32>,
            %swap3A_1288 = arith.constant 112 : index
            %swap3A_1289 = tpu.vector_load %arg13[%swap3A_1288] {strides = array<i32>} : memref<128xi32, #tpu.memory_space<vmem>>, vector<16xi32>,
            tpu.vector_store %arg13[%swap3A_1288], %get3A_1287 {strides = array<i32>} : memref<128xi32, #tpu.memory_space<vmem>>, vector<16xi32>,
            %dma_start3A_1290 = arith.constant 0 : i32
            %dma_start3A_1291 = arith.constant 0 : i32
            %dma_start3A_1292 = tpu.memref_slice %arg4[%dma_start3A_1290, %dma_start3A_1291] : memref<51200x288xbf16, #tpu.memory_space<hbm>> -> memref<51200x288xbf16, #tpu.memory_space<hbm>>
            tpu.enqueue_indirect_dma source(%dma_start3A_1292 : memref<51200x288xbf16, #tpu.memory_space<hbm>>) target(%arg16 : memref<128x288xbf16, #tpu.memory_space<vmem>>) offsets(%arg12 : memref<128xi32, #tpu.memory_space<vmem>>) semaphore(%arg22 : memref<!tpu.dma_semaphore, #tpu.memory_space<semaphore_mem>>)
          } else {
          }
          %mul3A_1130 = arith.constant 2 : i32
          %mul3A_1131 = arith.muli %mul3A_1130, %while3A_1121 : i32
          %add3A_1132 = arith.constant 1 : i32
          %add3A_1133 = arith.addi %mul3A_1131, %add3A_1132 : i32
          %lt3A_1134 = arith.cmpi slt, %add3A_1133, %select_n3A_768 : i32
          %convert_element_type3A_1135 = arith.extui %lt3A_1134 : i1 to i32
          %cond3A_1136 = arith.constant 0 : i32
          %cond3A_1137 = arith.cmpi ne, %convert_element_type3A_1135, %cond3A_1136 : i32
          scf.if %cond3A_1137 {
            %gt3A_1155 = arith.constant 0 : i32
            %gt3A_1156 = arith.cmpi sgt, %while3A_1121, %gt3A_1155 : i32
            %gt3A_1157 = arith.constant 0 : i32
            %gt3A_1158 = arith.cmpi sgt, %scan3A_708, %gt3A_1157 : i32
            %or3A = arith.ori %gt3A_1156, %gt3A_1158 : i1
            %convert_element_type3A_1159 = arith.extui %or3A : i1 to i32
            %cond3A_1160 = arith.constant 0 : i32
            %cond3A_1161 = arith.cmpi ne, %convert_element_type3A_1159, %cond3A_1160 : i32
            scf.if %cond3A_1161 {
              %dma_wait3A_1293 = arith.constant 0 : i32
              %dma_wait3A_1294 = arith.constant 0 : i32
              %dma_wait3A_1295 = tpu.memref_slice %arg19[%dma_wait3A_1293, %dma_wait3A_1294] : memref<5120x288xbf16, #tpu.memory_space<vmem_shared>> -> memref<5120x288xbf16, #tpu.memory_space<vmem_shared>>
              tpu.wait_indirect_dma semaphore(%arg25 : memref<!tpu.dma_semaphore, #tpu.memory_space<semaphore_mem>>) src(%arg17 : memref<128x288xbf16, #tpu.memory_space<vmem>>) dst(%dma_wait3A_1295 : memref<5120x288xbf16, #tpu.memory_space<vmem_shared>>)
            } else {
            }
            %mul3A_1162 = arith.constant 128 : i32
            %mul3A_1163 = arith.muli %add3A_1133, %mul3A_1162 : i32
            %add3A_1164 = arith.constant 0 : i32
            %add3A_1165 = arith.addi %mul3A_1163, %add3A_1164 : i32
            %get3A_1166 = arith.index_cast %add3A_1165 : i32 to index
            %get3A_1167 = tpu.vector_load %arg10[%get3A_1166] {strides = array<i32>} : memref<2176xi32, #tpu.memory_space<vmem>>, vector<16xi32>,
            %swap3A_1168 = arith.constant 0 : index
            %swap3A_1169 = tpu.vector_load %arg14[%swap3A_1168] {strides = array<i32>} : memref<128xi32, #tpu.memory_space<vmem>>, vector<16xi32>,
            tpu.vector_store %arg14[%swap3A_1168], %get3A_1167 {strides = array<i32>} : memref<128xi32, #tpu.memory_space<vmem>>, vector<16xi32>,
            %mul3A_1170 = arith.constant 128 : i32
            %mul3A_1171 = arith.muli %add3A_1133, %mul3A_1170 : i32
            %add3A_1172 = arith.constant 0 : i32
            %add3A_1173 = arith.addi %mul3A_1171, %add3A_1172 : i32
            %get3A_1174 = arith.index_cast %add3A_1173 : i32 to index
            %get3A_1175 = tpu.vector_load %arg11[%get3A_1174] {strides = array<i32>} : memref<2176xi32, #tpu.memory_space<vmem>>, vector<16xi32>,
            %swap3A_1176 = arith.constant 0 : index
            %swap3A_1177 = tpu.vector_load %arg15[%swap3A_1176] {strides = array<i32>} : memref<128xi32, #tpu.memory_space<vmem>>, vector<16xi32>,
            tpu.vector_store %arg15[%swap3A_1176], %get3A_1175 {strides = array<i32>} : memref<128xi32, #tpu.memory_space<vmem>>, vector<16xi32>,
            %mul3A_1178 = arith.constant 128 : i32
            %mul3A_1179 = arith.muli %add3A_1133, %mul3A_1178 : i32
            %add3A_1180 = arith.constant 16 : i32
            %add3A_1181 = arith.addi %mul3A_1179, %add3A_1180 : i32
            %get3A_1182 = arith.index_cast %add3A_1181 : i32 to index
            %get3A_1183 = tpu.vector_load %arg10[%get3A_1182] {strides = array<i32>} : memref<2176xi32, #tpu.memory_space<vmem>>, vector<16xi32>,
            %swap3A_1184 = arith.constant 16 : index
            %swap3A_1185 = tpu.vector_load %arg14[%swap3A_1184] {strides = array<i32>} : memref<128xi32, #tpu.memory_space<vmem>>, vector<16xi32>,
            tpu.vector_store %arg14[%swap3A_1184], %get3A_1183 {strides = array<i32>} : memref<128xi32, #tpu.memory_space<vmem>>, vector<16xi32>,
            %mul3A_1186 = arith.constant 128 : i32
            %mul3A_1187 = arith.muli %add3A_1133, %mul3A_1186 : i32
            %add3A_1188 = arith.constant 16 : i32
            %add3A_1189 = arith.addi %mul3A_1187, %add3A_1188 : i32
            %get3A_1190 = arith.index_cast %add3A_1189 : i32 to index
            %get3A_1191 = tpu.vector_load %arg11[%get3A_1190] {strides = array<i32>} : memref<2176xi32, #tpu.memory_space<vmem>>, vector<16xi32>,
            %swap3A_1192 = arith.constant 16 : index
            %swap3A_1193 = tpu.vector_load %arg15[%swap3A_1192] {strides = array<i32>} : memref<128xi32, #tpu.memory_space<vmem>>, vector<16xi32>,
            tpu.vector_store %arg15[%swap3A_1192], %get3A_1191 {strides = array<i32>} : memref<128xi32, #tpu.memory_space<vmem>>, vector<16xi32>,
            %mul3A_1194 = arith.constant 128 : i32
            %mul3A_1195 = arith.muli %add3A_1133, %mul3A_1194 : i32
            %add3A_1196 = arith.constant 32 : i32
            %add3A_1197 = arith.addi %mul3A_1195, %add3A_1196 : i32
            %get3A_1198 = arith.index_cast %add3A_1197 : i32 to index
            %get3A_1199 = tpu.vector_load %arg10[%get3A_1198] {strides = array<i32>} : memref<2176xi32, #tpu.memory_space<vmem>>, vector<16xi32>,
            %swap3A_1200 = arith.constant 32 : index
            %swap3A_1201 = tpu.vector_load %arg14[%swap3A_1200] {strides = array<i32>} : memref<128xi32, #tpu.memory_space<vmem>>, vector<16xi32>,
            tpu.vector_store %arg14[%swap3A_1200], %get3A_1199 {strides = array<i32>} : memref<128xi32, #tpu.memory_space<vmem>>, vector<16xi32>,
            %mul3A_1202 = arith.constant 128 : i32
            %mul3A_1203 = arith.muli %add3A_1133, %mul3A_1202 : i32
            %add3A_1204 = arith.constant 32 : i32
            %add3A_1205 = arith.addi %mul3A_1203, %add3A_1204 : i32
            %get3A_1206 = arith.index_cast %add3A_1205 : i32 to index
            %get3A_1207 = tpu.vector_load %arg11[%get3A_1206] {strides = array<i32>} : memref<2176xi32, #tpu.memory_space<vmem>>, vector<16xi32>,
            %swap3A_1208 = arith.constant 32 : index
            %swap3A_1209 = tpu.vector_load %arg15[%swap3A_1208] {strides = array<i32>} : memref<128xi32, #tpu.memory_space<vmem>>, vector<16xi32>,
            tpu.vector_store %arg15[%swap3A_1208], %get3A_1207 {strides = array<i32>} : memref<128xi32, #tpu.memory_space<vmem>>, vector<16xi32>,
            %mul3A_1210 = arith.constant 128 : i32
            %mul3A_1211 = arith.muli %add3A_1133, %mul3A_1210 : i32
            %add3A_1212 = arith.constant 48 : i32
            %add3A_1213 = arith.addi %mul3A_1211, %add3A_1212 : i32
            %get3A_1214 = arith.index_cast %add3A_1213 : i32 to index
            %get3A_1215 = tpu.vector_load %arg10[%get3A_1214] {strides = array<i32>} : memref<2176xi32, #tpu.memory_space<vmem>>, vector<16xi32>,
            %swap3A_1216 = arith.constant 48 : index
            %swap3A_1217 = tpu.vector_load %arg14[%swap3A_1216] {strides = array<i32>} : memref<128xi32, #tpu.memory_space<vmem>>, vector<16xi32>,
            tpu.vector_store %arg14[%swap3A_1216], %get3A_1215 {strides = array<i32>} : memref<128xi32, #tpu.memory_space<vmem>>, vector<16xi32>,
            %mul3A_1218 = arith.constant 128 : i32
            %mul3A_1219 = arith.muli %add3A_1133, %mul3A_1218 : i32
            %add3A_1220 = arith.constant 48 : i32
            %add3A_1221 = arith.addi %mul3A_1219, %add3A_1220 : i32
            %get3A_1222 = arith.index_cast %add3A_1221 : i32 to index
            %get3A_1223 = tpu.vector_load %arg11[%get3A_1222] {strides = array<i32>} : memref<2176xi32, #tpu.memory_space<vmem>>, vector<16xi32>,
            %swap3A_1224 = arith.constant 48 : index
            %swap3A_1225 = tpu.vector_load %arg15[%swap3A_1224] {strides = array<i32>} : memref<128xi32, #tpu.memory_space<vmem>>, vector<16xi32>,
            tpu.vector_store %arg15[%swap3A_1224], %get3A_1223 {strides = array<i32>} : memref<128xi32, #tpu.memory_space<vmem>>, vector<16xi32>,
            %mul3A_1226 = arith.constant 128 : i32
            %mul3A_1227 = arith.muli %add3A_1133, %mul3A_1226 : i32
            %add3A_1228 = arith.constant 64 : i32
            %add3A_1229 = arith.addi %mul3A_1227, %add3A_1228 : i32
            %get3A_1230 = arith.index_cast %add3A_1229 : i32 to index
            %get3A_1231 = tpu.vector_load %arg10[%get3A_1230] {strides = array<i32>} : memref<2176xi32, #tpu.memory_space<vmem>>, vector<16xi32>,
            %swap3A_1232 = arith.constant 64 : index
            %swap3A_1233 = tpu.vector_load %arg14[%swap3A_1232] {strides = array<i32>} : memref<128xi32, #tpu.memory_space<vmem>>, vector<16xi32>,
            tpu.vector_store %arg14[%swap3A_1232], %get3A_1231 {strides = array<i32>} : memref<128xi32, #tpu.memory_space<vmem>>, vector<16xi32>,
            %mul3A_1234 = arith.constant 128 : i32
            %mul3A_1235 = arith.muli %add3A_1133, %mul3A_1234 : i32
            %add3A_1236 = arith.constant 64 : i32
            %add3A_1237 = arith.addi %mul3A_1235, %add3A_1236 : i32
            %get3A_1238 = arith.index_cast %add3A_1237 : i32 to index
            %get3A_1239 = tpu.vector_load %arg11[%get3A_1238] {strides = array<i32>} : memref<2176xi32, #tpu.memory_space<vmem>>, vector<16xi32>,
            %swap3A_1240 = arith.constant 64 : index
            %swap3A_1241 = tpu.vector_load %arg15[%swap3A_1240] {strides = array<i32>} : memref<128xi32, #tpu.memory_space<vmem>>, vector<16xi32>,
            tpu.vector_store %arg15[%swap3A_1240], %get3A_1239 {strides = array<i32>} : memref<128xi32, #tpu.memory_space<vmem>>, vector<16xi32>,
            %mul3A_1242 = arith.constant 128 : i32
            %mul3A_1243 = arith.muli %add3A_1133, %mul3A_1242 : i32
            %add3A_1244 = arith.constant 80 : i32
            %add3A_1245 = arith.addi %mul3A_1243, %add3A_1244 : i32
            %get3A_1246 = arith.index_cast %add3A_1245 : i32 to index
            %get3A_1247 = tpu.vector_load %arg10[%get3A_1246] {strides = array<i32>} : memref<2176xi32, #tpu.memory_space<vmem>>, vector<16xi32>,
            %swap3A_1248 = arith.constant 80 : index
            %swap3A_1249 = tpu.vector_load %arg14[%swap3A_1248] {strides = array<i32>} : memref<128xi32, #tpu.memory_space<vmem>>, vector<16xi32>,
            tpu.vector_store %arg14[%swap3A_1248], %get3A_1247 {strides = array<i32>} : memref<128xi32, #tpu.memory_space<vmem>>, vector<16xi32>,
            %mul3A_1250 = arith.constant 128 : i32
            %mul3A_1251 = arith.muli %add3A_1133, %mul3A_1250 : i32
            %add3A_1252 = arith.constant 80 : i32
            %add3A_1253 = arith.addi %mul3A_1251, %add3A_1252 : i32
            %get3A_1254 = arith.index_cast %add3A_1253 : i32 to index
            %get3A_1255 = tpu.vector_load %arg11[%get3A_1254] {strides = array<i32>} : memref<2176xi32, #tpu.memory_space<vmem>>, vector<16xi32>,
            %swap3A_1256 = arith.constant 80 : index
            %swap3A_1257 = tpu.vector_load %arg15[%swap3A_1256] {strides = array<i32>} : memref<128xi32, #tpu.memory_space<vmem>>, vector<16xi32>,
            tpu.vector_store %arg15[%swap3A_1256], %get3A_1255 {strides = array<i32>} : memref<128xi32, #tpu.memory_space<vmem>>, vector<16xi32>,
            %mul3A_1258 = arith.constant 128 : i32
            %mul3A_1259 = arith.muli %add3A_1133, %mul3A_1258 : i32
            %add3A_1260 = arith.constant 96 : i32
            %add3A_1261 = arith.addi %mul3A_1259, %add3A_1260 : i32
            %get3A_1262 = arith.index_cast %add3A_1261 : i32 to index
            %get3A_1263 = tpu.vector_load %arg10[%get3A_1262] {strides = array<i32>} : memref<2176xi32, #tpu.memory_space<vmem>>, vector<16xi32>,
            %swap3A_1264 = arith.constant 96 : index
            %swap3A_1265 = tpu.vector_load %arg14[%swap3A_1264] {strides = array<i32>} : memref<128xi32, #tpu.memory_space<vmem>>, vector<16xi32>,
            tpu.vector_store %arg14[%swap3A_1264], %get3A_1263 {strides = array<i32>} : memref<128xi32, #tpu.memory_space<vmem>>, vector<16xi32>,
            %mul3A_1266 = arith.constant 128 : i32
            %mul3A_1267 = arith.muli %add3A_1133, %mul3A_1266 : i32
            %add3A_1268 = arith.constant 96 : i32
            %add3A_1269 = arith.addi %mul3A_1267, %add3A_1268 : i32
            %get3A_1270 = arith.index_cast %add3A_1269 : i32 to index
            %get3A_1271 = tpu.vector_load %arg11[%get3A_1270] {strides = array<i32>} : memref<2176xi32, #tpu.memory_space<vmem>>, vector<16xi32>,
            %swap3A_1272 = arith.constant 96 : index
            %swap3A_1273 = tpu.vector_load %arg15[%swap3A_1272] {strides = array<i32>} : memref<128xi32, #tpu.memory_space<vmem>>, vector<16xi32>,
            tpu.vector_store %arg15[%swap3A_1272], %get3A_1271 {strides = array<i32>} : memref<128xi32, #tpu.memory_space<vmem>>, vector<16xi32>,
            %mul3A_1274 = arith.constant 128 : i32
            %mul3A_1275 = arith.muli %add3A_1133, %mul3A_1274 : i32
            %add3A_1276 = arith.constant 112 : i32
            %add3A_1277 = arith.addi %mul3A_1275, %add3A_1276 : i32
            %get3A_1278 = arith.index_cast %add3A_1277 : i32 to index
            %get3A_1279 = tpu.vector_load %arg10[%get3A_1278] {strides = array<i32>} : memref<2176xi32, #tpu.memory_space<vmem>>, vector<16xi32>,
            %swap3A_1280 = arith.constant 112 : index
            %swap3A_1281 = tpu.vector_load %arg14[%swap3A_1280] {strides = array<i32>} : memref<128xi32, #tpu.memory_space<vmem>>, vector<16xi32>,
            tpu.vector_store %arg14[%swap3A_1280], %get3A_1279 {strides = array<i32>} : memref<128xi32, #tpu.memory_space<vmem>>, vector<16xi32>,
            %mul3A_1282 = arith.constant 128 : i32
            %mul3A_1283 = arith.muli %add3A_1133, %mul3A_1282 : i32
            %add3A_1284 = arith.constant 112 : i32
            %add3A_1285 = arith.addi %mul3A_1283, %add3A_1284 : i32
            %get3A_1286 = arith.index_cast %add3A_1285 : i32 to index
            %get3A_1287 = tpu.vector_load %arg11[%get3A_1286] {strides = array<i32>} : memref<2176xi32, #tpu.memory_space<vmem>>, vector<16xi32>,
            %swap3A_1288 = arith.constant 112 : index
            %swap3A_1289 = tpu.vector_load %arg15[%swap3A_1288] {strides = array<i32>} : memref<128xi32, #tpu.memory_space<vmem>>, vector<16xi32>,
            tpu.vector_store %arg15[%swap3A_1288], %get3A_1287 {strides = array<i32>} : memref<128xi32, #tpu.memory_space<vmem>>, vector<16xi32>,
            %dma_start3A_1290 = arith.constant 0 : i32
            %dma_start3A_1291 = arith.constant 0 : i32
            %dma_start3A_1292 = tpu.memref_slice %arg4[%dma_start3A_1290, %dma_start3A_1291] : memref<51200x288xbf16, #tpu.memory_space<hbm>> -> memref<51200x288xbf16, #tpu.memory_space<hbm>>
            tpu.enqueue_indirect_dma source(%dma_start3A_1292 : memref<51200x288xbf16, #tpu.memory_space<hbm>>) target(%arg17 : memref<128x288xbf16, #tpu.memory_space<vmem>>) offsets(%arg14 : memref<128xi32, #tpu.memory_space<vmem>>) semaphore(%arg23 : memref<!tpu.dma_semaphore, #tpu.memory_space<semaphore_mem>>)
          } else {
          }
          %mul3A_1138 = arith.constant 2 : i32
          %mul3A_1139 = arith.muli %mul3A_1138, %while3A_1121 : i32
          %add3A_1140 = arith.constant 0 : i32
          %add3A_1141 = arith.addi %mul3A_1139, %add3A_1140 : i32
          %lt3A_1142 = arith.cmpi slt, %add3A_1141, %select_n3A_768 : i32
          %convert_element_type3A_1143 = arith.extui %lt3A_1142 : i1 to i32
          %cond3A_1144 = arith.constant 0 : i32
          %cond3A_1145 = arith.cmpi ne, %convert_element_type3A_1143, %cond3A_1144 : i32
          scf.if %cond3A_1145 {
            %dma_wait3A_1155 = arith.constant 0 : i32
            %dma_wait3A_1156 = arith.constant 0 : i32
            %dma_wait3A_1157 = tpu.memref_slice %arg4[%dma_wait3A_1155, %dma_wait3A_1156] : memref<51200x288xbf16, #tpu.memory_space<hbm>> -> memref<51200x288xbf16, #tpu.memory_space<hbm>>
            tpu.wait_indirect_dma semaphore(%arg22 : memref<!tpu.dma_semaphore, #tpu.memory_space<semaphore_mem>>) src(%dma_wait3A_1157 : memref<51200x288xbf16, #tpu.memory_space<hbm>>) dst(%arg16 : memref<128x288xbf16, #tpu.memory_space<vmem>>)
            %dma_start3A_1158 = arith.constant 0 : i32
            %dma_start3A_1159 = arith.constant 0 : i32
            %dma_start3A_1160 = tpu.memref_slice %arg19[%dma_start3A_1158, %dma_start3A_1159] : memref<5120x288xbf16, #tpu.memory_space<vmem_shared>> -> memref<5120x288xbf16, #tpu.memory_space<vmem_shared>>
            tpu.enqueue_indirect_dma source(%arg16 : memref<128x288xbf16, #tpu.memory_space<vmem>>) target(%dma_start3A_1160 : memref<5120x288xbf16, #tpu.memory_space<vmem_shared>>) offsets(%arg13 : memref<128xi32, #tpu.memory_space<vmem>>) semaphore(%arg24 : memref<!tpu.dma_semaphore, #tpu.memory_space<semaphore_mem>>) {add = true}
          } else {
          }
          %mul3A_1146 = arith.constant 2 : i32
          %mul3A_1147 = arith.muli %mul3A_1146, %while3A_1121 : i32
          %add3A_1148 = arith.constant 1 : i32
          %add3A_1149 = arith.addi %mul3A_1147, %add3A_1148 : i32
          %lt3A_1150 = arith.cmpi slt, %add3A_1149, %select_n3A_768 : i32
          %convert_element_type3A_1151 = arith.extui %lt3A_1150 : i1 to i32
          %cond3A_1152 = arith.constant 0 : i32
          %cond3A_1153 = arith.cmpi ne, %convert_element_type3A_1151, %cond3A_1152 : i32
          scf.if %cond3A_1153 {
            %dma_wait3A_1155 = arith.constant 0 : i32
            %dma_wait3A_1156 = arith.constant 0 : i32
            %dma_wait3A_1157 = tpu.memref_slice %arg4[%dma_wait3A_1155, %dma_wait3A_1156] : memref<51200x288xbf16, #tpu.memory_space<hbm>> -> memref<51200x288xbf16, #tpu.memory_space<hbm>>
            tpu.wait_indirect_dma semaphore(%arg23 : memref<!tpu.dma_semaphore, #tpu.memory_space<semaphore_mem>>) src(%dma_wait3A_1157 : memref<51200x288xbf16, #tpu.memory_space<hbm>>) dst(%arg17 : memref<128x288xbf16, #tpu.memory_space<vmem>>)
            %dma_start3A_1158 = arith.constant 0 : i32
            %dma_start3A_1159 = arith.constant 0 : i32
            %dma_start3A_1160 = tpu.memref_slice %arg19[%dma_start3A_1158, %dma_start3A_1159] : memref<5120x288xbf16, #tpu.memory_space<vmem_shared>> -> memref<5120x288xbf16, #tpu.memory_space<vmem_shared>>
            tpu.enqueue_indirect_dma source(%arg17 : memref<128x288xbf16, #tpu.memory_space<vmem>>) target(%dma_start3A_1160 : memref<5120x288xbf16, #tpu.memory_space<vmem_shared>>) offsets(%arg15 : memref<128xi32, #tpu.memory_space<vmem>>) semaphore(%arg25 : memref<!tpu.dma_semaphore, #tpu.memory_space<semaphore_mem>>) {add = true}
          } else {
          }
          %while3A_1154 = arith.constant 0 : i32
          scf.yield %while3A_1154 : i32
        }
        %mul3A_809 = arith.constant 128 : i32
        %mul3A_810 = arith.muli %select_n3A_768, %mul3A_809 : i32
        %add3A_811 = arith.constant 0 : i32
        %add3A_812 = arith.addi %mul3A_810, %add3A_811 : i32
        %get3A_813 = arith.index_cast %add3A_812 : i32 to index
        %get3A_814 = tpu.vector_load %arg10[%get3A_813] {strides = array<i32>} : memref<2176xi32, #tpu.memory_space<vmem>>, vector<16xi32>,
        %add3A_815 = arith.constant 0 : i32
        %add3A_816 = arith.addi %mul3A_810, %add3A_815 : i32
        %get3A_817 = arith.index_cast %add3A_816 : i32 to index
        %get3A_818 = tpu.vector_load %arg11[%get3A_817] {strides = array<i32>} : memref<2176xi32, #tpu.memory_space<vmem>>, vector<16xi32>,
        %swap3A_819 = arith.constant 0 : index
        %swap3A_820 = tpu.vector_load %arg10[%swap3A_819] {strides = array<i32>} : memref<2176xi32, #tpu.memory_space<vmem>>, vector<16xi32>,
        tpu.vector_store %arg10[%swap3A_819], %get3A_814 {strides = array<i32>} : memref<2176xi32, #tpu.memory_space<vmem>>, vector<16xi32>,
        %swap3A_821 = arith.constant 0 : index
        %swap3A_822 = tpu.vector_load %arg11[%swap3A_821] {strides = array<i32>} : memref<2176xi32, #tpu.memory_space<vmem>>, vector<16xi32>,
        tpu.vector_store %arg11[%swap3A_821], %get3A_818 {strides = array<i32>} : memref<2176xi32, #tpu.memory_space<vmem>>, vector<16xi32>,
        %add3A_823 = arith.constant 16 : i32
        %add3A_824 = arith.addi %mul3A_810, %add3A_823 : i32
        %get3A_825 = arith.index_cast %add3A_824 : i32 to index
        %get3A_826 = tpu.vector_load %arg10[%get3A_825] {strides = array<i32>} : memref<2176xi32, #tpu.memory_space<vmem>>, vector<16xi32>,
        %add3A_827 = arith.constant 16 : i32
        %add3A_828 = arith.addi %mul3A_810, %add3A_827 : i32
        %get3A_829 = arith.index_cast %add3A_828 : i32 to index
        %get3A_830 = tpu.vector_load %arg11[%get3A_829] {strides = array<i32>} : memref<2176xi32, #tpu.memory_space<vmem>>, vector<16xi32>,
        %swap3A_831 = arith.constant 16 : index
        %swap3A_832 = tpu.vector_load %arg10[%swap3A_831] {strides = array<i32>} : memref<2176xi32, #tpu.memory_space<vmem>>, vector<16xi32>,
        tpu.vector_store %arg10[%swap3A_831], %get3A_826 {strides = array<i32>} : memref<2176xi32, #tpu.memory_space<vmem>>, vector<16xi32>,
        %swap3A_833 = arith.constant 16 : index
        %swap3A_834 = tpu.vector_load %arg11[%swap3A_833] {strides = array<i32>} : memref<2176xi32, #tpu.memory_space<vmem>>, vector<16xi32>,
        tpu.vector_store %arg11[%swap3A_833], %get3A_830 {strides = array<i32>} : memref<2176xi32, #tpu.memory_space<vmem>>, vector<16xi32>,
        %add3A_835 = arith.constant 32 : i32
        %add3A_836 = arith.addi %mul3A_810, %add3A_835 : i32
        %get3A_837 = arith.index_cast %add3A_836 : i32 to index
        %get3A_838 = tpu.vector_load %arg10[%get3A_837] {strides = array<i32>} : memref<2176xi32, #tpu.memory_space<vmem>>, vector<16xi32>,
        %add3A_839 = arith.constant 32 : i32
        %add3A_840 = arith.addi %mul3A_810, %add3A_839 : i32
        %get3A_841 = arith.index_cast %add3A_840 : i32 to index
        %get3A_842 = tpu.vector_load %arg11[%get3A_841] {strides = array<i32>} : memref<2176xi32, #tpu.memory_space<vmem>>, vector<16xi32>,
        %swap3A_843 = arith.constant 32 : index
        %swap3A_844 = tpu.vector_load %arg10[%swap3A_843] {strides = array<i32>} : memref<2176xi32, #tpu.memory_space<vmem>>, vector<16xi32>,
        tpu.vector_store %arg10[%swap3A_843], %get3A_838 {strides = array<i32>} : memref<2176xi32, #tpu.memory_space<vmem>>, vector<16xi32>,
        %swap3A_845 = arith.constant 32 : index
        %swap3A_846 = tpu.vector_load %arg11[%swap3A_845] {strides = array<i32>} : memref<2176xi32, #tpu.memory_space<vmem>>, vector<16xi32>,
        tpu.vector_store %arg11[%swap3A_845], %get3A_842 {strides = array<i32>} : memref<2176xi32, #tpu.memory_space<vmem>>, vector<16xi32>,
        %add3A_847 = arith.constant 48 : i32
        %add3A_848 = arith.addi %mul3A_810, %add3A_847 : i32
        %get3A_849 = arith.index_cast %add3A_848 : i32 to index
        %get3A_850 = tpu.vector_load %arg10[%get3A_849] {strides = array<i32>} : memref<2176xi32, #tpu.memory_space<vmem>>, vector<16xi32>,
        %add3A_851 = arith.constant 48 : i32
        %add3A_852 = arith.addi %mul3A_810, %add3A_851 : i32
        %get3A_853 = arith.index_cast %add3A_852 : i32 to index
        %get3A_854 = tpu.vector_load %arg11[%get3A_853] {strides = array<i32>} : memref<2176xi32, #tpu.memory_space<vmem>>, vector<16xi32>,
        %swap3A_855 = arith.constant 48 : index
        %swap3A_856 = tpu.vector_load %arg10[%swap3A_855] {strides = array<i32>} : memref<2176xi32, #tpu.memory_space<vmem>>, vector<16xi32>,
        tpu.vector_store %arg10[%swap3A_855], %get3A_850 {strides = array<i32>} : memref<2176xi32, #tpu.memory_space<vmem>>, vector<16xi32>,
        %swap3A_857 = arith.constant 48 : index
        %swap3A_858 = tpu.vector_load %arg11[%swap3A_857] {strides = array<i32>} : memref<2176xi32, #tpu.memory_space<vmem>>, vector<16xi32>,
        tpu.vector_store %arg11[%swap3A_857], %get3A_854 {strides = array<i32>} : memref<2176xi32, #tpu.memory_space<vmem>>, vector<16xi32>,
        %add3A_859 = arith.constant 64 : i32
        %add3A_860 = arith.addi %mul3A_810, %add3A_859 : i32
        %get3A_861 = arith.index_cast %add3A_860 : i32 to index
        %get3A_862 = tpu.vector_load %arg10[%get3A_861] {strides = array<i32>} : memref<2176xi32, #tpu.memory_space<vmem>>, vector<16xi32>,
        %add3A_863 = arith.constant 64 : i32
        %add3A_864 = arith.addi %mul3A_810, %add3A_863 : i32
        %get3A_865 = arith.index_cast %add3A_864 : i32 to index
        %get3A_866 = tpu.vector_load %arg11[%get3A_865] {strides = array<i32>} : memref<2176xi32, #tpu.memory_space<vmem>>, vector<16xi32>,
        %swap3A_867 = arith.constant 64 : index
        %swap3A_868 = tpu.vector_load %arg10[%swap3A_867] {strides = array<i32>} : memref<2176xi32, #tpu.memory_space<vmem>>, vector<16xi32>,
        tpu.vector_store %arg10[%swap3A_867], %get3A_862 {strides = array<i32>} : memref<2176xi32, #tpu.memory_space<vmem>>, vector<16xi32>,
        %swap3A_869 = arith.constant 64 : index
        %swap3A_870 = tpu.vector_load %arg11[%swap3A_869] {strides = array<i32>} : memref<2176xi32, #tpu.memory_space<vmem>>, vector<16xi32>,
        tpu.vector_store %arg11[%swap3A_869], %get3A_866 {strides = array<i32>} : memref<2176xi32, #tpu.memory_space<vmem>>, vector<16xi32>,
        %add3A_871 = arith.constant 80 : i32
        %add3A_872 = arith.addi %mul3A_810, %add3A_871 : i32
        %get3A_873 = arith.index_cast %add3A_872 : i32 to index
        %get3A_874 = tpu.vector_load %arg10[%get3A_873] {strides = array<i32>} : memref<2176xi32, #tpu.memory_space<vmem>>, vector<16xi32>,
        %add3A_875 = arith.constant 80 : i32
        %add3A_876 = arith.addi %mul3A_810, %add3A_875 : i32
        %get3A_877 = arith.index_cast %add3A_876 : i32 to index
        %get3A_878 = tpu.vector_load %arg11[%get3A_877] {strides = array<i32>} : memref<2176xi32, #tpu.memory_space<vmem>>, vector<16xi32>,
        %swap3A_879 = arith.constant 80 : index
        %swap3A_880 = tpu.vector_load %arg10[%swap3A_879] {strides = array<i32>} : memref<2176xi32, #tpu.memory_space<vmem>>, vector<16xi32>,
        tpu.vector_store %arg10[%swap3A_879], %get3A_874 {strides = array<i32>} : memref<2176xi32, #tpu.memory_space<vmem>>, vector<16xi32>,
        %swap3A_881 = arith.constant 80 : index
        %swap3A_882 = tpu.vector_load %arg11[%swap3A_881] {strides = array<i32>} : memref<2176xi32, #tpu.memory_space<vmem>>, vector<16xi32>,
        tpu.vector_store %arg11[%swap3A_881], %get3A_878 {strides = array<i32>} : memref<2176xi32, #tpu.memory_space<vmem>>, vector<16xi32>,
        %add3A_883 = arith.constant 96 : i32
        %add3A_884 = arith.addi %mul3A_810, %add3A_883 : i32
        %get3A_885 = arith.index_cast %add3A_884 : i32 to index
        %get3A_886 = tpu.vector_load %arg10[%get3A_885] {strides = array<i32>} : memref<2176xi32, #tpu.memory_space<vmem>>, vector<16xi32>,
        %add3A_887 = arith.constant 96 : i32
        %add3A_888 = arith.addi %mul3A_810, %add3A_887 : i32
        %get3A_889 = arith.index_cast %add3A_888 : i32 to index
        %get3A_890 = tpu.vector_load %arg11[%get3A_889] {strides = array<i32>} : memref<2176xi32, #tpu.memory_space<vmem>>, vector<16xi32>,
        %swap3A_891 = arith.constant 96 : index
        %swap3A_892 = tpu.vector_load %arg10[%swap3A_891] {strides = array<i32>} : memref<2176xi32, #tpu.memory_space<vmem>>, vector<16xi32>,
        tpu.vector_store %arg10[%swap3A_891], %get3A_886 {strides = array<i32>} : memref<2176xi32, #tpu.memory_space<vmem>>, vector<16xi32>,
        %swap3A_893 = arith.constant 96 : index
        %swap3A_894 = tpu.vector_load %arg11[%swap3A_893] {strides = array<i32>} : memref<2176xi32, #tpu.memory_space<vmem>>, vector<16xi32>,
        tpu.vector_store %arg11[%swap3A_893], %get3A_890 {strides = array<i32>} : memref<2176xi32, #tpu.memory_space<vmem>>, vector<16xi32>,
        %add3A_895 = arith.constant 112 : i32
        %add3A_896 = arith.addi %mul3A_810, %add3A_895 : i32
        %get3A_897 = arith.index_cast %add3A_896 : i32 to index
        %get3A_898 = tpu.vector_load %arg10[%get3A_897] {strides = array<i32>} : memref<2176xi32, #tpu.memory_space<vmem>>, vector<16xi32>,
        %add3A_899 = arith.constant 112 : i32
        %add3A_900 = arith.addi %mul3A_810, %add3A_899 : i32
        %get3A_901 = arith.index_cast %add3A_900 : i32 to index
        %get3A_902 = tpu.vector_load %arg11[%get3A_901] {strides = array<i32>} : memref<2176xi32, #tpu.memory_space<vmem>>, vector<16xi32>,
        %swap3A_903 = arith.constant 112 : index
        %swap3A_904 = tpu.vector_load %arg10[%swap3A_903] {strides = array<i32>} : memref<2176xi32, #tpu.memory_space<vmem>>, vector<16xi32>,
        tpu.vector_store %arg10[%swap3A_903], %get3A_898 {strides = array<i32>} : memref<2176xi32, #tpu.memory_space<vmem>>, vector<16xi32>,
        %swap3A_905 = arith.constant 112 : index
        %swap3A_906 = tpu.vector_load %arg11[%swap3A_905] {strides = array<i32>} : memref<2176xi32, #tpu.memory_space<vmem>>, vector<16xi32>,
        tpu.vector_store %arg11[%swap3A_905], %get3A_902 {strides = array<i32>} : memref<2176xi32, #tpu.memory_space<vmem>>, vector<16xi32>,
        %ge3A_907 = arith.constant 1 : i32
        %ge3A_908 = arith.cmpi sge, %select_n3A_768, %ge3A_907 : i32
        %jit3A_909 = arith.constant 1 : i32
        %select_n3A_910 = arith.select %ge3A_908, %jit3A_909, %scan3A_707 : i32
        %ge3A_911 = arith.constant 2 : i32
        %ge3A_912 = arith.cmpi sge, %select_n3A_768, %ge3A_911 : i32
        %jit3A_913 = arith.constant 1 : i32
        %select_n3A_914 = arith.select %ge3A_912, %jit3A_913, %scan3A_708 : i32
        %sub3A_915 = arith.subi %reduce_max3A_744, %mul3A_810 : i32
        %add3A_916 = arith.constant 2 : i32
        %add3A_917 = arith.addi %mul3A_710, %add3A_916 : i32
        %mul3A_918 = arith.constant 50000 : i32
        %mul3A_919 = arith.muli %arg1, %mul3A_918 : i32
        %mul3A_920 = arith.constant 2000 : i32
        %mul3A_921 = arith.muli %add3A_917, %mul3A_920 : i32
        %add3A_922 = arith.addi %mul3A_919, %mul3A_921 : i32
        %dma_start3A_923 = tpu.memref_slice %arg2[%add3A_922] : memref<800000xi32, #tpu.memory_space<hbm>> -> memref<2000xi32, #tpu.memory_space<hbm>>
        %dma_start3A_924 = tpu.memref_slice %arg2[%add3A_922] : memref<800000xi32, #tpu.memory_space<hbm>> -> memref<2000xi32, #tpu.memory_space<hbm>>
        tpu.enqueue_dma source(%dma_start3A_924 : memref<2000xi32, #tpu.memory_space<hbm>>) target(%arg6 : memref<2000xi32, #tpu.memory_space<vmem>>) target_semaphore(%arg20 : memref<!tpu.dma_semaphore, #tpu.memory_space<semaphore_mem>>)
        %dma_start3A_925 = tpu.memref_slice %arg3[%add3A_922] : memref<800000xi32, #tpu.memory_space<hbm>> -> memref<2000xi32, #tpu.memory_space<hbm>>
        %dma_start3A_926 = tpu.memref_slice %arg3[%add3A_922] : memref<800000xi32, #tpu.memory_space<hbm>> -> memref<2000xi32, #tpu.memory_space<hbm>>
        tpu.enqueue_dma source(%dma_start3A_926 : memref<2000xi32, #tpu.memory_space<hbm>>) target(%arg7 : memref<2000xi32, #tpu.memory_space<vmem>>) target_semaphore(%arg20 : memref<!tpu.dma_semaphore, #tpu.memory_space<semaphore_mem>>)
        %dma_wait3A_927 = arith.constant 0 : i32
        %dma_wait3A_928 = tpu.memref_slice %arg2[%dma_wait3A_927] : memref<800000xi32, #tpu.memory_space<hbm>> -> memref<2000xi32, #tpu.memory_space<hbm>>
        %dma_wait3A_929 = arith.constant 0 : i32
        %dma_wait3A_930 = tpu.memref_slice %arg2[%dma_wait3A_929] : memref<800000xi32, #tpu.memory_space<hbm>> -> memref<2000xi32, #tpu.memory_space<hbm>>
        tpu.wait_dma2 semaphore(%arg21 : memref<!tpu.dma_semaphore, #tpu.memory_space<semaphore_mem>>) src(%dma_wait3A_930 : memref<2000xi32, #tpu.memory_space<hbm>>) dst(%arg8 : memref<2000xi32, #tpu.memory_space<vmem>>)
        %dma_wait3A_931 = arith.constant 0 : i32
        %dma_wait3A_932 = tpu.memref_slice %arg2[%dma_wait3A_931] : memref<800000xi32, #tpu.memory_space<hbm>> -> memref<2000xi32, #tpu.memory_space<hbm>>
        %dma_wait3A_933 = arith.constant 0 : i32
        %dma_wait3A_934 = tpu.memref_slice %arg2[%dma_wait3A_933] : memref<800000xi32, #tpu.memory_space<hbm>> -> memref<2000xi32, #tpu.memory_space<hbm>>
        tpu.wait_dma2 semaphore(%arg21 : memref<!tpu.dma_semaphore, #tpu.memory_space<semaphore_mem>>) src(%dma_wait3A_934 : memref<2000xi32, #tpu.memory_space<hbm>>) dst(%arg9 : memref<2000xi32, #tpu.memory_space<vmem>>)
        %broadcast_in_dim3A_935 = vector.broadcast %sub3A_915 : i32 to vector<16xi32>
        %scan3A_936 = arith.constant 0 : i32
        %scan3A_937 = arith.constant 125 : i32
        %scan3A_938 = arith.addi %scan3A_936, %scan3A_937 : i32
        %scan3A_939 = arith.constant 1 : i32
        %scan3A_940 = scf.for %scan3A_1121 = %scan3A_936 to %scan3A_938 step %scan3A_939 iter_args(%scan3A_1122 = %broadcast_in_dim3A_935) -> (vector<16xi32>)  : i32 {
          %mul3A_1123 = arith.constant 16 : i32
          %mul3A_1124 = arith.muli %scan3A_1121, %mul3A_1123 : i32
          %get3A_1125 = arith.index_cast %mul3A_1124 : i32 to index
          %get3A_1126 = tpu.vector_load %arg9[%get3A_1125] {strides = array<i32>} : memref<2000xi32, #tpu.memory_space<vmem>>, vector<16xi32>,
          %mul3A_1127 = arith.constant 16 : i32
          %mul3A_1128 = arith.muli %scan3A_1121, %mul3A_1127 : i32
          %get3A_1129 = arith.index_cast %mul3A_1128 : i32 to index
          %get3A_1130 = tpu.vector_load %arg8[%get3A_1129] {strides = array<i32>} : memref<2000xi32, #tpu.memory_space<vmem>>, vector<16xi32>,
          %sub3A_1131 = vector.broadcast %mul3A_23 : i32 to vector<16xi32>
          %sub3A_1132 = arith.subi %get3A_1126, %sub3A_1131 : vector<16xi32>
          %ge3A_1133 = arith.constant 0 : i32
          %ge3A_1134 = vector.broadcast %ge3A_1133 : i32 to vector<16xi32>
          %ge3A_1135 = arith.cmpi sge, %sub3A_1132, %ge3A_1134 : vector<16xi32>
          %lt3A = arith.constant 5120 : i32
          %lt3A_1136 = vector.broadcast %lt3A : i32 to vector<16xi32>
          %lt3A_1137 = arith.cmpi slt, %sub3A_1132, %lt3A_1136 : vector<16xi32>
          %and3A_1138 = arith.andi %ge3A_1135, %lt3A_1137 : vector<16xi1>
          %jit3A_1139 = arith.constant 1 : i32
          %jit3A_1140 = arith.constant 0 : i32
          %broadcast_in_dim3A_1141 = vector.broadcast %jit3A_1139 : i32 to vector<16xi32>
          %broadcast_in_dim3A_1142 = vector.broadcast %jit3A_1140 : i32 to vector<16xi32>
          %select_n3A_1143 = arith.select %and3A_1138, %broadcast_in_dim3A_1141, %broadcast_in_dim3A_1142 : vector<16xi1>, vector<16xi32>
          %broadcast_in_dim3A_1144 = arith.constant true
          %broadcast_in_dim3A_1145 = vector.broadcast %broadcast_in_dim3A_1144 : i1 to vector<16xi1>
          %masked_cumsum3A = tpu.scan <sum>, %select_n3A_1143 masked %broadcast_in_dim3A_1145 : vector<16xi32>, vector<16xi1> -> vector<16xi32>
          %sub3A_1146 = arith.subi %masked_cumsum3A, %select_n3A_1143 : vector<16xi32>
          %add3A_1147 = arith.addi %sub3A_1146, %scan3A_1122 : vector<16xi32>
          tpu.vector_store_idx %arg11[%add3A_1147], %sub3A_1132 masked %and3A_1138 : memref<2176xi32, #tpu.memory_space<vmem>>[vector<16xi32>], vector<16xi32>, vector<16xi1>
          tpu.vector_store_idx %arg10[%add3A_1147], %get3A_1130 masked %and3A_1138 : memref<2176xi32, #tpu.memory_space<vmem>>[vector<16xi32>], vector<16xi32>, vector<16xi1>
          %all_reduce_population_count3A = tpu.all_reduce %and3A_1138 {dim = 0 : i64, kind = #tpu.reduction_kind<sum>} : vector<16xi1> -> vector<16xi32>
          %add3A_1148 = arith.addi %scan3A_1122, %all_reduce_population_count3A : vector<16xi32>
          scf.yield %add3A_1148 : vector<16xi32>
        }
        %scan3A_941 = arith.constant 125 : i32
        %reduce_max3A_942 = arith.constant true
        %reduce_max3A_943 = vector.broadcast %reduce_max3A_942 : i1 to vector<16xi1>
        %reduce_max3A_944 = arith.constant -2147483648 : i32
        %reduce_max3A_945 = vector.broadcast %reduce_max3A_944 : i32 to vector<16xi32>
        %reduce_max3A_946 = arith.xori %scan3A_940, %reduce_max3A_945 : vector<16xi32>
        %reduce_max3A_947 = tpu.scan <max>, %reduce_max3A_946 masked %reduce_max3A_943 : vector<16xi32>, vector<16xi1> -> vector<16xi32>
        %reduce_max3A_948 = arith.xori %reduce_max3A_947, %reduce_max3A_945 : vector<16xi32>
        %reduce_max3A_949 = vector.extract %reduce_max3A_948[15] : i32 from vector<16xi32>
        %jit3A_950 = arith.constant 128 : i32
        %div3A_951 = arith.divsi %reduce_max3A_949, %jit3A_950 : i32
        %sign3A_952 = arith.constant 0 : i32
        %sign3A_953 = arith.cmpi sgt, %reduce_max3A_949, %sign3A_952 : i32
        %sign3A_954 = arith.extui %sign3A_953 : i1 to i32
        %sign3A_955 = arith.constant 0 : i32
        %sign3A_956 = arith.cmpi slt, %reduce_max3A_949, %sign3A_955 : i32
        %sign3A_957 = arith.extui %sign3A_956 : i1 to i32
        %sign3A_958 = arith.subi %sign3A_954, %sign3A_957 : i32
        %sign3A_959 = arith.constant 0 : i32
        %sign3A_960 = arith.cmpi sgt, %jit3A_950, %sign3A_959 : i32
        %sign3A_961 = arith.extui %sign3A_960 : i1 to i32
        %sign3A_962 = arith.constant 0 : i32
        %sign3A_963 = arith.cmpi slt, %jit3A_950, %sign3A_962 : i32
        %sign3A_964 = arith.extui %sign3A_963 : i1 to i32
        %sign3A_965 = arith.subi %sign3A_961, %sign3A_964 : i32
        %ne3A_966 = arith.cmpi ne, %sign3A_958, %sign3A_965 : i32
        %rem3A_967 = arith.remsi %reduce_max3A_949, %jit3A_950 : i32
        %ne3A_968 = arith.constant 0 : i32
        %ne3A_969 = arith.cmpi ne, %rem3A_967, %ne3A_968 : i32
        %and3A_970 = arith.andi %ne3A_966, %ne3A_969 : i1
        %sub3A_971 = arith.constant 1 : i32
        %sub3A_972 = arith.subi %div3A_951, %sub3A_971 : i32
        %select_n3A_973 = arith.select %and3A_970, %sub3A_972, %div3A_951 : i32
        %add3A_974 = arith.constant 2 : i32
        %add3A_975 = arith.addi %select_n3A_973, %add3A_974 : i32
        %sub3A_976 = arith.constant 1 : i32
        %sub3A_977 = arith.subi %add3A_975, %sub3A_976 : i32
        %jit3A_978 = arith.constant 2 : i32
        %div3A_979 = arith.divsi %sub3A_977, %jit3A_978 : i32
        %sign3A_980 = arith.constant 0 : i32
        %sign3A_981 = arith.cmpi sgt, %sub3A_977, %sign3A_980 : i32
        %sign3A_982 = arith.extui %sign3A_981 : i1 to i32
        %sign3A_983 = arith.constant 0 : i32
        %sign3A_984 = arith.cmpi slt, %sub3A_977, %sign3A_983 : i32
        %sign3A_985 = arith.extui %sign3A_984 : i1 to i32
        %sign3A_986 = arith.subi %sign3A_982, %sign3A_985 : i32
        %sign3A_987 = arith.constant 0 : i32
        %sign3A_988 = arith.cmpi sgt, %jit3A_978, %sign3A_987 : i32
        %sign3A_989 = arith.extui %sign3A_988 : i1 to i32
        %sign3A_990 = arith.constant 0 : i32
        %sign3A_991 = arith.cmpi slt, %jit3A_978, %sign3A_990 : i32
        %sign3A_992 = arith.extui %sign3A_991 : i1 to i32
        %sign3A_993 = arith.subi %sign3A_989, %sign3A_992 : i32
        %ne3A_994 = arith.cmpi ne, %sign3A_986, %sign3A_993 : i32
        %rem3A_995 = arith.remsi %sub3A_977, %jit3A_978 : i32
        %ne3A_996 = arith.constant 0 : i32
        %ne3A_997 = arith.cmpi ne, %rem3A_995, %ne3A_996 : i32
        %and3A_998 = arith.andi %ne3A_994, %ne3A_997 : i1
        %sub3A_999 = arith.constant 1 : i32
        %sub3A_1000 = arith.subi %div3A_979, %sub3A_999 : i32
        %select_n3A_1001 = arith.select %and3A_998, %sub3A_1000, %div3A_979 : i32
        %while3A_1002 = arith.constant 0 : i32
        %while3A_1003 = arith.constant 0 : i32
        %while3A_1004 = arith.subi %select_n3A_1001, %while3A_1002 : i32
        %while3A_1005 = arith.addi %while3A_1002, %while3A_1004 : i32
        %while3A_1006 = arith.constant 1 : i32
        %while3A_1007 = arith.divsi %while3A_1004, %while3A_1006 : i32
        %while3A_1008 = arith.muli %while3A_1007, %while3A_1006 : i32
        %while3A_1009 = arith.addi %while3A_1002, %while3A_1008 : i32
        %while3A_1010 = arith.constant 1 : i32
        %while3A_1011 = scf.for %while3A_1121 = %while3A_1002 to %while3A_1009 step %while3A_1010 iter_args(%while3A_1122 = %while3A_1003) -> (i32)  : i32 {
          %mul3A_1123 = arith.constant 2 : i32
          %mul3A_1124 = arith.muli %mul3A_1123, %while3A_1121 : i32
          %add3A_1125 = arith.constant 0 : i32
          %add3A_1126 = arith.addi %mul3A_1124, %add3A_1125 : i32
          %lt3A = arith.cmpi slt, %add3A_1126, %select_n3A_973 : i32
          %convert_element_type3A_1127 = arith.extui %lt3A : i1 to i32
          %cond3A_1128 = arith.constant 0 : i32
          %cond3A_1129 = arith.cmpi ne, %convert_element_type3A_1127, %cond3A_1128 : i32
          scf.if %cond3A_1129 {
            %gt3A_1155 = arith.constant 0 : i32
            %gt3A_1156 = arith.cmpi sgt, %while3A_1121, %gt3A_1155 : i32
            %gt3A_1157 = arith.constant 0 : i32
            %gt3A_1158 = arith.cmpi sgt, %select_n3A_910, %gt3A_1157 : i32
            %or3A = arith.ori %gt3A_1156, %gt3A_1158 : i1
            %convert_element_type3A_1159 = arith.extui %or3A : i1 to i32
            %cond3A_1160 = arith.constant 0 : i32
            %cond3A_1161 = arith.cmpi ne, %convert_element_type3A_1159, %cond3A_1160 : i32
            scf.if %cond3A_1161 {
              %dma_wait3A_1293 = arith.constant 0 : i32
              %dma_wait3A_1294 = arith.constant 0 : i32
              %dma_wait3A_1295 = tpu.memref_slice %arg19[%dma_wait3A_1293, %dma_wait3A_1294] : memref<5120x288xbf16, #tpu.memory_space<vmem_shared>> -> memref<5120x288xbf16, #tpu.memory_space<vmem_shared>>
              tpu.wait_indirect_dma semaphore(%arg24 : memref<!tpu.dma_semaphore, #tpu.memory_space<semaphore_mem>>) src(%arg16 : memref<128x288xbf16, #tpu.memory_space<vmem>>) dst(%dma_wait3A_1295 : memref<5120x288xbf16, #tpu.memory_space<vmem_shared>>)
            } else {
            }
            %mul3A_1162 = arith.constant 128 : i32
            %mul3A_1163 = arith.muli %add3A_1126, %mul3A_1162 : i32
            %add3A_1164 = arith.constant 0 : i32
            %add3A_1165 = arith.addi %mul3A_1163, %add3A_1164 : i32
            %get3A_1166 = arith.index_cast %add3A_1165 : i32 to index
            %get3A_1167 = tpu.vector_load %arg10[%get3A_1166] {strides = array<i32>} : memref<2176xi32, #tpu.memory_space<vmem>>, vector<16xi32>,
            %swap3A_1168 = arith.constant 0 : index
            %swap3A_1169 = tpu.vector_load %arg12[%swap3A_1168] {strides = array<i32>} : memref<128xi32, #tpu.memory_space<vmem>>, vector<16xi32>,
            tpu.vector_store %arg12[%swap3A_1168], %get3A_1167 {strides = array<i32>} : memref<128xi32, #tpu.memory_space<vmem>>, vector<16xi32>,
            %mul3A_1170 = arith.constant 128 : i32
            %mul3A_1171 = arith.muli %add3A_1126, %mul3A_1170 : i32
            %add3A_1172 = arith.constant 0 : i32
            %add3A_1173 = arith.addi %mul3A_1171, %add3A_1172 : i32
            %get3A_1174 = arith.index_cast %add3A_1173 : i32 to index
            %get3A_1175 = tpu.vector_load %arg11[%get3A_1174] {strides = array<i32>} : memref<2176xi32, #tpu.memory_space<vmem>>, vector<16xi32>,
            %swap3A_1176 = arith.constant 0 : index
            %swap3A_1177 = tpu.vector_load %arg13[%swap3A_1176] {strides = array<i32>} : memref<128xi32, #tpu.memory_space<vmem>>, vector<16xi32>,
            tpu.vector_store %arg13[%swap3A_1176], %get3A_1175 {strides = array<i32>} : memref<128xi32, #tpu.memory_space<vmem>>, vector<16xi32>,
            %mul3A_1178 = arith.constant 128 : i32
            %mul3A_1179 = arith.muli %add3A_1126, %mul3A_1178 : i32
            %add3A_1180 = arith.constant 16 : i32
            %add3A_1181 = arith.addi %mul3A_1179, %add3A_1180 : i32
            %get3A_1182 = arith.index_cast %add3A_1181 : i32 to index
            %get3A_1183 = tpu.vector_load %arg10[%get3A_1182] {strides = array<i32>} : memref<2176xi32, #tpu.memory_space<vmem>>, vector<16xi32>,
            %swap3A_1184 = arith.constant 16 : index
            %swap3A_1185 = tpu.vector_load %arg12[%swap3A_1184] {strides = array<i32>} : memref<128xi32, #tpu.memory_space<vmem>>, vector<16xi32>,
            tpu.vector_store %arg12[%swap3A_1184], %get3A_1183 {strides = array<i32>} : memref<128xi32, #tpu.memory_space<vmem>>, vector<16xi32>,
            %mul3A_1186 = arith.constant 128 : i32
            %mul3A_1187 = arith.muli %add3A_1126, %mul3A_1186 : i32
            %add3A_1188 = arith.constant 16 : i32
            %add3A_1189 = arith.addi %mul3A_1187, %add3A_1188 : i32
            %get3A_1190 = arith.index_cast %add3A_1189 : i32 to index
            %get3A_1191 = tpu.vector_load %arg11[%get3A_1190] {strides = array<i32>} : memref<2176xi32, #tpu.memory_space<vmem>>, vector<16xi32>,
            %swap3A_1192 = arith.constant 16 : index
            %swap3A_1193 = tpu.vector_load %arg13[%swap3A_1192] {strides = array<i32>} : memref<128xi32, #tpu.memory_space<vmem>>, vector<16xi32>,
            tpu.vector_store %arg13[%swap3A_1192], %get3A_1191 {strides = array<i32>} : memref<128xi32, #tpu.memory_space<vmem>>, vector<16xi32>,
            %mul3A_1194 = arith.constant 128 : i32
            %mul3A_1195 = arith.muli %add3A_1126, %mul3A_1194 : i32
            %add3A_1196 = arith.constant 32 : i32
            %add3A_1197 = arith.addi %mul3A_1195, %add3A_1196 : i32
            %get3A_1198 = arith.index_cast %add3A_1197 : i32 to index
            %get3A_1199 = tpu.vector_load %arg10[%get3A_1198] {strides = array<i32>} : memref<2176xi32, #tpu.memory_space<vmem>>, vector<16xi32>,
            %swap3A_1200 = arith.constant 32 : index
            %swap3A_1201 = tpu.vector_load %arg12[%swap3A_1200] {strides = array<i32>} : memref<128xi32, #tpu.memory_space<vmem>>, vector<16xi32>,
            tpu.vector_store %arg12[%swap3A_1200], %get3A_1199 {strides = array<i32>} : memref<128xi32, #tpu.memory_space<vmem>>, vector<16xi32>,
            %mul3A_1202 = arith.constant 128 : i32
            %mul3A_1203 = arith.muli %add3A_1126, %mul3A_1202 : i32
            %add3A_1204 = arith.constant 32 : i32
            %add3A_1205 = arith.addi %mul3A_1203, %add3A_1204 : i32
            %get3A_1206 = arith.index_cast %add3A_1205 : i32 to index
            %get3A_1207 = tpu.vector_load %arg11[%get3A_1206] {strides = array<i32>} : memref<2176xi32, #tpu.memory_space<vmem>>, vector<16xi32>,
            %swap3A_1208 = arith.constant 32 : index
            %swap3A_1209 = tpu.vector_load %arg13[%swap3A_1208] {strides = array<i32>} : memref<128xi32, #tpu.memory_space<vmem>>, vector<16xi32>,
            tpu.vector_store %arg13[%swap3A_1208], %get3A_1207 {strides = array<i32>} : memref<128xi32, #tpu.memory_space<vmem>>, vector<16xi32>,
            %mul3A_1210 = arith.constant 128 : i32
            %mul3A_1211 = arith.muli %add3A_1126, %mul3A_1210 : i32
            %add3A_1212 = arith.constant 48 : i32
            %add3A_1213 = arith.addi %mul3A_1211, %add3A_1212 : i32
            %get3A_1214 = arith.index_cast %add3A_1213 : i32 to index
            %get3A_1215 = tpu.vector_load %arg10[%get3A_1214] {strides = array<i32>} : memref<2176xi32, #tpu.memory_space<vmem>>, vector<16xi32>,
            %swap3A_1216 = arith.constant 48 : index
            %swap3A_1217 = tpu.vector_load %arg12[%swap3A_1216] {strides = array<i32>} : memref<128xi32, #tpu.memory_space<vmem>>, vector<16xi32>,
            tpu.vector_store %arg12[%swap3A_1216], %get3A_1215 {strides = array<i32>} : memref<128xi32, #tpu.memory_space<vmem>>, vector<16xi32>,
            %mul3A_1218 = arith.constant 128 : i32
            %mul3A_1219 = arith.muli %add3A_1126, %mul3A_1218 : i32
            %add3A_1220 = arith.constant 48 : i32
            %add3A_1221 = arith.addi %mul3A_1219, %add3A_1220 : i32
            %get3A_1222 = arith.index_cast %add3A_1221 : i32 to index
            %get3A_1223 = tpu.vector_load %arg11[%get3A_1222] {strides = array<i32>} : memref<2176xi32, #tpu.memory_space<vmem>>, vector<16xi32>,
            %swap3A_1224 = arith.constant 48 : index
            %swap3A_1225 = tpu.vector_load %arg13[%swap3A_1224] {strides = array<i32>} : memref<128xi32, #tpu.memory_space<vmem>>, vector<16xi32>,
            tpu.vector_store %arg13[%swap3A_1224], %get3A_1223 {strides = array<i32>} : memref<128xi32, #tpu.memory_space<vmem>>, vector<16xi32>,
            %mul3A_1226 = arith.constant 128 : i32
            %mul3A_1227 = arith.muli %add3A_1126, %mul3A_1226 : i32
            %add3A_1228 = arith.constant 64 : i32
            %add3A_1229 = arith.addi %mul3A_1227, %add3A_1228 : i32
            %get3A_1230 = arith.index_cast %add3A_1229 : i32 to index
            %get3A_1231 = tpu.vector_load %arg10[%get3A_1230] {strides = array<i32>} : memref<2176xi32, #tpu.memory_space<vmem>>, vector<16xi32>,
            %swap3A_1232 = arith.constant 64 : index
            %swap3A_1233 = tpu.vector_load %arg12[%swap3A_1232] {strides = array<i32>} : memref<128xi32, #tpu.memory_space<vmem>>, vector<16xi32>,
            tpu.vector_store %arg12[%swap3A_1232], %get3A_1231 {strides = array<i32>} : memref<128xi32, #tpu.memory_space<vmem>>, vector<16xi32>,
            %mul3A_1234 = arith.constant 128 : i32
            %mul3A_1235 = arith.muli %add3A_1126, %mul3A_1234 : i32
            %add3A_1236 = arith.constant 64 : i32
            %add3A_1237 = arith.addi %mul3A_1235, %add3A_1236 : i32
            %get3A_1238 = arith.index_cast %add3A_1237 : i32 to index
            %get3A_1239 = tpu.vector_load %arg11[%get3A_1238] {strides = array<i32>} : memref<2176xi32, #tpu.memory_space<vmem>>, vector<16xi32>,
            %swap3A_1240 = arith.constant 64 : index
            %swap3A_1241 = tpu.vector_load %arg13[%swap3A_1240] {strides = array<i32>} : memref<128xi32, #tpu.memory_space<vmem>>, vector<16xi32>,
            tpu.vector_store %arg13[%swap3A_1240], %get3A_1239 {strides = array<i32>} : memref<128xi32, #tpu.memory_space<vmem>>, vector<16xi32>,
            %mul3A_1242 = arith.constant 128 : i32
            %mul3A_1243 = arith.muli %add3A_1126, %mul3A_1242 : i32
            %add3A_1244 = arith.constant 80 : i32
            %add3A_1245 = arith.addi %mul3A_1243, %add3A_1244 : i32
            %get3A_1246 = arith.index_cast %add3A_1245 : i32 to index
            %get3A_1247 = tpu.vector_load %arg10[%get3A_1246] {strides = array<i32>} : memref<2176xi32, #tpu.memory_space<vmem>>, vector<16xi32>,
            %swap3A_1248 = arith.constant 80 : index
            %swap3A_1249 = tpu.vector_load %arg12[%swap3A_1248] {strides = array<i32>} : memref<128xi32, #tpu.memory_space<vmem>>, vector<16xi32>,
            tpu.vector_store %arg12[%swap3A_1248], %get3A_1247 {strides = array<i32>} : memref<128xi32, #tpu.memory_space<vmem>>, vector<16xi32>,
            %mul3A_1250 = arith.constant 128 : i32
            %mul3A_1251 = arith.muli %add3A_1126, %mul3A_1250 : i32
            %add3A_1252 = arith.constant 80 : i32
            %add3A_1253 = arith.addi %mul3A_1251, %add3A_1252 : i32
            %get3A_1254 = arith.index_cast %add3A_1253 : i32 to index
            %get3A_1255 = tpu.vector_load %arg11[%get3A_1254] {strides = array<i32>} : memref<2176xi32, #tpu.memory_space<vmem>>, vector<16xi32>,
            %swap3A_1256 = arith.constant 80 : index
            %swap3A_1257 = tpu.vector_load %arg13[%swap3A_1256] {strides = array<i32>} : memref<128xi32, #tpu.memory_space<vmem>>, vector<16xi32>,
            tpu.vector_store %arg13[%swap3A_1256], %get3A_1255 {strides = array<i32>} : memref<128xi32, #tpu.memory_space<vmem>>, vector<16xi32>,
            %mul3A_1258 = arith.constant 128 : i32
            %mul3A_1259 = arith.muli %add3A_1126, %mul3A_1258 : i32
            %add3A_1260 = arith.constant 96 : i32
            %add3A_1261 = arith.addi %mul3A_1259, %add3A_1260 : i32
            %get3A_1262 = arith.index_cast %add3A_1261 : i32 to index
            %get3A_1263 = tpu.vector_load %arg10[%get3A_1262] {strides = array<i32>} : memref<2176xi32, #tpu.memory_space<vmem>>, vector<16xi32>,
            %swap3A_1264 = arith.constant 96 : index
            %swap3A_1265 = tpu.vector_load %arg12[%swap3A_1264] {strides = array<i32>} : memref<128xi32, #tpu.memory_space<vmem>>, vector<16xi32>,
            tpu.vector_store %arg12[%swap3A_1264], %get3A_1263 {strides = array<i32>} : memref<128xi32, #tpu.memory_space<vmem>>, vector<16xi32>,
            %mul3A_1266 = arith.constant 128 : i32
            %mul3A_1267 = arith.muli %add3A_1126, %mul3A_1266 : i32
            %add3A_1268 = arith.constant 96 : i32
            %add3A_1269 = arith.addi %mul3A_1267, %add3A_1268 : i32
            %get3A_1270 = arith.index_cast %add3A_1269 : i32 to index
            %get3A_1271 = tpu.vector_load %arg11[%get3A_1270] {strides = array<i32>} : memref<2176xi32, #tpu.memory_space<vmem>>, vector<16xi32>,
            %swap3A_1272 = arith.constant 96 : index
            %swap3A_1273 = tpu.vector_load %arg13[%swap3A_1272] {strides = array<i32>} : memref<128xi32, #tpu.memory_space<vmem>>, vector<16xi32>,
            tpu.vector_store %arg13[%swap3A_1272], %get3A_1271 {strides = array<i32>} : memref<128xi32, #tpu.memory_space<vmem>>, vector<16xi32>,
            %mul3A_1274 = arith.constant 128 : i32
            %mul3A_1275 = arith.muli %add3A_1126, %mul3A_1274 : i32
            %add3A_1276 = arith.constant 112 : i32
            %add3A_1277 = arith.addi %mul3A_1275, %add3A_1276 : i32
            %get3A_1278 = arith.index_cast %add3A_1277 : i32 to index
            %get3A_1279 = tpu.vector_load %arg10[%get3A_1278] {strides = array<i32>} : memref<2176xi32, #tpu.memory_space<vmem>>, vector<16xi32>,
            %swap3A_1280 = arith.constant 112 : index
            %swap3A_1281 = tpu.vector_load %arg12[%swap3A_1280] {strides = array<i32>} : memref<128xi32, #tpu.memory_space<vmem>>, vector<16xi32>,
            tpu.vector_store %arg12[%swap3A_1280], %get3A_1279 {strides = array<i32>} : memref<128xi32, #tpu.memory_space<vmem>>, vector<16xi32>,
            %mul3A_1282 = arith.constant 128 : i32
            %mul3A_1283 = arith.muli %add3A_1126, %mul3A_1282 : i32
            %add3A_1284 = arith.constant 112 : i32
            %add3A_1285 = arith.addi %mul3A_1283, %add3A_1284 : i32
            %get3A_1286 = arith.index_cast %add3A_1285 : i32 to index
            %get3A_1287 = tpu.vector_load %arg11[%get3A_1286] {strides = array<i32>} : memref<2176xi32, #tpu.memory_space<vmem>>, vector<16xi32>,
            %swap3A_1288 = arith.constant 112 : index
            %swap3A_1289 = tpu.vector_load %arg13[%swap3A_1288] {strides = array<i32>} : memref<128xi32, #tpu.memory_space<vmem>>, vector<16xi32>,
            tpu.vector_store %arg13[%swap3A_1288], %get3A_1287 {strides = array<i32>} : memref<128xi32, #tpu.memory_space<vmem>>, vector<16xi32>,
            %dma_start3A_1290 = arith.constant 0 : i32
            %dma_start3A_1291 = arith.constant 0 : i32
            %dma_start3A_1292 = tpu.memref_slice %arg4[%dma_start3A_1290, %dma_start3A_1291] : memref<51200x288xbf16, #tpu.memory_space<hbm>> -> memref<51200x288xbf16, #tpu.memory_space<hbm>>
            tpu.enqueue_indirect_dma source(%dma_start3A_1292 : memref<51200x288xbf16, #tpu.memory_space<hbm>>) target(%arg16 : memref<128x288xbf16, #tpu.memory_space<vmem>>) offsets(%arg12 : memref<128xi32, #tpu.memory_space<vmem>>) semaphore(%arg22 : memref<!tpu.dma_semaphore, #tpu.memory_space<semaphore_mem>>)
          } else {
          }
          %mul3A_1130 = arith.constant 2 : i32
          %mul3A_1131 = arith.muli %mul3A_1130, %while3A_1121 : i32
          %add3A_1132 = arith.constant 1 : i32
          %add3A_1133 = arith.addi %mul3A_1131, %add3A_1132 : i32
          %lt3A_1134 = arith.cmpi slt, %add3A_1133, %select_n3A_973 : i32
          %convert_element_type3A_1135 = arith.extui %lt3A_1134 : i1 to i32
          %cond3A_1136 = arith.constant 0 : i32
          %cond3A_1137 = arith.cmpi ne, %convert_element_type3A_1135, %cond3A_1136 : i32
          scf.if %cond3A_1137 {
            %gt3A_1155 = arith.constant 0 : i32
            %gt3A_1156 = arith.cmpi sgt, %while3A_1121, %gt3A_1155 : i32
            %gt3A_1157 = arith.constant 0 : i32
            %gt3A_1158 = arith.cmpi sgt, %select_n3A_914, %gt3A_1157 : i32
            %or3A = arith.ori %gt3A_1156, %gt3A_1158 : i1
            %convert_element_type3A_1159 = arith.extui %or3A : i1 to i32
            %cond3A_1160 = arith.constant 0 : i32
            %cond3A_1161 = arith.cmpi ne, %convert_element_type3A_1159, %cond3A_1160 : i32
            scf.if %cond3A_1161 {
              %dma_wait3A_1293 = arith.constant 0 : i32
              %dma_wait3A_1294 = arith.constant 0 : i32
              %dma_wait3A_1295 = tpu.memref_slice %arg19[%dma_wait3A_1293, %dma_wait3A_1294] : memref<5120x288xbf16, #tpu.memory_space<vmem_shared>> -> memref<5120x288xbf16, #tpu.memory_space<vmem_shared>>
              tpu.wait_indirect_dma semaphore(%arg25 : memref<!tpu.dma_semaphore, #tpu.memory_space<semaphore_mem>>) src(%arg17 : memref<128x288xbf16, #tpu.memory_space<vmem>>) dst(%dma_wait3A_1295 : memref<5120x288xbf16, #tpu.memory_space<vmem_shared>>)
            } else {
            }
            %mul3A_1162 = arith.constant 128 : i32
            %mul3A_1163 = arith.muli %add3A_1133, %mul3A_1162 : i32
            %add3A_1164 = arith.constant 0 : i32
            %add3A_1165 = arith.addi %mul3A_1163, %add3A_1164 : i32
            %get3A_1166 = arith.index_cast %add3A_1165 : i32 to index
            %get3A_1167 = tpu.vector_load %arg10[%get3A_1166] {strides = array<i32>} : memref<2176xi32, #tpu.memory_space<vmem>>, vector<16xi32>,
            %swap3A_1168 = arith.constant 0 : index
            %swap3A_1169 = tpu.vector_load %arg14[%swap3A_1168] {strides = array<i32>} : memref<128xi32, #tpu.memory_space<vmem>>, vector<16xi32>,
            tpu.vector_store %arg14[%swap3A_1168], %get3A_1167 {strides = array<i32>} : memref<128xi32, #tpu.memory_space<vmem>>, vector<16xi32>,
            %mul3A_1170 = arith.constant 128 : i32
            %mul3A_1171 = arith.muli %add3A_1133, %mul3A_1170 : i32
            %add3A_1172 = arith.constant 0 : i32
            %add3A_1173 = arith.addi %mul3A_1171, %add3A_1172 : i32
            %get3A_1174 = arith.index_cast %add3A_1173 : i32 to index
            %get3A_1175 = tpu.vector_load %arg11[%get3A_1174] {strides = array<i32>} : memref<2176xi32, #tpu.memory_space<vmem>>, vector<16xi32>,
            %swap3A_1176 = arith.constant 0 : index
            %swap3A_1177 = tpu.vector_load %arg15[%swap3A_1176] {strides = array<i32>} : memref<128xi32, #tpu.memory_space<vmem>>, vector<16xi32>,
            tpu.vector_store %arg15[%swap3A_1176], %get3A_1175 {strides = array<i32>} : memref<128xi32, #tpu.memory_space<vmem>>, vector<16xi32>,
            %mul3A_1178 = arith.constant 128 : i32
            %mul3A_1179 = arith.muli %add3A_1133, %mul3A_1178 : i32
            %add3A_1180 = arith.constant 16 : i32
            %add3A_1181 = arith.addi %mul3A_1179, %add3A_1180 : i32
            %get3A_1182 = arith.index_cast %add3A_1181 : i32 to index
            %get3A_1183 = tpu.vector_load %arg10[%get3A_1182] {strides = array<i32>} : memref<2176xi32, #tpu.memory_space<vmem>>, vector<16xi32>,
            %swap3A_1184 = arith.constant 16 : index
            %swap3A_1185 = tpu.vector_load %arg14[%swap3A_1184] {strides = array<i32>} : memref<128xi32, #tpu.memory_space<vmem>>, vector<16xi32>,
            tpu.vector_store %arg14[%swap3A_1184], %get3A_1183 {strides = array<i32>} : memref<128xi32, #tpu.memory_space<vmem>>, vector<16xi32>,
            %mul3A_1186 = arith.constant 128 : i32
            %mul3A_1187 = arith.muli %add3A_1133, %mul3A_1186 : i32
            %add3A_1188 = arith.constant 16 : i32
            %add3A_1189 = arith.addi %mul3A_1187, %add3A_1188 : i32
            %get3A_1190 = arith.index_cast %add3A_1189 : i32 to index
            %get3A_1191 = tpu.vector_load %arg11[%get3A_1190] {strides = array<i32>} : memref<2176xi32, #tpu.memory_space<vmem>>, vector<16xi32>,
            %swap3A_1192 = arith.constant 16 : index
            %swap3A_1193 = tpu.vector_load %arg15[%swap3A_1192] {strides = array<i32>} : memref<128xi32, #tpu.memory_space<vmem>>, vector<16xi32>,
            tpu.vector_store %arg15[%swap3A_1192], %get3A_1191 {strides = array<i32>} : memref<128xi32, #tpu.memory_space<vmem>>, vector<16xi32>,
            %mul3A_1194 = arith.constant 128 : i32
            %mul3A_1195 = arith.muli %add3A_1133, %mul3A_1194 : i32
            %add3A_1196 = arith.constant 32 : i32
            %add3A_1197 = arith.addi %mul3A_1195, %add3A_1196 : i32
            %get3A_1198 = arith.index_cast %add3A_1197 : i32 to index
            %get3A_1199 = tpu.vector_load %arg10[%get3A_1198] {strides = array<i32>} : memref<2176xi32, #tpu.memory_space<vmem>>, vector<16xi32>,
            %swap3A_1200 = arith.constant 32 : index
            %swap3A_1201 = tpu.vector_load %arg14[%swap3A_1200] {strides = array<i32>} : memref<128xi32, #tpu.memory_space<vmem>>, vector<16xi32>,
            tpu.vector_store %arg14[%swap3A_1200], %get3A_1199 {strides = array<i32>} : memref<128xi32, #tpu.memory_space<vmem>>, vector<16xi32>,
            %mul3A_1202 = arith.constant 128 : i32
            %mul3A_1203 = arith.muli %add3A_1133, %mul3A_1202 : i32
            %add3A_1204 = arith.constant 32 : i32
            %add3A_1205 = arith.addi %mul3A_1203, %add3A_1204 : i32
            %get3A_1206 = arith.index_cast %add3A_1205 : i32 to index
            %get3A_1207 = tpu.vector_load %arg11[%get3A_1206] {strides = array<i32>} : memref<2176xi32, #tpu.memory_space<vmem>>, vector<16xi32>,
            %swap3A_1208 = arith.constant 32 : index
            %swap3A_1209 = tpu.vector_load %arg15[%swap3A_1208] {strides = array<i32>} : memref<128xi32, #tpu.memory_space<vmem>>, vector<16xi32>,
            tpu.vector_store %arg15[%swap3A_1208], %get3A_1207 {strides = array<i32>} : memref<128xi32, #tpu.memory_space<vmem>>, vector<16xi32>,
            %mul3A_1210 = arith.constant 128 : i32
            %mul3A_1211 = arith.muli %add3A_1133, %mul3A_1210 : i32
            %add3A_1212 = arith.constant 48 : i32
            %add3A_1213 = arith.addi %mul3A_1211, %add3A_1212 : i32
            %get3A_1214 = arith.index_cast %add3A_1213 : i32 to index
            %get3A_1215 = tpu.vector_load %arg10[%get3A_1214] {strides = array<i32>} : memref<2176xi32, #tpu.memory_space<vmem>>, vector<16xi32>,
            %swap3A_1216 = arith.constant 48 : index
            %swap3A_1217 = tpu.vector_load %arg14[%swap3A_1216] {strides = array<i32>} : memref<128xi32, #tpu.memory_space<vmem>>, vector<16xi32>,
            tpu.vector_store %arg14[%swap3A_1216], %get3A_1215 {strides = array<i32>} : memref<128xi32, #tpu.memory_space<vmem>>, vector<16xi32>,
            %mul3A_1218 = arith.constant 128 : i32
            %mul3A_1219 = arith.muli %add3A_1133, %mul3A_1218 : i32
            %add3A_1220 = arith.constant 48 : i32
            %add3A_1221 = arith.addi %mul3A_1219, %add3A_1220 : i32
            %get3A_1222 = arith.index_cast %add3A_1221 : i32 to index
            %get3A_1223 = tpu.vector_load %arg11[%get3A_1222] {strides = array<i32>} : memref<2176xi32, #tpu.memory_space<vmem>>, vector<16xi32>,
            %swap3A_1224 = arith.constant 48 : index
            %swap3A_1225 = tpu.vector_load %arg15[%swap3A_1224] {strides = array<i32>} : memref<128xi32, #tpu.memory_space<vmem>>, vector<16xi32>,
            tpu.vector_store %arg15[%swap3A_1224], %get3A_1223 {strides = array<i32>} : memref<128xi32, #tpu.memory_space<vmem>>, vector<16xi32>,
            %mul3A_1226 = arith.constant 128 : i32
            %mul3A_1227 = arith.muli %add3A_1133, %mul3A_1226 : i32
            %add3A_1228 = arith.constant 64 : i32
            %add3A_1229 = arith.addi %mul3A_1227, %add3A_1228 : i32
            %get3A_1230 = arith.index_cast %add3A_1229 : i32 to index
            %get3A_1231 = tpu.vector_load %arg10[%get3A_1230] {strides = array<i32>} : memref<2176xi32, #tpu.memory_space<vmem>>, vector<16xi32>,
            %swap3A_1232 = arith.constant 64 : index
            %swap3A_1233 = tpu.vector_load %arg14[%swap3A_1232] {strides = array<i32>} : memref<128xi32, #tpu.memory_space<vmem>>, vector<16xi32>,
            tpu.vector_store %arg14[%swap3A_1232], %get3A_1231 {strides = array<i32>} : memref<128xi32, #tpu.memory_space<vmem>>, vector<16xi32>,
            %mul3A_1234 = arith.constant 128 : i32
            %mul3A_1235 = arith.muli %add3A_1133, %mul3A_1234 : i32
            %add3A_1236 = arith.constant 64 : i32
            %add3A_1237 = arith.addi %mul3A_1235, %add3A_1236 : i32
            %get3A_1238 = arith.index_cast %add3A_1237 : i32 to index
            %get3A_1239 = tpu.vector_load %arg11[%get3A_1238] {strides = array<i32>} : memref<2176xi32, #tpu.memory_space<vmem>>, vector<16xi32>,
            %swap3A_1240 = arith.constant 64 : index
            %swap3A_1241 = tpu.vector_load %arg15[%swap3A_1240] {strides = array<i32>} : memref<128xi32, #tpu.memory_space<vmem>>, vector<16xi32>,
            tpu.vector_store %arg15[%swap3A_1240], %get3A_1239 {strides = array<i32>} : memref<128xi32, #tpu.memory_space<vmem>>, vector<16xi32>,
            %mul3A_1242 = arith.constant 128 : i32
            %mul3A_1243 = arith.muli %add3A_1133, %mul3A_1242 : i32
            %add3A_1244 = arith.constant 80 : i32
            %add3A_1245 = arith.addi %mul3A_1243, %add3A_1244 : i32
            %get3A_1246 = arith.index_cast %add3A_1245 : i32 to index
            %get3A_1247 = tpu.vector_load %arg10[%get3A_1246] {strides = array<i32>} : memref<2176xi32, #tpu.memory_space<vmem>>, vector<16xi32>,
            %swap3A_1248 = arith.constant 80 : index
            %swap3A_1249 = tpu.vector_load %arg14[%swap3A_1248] {strides = array<i32>} : memref<128xi32, #tpu.memory_space<vmem>>, vector<16xi32>,
            tpu.vector_store %arg14[%swap3A_1248], %get3A_1247 {strides = array<i32>} : memref<128xi32, #tpu.memory_space<vmem>>, vector<16xi32>,
            %mul3A_1250 = arith.constant 128 : i32
            %mul3A_1251 = arith.muli %add3A_1133, %mul3A_1250 : i32
            %add3A_1252 = arith.constant 80 : i32
            %add3A_1253 = arith.addi %mul3A_1251, %add3A_1252 : i32
            %get3A_1254 = arith.index_cast %add3A_1253 : i32 to index
            %get3A_1255 = tpu.vector_load %arg11[%get3A_1254] {strides = array<i32>} : memref<2176xi32, #tpu.memory_space<vmem>>, vector<16xi32>,
            %swap3A_1256 = arith.constant 80 : index
            %swap3A_1257 = tpu.vector_load %arg15[%swap3A_1256] {strides = array<i32>} : memref<128xi32, #tpu.memory_space<vmem>>, vector<16xi32>,
            tpu.vector_store %arg15[%swap3A_1256], %get3A_1255 {strides = array<i32>} : memref<128xi32, #tpu.memory_space<vmem>>, vector<16xi32>,
            %mul3A_1258 = arith.constant 128 : i32
            %mul3A_1259 = arith.muli %add3A_1133, %mul3A_1258 : i32
            %add3A_1260 = arith.constant 96 : i32
            %add3A_1261 = arith.addi %mul3A_1259, %add3A_1260 : i32
            %get3A_1262 = arith.index_cast %add3A_1261 : i32 to index
            %get3A_1263 = tpu.vector_load %arg10[%get3A_1262] {strides = array<i32>} : memref<2176xi32, #tpu.memory_space<vmem>>, vector<16xi32>,
            %swap3A_1264 = arith.constant 96 : index
            %swap3A_1265 = tpu.vector_load %arg14[%swap3A_1264] {strides = array<i32>} : memref<128xi32, #tpu.memory_space<vmem>>, vector<16xi32>,
            tpu.vector_store %arg14[%swap3A_1264], %get3A_1263 {strides = array<i32>} : memref<128xi32, #tpu.memory_space<vmem>>, vector<16xi32>,
            %mul3A_1266 = arith.constant 128 : i32
            %mul3A_1267 = arith.muli %add3A_1133, %mul3A_1266 : i32
            %add3A_1268 = arith.constant 96 : i32
            %add3A_1269 = arith.addi %mul3A_1267, %add3A_1268 : i32
            %get3A_1270 = arith.index_cast %add3A_1269 : i32 to index
            %get3A_1271 = tpu.vector_load %arg11[%get3A_1270] {strides = array<i32>} : memref<2176xi32, #tpu.memory_space<vmem>>, vector<16xi32>,
            %swap3A_1272 = arith.constant 96 : index
            %swap3A_1273 = tpu.vector_load %arg15[%swap3A_1272] {strides = array<i32>} : memref<128xi32, #tpu.memory_space<vmem>>, vector<16xi32>,
            tpu.vector_store %arg15[%swap3A_1272], %get3A_1271 {strides = array<i32>} : memref<128xi32, #tpu.memory_space<vmem>>, vector<16xi32>,
            %mul3A_1274 = arith.constant 128 : i32
            %mul3A_1275 = arith.muli %add3A_1133, %mul3A_1274 : i32
            %add3A_1276 = arith.constant 112 : i32
            %add3A_1277 = arith.addi %mul3A_1275, %add3A_1276 : i32
            %get3A_1278 = arith.index_cast %add3A_1277 : i32 to index
            %get3A_1279 = tpu.vector_load %arg10[%get3A_1278] {strides = array<i32>} : memref<2176xi32, #tpu.memory_space<vmem>>, vector<16xi32>,
            %swap3A_1280 = arith.constant 112 : index
            %swap3A_1281 = tpu.vector_load %arg14[%swap3A_1280] {strides = array<i32>} : memref<128xi32, #tpu.memory_space<vmem>>, vector<16xi32>,
            tpu.vector_store %arg14[%swap3A_1280], %get3A_1279 {strides = array<i32>} : memref<128xi32, #tpu.memory_space<vmem>>, vector<16xi32>,
            %mul3A_1282 = arith.constant 128 : i32
            %mul3A_1283 = arith.muli %add3A_1133, %mul3A_1282 : i32
            %add3A_1284 = arith.constant 112 : i32
            %add3A_1285 = arith.addi %mul3A_1283, %add3A_1284 : i32
            %get3A_1286 = arith.index_cast %add3A_1285 : i32 to index
            %get3A_1287 = tpu.vector_load %arg11[%get3A_1286] {strides = array<i32>} : memref<2176xi32, #tpu.memory_space<vmem>>, vector<16xi32>,
            %swap3A_1288 = arith.constant 112 : index
            %swap3A_1289 = tpu.vector_load %arg15[%swap3A_1288] {strides = array<i32>} : memref<128xi32, #tpu.memory_space<vmem>>, vector<16xi32>,
            tpu.vector_store %arg15[%swap3A_1288], %get3A_1287 {strides = array<i32>} : memref<128xi32, #tpu.memory_space<vmem>>, vector<16xi32>,
            %dma_start3A_1290 = arith.constant 0 : i32
            %dma_start3A_1291 = arith.constant 0 : i32
            %dma_start3A_1292 = tpu.memref_slice %arg4[%dma_start3A_1290, %dma_start3A_1291] : memref<51200x288xbf16, #tpu.memory_space<hbm>> -> memref<51200x288xbf16, #tpu.memory_space<hbm>>
            tpu.enqueue_indirect_dma source(%dma_start3A_1292 : memref<51200x288xbf16, #tpu.memory_space<hbm>>) target(%arg17 : memref<128x288xbf16, #tpu.memory_space<vmem>>) offsets(%arg14 : memref<128xi32, #tpu.memory_space<vmem>>) semaphore(%arg23 : memref<!tpu.dma_semaphore, #tpu.memory_space<semaphore_mem>>)
          } else {
          }
          %mul3A_1138 = arith.constant 2 : i32
          %mul3A_1139 = arith.muli %mul3A_1138, %while3A_1121 : i32
          %add3A_1140 = arith.constant 0 : i32
          %add3A_1141 = arith.addi %mul3A_1139, %add3A_1140 : i32
          %lt3A_1142 = arith.cmpi slt, %add3A_1141, %select_n3A_973 : i32
          %convert_element_type3A_1143 = arith.extui %lt3A_1142 : i1 to i32
          %cond3A_1144 = arith.constant 0 : i32
          %cond3A_1145 = arith.cmpi ne, %convert_element_type3A_1143, %cond3A_1144 : i32
          scf.if %cond3A_1145 {
            %dma_wait3A_1155 = arith.constant 0 : i32
            %dma_wait3A_1156 = arith.constant 0 : i32
            %dma_wait3A_1157 = tpu.memref_slice %arg4[%dma_wait3A_1155, %dma_wait3A_1156] : memref<51200x288xbf16, #tpu.memory_space<hbm>> -> memref<51200x288xbf16, #tpu.memory_space<hbm>>
            tpu.wait_indirect_dma semaphore(%arg22 : memref<!tpu.dma_semaphore, #tpu.memory_space<semaphore_mem>>) src(%dma_wait3A_1157 : memref<51200x288xbf16, #tpu.memory_space<hbm>>) dst(%arg16 : memref<128x288xbf16, #tpu.memory_space<vmem>>)
            %dma_start3A_1158 = arith.constant 0 : i32
            %dma_start3A_1159 = arith.constant 0 : i32
            %dma_start3A_1160 = tpu.memref_slice %arg19[%dma_start3A_1158, %dma_start3A_1159] : memref<5120x288xbf16, #tpu.memory_space<vmem_shared>> -> memref<5120x288xbf16, #tpu.memory_space<vmem_shared>>
            tpu.enqueue_indirect_dma source(%arg16 : memref<128x288xbf16, #tpu.memory_space<vmem>>) target(%dma_start3A_1160 : memref<5120x288xbf16, #tpu.memory_space<vmem_shared>>) offsets(%arg13 : memref<128xi32, #tpu.memory_space<vmem>>) semaphore(%arg24 : memref<!tpu.dma_semaphore, #tpu.memory_space<semaphore_mem>>) {add = true}
          } else {
          }
          %mul3A_1146 = arith.constant 2 : i32
          %mul3A_1147 = arith.muli %mul3A_1146, %while3A_1121 : i32
          %add3A_1148 = arith.constant 1 : i32
          %add3A_1149 = arith.addi %mul3A_1147, %add3A_1148 : i32
          %lt3A_1150 = arith.cmpi slt, %add3A_1149, %select_n3A_973 : i32
          %convert_element_type3A_1151 = arith.extui %lt3A_1150 : i1 to i32
          %cond3A_1152 = arith.constant 0 : i32
          %cond3A_1153 = arith.cmpi ne, %convert_element_type3A_1151, %cond3A_1152 : i32
          scf.if %cond3A_1153 {
            %dma_wait3A_1155 = arith.constant 0 : i32
            %dma_wait3A_1156 = arith.constant 0 : i32
            %dma_wait3A_1157 = tpu.memref_slice %arg4[%dma_wait3A_1155, %dma_wait3A_1156] : memref<51200x288xbf16, #tpu.memory_space<hbm>> -> memref<51200x288xbf16, #tpu.memory_space<hbm>>
            tpu.wait_indirect_dma semaphore(%arg23 : memref<!tpu.dma_semaphore, #tpu.memory_space<semaphore_mem>>) src(%dma_wait3A_1157 : memref<51200x288xbf16, #tpu.memory_space<hbm>>) dst(%arg17 : memref<128x288xbf16, #tpu.memory_space<vmem>>)
            %dma_start3A_1158 = arith.constant 0 : i32
            %dma_start3A_1159 = arith.constant 0 : i32
            %dma_start3A_1160 = tpu.memref_slice %arg19[%dma_start3A_1158, %dma_start3A_1159] : memref<5120x288xbf16, #tpu.memory_space<vmem_shared>> -> memref<5120x288xbf16, #tpu.memory_space<vmem_shared>>
            tpu.enqueue_indirect_dma source(%arg17 : memref<128x288xbf16, #tpu.memory_space<vmem>>) target(%dma_start3A_1160 : memref<5120x288xbf16, #tpu.memory_space<vmem_shared>>) offsets(%arg15 : memref<128xi32, #tpu.memory_space<vmem>>) semaphore(%arg25 : memref<!tpu.dma_semaphore, #tpu.memory_space<semaphore_mem>>) {add = true}
          } else {
          }
          %while3A_1154 = arith.constant 0 : i32
          scf.yield %while3A_1154 : i32
        }
        %while3A_1012 = arith.constant 1 : i32
        %while3A_1013 = scf.for %while3A_1121 = %while3A_1009 to %while3A_1005 step %while3A_1012 iter_args(%while3A_1122 = %while3A_1011) -> (i32)  : i32 {
          %mul3A_1123 = arith.constant 2 : i32
          %mul3A_1124 = arith.muli %mul3A_1123, %while3A_1121 : i32
          %add3A_1125 = arith.constant 0 : i32
          %add3A_1126 = arith.addi %mul3A_1124, %add3A_1125 : i32
          %lt3A = arith.cmpi slt, %add3A_1126, %select_n3A_973 : i32
          %convert_element_type3A_1127 = arith.extui %lt3A : i1 to i32
          %cond3A_1128 = arith.constant 0 : i32
          %cond3A_1129 = arith.cmpi ne, %convert_element_type3A_1127, %cond3A_1128 : i32
          scf.if %cond3A_1129 {
            %gt3A_1155 = arith.constant 0 : i32
            %gt3A_1156 = arith.cmpi sgt, %while3A_1121, %gt3A_1155 : i32
            %gt3A_1157 = arith.constant 0 : i32
            %gt3A_1158 = arith.cmpi sgt, %select_n3A_910, %gt3A_1157 : i32
            %or3A = arith.ori %gt3A_1156, %gt3A_1158 : i1
            %convert_element_type3A_1159 = arith.extui %or3A : i1 to i32
            %cond3A_1160 = arith.constant 0 : i32
            %cond3A_1161 = arith.cmpi ne, %convert_element_type3A_1159, %cond3A_1160 : i32
            scf.if %cond3A_1161 {
              %dma_wait3A_1293 = arith.constant 0 : i32
              %dma_wait3A_1294 = arith.constant 0 : i32
              %dma_wait3A_1295 = tpu.memref_slice %arg19[%dma_wait3A_1293, %dma_wait3A_1294] : memref<5120x288xbf16, #tpu.memory_space<vmem_shared>> -> memref<5120x288xbf16, #tpu.memory_space<vmem_shared>>
              tpu.wait_indirect_dma semaphore(%arg24 : memref<!tpu.dma_semaphore, #tpu.memory_space<semaphore_mem>>) src(%arg16 : memref<128x288xbf16, #tpu.memory_space<vmem>>) dst(%dma_wait3A_1295 : memref<5120x288xbf16, #tpu.memory_space<vmem_shared>>)
            } else {
            }
            %mul3A_1162 = arith.constant 128 : i32
            %mul3A_1163 = arith.muli %add3A_1126, %mul3A_1162 : i32
            %add3A_1164 = arith.constant 0 : i32
            %add3A_1165 = arith.addi %mul3A_1163, %add3A_1164 : i32
            %get3A_1166 = arith.index_cast %add3A_1165 : i32 to index
            %get3A_1167 = tpu.vector_load %arg10[%get3A_1166] {strides = array<i32>} : memref<2176xi32, #tpu.memory_space<vmem>>, vector<16xi32>,
            %swap3A_1168 = arith.constant 0 : index
            %swap3A_1169 = tpu.vector_load %arg12[%swap3A_1168] {strides = array<i32>} : memref<128xi32, #tpu.memory_space<vmem>>, vector<16xi32>,
            tpu.vector_store %arg12[%swap3A_1168], %get3A_1167 {strides = array<i32>} : memref<128xi32, #tpu.memory_space<vmem>>, vector<16xi32>,
            %mul3A_1170 = arith.constant 128 : i32
            %mul3A_1171 = arith.muli %add3A_1126, %mul3A_1170 : i32
            %add3A_1172 = arith.constant 0 : i32
            %add3A_1173 = arith.addi %mul3A_1171, %add3A_1172 : i32
            %get3A_1174 = arith.index_cast %add3A_1173 : i32 to index
            %get3A_1175 = tpu.vector_load %arg11[%get3A_1174] {strides = array<i32>} : memref<2176xi32, #tpu.memory_space<vmem>>, vector<16xi32>,
            %swap3A_1176 = arith.constant 0 : index
            %swap3A_1177 = tpu.vector_load %arg13[%swap3A_1176] {strides = array<i32>} : memref<128xi32, #tpu.memory_space<vmem>>, vector<16xi32>,
            tpu.vector_store %arg13[%swap3A_1176], %get3A_1175 {strides = array<i32>} : memref<128xi32, #tpu.memory_space<vmem>>, vector<16xi32>,
            %mul3A_1178 = arith.constant 128 : i32
            %mul3A_1179 = arith.muli %add3A_1126, %mul3A_1178 : i32
            %add3A_1180 = arith.constant 16 : i32
            %add3A_1181 = arith.addi %mul3A_1179, %add3A_1180 : i32
            %get3A_1182 = arith.index_cast %add3A_1181 : i32 to index
            %get3A_1183 = tpu.vector_load %arg10[%get3A_1182] {strides = array<i32>} : memref<2176xi32, #tpu.memory_space<vmem>>, vector<16xi32>,
            %swap3A_1184 = arith.constant 16 : index
            %swap3A_1185 = tpu.vector_load %arg12[%swap3A_1184] {strides = array<i32>} : memref<128xi32, #tpu.memory_space<vmem>>, vector<16xi32>,
            tpu.vector_store %arg12[%swap3A_1184], %get3A_1183 {strides = array<i32>} : memref<128xi32, #tpu.memory_space<vmem>>, vector<16xi32>,
            %mul3A_1186 = arith.constant 128 : i32
            %mul3A_1187 = arith.muli %add3A_1126, %mul3A_1186 : i32
            %add3A_1188 = arith.constant 16 : i32
            %add3A_1189 = arith.addi %mul3A_1187, %add3A_1188 : i32
            %get3A_1190 = arith.index_cast %add3A_1189 : i32 to index
            %get3A_1191 = tpu.vector_load %arg11[%get3A_1190] {strides = array<i32>} : memref<2176xi32, #tpu.memory_space<vmem>>, vector<16xi32>,
            %swap3A_1192 = arith.constant 16 : index
            %swap3A_1193 = tpu.vector_load %arg13[%swap3A_1192] {strides = array<i32>} : memref<128xi32, #tpu.memory_space<vmem>>, vector<16xi32>,
            tpu.vector_store %arg13[%swap3A_1192], %get3A_1191 {strides = array<i32>} : memref<128xi32, #tpu.memory_space<vmem>>, vector<16xi32>,
            %mul3A_1194 = arith.constant 128 : i32
            %mul3A_1195 = arith.muli %add3A_1126, %mul3A_1194 : i32
            %add3A_1196 = arith.constant 32 : i32
            %add3A_1197 = arith.addi %mul3A_1195, %add3A_1196 : i32
            %get3A_1198 = arith.index_cast %add3A_1197 : i32 to index
            %get3A_1199 = tpu.vector_load %arg10[%get3A_1198] {strides = array<i32>} : memref<2176xi32, #tpu.memory_space<vmem>>, vector<16xi32>,
            %swap3A_1200 = arith.constant 32 : index
            %swap3A_1201 = tpu.vector_load %arg12[%swap3A_1200] {strides = array<i32>} : memref<128xi32, #tpu.memory_space<vmem>>, vector<16xi32>,
            tpu.vector_store %arg12[%swap3A_1200], %get3A_1199 {strides = array<i32>} : memref<128xi32, #tpu.memory_space<vmem>>, vector<16xi32>,
            %mul3A_1202 = arith.constant 128 : i32
            %mul3A_1203 = arith.muli %add3A_1126, %mul3A_1202 : i32
            %add3A_1204 = arith.constant 32 : i32
            %add3A_1205 = arith.addi %mul3A_1203, %add3A_1204 : i32
            %get3A_1206 = arith.index_cast %add3A_1205 : i32 to index
            %get3A_1207 = tpu.vector_load %arg11[%get3A_1206] {strides = array<i32>} : memref<2176xi32, #tpu.memory_space<vmem>>, vector<16xi32>,
            %swap3A_1208 = arith.constant 32 : index
            %swap3A_1209 = tpu.vector_load %arg13[%swap3A_1208] {strides = array<i32>} : memref<128xi32, #tpu.memory_space<vmem>>, vector<16xi32>,
            tpu.vector_store %arg13[%swap3A_1208], %get3A_1207 {strides = array<i32>} : memref<128xi32, #tpu.memory_space<vmem>>, vector<16xi32>,
            %mul3A_1210 = arith.constant 128 : i32
            %mul3A_1211 = arith.muli %add3A_1126, %mul3A_1210 : i32
            %add3A_1212 = arith.constant 48 : i32
            %add3A_1213 = arith.addi %mul3A_1211, %add3A_1212 : i32
            %get3A_1214 = arith.index_cast %add3A_1213 : i32 to index
            %get3A_1215 = tpu.vector_load %arg10[%get3A_1214] {strides = array<i32>} : memref<2176xi32, #tpu.memory_space<vmem>>, vector<16xi32>,
            %swap3A_1216 = arith.constant 48 : index
            %swap3A_1217 = tpu.vector_load %arg12[%swap3A_1216] {strides = array<i32>} : memref<128xi32, #tpu.memory_space<vmem>>, vector<16xi32>,
            tpu.vector_store %arg12[%swap3A_1216], %get3A_1215 {strides = array<i32>} : memref<128xi32, #tpu.memory_space<vmem>>, vector<16xi32>,
            %mul3A_1218 = arith.constant 128 : i32
            %mul3A_1219 = arith.muli %add3A_1126, %mul3A_1218 : i32
            %add3A_1220 = arith.constant 48 : i32
            %add3A_1221 = arith.addi %mul3A_1219, %add3A_1220 : i32
            %get3A_1222 = arith.index_cast %add3A_1221 : i32 to index
            %get3A_1223 = tpu.vector_load %arg11[%get3A_1222] {strides = array<i32>} : memref<2176xi32, #tpu.memory_space<vmem>>, vector<16xi32>,
            %swap3A_1224 = arith.constant 48 : index
            %swap3A_1225 = tpu.vector_load %arg13[%swap3A_1224] {strides = array<i32>} : memref<128xi32, #tpu.memory_space<vmem>>, vector<16xi32>,
            tpu.vector_store %arg13[%swap3A_1224], %get3A_1223 {strides = array<i32>} : memref<128xi32, #tpu.memory_space<vmem>>, vector<16xi32>,
            %mul3A_1226 = arith.constant 128 : i32
            %mul3A_1227 = arith.muli %add3A_1126, %mul3A_1226 : i32
            %add3A_1228 = arith.constant 64 : i32
            %add3A_1229 = arith.addi %mul3A_1227, %add3A_1228 : i32
            %get3A_1230 = arith.index_cast %add3A_1229 : i32 to index
            %get3A_1231 = tpu.vector_load %arg10[%get3A_1230] {strides = array<i32>} : memref<2176xi32, #tpu.memory_space<vmem>>, vector<16xi32>,
            %swap3A_1232 = arith.constant 64 : index
            %swap3A_1233 = tpu.vector_load %arg12[%swap3A_1232] {strides = array<i32>} : memref<128xi32, #tpu.memory_space<vmem>>, vector<16xi32>,
            tpu.vector_store %arg12[%swap3A_1232], %get3A_1231 {strides = array<i32>} : memref<128xi32, #tpu.memory_space<vmem>>, vector<16xi32>,
            %mul3A_1234 = arith.constant 128 : i32
            %mul3A_1235 = arith.muli %add3A_1126, %mul3A_1234 : i32
            %add3A_1236 = arith.constant 64 : i32
            %add3A_1237 = arith.addi %mul3A_1235, %add3A_1236 : i32
            %get3A_1238 = arith.index_cast %add3A_1237 : i32 to index
            %get3A_1239 = tpu.vector_load %arg11[%get3A_1238] {strides = array<i32>} : memref<2176xi32, #tpu.memory_space<vmem>>, vector<16xi32>,
            %swap3A_1240 = arith.constant 64 : index
            %swap3A_1241 = tpu.vector_load %arg13[%swap3A_1240] {strides = array<i32>} : memref<128xi32, #tpu.memory_space<vmem>>, vector<16xi32>,
            tpu.vector_store %arg13[%swap3A_1240], %get3A_1239 {strides = array<i32>} : memref<128xi32, #tpu.memory_space<vmem>>, vector<16xi32>,
            %mul3A_1242 = arith.constant 128 : i32
            %mul3A_1243 = arith.muli %add3A_1126, %mul3A_1242 : i32
            %add3A_1244 = arith.constant 80 : i32
            %add3A_1245 = arith.addi %mul3A_1243, %add3A_1244 : i32
            %get3A_1246 = arith.index_cast %add3A_1245 : i32 to index
            %get3A_1247 = tpu.vector_load %arg10[%get3A_1246] {strides = array<i32>} : memref<2176xi32, #tpu.memory_space<vmem>>, vector<16xi32>,
            %swap3A_1248 = arith.constant 80 : index
            %swap3A_1249 = tpu.vector_load %arg12[%swap3A_1248] {strides = array<i32>} : memref<128xi32, #tpu.memory_space<vmem>>, vector<16xi32>,
            tpu.vector_store %arg12[%swap3A_1248], %get3A_1247 {strides = array<i32>} : memref<128xi32, #tpu.memory_space<vmem>>, vector<16xi32>,
            %mul3A_1250 = arith.constant 128 : i32
            %mul3A_1251 = arith.muli %add3A_1126, %mul3A_1250 : i32
            %add3A_1252 = arith.constant 80 : i32
            %add3A_1253 = arith.addi %mul3A_1251, %add3A_1252 : i32
            %get3A_1254 = arith.index_cast %add3A_1253 : i32 to index
            %get3A_1255 = tpu.vector_load %arg11[%get3A_1254] {strides = array<i32>} : memref<2176xi32, #tpu.memory_space<vmem>>, vector<16xi32>,
            %swap3A_1256 = arith.constant 80 : index
            %swap3A_1257 = tpu.vector_load %arg13[%swap3A_1256] {strides = array<i32>} : memref<128xi32, #tpu.memory_space<vmem>>, vector<16xi32>,
            tpu.vector_store %arg13[%swap3A_1256], %get3A_1255 {strides = array<i32>} : memref<128xi32, #tpu.memory_space<vmem>>, vector<16xi32>,
            %mul3A_1258 = arith.constant 128 : i32
            %mul3A_1259 = arith.muli %add3A_1126, %mul3A_1258 : i32
            %add3A_1260 = arith.constant 96 : i32
            %add3A_1261 = arith.addi %mul3A_1259, %add3A_1260 : i32
            %get3A_1262 = arith.index_cast %add3A_1261 : i32 to index
            %get3A_1263 = tpu.vector_load %arg10[%get3A_1262] {strides = array<i32>} : memref<2176xi32, #tpu.memory_space<vmem>>, vector<16xi32>,
            %swap3A_1264 = arith.constant 96 : index
            %swap3A_1265 = tpu.vector_load %arg12[%swap3A_1264] {strides = array<i32>} : memref<128xi32, #tpu.memory_space<vmem>>, vector<16xi32>,
            tpu.vector_store %arg12[%swap3A_1264], %get3A_1263 {strides = array<i32>} : memref<128xi32, #tpu.memory_space<vmem>>, vector<16xi32>,
            %mul3A_1266 = arith.constant 128 : i32
            %mul3A_1267 = arith.muli %add3A_1126, %mul3A_1266 : i32
            %add3A_1268 = arith.constant 96 : i32
            %add3A_1269 = arith.addi %mul3A_1267, %add3A_1268 : i32
            %get3A_1270 = arith.index_cast %add3A_1269 : i32 to index
            %get3A_1271 = tpu.vector_load %arg11[%get3A_1270] {strides = array<i32>} : memref<2176xi32, #tpu.memory_space<vmem>>, vector<16xi32>,
            %swap3A_1272 = arith.constant 96 : index
            %swap3A_1273 = tpu.vector_load %arg13[%swap3A_1272] {strides = array<i32>} : memref<128xi32, #tpu.memory_space<vmem>>, vector<16xi32>,
            tpu.vector_store %arg13[%swap3A_1272], %get3A_1271 {strides = array<i32>} : memref<128xi32, #tpu.memory_space<vmem>>, vector<16xi32>,
            %mul3A_1274 = arith.constant 128 : i32
            %mul3A_1275 = arith.muli %add3A_1126, %mul3A_1274 : i32
            %add3A_1276 = arith.constant 112 : i32
            %add3A_1277 = arith.addi %mul3A_1275, %add3A_1276 : i32
            %get3A_1278 = arith.index_cast %add3A_1277 : i32 to index
            %get3A_1279 = tpu.vector_load %arg10[%get3A_1278] {strides = array<i32>} : memref<2176xi32, #tpu.memory_space<vmem>>, vector<16xi32>,
            %swap3A_1280 = arith.constant 112 : index
            %swap3A_1281 = tpu.vector_load %arg12[%swap3A_1280] {strides = array<i32>} : memref<128xi32, #tpu.memory_space<vmem>>, vector<16xi32>,
            tpu.vector_store %arg12[%swap3A_1280], %get3A_1279 {strides = array<i32>} : memref<128xi32, #tpu.memory_space<vmem>>, vector<16xi32>,
            %mul3A_1282 = arith.constant 128 : i32
            %mul3A_1283 = arith.muli %add3A_1126, %mul3A_1282 : i32
            %add3A_1284 = arith.constant 112 : i32
            %add3A_1285 = arith.addi %mul3A_1283, %add3A_1284 : i32
            %get3A_1286 = arith.index_cast %add3A_1285 : i32 to index
            %get3A_1287 = tpu.vector_load %arg11[%get3A_1286] {strides = array<i32>} : memref<2176xi32, #tpu.memory_space<vmem>>, vector<16xi32>,
            %swap3A_1288 = arith.constant 112 : index
            %swap3A_1289 = tpu.vector_load %arg13[%swap3A_1288] {strides = array<i32>} : memref<128xi32, #tpu.memory_space<vmem>>, vector<16xi32>,
            tpu.vector_store %arg13[%swap3A_1288], %get3A_1287 {strides = array<i32>} : memref<128xi32, #tpu.memory_space<vmem>>, vector<16xi32>,
            %dma_start3A_1290 = arith.constant 0 : i32
            %dma_start3A_1291 = arith.constant 0 : i32
            %dma_start3A_1292 = tpu.memref_slice %arg4[%dma_start3A_1290, %dma_start3A_1291] : memref<51200x288xbf16, #tpu.memory_space<hbm>> -> memref<51200x288xbf16, #tpu.memory_space<hbm>>
            tpu.enqueue_indirect_dma source(%dma_start3A_1292 : memref<51200x288xbf16, #tpu.memory_space<hbm>>) target(%arg16 : memref<128x288xbf16, #tpu.memory_space<vmem>>) offsets(%arg12 : memref<128xi32, #tpu.memory_space<vmem>>) semaphore(%arg22 : memref<!tpu.dma_semaphore, #tpu.memory_space<semaphore_mem>>)
          } else {
          }
          %mul3A_1130 = arith.constant 2 : i32
          %mul3A_1131 = arith.muli %mul3A_1130, %while3A_1121 : i32
          %add3A_1132 = arith.constant 1 : i32
          %add3A_1133 = arith.addi %mul3A_1131, %add3A_1132 : i32
          %lt3A_1134 = arith.cmpi slt, %add3A_1133, %select_n3A_973 : i32
          %convert_element_type3A_1135 = arith.extui %lt3A_1134 : i1 to i32
          %cond3A_1136 = arith.constant 0 : i32
          %cond3A_1137 = arith.cmpi ne, %convert_element_type3A_1135, %cond3A_1136 : i32
          scf.if %cond3A_1137 {
            %gt3A_1155 = arith.constant 0 : i32
            %gt3A_1156 = arith.cmpi sgt, %while3A_1121, %gt3A_1155 : i32
            %gt3A_1157 = arith.constant 0 : i32
            %gt3A_1158 = arith.cmpi sgt, %select_n3A_914, %gt3A_1157 : i32
            %or3A = arith.ori %gt3A_1156, %gt3A_1158 : i1
            %convert_element_type3A_1159 = arith.extui %or3A : i1 to i32
            %cond3A_1160 = arith.constant 0 : i32
            %cond3A_1161 = arith.cmpi ne, %convert_element_type3A_1159, %cond3A_1160 : i32
            scf.if %cond3A_1161 {
              %dma_wait3A_1293 = arith.constant 0 : i32
              %dma_wait3A_1294 = arith.constant 0 : i32
              %dma_wait3A_1295 = tpu.memref_slice %arg19[%dma_wait3A_1293, %dma_wait3A_1294] : memref<5120x288xbf16, #tpu.memory_space<vmem_shared>> -> memref<5120x288xbf16, #tpu.memory_space<vmem_shared>>
              tpu.wait_indirect_dma semaphore(%arg25 : memref<!tpu.dma_semaphore, #tpu.memory_space<semaphore_mem>>) src(%arg17 : memref<128x288xbf16, #tpu.memory_space<vmem>>) dst(%dma_wait3A_1295 : memref<5120x288xbf16, #tpu.memory_space<vmem_shared>>)
            } else {
            }
            %mul3A_1162 = arith.constant 128 : i32
            %mul3A_1163 = arith.muli %add3A_1133, %mul3A_1162 : i32
            %add3A_1164 = arith.constant 0 : i32
            %add3A_1165 = arith.addi %mul3A_1163, %add3A_1164 : i32
            %get3A_1166 = arith.index_cast %add3A_1165 : i32 to index
            %get3A_1167 = tpu.vector_load %arg10[%get3A_1166] {strides = array<i32>} : memref<2176xi32, #tpu.memory_space<vmem>>, vector<16xi32>,
            %swap3A_1168 = arith.constant 0 : index
            %swap3A_1169 = tpu.vector_load %arg14[%swap3A_1168] {strides = array<i32>} : memref<128xi32, #tpu.memory_space<vmem>>, vector<16xi32>,
            tpu.vector_store %arg14[%swap3A_1168], %get3A_1167 {strides = array<i32>} : memref<128xi32, #tpu.memory_space<vmem>>, vector<16xi32>,
            %mul3A_1170 = arith.constant 128 : i32
            %mul3A_1171 = arith.muli %add3A_1133, %mul3A_1170 : i32
            %add3A_1172 = arith.constant 0 : i32
            %add3A_1173 = arith.addi %mul3A_1171, %add3A_1172 : i32
            %get3A_1174 = arith.index_cast %add3A_1173 : i32 to index
            %get3A_1175 = tpu.vector_load %arg11[%get3A_1174] {strides = array<i32>} : memref<2176xi32, #tpu.memory_space<vmem>>, vector<16xi32>,
            %swap3A_1176 = arith.constant 0 : index
            %swap3A_1177 = tpu.vector_load %arg15[%swap3A_1176] {strides = array<i32>} : memref<128xi32, #tpu.memory_space<vmem>>, vector<16xi32>,
            tpu.vector_store %arg15[%swap3A_1176], %get3A_1175 {strides = array<i32>} : memref<128xi32, #tpu.memory_space<vmem>>, vector<16xi32>,
            %mul3A_1178 = arith.constant 128 : i32
            %mul3A_1179 = arith.muli %add3A_1133, %mul3A_1178 : i32
            %add3A_1180 = arith.constant 16 : i32
            %add3A_1181 = arith.addi %mul3A_1179, %add3A_1180 : i32
            %get3A_1182 = arith.index_cast %add3A_1181 : i32 to index
            %get3A_1183 = tpu.vector_load %arg10[%get3A_1182] {strides = array<i32>} : memref<2176xi32, #tpu.memory_space<vmem>>, vector<16xi32>,
            %swap3A_1184 = arith.constant 16 : index
            %swap3A_1185 = tpu.vector_load %arg14[%swap3A_1184] {strides = array<i32>} : memref<128xi32, #tpu.memory_space<vmem>>, vector<16xi32>,
            tpu.vector_store %arg14[%swap3A_1184], %get3A_1183 {strides = array<i32>} : memref<128xi32, #tpu.memory_space<vmem>>, vector<16xi32>,
            %mul3A_1186 = arith.constant 128 : i32
            %mul3A_1187 = arith.muli %add3A_1133, %mul3A_1186 : i32
            %add3A_1188 = arith.constant 16 : i32
            %add3A_1189 = arith.addi %mul3A_1187, %add3A_1188 : i32
            %get3A_1190 = arith.index_cast %add3A_1189 : i32 to index
            %get3A_1191 = tpu.vector_load %arg11[%get3A_1190] {strides = array<i32>} : memref<2176xi32, #tpu.memory_space<vmem>>, vector<16xi32>,
            %swap3A_1192 = arith.constant 16 : index
            %swap3A_1193 = tpu.vector_load %arg15[%swap3A_1192] {strides = array<i32>} : memref<128xi32, #tpu.memory_space<vmem>>, vector<16xi32>,
            tpu.vector_store %arg15[%swap3A_1192], %get3A_1191 {strides = array<i32>} : memref<128xi32, #tpu.memory_space<vmem>>, vector<16xi32>,
            %mul3A_1194 = arith.constant 128 : i32
            %mul3A_1195 = arith.muli %add3A_1133, %mul3A_1194 : i32
            %add3A_1196 = arith.constant 32 : i32
            %add3A_1197 = arith.addi %mul3A_1195, %add3A_1196 : i32
            %get3A_1198 = arith.index_cast %add3A_1197 : i32 to index
            %get3A_1199 = tpu.vector_load %arg10[%get3A_1198] {strides = array<i32>} : memref<2176xi32, #tpu.memory_space<vmem>>, vector<16xi32>,
            %swap3A_1200 = arith.constant 32 : index
            %swap3A_1201 = tpu.vector_load %arg14[%swap3A_1200] {strides = array<i32>} : memref<128xi32, #tpu.memory_space<vmem>>, vector<16xi32>,
            tpu.vector_store %arg14[%swap3A_1200], %get3A_1199 {strides = array<i32>} : memref<128xi32, #tpu.memory_space<vmem>>, vector<16xi32>,
            %mul3A_1202 = arith.constant 128 : i32
            %mul3A_1203 = arith.muli %add3A_1133, %mul3A_1202 : i32
            %add3A_1204 = arith.constant 32 : i32
            %add3A_1205 = arith.addi %mul3A_1203, %add3A_1204 : i32
            %get3A_1206 = arith.index_cast %add3A_1205 : i32 to index
            %get3A_1207 = tpu.vector_load %arg11[%get3A_1206] {strides = array<i32>} : memref<2176xi32, #tpu.memory_space<vmem>>, vector<16xi32>,
            %swap3A_1208 = arith.constant 32 : index
            %swap3A_1209 = tpu.vector_load %arg15[%swap3A_1208] {strides = array<i32>} : memref<128xi32, #tpu.memory_space<vmem>>, vector<16xi32>,
            tpu.vector_store %arg15[%swap3A_1208], %get3A_1207 {strides = array<i32>} : memref<128xi32, #tpu.memory_space<vmem>>, vector<16xi32>,
            %mul3A_1210 = arith.constant 128 : i32
            %mul3A_1211 = arith.muli %add3A_1133, %mul3A_1210 : i32
            %add3A_1212 = arith.constant 48 : i32
            %add3A_1213 = arith.addi %mul3A_1211, %add3A_1212 : i32
            %get3A_1214 = arith.index_cast %add3A_1213 : i32 to index
            %get3A_1215 = tpu.vector_load %arg10[%get3A_1214] {strides = array<i32>} : memref<2176xi32, #tpu.memory_space<vmem>>, vector<16xi32>,
            %swap3A_1216 = arith.constant 48 : index
            %swap3A_1217 = tpu.vector_load %arg14[%swap3A_1216] {strides = array<i32>} : memref<128xi32, #tpu.memory_space<vmem>>, vector<16xi32>,
            tpu.vector_store %arg14[%swap3A_1216], %get3A_1215 {strides = array<i32>} : memref<128xi32, #tpu.memory_space<vmem>>, vector<16xi32>,
            %mul3A_1218 = arith.constant 128 : i32
            %mul3A_1219 = arith.muli %add3A_1133, %mul3A_1218 : i32
            %add3A_1220 = arith.constant 48 : i32
            %add3A_1221 = arith.addi %mul3A_1219, %add3A_1220 : i32
            %get3A_1222 = arith.index_cast %add3A_1221 : i32 to index
            %get3A_1223 = tpu.vector_load %arg11[%get3A_1222] {strides = array<i32>} : memref<2176xi32, #tpu.memory_space<vmem>>, vector<16xi32>,
            %swap3A_1224 = arith.constant 48 : index
            %swap3A_1225 = tpu.vector_load %arg15[%swap3A_1224] {strides = array<i32>} : memref<128xi32, #tpu.memory_space<vmem>>, vector<16xi32>,
            tpu.vector_store %arg15[%swap3A_1224], %get3A_1223 {strides = array<i32>} : memref<128xi32, #tpu.memory_space<vmem>>, vector<16xi32>,
            %mul3A_1226 = arith.constant 128 : i32
            %mul3A_1227 = arith.muli %add3A_1133, %mul3A_1226 : i32
            %add3A_1228 = arith.constant 64 : i32
            %add3A_1229 = arith.addi %mul3A_1227, %add3A_1228 : i32
            %get3A_1230 = arith.index_cast %add3A_1229 : i32 to index
            %get3A_1231 = tpu.vector_load %arg10[%get3A_1230] {strides = array<i32>} : memref<2176xi32, #tpu.memory_space<vmem>>, vector<16xi32>,
            %swap3A_1232 = arith.constant 64 : index
            %swap3A_1233 = tpu.vector_load %arg14[%swap3A_1232] {strides = array<i32>} : memref<128xi32, #tpu.memory_space<vmem>>, vector<16xi32>,
            tpu.vector_store %arg14[%swap3A_1232], %get3A_1231 {strides = array<i32>} : memref<128xi32, #tpu.memory_space<vmem>>, vector<16xi32>,
            %mul3A_1234 = arith.constant 128 : i32
            %mul3A_1235 = arith.muli %add3A_1133, %mul3A_1234 : i32
            %add3A_1236 = arith.constant 64 : i32
            %add3A_1237 = arith.addi %mul3A_1235, %add3A_1236 : i32
            %get3A_1238 = arith.index_cast %add3A_1237 : i32 to index
            %get3A_1239 = tpu.vector_load %arg11[%get3A_1238] {strides = array<i32>} : memref<2176xi32, #tpu.memory_space<vmem>>, vector<16xi32>,
            %swap3A_1240 = arith.constant 64 : index
            %swap3A_1241 = tpu.vector_load %arg15[%swap3A_1240] {strides = array<i32>} : memref<128xi32, #tpu.memory_space<vmem>>, vector<16xi32>,
            tpu.vector_store %arg15[%swap3A_1240], %get3A_1239 {strides = array<i32>} : memref<128xi32, #tpu.memory_space<vmem>>, vector<16xi32>,
            %mul3A_1242 = arith.constant 128 : i32
            %mul3A_1243 = arith.muli %add3A_1133, %mul3A_1242 : i32
            %add3A_1244 = arith.constant 80 : i32
            %add3A_1245 = arith.addi %mul3A_1243, %add3A_1244 : i32
            %get3A_1246 = arith.index_cast %add3A_1245 : i32 to index
            %get3A_1247 = tpu.vector_load %arg10[%get3A_1246] {strides = array<i32>} : memref<2176xi32, #tpu.memory_space<vmem>>, vector<16xi32>,
            %swap3A_1248 = arith.constant 80 : index
            %swap3A_1249 = tpu.vector_load %arg14[%swap3A_1248] {strides = array<i32>} : memref<128xi32, #tpu.memory_space<vmem>>, vector<16xi32>,
            tpu.vector_store %arg14[%swap3A_1248], %get3A_1247 {strides = array<i32>} : memref<128xi32, #tpu.memory_space<vmem>>, vector<16xi32>,
            %mul3A_1250 = arith.constant 128 : i32
            %mul3A_1251 = arith.muli %add3A_1133, %mul3A_1250 : i32
            %add3A_1252 = arith.constant 80 : i32
            %add3A_1253 = arith.addi %mul3A_1251, %add3A_1252 : i32
            %get3A_1254 = arith.index_cast %add3A_1253 : i32 to index
            %get3A_1255 = tpu.vector_load %arg11[%get3A_1254] {strides = array<i32>} : memref<2176xi32, #tpu.memory_space<vmem>>, vector<16xi32>,
            %swap3A_1256 = arith.constant 80 : index
            %swap3A_1257 = tpu.vector_load %arg15[%swap3A_1256] {strides = array<i32>} : memref<128xi32, #tpu.memory_space<vmem>>, vector<16xi32>,
            tpu.vector_store %arg15[%swap3A_1256], %get3A_1255 {strides = array<i32>} : memref<128xi32, #tpu.memory_space<vmem>>, vector<16xi32>,
            %mul3A_1258 = arith.constant 128 : i32
            %mul3A_1259 = arith.muli %add3A_1133, %mul3A_1258 : i32
            %add3A_1260 = arith.constant 96 : i32
            %add3A_1261 = arith.addi %mul3A_1259, %add3A_1260 : i32
            %get3A_1262 = arith.index_cast %add3A_1261 : i32 to index
            %get3A_1263 = tpu.vector_load %arg10[%get3A_1262] {strides = array<i32>} : memref<2176xi32, #tpu.memory_space<vmem>>, vector<16xi32>,
            %swap3A_1264 = arith.constant 96 : index
            %swap3A_1265 = tpu.vector_load %arg14[%swap3A_1264] {strides = array<i32>} : memref<128xi32, #tpu.memory_space<vmem>>, vector<16xi32>,
            tpu.vector_store %arg14[%swap3A_1264], %get3A_1263 {strides = array<i32>} : memref<128xi32, #tpu.memory_space<vmem>>, vector<16xi32>,
            %mul3A_1266 = arith.constant 128 : i32
            %mul3A_1267 = arith.muli %add3A_1133, %mul3A_1266 : i32
            %add3A_1268 = arith.constant 96 : i32
            %add3A_1269 = arith.addi %mul3A_1267, %add3A_1268 : i32
            %get3A_1270 = arith.index_cast %add3A_1269 : i32 to index
            %get3A_1271 = tpu.vector_load %arg11[%get3A_1270] {strides = array<i32>} : memref<2176xi32, #tpu.memory_space<vmem>>, vector<16xi32>,
            %swap3A_1272 = arith.constant 96 : index
            %swap3A_1273 = tpu.vector_load %arg15[%swap3A_1272] {strides = array<i32>} : memref<128xi32, #tpu.memory_space<vmem>>, vector<16xi32>,
            tpu.vector_store %arg15[%swap3A_1272], %get3A_1271 {strides = array<i32>} : memref<128xi32, #tpu.memory_space<vmem>>, vector<16xi32>,
            %mul3A_1274 = arith.constant 128 : i32
            %mul3A_1275 = arith.muli %add3A_1133, %mul3A_1274 : i32
            %add3A_1276 = arith.constant 112 : i32
            %add3A_1277 = arith.addi %mul3A_1275, %add3A_1276 : i32
            %get3A_1278 = arith.index_cast %add3A_1277 : i32 to index
            %get3A_1279 = tpu.vector_load %arg10[%get3A_1278] {strides = array<i32>} : memref<2176xi32, #tpu.memory_space<vmem>>, vector<16xi32>,
            %swap3A_1280 = arith.constant 112 : index
            %swap3A_1281 = tpu.vector_load %arg14[%swap3A_1280] {strides = array<i32>} : memref<128xi32, #tpu.memory_space<vmem>>, vector<16xi32>,
            tpu.vector_store %arg14[%swap3A_1280], %get3A_1279 {strides = array<i32>} : memref<128xi32, #tpu.memory_space<vmem>>, vector<16xi32>,
            %mul3A_1282 = arith.constant 128 : i32
            %mul3A_1283 = arith.muli %add3A_1133, %mul3A_1282 : i32
            %add3A_1284 = arith.constant 112 : i32
            %add3A_1285 = arith.addi %mul3A_1283, %add3A_1284 : i32
            %get3A_1286 = arith.index_cast %add3A_1285 : i32 to index
            %get3A_1287 = tpu.vector_load %arg11[%get3A_1286] {strides = array<i32>} : memref<2176xi32, #tpu.memory_space<vmem>>, vector<16xi32>,
            %swap3A_1288 = arith.constant 112 : index
            %swap3A_1289 = tpu.vector_load %arg15[%swap3A_1288] {strides = array<i32>} : memref<128xi32, #tpu.memory_space<vmem>>, vector<16xi32>,
            tpu.vector_store %arg15[%swap3A_1288], %get3A_1287 {strides = array<i32>} : memref<128xi32, #tpu.memory_space<vmem>>, vector<16xi32>,
            %dma_start3A_1290 = arith.constant 0 : i32
            %dma_start3A_1291 = arith.constant 0 : i32
            %dma_start3A_1292 = tpu.memref_slice %arg4[%dma_start3A_1290, %dma_start3A_1291] : memref<51200x288xbf16, #tpu.memory_space<hbm>> -> memref<51200x288xbf16, #tpu.memory_space<hbm>>
            tpu.enqueue_indirect_dma source(%dma_start3A_1292 : memref<51200x288xbf16, #tpu.memory_space<hbm>>) target(%arg17 : memref<128x288xbf16, #tpu.memory_space<vmem>>) offsets(%arg14 : memref<128xi32, #tpu.memory_space<vmem>>) semaphore(%arg23 : memref<!tpu.dma_semaphore, #tpu.memory_space<semaphore_mem>>)
          } else {
          }
          %mul3A_1138 = arith.constant 2 : i32
          %mul3A_1139 = arith.muli %mul3A_1138, %while3A_1121 : i32
          %add3A_1140 = arith.constant 0 : i32
          %add3A_1141 = arith.addi %mul3A_1139, %add3A_1140 : i32
          %lt3A_1142 = arith.cmpi slt, %add3A_1141, %select_n3A_973 : i32
          %convert_element_type3A_1143 = arith.extui %lt3A_1142 : i1 to i32
          %cond3A_1144 = arith.constant 0 : i32
          %cond3A_1145 = arith.cmpi ne, %convert_element_type3A_1143, %cond3A_1144 : i32
          scf.if %cond3A_1145 {
            %dma_wait3A_1155 = arith.constant 0 : i32
            %dma_wait3A_1156 = arith.constant 0 : i32
            %dma_wait3A_1157 = tpu.memref_slice %arg4[%dma_wait3A_1155, %dma_wait3A_1156] : memref<51200x288xbf16, #tpu.memory_space<hbm>> -> memref<51200x288xbf16, #tpu.memory_space<hbm>>
            tpu.wait_indirect_dma semaphore(%arg22 : memref<!tpu.dma_semaphore, #tpu.memory_space<semaphore_mem>>) src(%dma_wait3A_1157 : memref<51200x288xbf16, #tpu.memory_space<hbm>>) dst(%arg16 : memref<128x288xbf16, #tpu.memory_space<vmem>>)
            %dma_start3A_1158 = arith.constant 0 : i32
            %dma_start3A_1159 = arith.constant 0 : i32
            %dma_start3A_1160 = tpu.memref_slice %arg19[%dma_start3A_1158, %dma_start3A_1159] : memref<5120x288xbf16, #tpu.memory_space<vmem_shared>> -> memref<5120x288xbf16, #tpu.memory_space<vmem_shared>>
            tpu.enqueue_indirect_dma source(%arg16 : memref<128x288xbf16, #tpu.memory_space<vmem>>) target(%dma_start3A_1160 : memref<5120x288xbf16, #tpu.memory_space<vmem_shared>>) offsets(%arg13 : memref<128xi32, #tpu.memory_space<vmem>>) semaphore(%arg24 : memref<!tpu.dma_semaphore, #tpu.memory_space<semaphore_mem>>) {add = true}
          } else {
          }
          %mul3A_1146 = arith.constant 2 : i32
          %mul3A_1147 = arith.muli %mul3A_1146, %while3A_1121 : i32
          %add3A_1148 = arith.constant 1 : i32
          %add3A_1149 = arith.addi %mul3A_1147, %add3A_1148 : i32
          %lt3A_1150 = arith.cmpi slt, %add3A_1149, %select_n3A_973 : i32
          %convert_element_type3A_1151 = arith.extui %lt3A_1150 : i1 to i32
          %cond3A_1152 = arith.constant 0 : i32
          %cond3A_1153 = arith.cmpi ne, %convert_element_type3A_1151, %cond3A_1152 : i32
          scf.if %cond3A_1153 {
            %dma_wait3A_1155 = arith.constant 0 : i32
            %dma_wait3A_1156 = arith.constant 0 : i32
            %dma_wait3A_1157 = tpu.memref_slice %arg4[%dma_wait3A_1155, %dma_wait3A_1156] : memref<51200x288xbf16, #tpu.memory_space<hbm>> -> memref<51200x288xbf16, #tpu.memory_space<hbm>>
            tpu.wait_indirect_dma semaphore(%arg23 : memref<!tpu.dma_semaphore, #tpu.memory_space<semaphore_mem>>) src(%dma_wait3A_1157 : memref<51200x288xbf16, #tpu.memory_space<hbm>>) dst(%arg17 : memref<128x288xbf16, #tpu.memory_space<vmem>>)
            %dma_start3A_1158 = arith.constant 0 : i32
            %dma_start3A_1159 = arith.constant 0 : i32
            %dma_start3A_1160 = tpu.memref_slice %arg19[%dma_start3A_1158, %dma_start3A_1159] : memref<5120x288xbf16, #tpu.memory_space<vmem_shared>> -> memref<5120x288xbf16, #tpu.memory_space<vmem_shared>>
            tpu.enqueue_indirect_dma source(%arg17 : memref<128x288xbf16, #tpu.memory_space<vmem>>) target(%dma_start3A_1160 : memref<5120x288xbf16, #tpu.memory_space<vmem_shared>>) offsets(%arg15 : memref<128xi32, #tpu.memory_space<vmem>>) semaphore(%arg25 : memref<!tpu.dma_semaphore, #tpu.memory_space<semaphore_mem>>) {add = true}
          } else {
          }
          %while3A_1154 = arith.constant 0 : i32
          scf.yield %while3A_1154 : i32
        }
        %mul3A_1014 = arith.constant 128 : i32
        %mul3A_1015 = arith.muli %select_n3A_973, %mul3A_1014 : i32
        %add3A_1016 = arith.constant 0 : i32
        %add3A_1017 = arith.addi %mul3A_1015, %add3A_1016 : i32
        %get3A_1018 = arith.index_cast %add3A_1017 : i32 to index
        %get3A_1019 = tpu.vector_load %arg10[%get3A_1018] {strides = array<i32>} : memref<2176xi32, #tpu.memory_space<vmem>>, vector<16xi32>,
        %add3A_1020 = arith.constant 0 : i32
        %add3A_1021 = arith.addi %mul3A_1015, %add3A_1020 : i32
        %get3A_1022 = arith.index_cast %add3A_1021 : i32 to index
        %get3A_1023 = tpu.vector_load %arg11[%get3A_1022] {strides = array<i32>} : memref<2176xi32, #tpu.memory_space<vmem>>, vector<16xi32>,
        %swap3A_1024 = arith.constant 0 : index
        %swap3A_1025 = tpu.vector_load %arg10[%swap3A_1024] {strides = array<i32>} : memref<2176xi32, #tpu.memory_space<vmem>>, vector<16xi32>,
        tpu.vector_store %arg10[%swap3A_1024], %get3A_1019 {strides = array<i32>} : memref<2176xi32, #tpu.memory_space<vmem>>, vector<16xi32>,
        %swap3A_1026 = arith.constant 0 : index
        %swap3A_1027 = tpu.vector_load %arg11[%swap3A_1026] {strides = array<i32>} : memref<2176xi32, #tpu.memory_space<vmem>>, vector<16xi32>,
        tpu.vector_store %arg11[%swap3A_1026], %get3A_1023 {strides = array<i32>} : memref<2176xi32, #tpu.memory_space<vmem>>, vector<16xi32>,
        %add3A_1028 = arith.constant 16 : i32
        %add3A_1029 = arith.addi %mul3A_1015, %add3A_1028 : i32
        %get3A_1030 = arith.index_cast %add3A_1029 : i32 to index
        %get3A_1031 = tpu.vector_load %arg10[%get3A_1030] {strides = array<i32>} : memref<2176xi32, #tpu.memory_space<vmem>>, vector<16xi32>,
        %add3A_1032 = arith.constant 16 : i32
        %add3A_1033 = arith.addi %mul3A_1015, %add3A_1032 : i32
        %get3A_1034 = arith.index_cast %add3A_1033 : i32 to index
        %get3A_1035 = tpu.vector_load %arg11[%get3A_1034] {strides = array<i32>} : memref<2176xi32, #tpu.memory_space<vmem>>, vector<16xi32>,
        %swap3A_1036 = arith.constant 16 : index
        %swap3A_1037 = tpu.vector_load %arg10[%swap3A_1036] {strides = array<i32>} : memref<2176xi32, #tpu.memory_space<vmem>>, vector<16xi32>,
        tpu.vector_store %arg10[%swap3A_1036], %get3A_1031 {strides = array<i32>} : memref<2176xi32, #tpu.memory_space<vmem>>, vector<16xi32>,
        %swap3A_1038 = arith.constant 16 : index
        %swap3A_1039 = tpu.vector_load %arg11[%swap3A_1038] {strides = array<i32>} : memref<2176xi32, #tpu.memory_space<vmem>>, vector<16xi32>,
        tpu.vector_store %arg11[%swap3A_1038], %get3A_1035 {strides = array<i32>} : memref<2176xi32, #tpu.memory_space<vmem>>, vector<16xi32>,
        %add3A_1040 = arith.constant 32 : i32
        %add3A_1041 = arith.addi %mul3A_1015, %add3A_1040 : i32
        %get3A_1042 = arith.index_cast %add3A_1041 : i32 to index
        %get3A_1043 = tpu.vector_load %arg10[%get3A_1042] {strides = array<i32>} : memref<2176xi32, #tpu.memory_space<vmem>>, vector<16xi32>,
        %add3A_1044 = arith.constant 32 : i32
        %add3A_1045 = arith.addi %mul3A_1015, %add3A_1044 : i32
        %get3A_1046 = arith.index_cast %add3A_1045 : i32 to index
        %get3A_1047 = tpu.vector_load %arg11[%get3A_1046] {strides = array<i32>} : memref<2176xi32, #tpu.memory_space<vmem>>, vector<16xi32>,
        %swap3A_1048 = arith.constant 32 : index
        %swap3A_1049 = tpu.vector_load %arg10[%swap3A_1048] {strides = array<i32>} : memref<2176xi32, #tpu.memory_space<vmem>>, vector<16xi32>,
        tpu.vector_store %arg10[%swap3A_1048], %get3A_1043 {strides = array<i32>} : memref<2176xi32, #tpu.memory_space<vmem>>, vector<16xi32>,
        %swap3A_1050 = arith.constant 32 : index
        %swap3A_1051 = tpu.vector_load %arg11[%swap3A_1050] {strides = array<i32>} : memref<2176xi32, #tpu.memory_space<vmem>>, vector<16xi32>,
        tpu.vector_store %arg11[%swap3A_1050], %get3A_1047 {strides = array<i32>} : memref<2176xi32, #tpu.memory_space<vmem>>, vector<16xi32>,
        %add3A_1052 = arith.constant 48 : i32
        %add3A_1053 = arith.addi %mul3A_1015, %add3A_1052 : i32
        %get3A_1054 = arith.index_cast %add3A_1053 : i32 to index
        %get3A_1055 = tpu.vector_load %arg10[%get3A_1054] {strides = array<i32>} : memref<2176xi32, #tpu.memory_space<vmem>>, vector<16xi32>,
        %add3A_1056 = arith.constant 48 : i32
        %add3A_1057 = arith.addi %mul3A_1015, %add3A_1056 : i32
        %get3A_1058 = arith.index_cast %add3A_1057 : i32 to index
        %get3A_1059 = tpu.vector_load %arg11[%get3A_1058] {strides = array<i32>} : memref<2176xi32, #tpu.memory_space<vmem>>, vector<16xi32>,
        %swap3A_1060 = arith.constant 48 : index
        %swap3A_1061 = tpu.vector_load %arg10[%swap3A_1060] {strides = array<i32>} : memref<2176xi32, #tpu.memory_space<vmem>>, vector<16xi32>,
        tpu.vector_store %arg10[%swap3A_1060], %get3A_1055 {strides = array<i32>} : memref<2176xi32, #tpu.memory_space<vmem>>, vector<16xi32>,
        %swap3A_1062 = arith.constant 48 : index
        %swap3A_1063 = tpu.vector_load %arg11[%swap3A_1062] {strides = array<i32>} : memref<2176xi32, #tpu.memory_space<vmem>>, vector<16xi32>,
        tpu.vector_store %arg11[%swap3A_1062], %get3A_1059 {strides = array<i32>} : memref<2176xi32, #tpu.memory_space<vmem>>, vector<16xi32>,
        %add3A_1064 = arith.constant 64 : i32
        %add3A_1065 = arith.addi %mul3A_1015, %add3A_1064 : i32
        %get3A_1066 = arith.index_cast %add3A_1065 : i32 to index
        %get3A_1067 = tpu.vector_load %arg10[%get3A_1066] {strides = array<i32>} : memref<2176xi32, #tpu.memory_space<vmem>>, vector<16xi32>,
        %add3A_1068 = arith.constant 64 : i32
        %add3A_1069 = arith.addi %mul3A_1015, %add3A_1068 : i32
        %get3A_1070 = arith.index_cast %add3A_1069 : i32 to index
        %get3A_1071 = tpu.vector_load %arg11[%get3A_1070] {strides = array<i32>} : memref<2176xi32, #tpu.memory_space<vmem>>, vector<16xi32>,
        %swap3A_1072 = arith.constant 64 : index
        %swap3A_1073 = tpu.vector_load %arg10[%swap3A_1072] {strides = array<i32>} : memref<2176xi32, #tpu.memory_space<vmem>>, vector<16xi32>,
        tpu.vector_store %arg10[%swap3A_1072], %get3A_1067 {strides = array<i32>} : memref<2176xi32, #tpu.memory_space<vmem>>, vector<16xi32>,
        %swap3A_1074 = arith.constant 64 : index
        %swap3A_1075 = tpu.vector_load %arg11[%swap3A_1074] {strides = array<i32>} : memref<2176xi32, #tpu.memory_space<vmem>>, vector<16xi32>,
        tpu.vector_store %arg11[%swap3A_1074], %get3A_1071 {strides = array<i32>} : memref<2176xi32, #tpu.memory_space<vmem>>, vector<16xi32>,
        %add3A_1076 = arith.constant 80 : i32
        %add3A_1077 = arith.addi %mul3A_1015, %add3A_1076 : i32
        %get3A_1078 = arith.index_cast %add3A_1077 : i32 to index
        %get3A_1079 = tpu.vector_load %arg10[%get3A_1078] {strides = array<i32>} : memref<2176xi32, #tpu.memory_space<vmem>>, vector<16xi32>,
        %add3A_1080 = arith.constant 80 : i32
        %add3A_1081 = arith.addi %mul3A_1015, %add3A_1080 : i32
        %get3A_1082 = arith.index_cast %add3A_1081 : i32 to index
        %get3A_1083 = tpu.vector_load %arg11[%get3A_1082] {strides = array<i32>} : memref<2176xi32, #tpu.memory_space<vmem>>, vector<16xi32>,
        %swap3A_1084 = arith.constant 80 : index
        %swap3A_1085 = tpu.vector_load %arg10[%swap3A_1084] {strides = array<i32>} : memref<2176xi32, #tpu.memory_space<vmem>>, vector<16xi32>,
        tpu.vector_store %arg10[%swap3A_1084], %get3A_1079 {strides = array<i32>} : memref<2176xi32, #tpu.memory_space<vmem>>, vector<16xi32>,
        %swap3A_1086 = arith.constant 80 : index
        %swap3A_1087 = tpu.vector_load %arg11[%swap3A_1086] {strides = array<i32>} : memref<2176xi32, #tpu.memory_space<vmem>>, vector<16xi32>,
        tpu.vector_store %arg11[%swap3A_1086], %get3A_1083 {strides = array<i32>} : memref<2176xi32, #tpu.memory_space<vmem>>, vector<16xi32>,
        %add3A_1088 = arith.constant 96 : i32
        %add3A_1089 = arith.addi %mul3A_1015, %add3A_1088 : i32
        %get3A_1090 = arith.index_cast %add3A_1089 : i32 to index
        %get3A_1091 = tpu.vector_load %arg10[%get3A_1090] {strides = array<i32>} : memref<2176xi32, #tpu.memory_space<vmem>>, vector<16xi32>,
        %add3A_1092 = arith.constant 96 : i32
        %add3A_1093 = arith.addi %mul3A_1015, %add3A_1092 : i32
        %get3A_1094 = arith.index_cast %add3A_1093 : i32 to index
        %get3A_1095 = tpu.vector_load %arg11[%get3A_1094] {strides = array<i32>} : memref<2176xi32, #tpu.memory_space<vmem>>, vector<16xi32>,
        %swap3A_1096 = arith.constant 96 : index
        %swap3A_1097 = tpu.vector_load %arg10[%swap3A_1096] {strides = array<i32>} : memref<2176xi32, #tpu.memory_space<vmem>>, vector<16xi32>,
        tpu.vector_store %arg10[%swap3A_1096], %get3A_1091 {strides = array<i32>} : memref<2176xi32, #tpu.memory_space<vmem>>, vector<16xi32>,
        %swap3A_1098 = arith.constant 96 : index
        %swap3A_1099 = tpu.vector_load %arg11[%swap3A_1098] {strides = array<i32>} : memref<2176xi32, #tpu.memory_space<vmem>>, vector<16xi32>,
        tpu.vector_store %arg11[%swap3A_1098], %get3A_1095 {strides = array<i32>} : memref<2176xi32, #tpu.memory_space<vmem>>, vector<16xi32>,
        %add3A_1100 = arith.constant 112 : i32
        %add3A_1101 = arith.addi %mul3A_1015, %add3A_1100 : i32
        %get3A_1102 = arith.index_cast %add3A_1101 : i32 to index
        %get3A_1103 = tpu.vector_load %arg10[%get3A_1102] {strides = array<i32>} : memref<2176xi32, #tpu.memory_space<vmem>>, vector<16xi32>,
        %add3A_1104 = arith.constant 112 : i32
        %add3A_1105 = arith.addi %mul3A_1015, %add3A_1104 : i32
        %get3A_1106 = arith.index_cast %add3A_1105 : i32 to index
        %get3A_1107 = tpu.vector_load %arg11[%get3A_1106] {strides = array<i32>} : memref<2176xi32, #tpu.memory_space<vmem>>, vector<16xi32>,
        %swap3A_1108 = arith.constant 112 : index
        %swap3A_1109 = tpu.vector_load %arg10[%swap3A_1108] {strides = array<i32>} : memref<2176xi32, #tpu.memory_space<vmem>>, vector<16xi32>,
        tpu.vector_store %arg10[%swap3A_1108], %get3A_1103 {strides = array<i32>} : memref<2176xi32, #tpu.memory_space<vmem>>, vector<16xi32>,
        %swap3A_1110 = arith.constant 112 : index
        %swap3A_1111 = tpu.vector_load %arg11[%swap3A_1110] {strides = array<i32>} : memref<2176xi32, #tpu.memory_space<vmem>>, vector<16xi32>,
        tpu.vector_store %arg11[%swap3A_1110], %get3A_1107 {strides = array<i32>} : memref<2176xi32, #tpu.memory_space<vmem>>, vector<16xi32>,
        %ge3A_1112 = arith.constant 1 : i32
        %ge3A_1113 = arith.cmpi sge, %select_n3A_973, %ge3A_1112 : i32
        %jit3A_1114 = arith.constant 1 : i32
        %select_n3A_1115 = arith.select %ge3A_1113, %jit3A_1114, %select_n3A_910 : i32
        %ge3A_1116 = arith.constant 2 : i32
        %ge3A_1117 = arith.cmpi sge, %select_n3A_973, %ge3A_1116 : i32
        %jit3A_1118 = arith.constant 1 : i32
        %select_n3A_1119 = arith.select %ge3A_1117, %jit3A_1118, %select_n3A_914 : i32
        %sub3A_1120 = arith.subi %reduce_max3A_949, %mul3A_1015 : i32
        scf.yield %sub3A_1120, %select_n3A_1115, %select_n3A_1119 : i32, i32, i32
      }
      %scan3A_441 = arith.constant 12 : i32
      %dma_wait3A_442 = arith.constant 0 : i32
      %dma_wait3A_443 = tpu.memref_slice %arg2[%dma_wait3A_442] : memref<800000xi32, #tpu.memory_space<hbm>> -> memref<2000xi32, #tpu.memory_space<hbm>>
      %dma_wait3A_444 = arith.constant 0 : i32
      %dma_wait3A_445 = tpu.memref_slice %arg2[%dma_wait3A_444] : memref<800000xi32, #tpu.memory_space<hbm>> -> memref<2000xi32, #tpu.memory_space<hbm>>
      tpu.wait_dma2 semaphore(%arg20 : memref<!tpu.dma_semaphore, #tpu.memory_space<semaphore_mem>>) src(%dma_wait3A_445 : memref<2000xi32, #tpu.memory_space<hbm>>) dst(%arg6 : memref<2000xi32, #tpu.memory_space<vmem>>)
      %dma_wait3A_446 = arith.constant 0 : i32
      %dma_wait3A_447 = tpu.memref_slice %arg2[%dma_wait3A_446] : memref<800000xi32, #tpu.memory_space<hbm>> -> memref<2000xi32, #tpu.memory_space<hbm>>
      %dma_wait3A_448 = arith.constant 0 : i32
      %dma_wait3A_449 = tpu.memref_slice %arg2[%dma_wait3A_448] : memref<800000xi32, #tpu.memory_space<hbm>> -> memref<2000xi32, #tpu.memory_space<hbm>>
      tpu.wait_dma2 semaphore(%arg20 : memref<!tpu.dma_semaphore, #tpu.memory_space<semaphore_mem>>) src(%dma_wait3A_449 : memref<2000xi32, #tpu.memory_space<hbm>>) dst(%arg7 : memref<2000xi32, #tpu.memory_space<vmem>>)
      %broadcast_in_dim3A = vector.broadcast %scan3A_440#0 : i32 to vector<16xi32>
      %scan3A_450 = arith.constant 0 : i32
      %scan3A_451 = arith.constant 125 : i32
      %scan3A_452 = arith.addi %scan3A_450, %scan3A_451 : i32
      %scan3A_453 = arith.constant 1 : i32
      %scan3A_454 = scf.for %scan3A_705 = %scan3A_450 to %scan3A_452 step %scan3A_453 iter_args(%scan3A_706 = %broadcast_in_dim3A) -> (vector<16xi32>)  : i32 {
        %mul3A_707 = arith.constant 16 : i32
        %mul3A_708 = arith.muli %scan3A_705, %mul3A_707 : i32
        %get3A_709 = arith.index_cast %mul3A_708 : i32 to index
        %get3A_710 = tpu.vector_load %arg7[%get3A_709] {strides = array<i32>} : memref<2000xi32, #tpu.memory_space<vmem>>, vector<16xi32>,
        %mul3A_711 = arith.constant 16 : i32
        %mul3A_712 = arith.muli %scan3A_705, %mul3A_711 : i32
        %get3A_713 = arith.index_cast %mul3A_712 : i32 to index
        %get3A_714 = tpu.vector_load %arg6[%get3A_713] {strides = array<i32>} : memref<2000xi32, #tpu.memory_space<vmem>>, vector<16xi32>,
        %sub3A_715 = vector.broadcast %mul3A_23 : i32 to vector<16xi32>
        %sub3A_716 = arith.subi %get3A_710, %sub3A_715 : vector<16xi32>
        %ge3A_717 = arith.constant 0 : i32
        %ge3A_718 = vector.broadcast %ge3A_717 : i32 to vector<16xi32>
        %ge3A_719 = arith.cmpi sge, %sub3A_716, %ge3A_718 : vector<16xi32>
        %lt3A = arith.constant 5120 : i32
        %lt3A_720 = vector.broadcast %lt3A : i32 to vector<16xi32>
        %lt3A_721 = arith.cmpi slt, %sub3A_716, %lt3A_720 : vector<16xi32>
        %and3A_722 = arith.andi %ge3A_719, %lt3A_721 : vector<16xi1>
        %jit3A_723 = arith.constant 1 : i32
        %jit3A_724 = arith.constant 0 : i32
        %broadcast_in_dim3A_725 = vector.broadcast %jit3A_723 : i32 to vector<16xi32>
        %broadcast_in_dim3A_726 = vector.broadcast %jit3A_724 : i32 to vector<16xi32>
        %select_n3A_727 = arith.select %and3A_722, %broadcast_in_dim3A_725, %broadcast_in_dim3A_726 : vector<16xi1>, vector<16xi32>
        %broadcast_in_dim3A_728 = arith.constant true
        %broadcast_in_dim3A_729 = vector.broadcast %broadcast_in_dim3A_728 : i1 to vector<16xi1>
        %masked_cumsum3A = tpu.scan <sum>, %select_n3A_727 masked %broadcast_in_dim3A_729 : vector<16xi32>, vector<16xi1> -> vector<16xi32>
        %sub3A_730 = arith.subi %masked_cumsum3A, %select_n3A_727 : vector<16xi32>
        %add3A_731 = arith.addi %sub3A_730, %scan3A_706 : vector<16xi32>
        tpu.vector_store_idx %arg11[%add3A_731], %sub3A_716 masked %and3A_722 : memref<2176xi32, #tpu.memory_space<vmem>>[vector<16xi32>], vector<16xi32>, vector<16xi1>
        tpu.vector_store_idx %arg10[%add3A_731], %get3A_714 masked %and3A_722 : memref<2176xi32, #tpu.memory_space<vmem>>[vector<16xi32>], vector<16xi32>, vector<16xi1>
        %all_reduce_population_count3A = tpu.all_reduce %and3A_722 {dim = 0 : i64, kind = #tpu.reduction_kind<sum>} : vector<16xi1> -> vector<16xi32>
        %add3A_732 = arith.addi %scan3A_706, %all_reduce_population_count3A : vector<16xi32>
        scf.yield %add3A_732 : vector<16xi32>
      }
      %scan3A_455 = arith.constant 125 : i32
      %reduce_max3A = arith.constant true
      %reduce_max3A_456 = vector.broadcast %reduce_max3A : i1 to vector<16xi1>
      %reduce_max3A_457 = arith.constant -2147483648 : i32
      %reduce_max3A_458 = vector.broadcast %reduce_max3A_457 : i32 to vector<16xi32>
      %reduce_max3A_459 = arith.xori %scan3A_454, %reduce_max3A_458 : vector<16xi32>
      %reduce_max3A_460 = tpu.scan <max>, %reduce_max3A_459 masked %reduce_max3A_456 : vector<16xi32>, vector<16xi1> -> vector<16xi32>
      %reduce_max3A_461 = arith.xori %reduce_max3A_460, %reduce_max3A_458 : vector<16xi32>
      %reduce_max3A_462 = vector.extract %reduce_max3A_461[15] : i32 from vector<16xi32>
      %jit3A = arith.constant 128 : i32
      %div3A = arith.divsi %reduce_max3A_462, %jit3A : i32
      %sign3A = arith.constant 0 : i32
      %sign3A_463 = arith.cmpi sgt, %reduce_max3A_462, %sign3A : i32
      %sign3A_464 = arith.extui %sign3A_463 : i1 to i32
      %sign3A_465 = arith.constant 0 : i32
      %sign3A_466 = arith.cmpi slt, %reduce_max3A_462, %sign3A_465 : i32
      %sign3A_467 = arith.extui %sign3A_466 : i1 to i32
      %sign3A_468 = arith.subi %sign3A_464, %sign3A_467 : i32
      %sign3A_469 = arith.constant 0 : i32
      %sign3A_470 = arith.cmpi sgt, %jit3A, %sign3A_469 : i32
      %sign3A_471 = arith.extui %sign3A_470 : i1 to i32
      %sign3A_472 = arith.constant 0 : i32
      %sign3A_473 = arith.cmpi slt, %jit3A, %sign3A_472 : i32
      %sign3A_474 = arith.extui %sign3A_473 : i1 to i32
      %sign3A_475 = arith.subi %sign3A_471, %sign3A_474 : i32
      %ne3A = arith.cmpi ne, %sign3A_468, %sign3A_475 : i32
      %rem3A = arith.remsi %reduce_max3A_462, %jit3A : i32
      %ne3A_476 = arith.constant 0 : i32
      %ne3A_477 = arith.cmpi ne, %rem3A, %ne3A_476 : i32
      %and3A = arith.andi %ne3A, %ne3A_477 : i1
      %sub3A = arith.constant 1 : i32
      %sub3A_478 = arith.subi %div3A, %sub3A : i32
      %select_n3A = arith.select %and3A, %sub3A_478, %div3A : i32
      %add3A_479 = arith.constant 2 : i32
      %add3A_480 = arith.addi %select_n3A, %add3A_479 : i32
      %sub3A_481 = arith.constant 1 : i32
      %sub3A_482 = arith.subi %add3A_480, %sub3A_481 : i32
      %jit3A_483 = arith.constant 2 : i32
      %div3A_484 = arith.divsi %sub3A_482, %jit3A_483 : i32
      %sign3A_485 = arith.constant 0 : i32
      %sign3A_486 = arith.cmpi sgt, %sub3A_482, %sign3A_485 : i32
      %sign3A_487 = arith.extui %sign3A_486 : i1 to i32
      %sign3A_488 = arith.constant 0 : i32
      %sign3A_489 = arith.cmpi slt, %sub3A_482, %sign3A_488 : i32
      %sign3A_490 = arith.extui %sign3A_489 : i1 to i32
      %sign3A_491 = arith.subi %sign3A_487, %sign3A_490 : i32
      %sign3A_492 = arith.constant 0 : i32
      %sign3A_493 = arith.cmpi sgt, %jit3A_483, %sign3A_492 : i32
      %sign3A_494 = arith.extui %sign3A_493 : i1 to i32
      %sign3A_495 = arith.constant 0 : i32
      %sign3A_496 = arith.cmpi slt, %jit3A_483, %sign3A_495 : i32
      %sign3A_497 = arith.extui %sign3A_496 : i1 to i32
      %sign3A_498 = arith.subi %sign3A_494, %sign3A_497 : i32
      %ne3A_499 = arith.cmpi ne, %sign3A_491, %sign3A_498 : i32
      %rem3A_500 = arith.remsi %sub3A_482, %jit3A_483 : i32
      %ne3A_501 = arith.constant 0 : i32
      %ne3A_502 = arith.cmpi ne, %rem3A_500, %ne3A_501 : i32
      %and3A_503 = arith.andi %ne3A_499, %ne3A_502 : i1
      %sub3A_504 = arith.constant 1 : i32
      %sub3A_505 = arith.subi %div3A_484, %sub3A_504 : i32
      %select_n3A_506 = arith.select %and3A_503, %sub3A_505, %div3A_484 : i32
      %while3A = arith.constant 0 : i32
      %while3A_507 = arith.constant 0 : i32
      %while3A_508 = arith.subi %select_n3A_506, %while3A : i32
      %while3A_509 = arith.addi %while3A, %while3A_508 : i32
      %while3A_510 = arith.constant 1 : i32
      %while3A_511 = arith.divsi %while3A_508, %while3A_510 : i32
      %while3A_512 = arith.muli %while3A_511, %while3A_510 : i32
      %while3A_513 = arith.addi %while3A, %while3A_512 : i32
      %while3A_514 = arith.constant 1 : i32
      %while3A_515 = scf.for %while3A_705 = %while3A to %while3A_513 step %while3A_514 iter_args(%while3A_706 = %while3A_507) -> (i32)  : i32 {
        %mul3A_707 = arith.constant 2 : i32
        %mul3A_708 = arith.muli %mul3A_707, %while3A_705 : i32
        %add3A_709 = arith.constant 0 : i32
        %add3A_710 = arith.addi %mul3A_708, %add3A_709 : i32
        %lt3A = arith.cmpi slt, %add3A_710, %select_n3A : i32
        %convert_element_type3A_711 = arith.extui %lt3A : i1 to i32
        %cond3A_712 = arith.constant 0 : i32
        %cond3A_713 = arith.cmpi ne, %convert_element_type3A_711, %cond3A_712 : i32
        scf.if %cond3A_713 {
          %gt3A_739 = arith.constant 0 : i32
          %gt3A_740 = arith.cmpi sgt, %while3A_705, %gt3A_739 : i32
          %gt3A_741 = arith.constant 0 : i32
          %gt3A_742 = arith.cmpi sgt, %scan3A_440#1, %gt3A_741 : i32
          %or3A = arith.ori %gt3A_740, %gt3A_742 : i1
          %convert_element_type3A_743 = arith.extui %or3A : i1 to i32
          %cond3A_744 = arith.constant 0 : i32
          %cond3A_745 = arith.cmpi ne, %convert_element_type3A_743, %cond3A_744 : i32
          scf.if %cond3A_745 {
            %dma_wait3A_877 = arith.constant 0 : i32
            %dma_wait3A_878 = arith.constant 0 : i32
            %dma_wait3A_879 = tpu.memref_slice %arg19[%dma_wait3A_877, %dma_wait3A_878] : memref<5120x288xbf16, #tpu.memory_space<vmem_shared>> -> memref<5120x288xbf16, #tpu.memory_space<vmem_shared>>
            tpu.wait_indirect_dma semaphore(%arg24 : memref<!tpu.dma_semaphore, #tpu.memory_space<semaphore_mem>>) src(%arg16 : memref<128x288xbf16, #tpu.memory_space<vmem>>) dst(%dma_wait3A_879 : memref<5120x288xbf16, #tpu.memory_space<vmem_shared>>)
          } else {
          }
          %mul3A_746 = arith.constant 128 : i32
          %mul3A_747 = arith.muli %add3A_710, %mul3A_746 : i32
          %add3A_748 = arith.constant 0 : i32
          %add3A_749 = arith.addi %mul3A_747, %add3A_748 : i32
          %get3A_750 = arith.index_cast %add3A_749 : i32 to index
          %get3A_751 = tpu.vector_load %arg10[%get3A_750] {strides = array<i32>} : memref<2176xi32, #tpu.memory_space<vmem>>, vector<16xi32>,
          %swap3A_752 = arith.constant 0 : index
          %swap3A_753 = tpu.vector_load %arg12[%swap3A_752] {strides = array<i32>} : memref<128xi32, #tpu.memory_space<vmem>>, vector<16xi32>,
          tpu.vector_store %arg12[%swap3A_752], %get3A_751 {strides = array<i32>} : memref<128xi32, #tpu.memory_space<vmem>>, vector<16xi32>,
          %mul3A_754 = arith.constant 128 : i32
          %mul3A_755 = arith.muli %add3A_710, %mul3A_754 : i32
          %add3A_756 = arith.constant 0 : i32
          %add3A_757 = arith.addi %mul3A_755, %add3A_756 : i32
          %get3A_758 = arith.index_cast %add3A_757 : i32 to index
          %get3A_759 = tpu.vector_load %arg11[%get3A_758] {strides = array<i32>} : memref<2176xi32, #tpu.memory_space<vmem>>, vector<16xi32>,
          %swap3A_760 = arith.constant 0 : index
          %swap3A_761 = tpu.vector_load %arg13[%swap3A_760] {strides = array<i32>} : memref<128xi32, #tpu.memory_space<vmem>>, vector<16xi32>,
          tpu.vector_store %arg13[%swap3A_760], %get3A_759 {strides = array<i32>} : memref<128xi32, #tpu.memory_space<vmem>>, vector<16xi32>,
          %mul3A_762 = arith.constant 128 : i32
          %mul3A_763 = arith.muli %add3A_710, %mul3A_762 : i32
          %add3A_764 = arith.constant 16 : i32
          %add3A_765 = arith.addi %mul3A_763, %add3A_764 : i32
          %get3A_766 = arith.index_cast %add3A_765 : i32 to index
          %get3A_767 = tpu.vector_load %arg10[%get3A_766] {strides = array<i32>} : memref<2176xi32, #tpu.memory_space<vmem>>, vector<16xi32>,
          %swap3A_768 = arith.constant 16 : index
          %swap3A_769 = tpu.vector_load %arg12[%swap3A_768] {strides = array<i32>} : memref<128xi32, #tpu.memory_space<vmem>>, vector<16xi32>,
          tpu.vector_store %arg12[%swap3A_768], %get3A_767 {strides = array<i32>} : memref<128xi32, #tpu.memory_space<vmem>>, vector<16xi32>,
          %mul3A_770 = arith.constant 128 : i32
          %mul3A_771 = arith.muli %add3A_710, %mul3A_770 : i32
          %add3A_772 = arith.constant 16 : i32
          %add3A_773 = arith.addi %mul3A_771, %add3A_772 : i32
          %get3A_774 = arith.index_cast %add3A_773 : i32 to index
          %get3A_775 = tpu.vector_load %arg11[%get3A_774] {strides = array<i32>} : memref<2176xi32, #tpu.memory_space<vmem>>, vector<16xi32>,
          %swap3A_776 = arith.constant 16 : index
          %swap3A_777 = tpu.vector_load %arg13[%swap3A_776] {strides = array<i32>} : memref<128xi32, #tpu.memory_space<vmem>>, vector<16xi32>,
          tpu.vector_store %arg13[%swap3A_776], %get3A_775 {strides = array<i32>} : memref<128xi32, #tpu.memory_space<vmem>>, vector<16xi32>,
          %mul3A_778 = arith.constant 128 : i32
          %mul3A_779 = arith.muli %add3A_710, %mul3A_778 : i32
          %add3A_780 = arith.constant 32 : i32
          %add3A_781 = arith.addi %mul3A_779, %add3A_780 : i32
          %get3A_782 = arith.index_cast %add3A_781 : i32 to index
          %get3A_783 = tpu.vector_load %arg10[%get3A_782] {strides = array<i32>} : memref<2176xi32, #tpu.memory_space<vmem>>, vector<16xi32>,
          %swap3A_784 = arith.constant 32 : index
          %swap3A_785 = tpu.vector_load %arg12[%swap3A_784] {strides = array<i32>} : memref<128xi32, #tpu.memory_space<vmem>>, vector<16xi32>,
          tpu.vector_store %arg12[%swap3A_784], %get3A_783 {strides = array<i32>} : memref<128xi32, #tpu.memory_space<vmem>>, vector<16xi32>,
          %mul3A_786 = arith.constant 128 : i32
          %mul3A_787 = arith.muli %add3A_710, %mul3A_786 : i32
          %add3A_788 = arith.constant 32 : i32
          %add3A_789 = arith.addi %mul3A_787, %add3A_788 : i32
          %get3A_790 = arith.index_cast %add3A_789 : i32 to index
          %get3A_791 = tpu.vector_load %arg11[%get3A_790] {strides = array<i32>} : memref<2176xi32, #tpu.memory_space<vmem>>, vector<16xi32>,
          %swap3A_792 = arith.constant 32 : index
          %swap3A_793 = tpu.vector_load %arg13[%swap3A_792] {strides = array<i32>} : memref<128xi32, #tpu.memory_space<vmem>>, vector<16xi32>,
          tpu.vector_store %arg13[%swap3A_792], %get3A_791 {strides = array<i32>} : memref<128xi32, #tpu.memory_space<vmem>>, vector<16xi32>,
          %mul3A_794 = arith.constant 128 : i32
          %mul3A_795 = arith.muli %add3A_710, %mul3A_794 : i32
          %add3A_796 = arith.constant 48 : i32
          %add3A_797 = arith.addi %mul3A_795, %add3A_796 : i32
          %get3A_798 = arith.index_cast %add3A_797 : i32 to index
          %get3A_799 = tpu.vector_load %arg10[%get3A_798] {strides = array<i32>} : memref<2176xi32, #tpu.memory_space<vmem>>, vector<16xi32>,
          %swap3A_800 = arith.constant 48 : index
          %swap3A_801 = tpu.vector_load %arg12[%swap3A_800] {strides = array<i32>} : memref<128xi32, #tpu.memory_space<vmem>>, vector<16xi32>,
          tpu.vector_store %arg12[%swap3A_800], %get3A_799 {strides = array<i32>} : memref<128xi32, #tpu.memory_space<vmem>>, vector<16xi32>,
          %mul3A_802 = arith.constant 128 : i32
          %mul3A_803 = arith.muli %add3A_710, %mul3A_802 : i32
          %add3A_804 = arith.constant 48 : i32
          %add3A_805 = arith.addi %mul3A_803, %add3A_804 : i32
          %get3A_806 = arith.index_cast %add3A_805 : i32 to index
          %get3A_807 = tpu.vector_load %arg11[%get3A_806] {strides = array<i32>} : memref<2176xi32, #tpu.memory_space<vmem>>, vector<16xi32>,
          %swap3A_808 = arith.constant 48 : index
          %swap3A_809 = tpu.vector_load %arg13[%swap3A_808] {strides = array<i32>} : memref<128xi32, #tpu.memory_space<vmem>>, vector<16xi32>,
          tpu.vector_store %arg13[%swap3A_808], %get3A_807 {strides = array<i32>} : memref<128xi32, #tpu.memory_space<vmem>>, vector<16xi32>,
          %mul3A_810 = arith.constant 128 : i32
          %mul3A_811 = arith.muli %add3A_710, %mul3A_810 : i32
          %add3A_812 = arith.constant 64 : i32
          %add3A_813 = arith.addi %mul3A_811, %add3A_812 : i32
          %get3A_814 = arith.index_cast %add3A_813 : i32 to index
          %get3A_815 = tpu.vector_load %arg10[%get3A_814] {strides = array<i32>} : memref<2176xi32, #tpu.memory_space<vmem>>, vector<16xi32>,
          %swap3A_816 = arith.constant 64 : index
          %swap3A_817 = tpu.vector_load %arg12[%swap3A_816] {strides = array<i32>} : memref<128xi32, #tpu.memory_space<vmem>>, vector<16xi32>,
          tpu.vector_store %arg12[%swap3A_816], %get3A_815 {strides = array<i32>} : memref<128xi32, #tpu.memory_space<vmem>>, vector<16xi32>,
          %mul3A_818 = arith.constant 128 : i32
          %mul3A_819 = arith.muli %add3A_710, %mul3A_818 : i32
          %add3A_820 = arith.constant 64 : i32
          %add3A_821 = arith.addi %mul3A_819, %add3A_820 : i32
          %get3A_822 = arith.index_cast %add3A_821 : i32 to index
          %get3A_823 = tpu.vector_load %arg11[%get3A_822] {strides = array<i32>} : memref<2176xi32, #tpu.memory_space<vmem>>, vector<16xi32>,
          %swap3A_824 = arith.constant 64 : index
          %swap3A_825 = tpu.vector_load %arg13[%swap3A_824] {strides = array<i32>} : memref<128xi32, #tpu.memory_space<vmem>>, vector<16xi32>,
          tpu.vector_store %arg13[%swap3A_824], %get3A_823 {strides = array<i32>} : memref<128xi32, #tpu.memory_space<vmem>>, vector<16xi32>,
          %mul3A_826 = arith.constant 128 : i32
          %mul3A_827 = arith.muli %add3A_710, %mul3A_826 : i32
          %add3A_828 = arith.constant 80 : i32
          %add3A_829 = arith.addi %mul3A_827, %add3A_828 : i32
          %get3A_830 = arith.index_cast %add3A_829 : i32 to index
          %get3A_831 = tpu.vector_load %arg10[%get3A_830] {strides = array<i32>} : memref<2176xi32, #tpu.memory_space<vmem>>, vector<16xi32>,
          %swap3A_832 = arith.constant 80 : index
          %swap3A_833 = tpu.vector_load %arg12[%swap3A_832] {strides = array<i32>} : memref<128xi32, #tpu.memory_space<vmem>>, vector<16xi32>,
          tpu.vector_store %arg12[%swap3A_832], %get3A_831 {strides = array<i32>} : memref<128xi32, #tpu.memory_space<vmem>>, vector<16xi32>,
          %mul3A_834 = arith.constant 128 : i32
          %mul3A_835 = arith.muli %add3A_710, %mul3A_834 : i32
          %add3A_836 = arith.constant 80 : i32
          %add3A_837 = arith.addi %mul3A_835, %add3A_836 : i32
          %get3A_838 = arith.index_cast %add3A_837 : i32 to index
          %get3A_839 = tpu.vector_load %arg11[%get3A_838] {strides = array<i32>} : memref<2176xi32, #tpu.memory_space<vmem>>, vector<16xi32>,
          %swap3A_840 = arith.constant 80 : index
          %swap3A_841 = tpu.vector_load %arg13[%swap3A_840] {strides = array<i32>} : memref<128xi32, #tpu.memory_space<vmem>>, vector<16xi32>,
          tpu.vector_store %arg13[%swap3A_840], %get3A_839 {strides = array<i32>} : memref<128xi32, #tpu.memory_space<vmem>>, vector<16xi32>,
          %mul3A_842 = arith.constant 128 : i32
          %mul3A_843 = arith.muli %add3A_710, %mul3A_842 : i32
          %add3A_844 = arith.constant 96 : i32
          %add3A_845 = arith.addi %mul3A_843, %add3A_844 : i32
          %get3A_846 = arith.index_cast %add3A_845 : i32 to index
          %get3A_847 = tpu.vector_load %arg10[%get3A_846] {strides = array<i32>} : memref<2176xi32, #tpu.memory_space<vmem>>, vector<16xi32>,
          %swap3A_848 = arith.constant 96 : index
          %swap3A_849 = tpu.vector_load %arg12[%swap3A_848] {strides = array<i32>} : memref<128xi32, #tpu.memory_space<vmem>>, vector<16xi32>,
          tpu.vector_store %arg12[%swap3A_848], %get3A_847 {strides = array<i32>} : memref<128xi32, #tpu.memory_space<vmem>>, vector<16xi32>,
          %mul3A_850 = arith.constant 128 : i32
          %mul3A_851 = arith.muli %add3A_710, %mul3A_850 : i32
          %add3A_852 = arith.constant 96 : i32
          %add3A_853 = arith.addi %mul3A_851, %add3A_852 : i32
          %get3A_854 = arith.index_cast %add3A_853 : i32 to index
          %get3A_855 = tpu.vector_load %arg11[%get3A_854] {strides = array<i32>} : memref<2176xi32, #tpu.memory_space<vmem>>, vector<16xi32>,
          %swap3A_856 = arith.constant 96 : index
          %swap3A_857 = tpu.vector_load %arg13[%swap3A_856] {strides = array<i32>} : memref<128xi32, #tpu.memory_space<vmem>>, vector<16xi32>,
          tpu.vector_store %arg13[%swap3A_856], %get3A_855 {strides = array<i32>} : memref<128xi32, #tpu.memory_space<vmem>>, vector<16xi32>,
          %mul3A_858 = arith.constant 128 : i32
          %mul3A_859 = arith.muli %add3A_710, %mul3A_858 : i32
          %add3A_860 = arith.constant 112 : i32
          %add3A_861 = arith.addi %mul3A_859, %add3A_860 : i32
          %get3A_862 = arith.index_cast %add3A_861 : i32 to index
          %get3A_863 = tpu.vector_load %arg10[%get3A_862] {strides = array<i32>} : memref<2176xi32, #tpu.memory_space<vmem>>, vector<16xi32>,
          %swap3A_864 = arith.constant 112 : index
          %swap3A_865 = tpu.vector_load %arg12[%swap3A_864] {strides = array<i32>} : memref<128xi32, #tpu.memory_space<vmem>>, vector<16xi32>,
          tpu.vector_store %arg12[%swap3A_864], %get3A_863 {strides = array<i32>} : memref<128xi32, #tpu.memory_space<vmem>>, vector<16xi32>,
          %mul3A_866 = arith.constant 128 : i32
          %mul3A_867 = arith.muli %add3A_710, %mul3A_866 : i32
          %add3A_868 = arith.constant 112 : i32
          %add3A_869 = arith.addi %mul3A_867, %add3A_868 : i32
          %get3A_870 = arith.index_cast %add3A_869 : i32 to index
          %get3A_871 = tpu.vector_load %arg11[%get3A_870] {strides = array<i32>} : memref<2176xi32, #tpu.memory_space<vmem>>, vector<16xi32>,
          %swap3A_872 = arith.constant 112 : index
          %swap3A_873 = tpu.vector_load %arg13[%swap3A_872] {strides = array<i32>} : memref<128xi32, #tpu.memory_space<vmem>>, vector<16xi32>,
          tpu.vector_store %arg13[%swap3A_872], %get3A_871 {strides = array<i32>} : memref<128xi32, #tpu.memory_space<vmem>>, vector<16xi32>,
          %dma_start3A_874 = arith.constant 0 : i32
          %dma_start3A_875 = arith.constant 0 : i32
          %dma_start3A_876 = tpu.memref_slice %arg4[%dma_start3A_874, %dma_start3A_875] : memref<51200x288xbf16, #tpu.memory_space<hbm>> -> memref<51200x288xbf16, #tpu.memory_space<hbm>>
          tpu.enqueue_indirect_dma source(%dma_start3A_876 : memref<51200x288xbf16, #tpu.memory_space<hbm>>) target(%arg16 : memref<128x288xbf16, #tpu.memory_space<vmem>>) offsets(%arg12 : memref<128xi32, #tpu.memory_space<vmem>>) semaphore(%arg22 : memref<!tpu.dma_semaphore, #tpu.memory_space<semaphore_mem>>)
        } else {
        }
        %mul3A_714 = arith.constant 2 : i32
        %mul3A_715 = arith.muli %mul3A_714, %while3A_705 : i32
        %add3A_716 = arith.constant 1 : i32
        %add3A_717 = arith.addi %mul3A_715, %add3A_716 : i32
        %lt3A_718 = arith.cmpi slt, %add3A_717, %select_n3A : i32
        %convert_element_type3A_719 = arith.extui %lt3A_718 : i1 to i32
        %cond3A_720 = arith.constant 0 : i32
        %cond3A_721 = arith.cmpi ne, %convert_element_type3A_719, %cond3A_720 : i32
        scf.if %cond3A_721 {
          %gt3A_739 = arith.constant 0 : i32
          %gt3A_740 = arith.cmpi sgt, %while3A_705, %gt3A_739 : i32
          %gt3A_741 = arith.constant 0 : i32
          %gt3A_742 = arith.cmpi sgt, %scan3A_440#2, %gt3A_741 : i32
          %or3A = arith.ori %gt3A_740, %gt3A_742 : i1
          %convert_element_type3A_743 = arith.extui %or3A : i1 to i32
          %cond3A_744 = arith.constant 0 : i32
          %cond3A_745 = arith.cmpi ne, %convert_element_type3A_743, %cond3A_744 : i32
          scf.if %cond3A_745 {
            %dma_wait3A_877 = arith.constant 0 : i32
            %dma_wait3A_878 = arith.constant 0 : i32
            %dma_wait3A_879 = tpu.memref_slice %arg19[%dma_wait3A_877, %dma_wait3A_878] : memref<5120x288xbf16, #tpu.memory_space<vmem_shared>> -> memref<5120x288xbf16, #tpu.memory_space<vmem_shared>>
            tpu.wait_indirect_dma semaphore(%arg25 : memref<!tpu.dma_semaphore, #tpu.memory_space<semaphore_mem>>) src(%arg17 : memref<128x288xbf16, #tpu.memory_space<vmem>>) dst(%dma_wait3A_879 : memref<5120x288xbf16, #tpu.memory_space<vmem_shared>>)
          } else {
          }
          %mul3A_746 = arith.constant 128 : i32
          %mul3A_747 = arith.muli %add3A_717, %mul3A_746 : i32
          %add3A_748 = arith.constant 0 : i32
          %add3A_749 = arith.addi %mul3A_747, %add3A_748 : i32
          %get3A_750 = arith.index_cast %add3A_749 : i32 to index
          %get3A_751 = tpu.vector_load %arg10[%get3A_750] {strides = array<i32>} : memref<2176xi32, #tpu.memory_space<vmem>>, vector<16xi32>,
          %swap3A_752 = arith.constant 0 : index
          %swap3A_753 = tpu.vector_load %arg14[%swap3A_752] {strides = array<i32>} : memref<128xi32, #tpu.memory_space<vmem>>, vector<16xi32>,
          tpu.vector_store %arg14[%swap3A_752], %get3A_751 {strides = array<i32>} : memref<128xi32, #tpu.memory_space<vmem>>, vector<16xi32>,
          %mul3A_754 = arith.constant 128 : i32
          %mul3A_755 = arith.muli %add3A_717, %mul3A_754 : i32
          %add3A_756 = arith.constant 0 : i32
          %add3A_757 = arith.addi %mul3A_755, %add3A_756 : i32
          %get3A_758 = arith.index_cast %add3A_757 : i32 to index
          %get3A_759 = tpu.vector_load %arg11[%get3A_758] {strides = array<i32>} : memref<2176xi32, #tpu.memory_space<vmem>>, vector<16xi32>,
          %swap3A_760 = arith.constant 0 : index
          %swap3A_761 = tpu.vector_load %arg15[%swap3A_760] {strides = array<i32>} : memref<128xi32, #tpu.memory_space<vmem>>, vector<16xi32>,
          tpu.vector_store %arg15[%swap3A_760], %get3A_759 {strides = array<i32>} : memref<128xi32, #tpu.memory_space<vmem>>, vector<16xi32>,
          %mul3A_762 = arith.constant 128 : i32
          %mul3A_763 = arith.muli %add3A_717, %mul3A_762 : i32
          %add3A_764 = arith.constant 16 : i32
          %add3A_765 = arith.addi %mul3A_763, %add3A_764 : i32
          %get3A_766 = arith.index_cast %add3A_765 : i32 to index
          %get3A_767 = tpu.vector_load %arg10[%get3A_766] {strides = array<i32>} : memref<2176xi32, #tpu.memory_space<vmem>>, vector<16xi32>,
          %swap3A_768 = arith.constant 16 : index
          %swap3A_769 = tpu.vector_load %arg14[%swap3A_768] {strides = array<i32>} : memref<128xi32, #tpu.memory_space<vmem>>, vector<16xi32>,
          tpu.vector_store %arg14[%swap3A_768], %get3A_767 {strides = array<i32>} : memref<128xi32, #tpu.memory_space<vmem>>, vector<16xi32>,
          %mul3A_770 = arith.constant 128 : i32
          %mul3A_771 = arith.muli %add3A_717, %mul3A_770 : i32
          %add3A_772 = arith.constant 16 : i32
          %add3A_773 = arith.addi %mul3A_771, %add3A_772 : i32
          %get3A_774 = arith.index_cast %add3A_773 : i32 to index
          %get3A_775 = tpu.vector_load %arg11[%get3A_774] {strides = array<i32>} : memref<2176xi32, #tpu.memory_space<vmem>>, vector<16xi32>,
          %swap3A_776 = arith.constant 16 : index
          %swap3A_777 = tpu.vector_load %arg15[%swap3A_776] {strides = array<i32>} : memref<128xi32, #tpu.memory_space<vmem>>, vector<16xi32>,
          tpu.vector_store %arg15[%swap3A_776], %get3A_775 {strides = array<i32>} : memref<128xi32, #tpu.memory_space<vmem>>, vector<16xi32>,
          %mul3A_778 = arith.constant 128 : i32
          %mul3A_779 = arith.muli %add3A_717, %mul3A_778 : i32
          %add3A_780 = arith.constant 32 : i32
          %add3A_781 = arith.addi %mul3A_779, %add3A_780 : i32
          %get3A_782 = arith.index_cast %add3A_781 : i32 to index
          %get3A_783 = tpu.vector_load %arg10[%get3A_782] {strides = array<i32>} : memref<2176xi32, #tpu.memory_space<vmem>>, vector<16xi32>,
          %swap3A_784 = arith.constant 32 : index
          %swap3A_785 = tpu.vector_load %arg14[%swap3A_784] {strides = array<i32>} : memref<128xi32, #tpu.memory_space<vmem>>, vector<16xi32>,
          tpu.vector_store %arg14[%swap3A_784], %get3A_783 {strides = array<i32>} : memref<128xi32, #tpu.memory_space<vmem>>, vector<16xi32>,
          %mul3A_786 = arith.constant 128 : i32
          %mul3A_787 = arith.muli %add3A_717, %mul3A_786 : i32
          %add3A_788 = arith.constant 32 : i32
          %add3A_789 = arith.addi %mul3A_787, %add3A_788 : i32
          %get3A_790 = arith.index_cast %add3A_789 : i32 to index
          %get3A_791 = tpu.vector_load %arg11[%get3A_790] {strides = array<i32>} : memref<2176xi32, #tpu.memory_space<vmem>>, vector<16xi32>,
          %swap3A_792 = arith.constant 32 : index
          %swap3A_793 = tpu.vector_load %arg15[%swap3A_792] {strides = array<i32>} : memref<128xi32, #tpu.memory_space<vmem>>, vector<16xi32>,
          tpu.vector_store %arg15[%swap3A_792], %get3A_791 {strides = array<i32>} : memref<128xi32, #tpu.memory_space<vmem>>, vector<16xi32>,
          %mul3A_794 = arith.constant 128 : i32
          %mul3A_795 = arith.muli %add3A_717, %mul3A_794 : i32
          %add3A_796 = arith.constant 48 : i32
          %add3A_797 = arith.addi %mul3A_795, %add3A_796 : i32
          %get3A_798 = arith.index_cast %add3A_797 : i32 to index
          %get3A_799 = tpu.vector_load %arg10[%get3A_798] {strides = array<i32>} : memref<2176xi32, #tpu.memory_space<vmem>>, vector<16xi32>,
          %swap3A_800 = arith.constant 48 : index
          %swap3A_801 = tpu.vector_load %arg14[%swap3A_800] {strides = array<i32>} : memref<128xi32, #tpu.memory_space<vmem>>, vector<16xi32>,
          tpu.vector_store %arg14[%swap3A_800], %get3A_799 {strides = array<i32>} : memref<128xi32, #tpu.memory_space<vmem>>, vector<16xi32>,
          %mul3A_802 = arith.constant 128 : i32
          %mul3A_803 = arith.muli %add3A_717, %mul3A_802 : i32
          %add3A_804 = arith.constant 48 : i32
          %add3A_805 = arith.addi %mul3A_803, %add3A_804 : i32
          %get3A_806 = arith.index_cast %add3A_805 : i32 to index
          %get3A_807 = tpu.vector_load %arg11[%get3A_806] {strides = array<i32>} : memref<2176xi32, #tpu.memory_space<vmem>>, vector<16xi32>,
          %swap3A_808 = arith.constant 48 : index
          %swap3A_809 = tpu.vector_load %arg15[%swap3A_808] {strides = array<i32>} : memref<128xi32, #tpu.memory_space<vmem>>, vector<16xi32>,
          tpu.vector_store %arg15[%swap3A_808], %get3A_807 {strides = array<i32>} : memref<128xi32, #tpu.memory_space<vmem>>, vector<16xi32>,
          %mul3A_810 = arith.constant 128 : i32
          %mul3A_811 = arith.muli %add3A_717, %mul3A_810 : i32
          %add3A_812 = arith.constant 64 : i32
          %add3A_813 = arith.addi %mul3A_811, %add3A_812 : i32
          %get3A_814 = arith.index_cast %add3A_813 : i32 to index
          %get3A_815 = tpu.vector_load %arg10[%get3A_814] {strides = array<i32>} : memref<2176xi32, #tpu.memory_space<vmem>>, vector<16xi32>,
          %swap3A_816 = arith.constant 64 : index
          %swap3A_817 = tpu.vector_load %arg14[%swap3A_816] {strides = array<i32>} : memref<128xi32, #tpu.memory_space<vmem>>, vector<16xi32>,
          tpu.vector_store %arg14[%swap3A_816], %get3A_815 {strides = array<i32>} : memref<128xi32, #tpu.memory_space<vmem>>, vector<16xi32>,
          %mul3A_818 = arith.constant 128 : i32
          %mul3A_819 = arith.muli %add3A_717, %mul3A_818 : i32
          %add3A_820 = arith.constant 64 : i32
          %add3A_821 = arith.addi %mul3A_819, %add3A_820 : i32
          %get3A_822 = arith.index_cast %add3A_821 : i32 to index
          %get3A_823 = tpu.vector_load %arg11[%get3A_822] {strides = array<i32>} : memref<2176xi32, #tpu.memory_space<vmem>>, vector<16xi32>,
          %swap3A_824 = arith.constant 64 : index
          %swap3A_825 = tpu.vector_load %arg15[%swap3A_824] {strides = array<i32>} : memref<128xi32, #tpu.memory_space<vmem>>, vector<16xi32>,
          tpu.vector_store %arg15[%swap3A_824], %get3A_823 {strides = array<i32>} : memref<128xi32, #tpu.memory_space<vmem>>, vector<16xi32>,
          %mul3A_826 = arith.constant 128 : i32
          %mul3A_827 = arith.muli %add3A_717, %mul3A_826 : i32
          %add3A_828 = arith.constant 80 : i32
          %add3A_829 = arith.addi %mul3A_827, %add3A_828 : i32
          %get3A_830 = arith.index_cast %add3A_829 : i32 to index
          %get3A_831 = tpu.vector_load %arg10[%get3A_830] {strides = array<i32>} : memref<2176xi32, #tpu.memory_space<vmem>>, vector<16xi32>,
          %swap3A_832 = arith.constant 80 : index
          %swap3A_833 = tpu.vector_load %arg14[%swap3A_832] {strides = array<i32>} : memref<128xi32, #tpu.memory_space<vmem>>, vector<16xi32>,
          tpu.vector_store %arg14[%swap3A_832], %get3A_831 {strides = array<i32>} : memref<128xi32, #tpu.memory_space<vmem>>, vector<16xi32>,
          %mul3A_834 = arith.constant 128 : i32
          %mul3A_835 = arith.muli %add3A_717, %mul3A_834 : i32
          %add3A_836 = arith.constant 80 : i32
          %add3A_837 = arith.addi %mul3A_835, %add3A_836 : i32
          %get3A_838 = arith.index_cast %add3A_837 : i32 to index
          %get3A_839 = tpu.vector_load %arg11[%get3A_838] {strides = array<i32>} : memref<2176xi32, #tpu.memory_space<vmem>>, vector<16xi32>,
          %swap3A_840 = arith.constant 80 : index
          %swap3A_841 = tpu.vector_load %arg15[%swap3A_840] {strides = array<i32>} : memref<128xi32, #tpu.memory_space<vmem>>, vector<16xi32>,
          tpu.vector_store %arg15[%swap3A_840], %get3A_839 {strides = array<i32>} : memref<128xi32, #tpu.memory_space<vmem>>, vector<16xi32>,
          %mul3A_842 = arith.constant 128 : i32
          %mul3A_843 = arith.muli %add3A_717, %mul3A_842 : i32
          %add3A_844 = arith.constant 96 : i32
          %add3A_845 = arith.addi %mul3A_843, %add3A_844 : i32
          %get3A_846 = arith.index_cast %add3A_845 : i32 to index
          %get3A_847 = tpu.vector_load %arg10[%get3A_846] {strides = array<i32>} : memref<2176xi32, #tpu.memory_space<vmem>>, vector<16xi32>,
          %swap3A_848 = arith.constant 96 : index
          %swap3A_849 = tpu.vector_load %arg14[%swap3A_848] {strides = array<i32>} : memref<128xi32, #tpu.memory_space<vmem>>, vector<16xi32>,
          tpu.vector_store %arg14[%swap3A_848], %get3A_847 {strides = array<i32>} : memref<128xi32, #tpu.memory_space<vmem>>, vector<16xi32>,
          %mul3A_850 = arith.constant 128 : i32
          %mul3A_851 = arith.muli %add3A_717, %mul3A_850 : i32
          %add3A_852 = arith.constant 96 : i32
          %add3A_853 = arith.addi %mul3A_851, %add3A_852 : i32
          %get3A_854 = arith.index_cast %add3A_853 : i32 to index
          %get3A_855 = tpu.vector_load %arg11[%get3A_854] {strides = array<i32>} : memref<2176xi32, #tpu.memory_space<vmem>>, vector<16xi32>,
          %swap3A_856 = arith.constant 96 : index
          %swap3A_857 = tpu.vector_load %arg15[%swap3A_856] {strides = array<i32>} : memref<128xi32, #tpu.memory_space<vmem>>, vector<16xi32>,
          tpu.vector_store %arg15[%swap3A_856], %get3A_855 {strides = array<i32>} : memref<128xi32, #tpu.memory_space<vmem>>, vector<16xi32>,
          %mul3A_858 = arith.constant 128 : i32
          %mul3A_859 = arith.muli %add3A_717, %mul3A_858 : i32
          %add3A_860 = arith.constant 112 : i32
          %add3A_861 = arith.addi %mul3A_859, %add3A_860 : i32
          %get3A_862 = arith.index_cast %add3A_861 : i32 to index
          %get3A_863 = tpu.vector_load %arg10[%get3A_862] {strides = array<i32>} : memref<2176xi32, #tpu.memory_space<vmem>>, vector<16xi32>,
          %swap3A_864 = arith.constant 112 : index
          %swap3A_865 = tpu.vector_load %arg14[%swap3A_864] {strides = array<i32>} : memref<128xi32, #tpu.memory_space<vmem>>, vector<16xi32>,
          tpu.vector_store %arg14[%swap3A_864], %get3A_863 {strides = array<i32>} : memref<128xi32, #tpu.memory_space<vmem>>, vector<16xi32>,
          %mul3A_866 = arith.constant 128 : i32
          %mul3A_867 = arith.muli %add3A_717, %mul3A_866 : i32
          %add3A_868 = arith.constant 112 : i32
          %add3A_869 = arith.addi %mul3A_867, %add3A_868 : i32
          %get3A_870 = arith.index_cast %add3A_869 : i32 to index
          %get3A_871 = tpu.vector_load %arg11[%get3A_870] {strides = array<i32>} : memref<2176xi32, #tpu.memory_space<vmem>>, vector<16xi32>,
          %swap3A_872 = arith.constant 112 : index
          %swap3A_873 = tpu.vector_load %arg15[%swap3A_872] {strides = array<i32>} : memref<128xi32, #tpu.memory_space<vmem>>, vector<16xi32>,
          tpu.vector_store %arg15[%swap3A_872], %get3A_871 {strides = array<i32>} : memref<128xi32, #tpu.memory_space<vmem>>, vector<16xi32>,
          %dma_start3A_874 = arith.constant 0 : i32
          %dma_start3A_875 = arith.constant 0 : i32
          %dma_start3A_876 = tpu.memref_slice %arg4[%dma_start3A_874, %dma_start3A_875] : memref<51200x288xbf16, #tpu.memory_space<hbm>> -> memref<51200x288xbf16, #tpu.memory_space<hbm>>
          tpu.enqueue_indirect_dma source(%dma_start3A_876 : memref<51200x288xbf16, #tpu.memory_space<hbm>>) target(%arg17 : memref<128x288xbf16, #tpu.memory_space<vmem>>) offsets(%arg14 : memref<128xi32, #tpu.memory_space<vmem>>) semaphore(%arg23 : memref<!tpu.dma_semaphore, #tpu.memory_space<semaphore_mem>>)
        } else {
        }
        %mul3A_722 = arith.constant 2 : i32
        %mul3A_723 = arith.muli %mul3A_722, %while3A_705 : i32
        %add3A_724 = arith.constant 0 : i32
        %add3A_725 = arith.addi %mul3A_723, %add3A_724 : i32
        %lt3A_726 = arith.cmpi slt, %add3A_725, %select_n3A : i32
        %convert_element_type3A_727 = arith.extui %lt3A_726 : i1 to i32
        %cond3A_728 = arith.constant 0 : i32
        %cond3A_729 = arith.cmpi ne, %convert_element_type3A_727, %cond3A_728 : i32
        scf.if %cond3A_729 {
          %dma_wait3A_739 = arith.constant 0 : i32
          %dma_wait3A_740 = arith.constant 0 : i32
          %dma_wait3A_741 = tpu.memref_slice %arg4[%dma_wait3A_739, %dma_wait3A_740] : memref<51200x288xbf16, #tpu.memory_space<hbm>> -> memref<51200x288xbf16, #tpu.memory_space<hbm>>
          tpu.wait_indirect_dma semaphore(%arg22 : memref<!tpu.dma_semaphore, #tpu.memory_space<semaphore_mem>>) src(%dma_wait3A_741 : memref<51200x288xbf16, #tpu.memory_space<hbm>>) dst(%arg16 : memref<128x288xbf16, #tpu.memory_space<vmem>>)
          %dma_start3A_742 = arith.constant 0 : i32
          %dma_start3A_743 = arith.constant 0 : i32
          %dma_start3A_744 = tpu.memref_slice %arg19[%dma_start3A_742, %dma_start3A_743] : memref<5120x288xbf16, #tpu.memory_space<vmem_shared>> -> memref<5120x288xbf16, #tpu.memory_space<vmem_shared>>
          tpu.enqueue_indirect_dma source(%arg16 : memref<128x288xbf16, #tpu.memory_space<vmem>>) target(%dma_start3A_744 : memref<5120x288xbf16, #tpu.memory_space<vmem_shared>>) offsets(%arg13 : memref<128xi32, #tpu.memory_space<vmem>>) semaphore(%arg24 : memref<!tpu.dma_semaphore, #tpu.memory_space<semaphore_mem>>) {add = true}
        } else {
        }
        %mul3A_730 = arith.constant 2 : i32
        %mul3A_731 = arith.muli %mul3A_730, %while3A_705 : i32
        %add3A_732 = arith.constant 1 : i32
        %add3A_733 = arith.addi %mul3A_731, %add3A_732 : i32
        %lt3A_734 = arith.cmpi slt, %add3A_733, %select_n3A : i32
        %convert_element_type3A_735 = arith.extui %lt3A_734 : i1 to i32
        %cond3A_736 = arith.constant 0 : i32
        %cond3A_737 = arith.cmpi ne, %convert_element_type3A_735, %cond3A_736 : i32
        scf.if %cond3A_737 {
          %dma_wait3A_739 = arith.constant 0 : i32
          %dma_wait3A_740 = arith.constant 0 : i32
          %dma_wait3A_741 = tpu.memref_slice %arg4[%dma_wait3A_739, %dma_wait3A_740] : memref<51200x288xbf16, #tpu.memory_space<hbm>> -> memref<51200x288xbf16, #tpu.memory_space<hbm>>
          tpu.wait_indirect_dma semaphore(%arg23 : memref<!tpu.dma_semaphore, #tpu.memory_space<semaphore_mem>>) src(%dma_wait3A_741 : memref<51200x288xbf16, #tpu.memory_space<hbm>>) dst(%arg17 : memref<128x288xbf16, #tpu.memory_space<vmem>>)
          %dma_start3A_742 = arith.constant 0 : i32
          %dma_start3A_743 = arith.constant 0 : i32
          %dma_start3A_744 = tpu.memref_slice %arg19[%dma_start3A_742, %dma_start3A_743] : memref<5120x288xbf16, #tpu.memory_space<vmem_shared>> -> memref<5120x288xbf16, #tpu.memory_space<vmem_shared>>
          tpu.enqueue_indirect_dma source(%arg17 : memref<128x288xbf16, #tpu.memory_space<vmem>>) target(%dma_start3A_744 : memref<5120x288xbf16, #tpu.memory_space<vmem_shared>>) offsets(%arg15 : memref<128xi32, #tpu.memory_space<vmem>>) semaphore(%arg25 : memref<!tpu.dma_semaphore, #tpu.memory_space<semaphore_mem>>) {add = true}
        } else {
        }
        %while3A_738 = arith.constant 0 : i32
        scf.yield %while3A_738 : i32
      }
      %while3A_516 = arith.constant 1 : i32
      %while3A_517 = scf.for %while3A_705 = %while3A_513 to %while3A_509 step %while3A_516 iter_args(%while3A_706 = %while3A_515) -> (i32)  : i32 {
        %mul3A_707 = arith.constant 2 : i32
        %mul3A_708 = arith.muli %mul3A_707, %while3A_705 : i32
        %add3A_709 = arith.constant 0 : i32
        %add3A_710 = arith.addi %mul3A_708, %add3A_709 : i32
        %lt3A = arith.cmpi slt, %add3A_710, %select_n3A : i32
        %convert_element_type3A_711 = arith.extui %lt3A : i1 to i32
        %cond3A_712 = arith.constant 0 : i32
        %cond3A_713 = arith.cmpi ne, %convert_element_type3A_711, %cond3A_712 : i32
        scf.if %cond3A_713 {
          %gt3A_739 = arith.constant 0 : i32
          %gt3A_740 = arith.cmpi sgt, %while3A_705, %gt3A_739 : i32
          %gt3A_741 = arith.constant 0 : i32
          %gt3A_742 = arith.cmpi sgt, %scan3A_440#1, %gt3A_741 : i32
          %or3A = arith.ori %gt3A_740, %gt3A_742 : i1
          %convert_element_type3A_743 = arith.extui %or3A : i1 to i32
          %cond3A_744 = arith.constant 0 : i32
          %cond3A_745 = arith.cmpi ne, %convert_element_type3A_743, %cond3A_744 : i32
          scf.if %cond3A_745 {
            %dma_wait3A_877 = arith.constant 0 : i32
            %dma_wait3A_878 = arith.constant 0 : i32
            %dma_wait3A_879 = tpu.memref_slice %arg19[%dma_wait3A_877, %dma_wait3A_878] : memref<5120x288xbf16, #tpu.memory_space<vmem_shared>> -> memref<5120x288xbf16, #tpu.memory_space<vmem_shared>>
            tpu.wait_indirect_dma semaphore(%arg24 : memref<!tpu.dma_semaphore, #tpu.memory_space<semaphore_mem>>) src(%arg16 : memref<128x288xbf16, #tpu.memory_space<vmem>>) dst(%dma_wait3A_879 : memref<5120x288xbf16, #tpu.memory_space<vmem_shared>>)
          } else {
          }
          %mul3A_746 = arith.constant 128 : i32
          %mul3A_747 = arith.muli %add3A_710, %mul3A_746 : i32
          %add3A_748 = arith.constant 0 : i32
          %add3A_749 = arith.addi %mul3A_747, %add3A_748 : i32
          %get3A_750 = arith.index_cast %add3A_749 : i32 to index
          %get3A_751 = tpu.vector_load %arg10[%get3A_750] {strides = array<i32>} : memref<2176xi32, #tpu.memory_space<vmem>>, vector<16xi32>,
          %swap3A_752 = arith.constant 0 : index
          %swap3A_753 = tpu.vector_load %arg12[%swap3A_752] {strides = array<i32>} : memref<128xi32, #tpu.memory_space<vmem>>, vector<16xi32>,
          tpu.vector_store %arg12[%swap3A_752], %get3A_751 {strides = array<i32>} : memref<128xi32, #tpu.memory_space<vmem>>, vector<16xi32>,
          %mul3A_754 = arith.constant 128 : i32
          %mul3A_755 = arith.muli %add3A_710, %mul3A_754 : i32
          %add3A_756 = arith.constant 0 : i32
          %add3A_757 = arith.addi %mul3A_755, %add3A_756 : i32
          %get3A_758 = arith.index_cast %add3A_757 : i32 to index
          %get3A_759 = tpu.vector_load %arg11[%get3A_758] {strides = array<i32>} : memref<2176xi32, #tpu.memory_space<vmem>>, vector<16xi32>,
          %swap3A_760 = arith.constant 0 : index
          %swap3A_761 = tpu.vector_load %arg13[%swap3A_760] {strides = array<i32>} : memref<128xi32, #tpu.memory_space<vmem>>, vector<16xi32>,
          tpu.vector_store %arg13[%swap3A_760], %get3A_759 {strides = array<i32>} : memref<128xi32, #tpu.memory_space<vmem>>, vector<16xi32>,
          %mul3A_762 = arith.constant 128 : i32
          %mul3A_763 = arith.muli %add3A_710, %mul3A_762 : i32
          %add3A_764 = arith.constant 16 : i32
          %add3A_765 = arith.addi %mul3A_763, %add3A_764 : i32
          %get3A_766 = arith.index_cast %add3A_765 : i32 to index
          %get3A_767 = tpu.vector_load %arg10[%get3A_766] {strides = array<i32>} : memref<2176xi32, #tpu.memory_space<vmem>>, vector<16xi32>,
          %swap3A_768 = arith.constant 16 : index
          %swap3A_769 = tpu.vector_load %arg12[%swap3A_768] {strides = array<i32>} : memref<128xi32, #tpu.memory_space<vmem>>, vector<16xi32>,
          tpu.vector_store %arg12[%swap3A_768], %get3A_767 {strides = array<i32>} : memref<128xi32, #tpu.memory_space<vmem>>, vector<16xi32>,
          %mul3A_770 = arith.constant 128 : i32
          %mul3A_771 = arith.muli %add3A_710, %mul3A_770 : i32
          %add3A_772 = arith.constant 16 : i32
          %add3A_773 = arith.addi %mul3A_771, %add3A_772 : i32
          %get3A_774 = arith.index_cast %add3A_773 : i32 to index
          %get3A_775 = tpu.vector_load %arg11[%get3A_774] {strides = array<i32>} : memref<2176xi32, #tpu.memory_space<vmem>>, vector<16xi32>,
          %swap3A_776 = arith.constant 16 : index
          %swap3A_777 = tpu.vector_load %arg13[%swap3A_776] {strides = array<i32>} : memref<128xi32, #tpu.memory_space<vmem>>, vector<16xi32>,
          tpu.vector_store %arg13[%swap3A_776], %get3A_775 {strides = array<i32>} : memref<128xi32, #tpu.memory_space<vmem>>, vector<16xi32>,
          %mul3A_778 = arith.constant 128 : i32
          %mul3A_779 = arith.muli %add3A_710, %mul3A_778 : i32
          %add3A_780 = arith.constant 32 : i32
          %add3A_781 = arith.addi %mul3A_779, %add3A_780 : i32
          %get3A_782 = arith.index_cast %add3A_781 : i32 to index
          %get3A_783 = tpu.vector_load %arg10[%get3A_782] {strides = array<i32>} : memref<2176xi32, #tpu.memory_space<vmem>>, vector<16xi32>,
          %swap3A_784 = arith.constant 32 : index
          %swap3A_785 = tpu.vector_load %arg12[%swap3A_784] {strides = array<i32>} : memref<128xi32, #tpu.memory_space<vmem>>, vector<16xi32>,
          tpu.vector_store %arg12[%swap3A_784], %get3A_783 {strides = array<i32>} : memref<128xi32, #tpu.memory_space<vmem>>, vector<16xi32>,
          %mul3A_786 = arith.constant 128 : i32
          %mul3A_787 = arith.muli %add3A_710, %mul3A_786 : i32
          %add3A_788 = arith.constant 32 : i32
          %add3A_789 = arith.addi %mul3A_787, %add3A_788 : i32
          %get3A_790 = arith.index_cast %add3A_789 : i32 to index
          %get3A_791 = tpu.vector_load %arg11[%get3A_790] {strides = array<i32>} : memref<2176xi32, #tpu.memory_space<vmem>>, vector<16xi32>,
          %swap3A_792 = arith.constant 32 : index
          %swap3A_793 = tpu.vector_load %arg13[%swap3A_792] {strides = array<i32>} : memref<128xi32, #tpu.memory_space<vmem>>, vector<16xi32>,
          tpu.vector_store %arg13[%swap3A_792], %get3A_791 {strides = array<i32>} : memref<128xi32, #tpu.memory_space<vmem>>, vector<16xi32>,
          %mul3A_794 = arith.constant 128 : i32
          %mul3A_795 = arith.muli %add3A_710, %mul3A_794 : i32
          %add3A_796 = arith.constant 48 : i32
          %add3A_797 = arith.addi %mul3A_795, %add3A_796 : i32
          %get3A_798 = arith.index_cast %add3A_797 : i32 to index
          %get3A_799 = tpu.vector_load %arg10[%get3A_798] {strides = array<i32>} : memref<2176xi32, #tpu.memory_space<vmem>>, vector<16xi32>,
          %swap3A_800 = arith.constant 48 : index
          %swap3A_801 = tpu.vector_load %arg12[%swap3A_800] {strides = array<i32>} : memref<128xi32, #tpu.memory_space<vmem>>, vector<16xi32>,
          tpu.vector_store %arg12[%swap3A_800], %get3A_799 {strides = array<i32>} : memref<128xi32, #tpu.memory_space<vmem>>, vector<16xi32>,
          %mul3A_802 = arith.constant 128 : i32
          %mul3A_803 = arith.muli %add3A_710, %mul3A_802 : i32
          %add3A_804 = arith.constant 48 : i32
          %add3A_805 = arith.addi %mul3A_803, %add3A_804 : i32
          %get3A_806 = arith.index_cast %add3A_805 : i32 to index
          %get3A_807 = tpu.vector_load %arg11[%get3A_806] {strides = array<i32>} : memref<2176xi32, #tpu.memory_space<vmem>>, vector<16xi32>,
          %swap3A_808 = arith.constant 48 : index
          %swap3A_809 = tpu.vector_load %arg13[%swap3A_808] {strides = array<i32>} : memref<128xi32, #tpu.memory_space<vmem>>, vector<16xi32>,
          tpu.vector_store %arg13[%swap3A_808], %get3A_807 {strides = array<i32>} : memref<128xi32, #tpu.memory_space<vmem>>, vector<16xi32>,
          %mul3A_810 = arith.constant 128 : i32
          %mul3A_811 = arith.muli %add3A_710, %mul3A_810 : i32
          %add3A_812 = arith.constant 64 : i32
          %add3A_813 = arith.addi %mul3A_811, %add3A_812 : i32
          %get3A_814 = arith.index_cast %add3A_813 : i32 to index
          %get3A_815 = tpu.vector_load %arg10[%get3A_814] {strides = array<i32>} : memref<2176xi32, #tpu.memory_space<vmem>>, vector<16xi32>,
          %swap3A_816 = arith.constant 64 : index
          %swap3A_817 = tpu.vector_load %arg12[%swap3A_816] {strides = array<i32>} : memref<128xi32, #tpu.memory_space<vmem>>, vector<16xi32>,
          tpu.vector_store %arg12[%swap3A_816], %get3A_815 {strides = array<i32>} : memref<128xi32, #tpu.memory_space<vmem>>, vector<16xi32>,
          %mul3A_818 = arith.constant 128 : i32
          %mul3A_819 = arith.muli %add3A_710, %mul3A_818 : i32
          %add3A_820 = arith.constant 64 : i32
          %add3A_821 = arith.addi %mul3A_819, %add3A_820 : i32
          %get3A_822 = arith.index_cast %add3A_821 : i32 to index
          %get3A_823 = tpu.vector_load %arg11[%get3A_822] {strides = array<i32>} : memref<2176xi32, #tpu.memory_space<vmem>>, vector<16xi32>,
          %swap3A_824 = arith.constant 64 : index
          %swap3A_825 = tpu.vector_load %arg13[%swap3A_824] {strides = array<i32>} : memref<128xi32, #tpu.memory_space<vmem>>, vector<16xi32>,
          tpu.vector_store %arg13[%swap3A_824], %get3A_823 {strides = array<i32>} : memref<128xi32, #tpu.memory_space<vmem>>, vector<16xi32>,
          %mul3A_826 = arith.constant 128 : i32
          %mul3A_827 = arith.muli %add3A_710, %mul3A_826 : i32
          %add3A_828 = arith.constant 80 : i32
          %add3A_829 = arith.addi %mul3A_827, %add3A_828 : i32
          %get3A_830 = arith.index_cast %add3A_829 : i32 to index
          %get3A_831 = tpu.vector_load %arg10[%get3A_830] {strides = array<i32>} : memref<2176xi32, #tpu.memory_space<vmem>>, vector<16xi32>,
          %swap3A_832 = arith.constant 80 : index
          %swap3A_833 = tpu.vector_load %arg12[%swap3A_832] {strides = array<i32>} : memref<128xi32, #tpu.memory_space<vmem>>, vector<16xi32>,
          tpu.vector_store %arg12[%swap3A_832], %get3A_831 {strides = array<i32>} : memref<128xi32, #tpu.memory_space<vmem>>, vector<16xi32>,
          %mul3A_834 = arith.constant 128 : i32
          %mul3A_835 = arith.muli %add3A_710, %mul3A_834 : i32
          %add3A_836 = arith.constant 80 : i32
          %add3A_837 = arith.addi %mul3A_835, %add3A_836 : i32
          %get3A_838 = arith.index_cast %add3A_837 : i32 to index
          %get3A_839 = tpu.vector_load %arg11[%get3A_838] {strides = array<i32>} : memref<2176xi32, #tpu.memory_space<vmem>>, vector<16xi32>,
          %swap3A_840 = arith.constant 80 : index
          %swap3A_841 = tpu.vector_load %arg13[%swap3A_840] {strides = array<i32>} : memref<128xi32, #tpu.memory_space<vmem>>, vector<16xi32>,
          tpu.vector_store %arg13[%swap3A_840], %get3A_839 {strides = array<i32>} : memref<128xi32, #tpu.memory_space<vmem>>, vector<16xi32>,
          %mul3A_842 = arith.constant 128 : i32
          %mul3A_843 = arith.muli %add3A_710, %mul3A_842 : i32
          %add3A_844 = arith.constant 96 : i32
          %add3A_845 = arith.addi %mul3A_843, %add3A_844 : i32
          %get3A_846 = arith.index_cast %add3A_845 : i32 to index
          %get3A_847 = tpu.vector_load %arg10[%get3A_846] {strides = array<i32>} : memref<2176xi32, #tpu.memory_space<vmem>>, vector<16xi32>,
          %swap3A_848 = arith.constant 96 : index
          %swap3A_849 = tpu.vector_load %arg12[%swap3A_848] {strides = array<i32>} : memref<128xi32, #tpu.memory_space<vmem>>, vector<16xi32>,
          tpu.vector_store %arg12[%swap3A_848], %get3A_847 {strides = array<i32>} : memref<128xi32, #tpu.memory_space<vmem>>, vector<16xi32>,
          %mul3A_850 = arith.constant 128 : i32
          %mul3A_851 = arith.muli %add3A_710, %mul3A_850 : i32
          %add3A_852 = arith.constant 96 : i32
          %add3A_853 = arith.addi %mul3A_851, %add3A_852 : i32
          %get3A_854 = arith.index_cast %add3A_853 : i32 to index
          %get3A_855 = tpu.vector_load %arg11[%get3A_854] {strides = array<i32>} : memref<2176xi32, #tpu.memory_space<vmem>>, vector<16xi32>,
          %swap3A_856 = arith.constant 96 : index
          %swap3A_857 = tpu.vector_load %arg13[%swap3A_856] {strides = array<i32>} : memref<128xi32, #tpu.memory_space<vmem>>, vector<16xi32>,
          tpu.vector_store %arg13[%swap3A_856], %get3A_855 {strides = array<i32>} : memref<128xi32, #tpu.memory_space<vmem>>, vector<16xi32>,
          %mul3A_858 = arith.constant 128 : i32
          %mul3A_859 = arith.muli %add3A_710, %mul3A_858 : i32
          %add3A_860 = arith.constant 112 : i32
          %add3A_861 = arith.addi %mul3A_859, %add3A_860 : i32
          %get3A_862 = arith.index_cast %add3A_861 : i32 to index
          %get3A_863 = tpu.vector_load %arg10[%get3A_862] {strides = array<i32>} : memref<2176xi32, #tpu.memory_space<vmem>>, vector<16xi32>,
          %swap3A_864 = arith.constant 112 : index
          %swap3A_865 = tpu.vector_load %arg12[%swap3A_864] {strides = array<i32>} : memref<128xi32, #tpu.memory_space<vmem>>, vector<16xi32>,
          tpu.vector_store %arg12[%swap3A_864], %get3A_863 {strides = array<i32>} : memref<128xi32, #tpu.memory_space<vmem>>, vector<16xi32>,
          %mul3A_866 = arith.constant 128 : i32
          %mul3A_867 = arith.muli %add3A_710, %mul3A_866 : i32
          %add3A_868 = arith.constant 112 : i32
          %add3A_869 = arith.addi %mul3A_867, %add3A_868 : i32
          %get3A_870 = arith.index_cast %add3A_869 : i32 to index
          %get3A_871 = tpu.vector_load %arg11[%get3A_870] {strides = array<i32>} : memref<2176xi32, #tpu.memory_space<vmem>>, vector<16xi32>,
          %swap3A_872 = arith.constant 112 : index
          %swap3A_873 = tpu.vector_load %arg13[%swap3A_872] {strides = array<i32>} : memref<128xi32, #tpu.memory_space<vmem>>, vector<16xi32>,
          tpu.vector_store %arg13[%swap3A_872], %get3A_871 {strides = array<i32>} : memref<128xi32, #tpu.memory_space<vmem>>, vector<16xi32>,
          %dma_start3A_874 = arith.constant 0 : i32
          %dma_start3A_875 = arith.constant 0 : i32
          %dma_start3A_876 = tpu.memref_slice %arg4[%dma_start3A_874, %dma_start3A_875] : memref<51200x288xbf16, #tpu.memory_space<hbm>> -> memref<51200x288xbf16, #tpu.memory_space<hbm>>
          tpu.enqueue_indirect_dma source(%dma_start3A_876 : memref<51200x288xbf16, #tpu.memory_space<hbm>>) target(%arg16 : memref<128x288xbf16, #tpu.memory_space<vmem>>) offsets(%arg12 : memref<128xi32, #tpu.memory_space<vmem>>) semaphore(%arg22 : memref<!tpu.dma_semaphore, #tpu.memory_space<semaphore_mem>>)
        } else {
        }
        %mul3A_714 = arith.constant 2 : i32
        %mul3A_715 = arith.muli %mul3A_714, %while3A_705 : i32
        %add3A_716 = arith.constant 1 : i32
        %add3A_717 = arith.addi %mul3A_715, %add3A_716 : i32
        %lt3A_718 = arith.cmpi slt, %add3A_717, %select_n3A : i32
        %convert_element_type3A_719 = arith.extui %lt3A_718 : i1 to i32
        %cond3A_720 = arith.constant 0 : i32
        %cond3A_721 = arith.cmpi ne, %convert_element_type3A_719, %cond3A_720 : i32
        scf.if %cond3A_721 {
          %gt3A_739 = arith.constant 0 : i32
          %gt3A_740 = arith.cmpi sgt, %while3A_705, %gt3A_739 : i32
          %gt3A_741 = arith.constant 0 : i32
          %gt3A_742 = arith.cmpi sgt, %scan3A_440#2, %gt3A_741 : i32
          %or3A = arith.ori %gt3A_740, %gt3A_742 : i1
          %convert_element_type3A_743 = arith.extui %or3A : i1 to i32
          %cond3A_744 = arith.constant 0 : i32
          %cond3A_745 = arith.cmpi ne, %convert_element_type3A_743, %cond3A_744 : i32
          scf.if %cond3A_745 {
            %dma_wait3A_877 = arith.constant 0 : i32
            %dma_wait3A_878 = arith.constant 0 : i32
            %dma_wait3A_879 = tpu.memref_slice %arg19[%dma_wait3A_877, %dma_wait3A_878] : memref<5120x288xbf16, #tpu.memory_space<vmem_shared>> -> memref<5120x288xbf16, #tpu.memory_space<vmem_shared>>
            tpu.wait_indirect_dma semaphore(%arg25 : memref<!tpu.dma_semaphore, #tpu.memory_space<semaphore_mem>>) src(%arg17 : memref<128x288xbf16, #tpu.memory_space<vmem>>) dst(%dma_wait3A_879 : memref<5120x288xbf16, #tpu.memory_space<vmem_shared>>)
          } else {
          }
          %mul3A_746 = arith.constant 128 : i32
          %mul3A_747 = arith.muli %add3A_717, %mul3A_746 : i32
          %add3A_748 = arith.constant 0 : i32
          %add3A_749 = arith.addi %mul3A_747, %add3A_748 : i32
          %get3A_750 = arith.index_cast %add3A_749 : i32 to index
          %get3A_751 = tpu.vector_load %arg10[%get3A_750] {strides = array<i32>} : memref<2176xi32, #tpu.memory_space<vmem>>, vector<16xi32>,
          %swap3A_752 = arith.constant 0 : index
          %swap3A_753 = tpu.vector_load %arg14[%swap3A_752] {strides = array<i32>} : memref<128xi32, #tpu.memory_space<vmem>>, vector<16xi32>,
          tpu.vector_store %arg14[%swap3A_752], %get3A_751 {strides = array<i32>} : memref<128xi32, #tpu.memory_space<vmem>>, vector<16xi32>,
          %mul3A_754 = arith.constant 128 : i32
          %mul3A_755 = arith.muli %add3A_717, %mul3A_754 : i32
          %add3A_756 = arith.constant 0 : i32
          %add3A_757 = arith.addi %mul3A_755, %add3A_756 : i32
          %get3A_758 = arith.index_cast %add3A_757 : i32 to index
          %get3A_759 = tpu.vector_load %arg11[%get3A_758] {strides = array<i32>} : memref<2176xi32, #tpu.memory_space<vmem>>, vector<16xi32>,
          %swap3A_760 = arith.constant 0 : index
          %swap3A_761 = tpu.vector_load %arg15[%swap3A_760] {strides = array<i32>} : memref<128xi32, #tpu.memory_space<vmem>>, vector<16xi32>,
          tpu.vector_store %arg15[%swap3A_760], %get3A_759 {strides = array<i32>} : memref<128xi32, #tpu.memory_space<vmem>>, vector<16xi32>,
          %mul3A_762 = arith.constant 128 : i32
          %mul3A_763 = arith.muli %add3A_717, %mul3A_762 : i32
          %add3A_764 = arith.constant 16 : i32
          %add3A_765 = arith.addi %mul3A_763, %add3A_764 : i32
          %get3A_766 = arith.index_cast %add3A_765 : i32 to index
          %get3A_767 = tpu.vector_load %arg10[%get3A_766] {strides = array<i32>} : memref<2176xi32, #tpu.memory_space<vmem>>, vector<16xi32>,
          %swap3A_768 = arith.constant 16 : index
          %swap3A_769 = tpu.vector_load %arg14[%swap3A_768] {strides = array<i32>} : memref<128xi32, #tpu.memory_space<vmem>>, vector<16xi32>,
          tpu.vector_store %arg14[%swap3A_768], %get3A_767 {strides = array<i32>} : memref<128xi32, #tpu.memory_space<vmem>>, vector<16xi32>,
          %mul3A_770 = arith.constant 128 : i32
          %mul3A_771 = arith.muli %add3A_717, %mul3A_770 : i32
          %add3A_772 = arith.constant 16 : i32
          %add3A_773 = arith.addi %mul3A_771, %add3A_772 : i32
          %get3A_774 = arith.index_cast %add3A_773 : i32 to index
          %get3A_775 = tpu.vector_load %arg11[%get3A_774] {strides = array<i32>} : memref<2176xi32, #tpu.memory_space<vmem>>, vector<16xi32>,
          %swap3A_776 = arith.constant 16 : index
          %swap3A_777 = tpu.vector_load %arg15[%swap3A_776] {strides = array<i32>} : memref<128xi32, #tpu.memory_space<vmem>>, vector<16xi32>,
          tpu.vector_store %arg15[%swap3A_776], %get3A_775 {strides = array<i32>} : memref<128xi32, #tpu.memory_space<vmem>>, vector<16xi32>,
          %mul3A_778 = arith.constant 128 : i32
          %mul3A_779 = arith.muli %add3A_717, %mul3A_778 : i32
          %add3A_780 = arith.constant 32 : i32
          %add3A_781 = arith.addi %mul3A_779, %add3A_780 : i32
          %get3A_782 = arith.index_cast %add3A_781 : i32 to index
          %get3A_783 = tpu.vector_load %arg10[%get3A_782] {strides = array<i32>} : memref<2176xi32, #tpu.memory_space<vmem>>, vector<16xi32>,
          %swap3A_784 = arith.constant 32 : index
          %swap3A_785 = tpu.vector_load %arg14[%swap3A_784] {strides = array<i32>} : memref<128xi32, #tpu.memory_space<vmem>>, vector<16xi32>,
          tpu.vector_store %arg14[%swap3A_784], %get3A_783 {strides = array<i32>} : memref<128xi32, #tpu.memory_space<vmem>>, vector<16xi32>,
          %mul3A_786 = arith.constant 128 : i32
          %mul3A_787 = arith.muli %add3A_717, %mul3A_786 : i32
          %add3A_788 = arith.constant 32 : i32
          %add3A_789 = arith.addi %mul3A_787, %add3A_788 : i32
          %get3A_790 = arith.index_cast %add3A_789 : i32 to index
          %get3A_791 = tpu.vector_load %arg11[%get3A_790] {strides = array<i32>} : memref<2176xi32, #tpu.memory_space<vmem>>, vector<16xi32>,
          %swap3A_792 = arith.constant 32 : index
          %swap3A_793 = tpu.vector_load %arg15[%swap3A_792] {strides = array<i32>} : memref<128xi32, #tpu.memory_space<vmem>>, vector<16xi32>,
          tpu.vector_store %arg15[%swap3A_792], %get3A_791 {strides = array<i32>} : memref<128xi32, #tpu.memory_space<vmem>>, vector<16xi32>,
          %mul3A_794 = arith.constant 128 : i32
          %mul3A_795 = arith.muli %add3A_717, %mul3A_794 : i32
          %add3A_796 = arith.constant 48 : i32
          %add3A_797 = arith.addi %mul3A_795, %add3A_796 : i32
          %get3A_798 = arith.index_cast %add3A_797 : i32 to index
          %get3A_799 = tpu.vector_load %arg10[%get3A_798] {strides = array<i32>} : memref<2176xi32, #tpu.memory_space<vmem>>, vector<16xi32>,
          %swap3A_800 = arith.constant 48 : index
          %swap3A_801 = tpu.vector_load %arg14[%swap3A_800] {strides = array<i32>} : memref<128xi32, #tpu.memory_space<vmem>>, vector<16xi32>,
          tpu.vector_store %arg14[%swap3A_800], %get3A_799 {strides = array<i32>} : memref<128xi32, #tpu.memory_space<vmem>>, vector<16xi32>,
          %mul3A_802 = arith.constant 128 : i32
          %mul3A_803 = arith.muli %add3A_717, %mul3A_802 : i32
          %add3A_804 = arith.constant 48 : i32
          %add3A_805 = arith.addi %mul3A_803, %add3A_804 : i32
          %get3A_806 = arith.index_cast %add3A_805 : i32 to index
          %get3A_807 = tpu.vector_load %arg11[%get3A_806] {strides = array<i32>} : memref<2176xi32, #tpu.memory_space<vmem>>, vector<16xi32>,
          %swap3A_808 = arith.constant 48 : index
          %swap3A_809 = tpu.vector_load %arg15[%swap3A_808] {strides = array<i32>} : memref<128xi32, #tpu.memory_space<vmem>>, vector<16xi32>,
          tpu.vector_store %arg15[%swap3A_808], %get3A_807 {strides = array<i32>} : memref<128xi32, #tpu.memory_space<vmem>>, vector<16xi32>,
          %mul3A_810 = arith.constant 128 : i32
          %mul3A_811 = arith.muli %add3A_717, %mul3A_810 : i32
          %add3A_812 = arith.constant 64 : i32
          %add3A_813 = arith.addi %mul3A_811, %add3A_812 : i32
          %get3A_814 = arith.index_cast %add3A_813 : i32 to index
          %get3A_815 = tpu.vector_load %arg10[%get3A_814] {strides = array<i32>} : memref<2176xi32, #tpu.memory_space<vmem>>, vector<16xi32>,
          %swap3A_816 = arith.constant 64 : index
          %swap3A_817 = tpu.vector_load %arg14[%swap3A_816] {strides = array<i32>} : memref<128xi32, #tpu.memory_space<vmem>>, vector<16xi32>,
          tpu.vector_store %arg14[%swap3A_816], %get3A_815 {strides = array<i32>} : memref<128xi32, #tpu.memory_space<vmem>>, vector<16xi32>,
          %mul3A_818 = arith.constant 128 : i32
          %mul3A_819 = arith.muli %add3A_717, %mul3A_818 : i32
          %add3A_820 = arith.constant 64 : i32
          %add3A_821 = arith.addi %mul3A_819, %add3A_820 : i32
          %get3A_822 = arith.index_cast %add3A_821 : i32 to index
          %get3A_823 = tpu.vector_load %arg11[%get3A_822] {strides = array<i32>} : memref<2176xi32, #tpu.memory_space<vmem>>, vector<16xi32>,
          %swap3A_824 = arith.constant 64 : index
          %swap3A_825 = tpu.vector_load %arg15[%swap3A_824] {strides = array<i32>} : memref<128xi32, #tpu.memory_space<vmem>>, vector<16xi32>,
          tpu.vector_store %arg15[%swap3A_824], %get3A_823 {strides = array<i32>} : memref<128xi32, #tpu.memory_space<vmem>>, vector<16xi32>,
          %mul3A_826 = arith.constant 128 : i32
          %mul3A_827 = arith.muli %add3A_717, %mul3A_826 : i32
          %add3A_828 = arith.constant 80 : i32
          %add3A_829 = arith.addi %mul3A_827, %add3A_828 : i32
          %get3A_830 = arith.index_cast %add3A_829 : i32 to index
          %get3A_831 = tpu.vector_load %arg10[%get3A_830] {strides = array<i32>} : memref<2176xi32, #tpu.memory_space<vmem>>, vector<16xi32>,
          %swap3A_832 = arith.constant 80 : index
          %swap3A_833 = tpu.vector_load %arg14[%swap3A_832] {strides = array<i32>} : memref<128xi32, #tpu.memory_space<vmem>>, vector<16xi32>,
          tpu.vector_store %arg14[%swap3A_832], %get3A_831 {strides = array<i32>} : memref<128xi32, #tpu.memory_space<vmem>>, vector<16xi32>,
          %mul3A_834 = arith.constant 128 : i32
          %mul3A_835 = arith.muli %add3A_717, %mul3A_834 : i32
          %add3A_836 = arith.constant 80 : i32
          %add3A_837 = arith.addi %mul3A_835, %add3A_836 : i32
          %get3A_838 = arith.index_cast %add3A_837 : i32 to index
          %get3A_839 = tpu.vector_load %arg11[%get3A_838] {strides = array<i32>} : memref<2176xi32, #tpu.memory_space<vmem>>, vector<16xi32>,
          %swap3A_840 = arith.constant 80 : index
          %swap3A_841 = tpu.vector_load %arg15[%swap3A_840] {strides = array<i32>} : memref<128xi32, #tpu.memory_space<vmem>>, vector<16xi32>,
          tpu.vector_store %arg15[%swap3A_840], %get3A_839 {strides = array<i32>} : memref<128xi32, #tpu.memory_space<vmem>>, vector<16xi32>,
          %mul3A_842 = arith.constant 128 : i32
          %mul3A_843 = arith.muli %add3A_717, %mul3A_842 : i32
          %add3A_844 = arith.constant 96 : i32
          %add3A_845 = arith.addi %mul3A_843, %add3A_844 : i32
          %get3A_846 = arith.index_cast %add3A_845 : i32 to index
          %get3A_847 = tpu.vector_load %arg10[%get3A_846] {strides = array<i32>} : memref<2176xi32, #tpu.memory_space<vmem>>, vector<16xi32>,
          %swap3A_848 = arith.constant 96 : index
          %swap3A_849 = tpu.vector_load %arg14[%swap3A_848] {strides = array<i32>} : memref<128xi32, #tpu.memory_space<vmem>>, vector<16xi32>,
          tpu.vector_store %arg14[%swap3A_848], %get3A_847 {strides = array<i32>} : memref<128xi32, #tpu.memory_space<vmem>>, vector<16xi32>,
          %mul3A_850 = arith.constant 128 : i32
          %mul3A_851 = arith.muli %add3A_717, %mul3A_850 : i32
          %add3A_852 = arith.constant 96 : i32
          %add3A_853 = arith.addi %mul3A_851, %add3A_852 : i32
          %get3A_854 = arith.index_cast %add3A_853 : i32 to index
          %get3A_855 = tpu.vector_load %arg11[%get3A_854] {strides = array<i32>} : memref<2176xi32, #tpu.memory_space<vmem>>, vector<16xi32>,
          %swap3A_856 = arith.constant 96 : index
          %swap3A_857 = tpu.vector_load %arg15[%swap3A_856] {strides = array<i32>} : memref<128xi32, #tpu.memory_space<vmem>>, vector<16xi32>,
          tpu.vector_store %arg15[%swap3A_856], %get3A_855 {strides = array<i32>} : memref<128xi32, #tpu.memory_space<vmem>>, vector<16xi32>,
          %mul3A_858 = arith.constant 128 : i32
          %mul3A_859 = arith.muli %add3A_717, %mul3A_858 : i32
          %add3A_860 = arith.constant 112 : i32
          %add3A_861 = arith.addi %mul3A_859, %add3A_860 : i32
          %get3A_862 = arith.index_cast %add3A_861 : i32 to index
          %get3A_863 = tpu.vector_load %arg10[%get3A_862] {strides = array<i32>} : memref<2176xi32, #tpu.memory_space<vmem>>, vector<16xi32>,
          %swap3A_864 = arith.constant 112 : index
          %swap3A_865 = tpu.vector_load %arg14[%swap3A_864] {strides = array<i32>} : memref<128xi32, #tpu.memory_space<vmem>>, vector<16xi32>,
          tpu.vector_store %arg14[%swap3A_864], %get3A_863 {strides = array<i32>} : memref<128xi32, #tpu.memory_space<vmem>>, vector<16xi32>,
          %mul3A_866 = arith.constant 128 : i32
          %mul3A_867 = arith.muli %add3A_717, %mul3A_866 : i32
          %add3A_868 = arith.constant 112 : i32
          %add3A_869 = arith.addi %mul3A_867, %add3A_868 : i32
          %get3A_870 = arith.index_cast %add3A_869 : i32 to index
          %get3A_871 = tpu.vector_load %arg11[%get3A_870] {strides = array<i32>} : memref<2176xi32, #tpu.memory_space<vmem>>, vector<16xi32>,
          %swap3A_872 = arith.constant 112 : index
          %swap3A_873 = tpu.vector_load %arg15[%swap3A_872] {strides = array<i32>} : memref<128xi32, #tpu.memory_space<vmem>>, vector<16xi32>,
          tpu.vector_store %arg15[%swap3A_872], %get3A_871 {strides = array<i32>} : memref<128xi32, #tpu.memory_space<vmem>>, vector<16xi32>,
          %dma_start3A_874 = arith.constant 0 : i32
          %dma_start3A_875 = arith.constant 0 : i32
          %dma_start3A_876 = tpu.memref_slice %arg4[%dma_start3A_874, %dma_start3A_875] : memref<51200x288xbf16, #tpu.memory_space<hbm>> -> memref<51200x288xbf16, #tpu.memory_space<hbm>>
          tpu.enqueue_indirect_dma source(%dma_start3A_876 : memref<51200x288xbf16, #tpu.memory_space<hbm>>) target(%arg17 : memref<128x288xbf16, #tpu.memory_space<vmem>>) offsets(%arg14 : memref<128xi32, #tpu.memory_space<vmem>>) semaphore(%arg23 : memref<!tpu.dma_semaphore, #tpu.memory_space<semaphore_mem>>)
        } else {
        }
        %mul3A_722 = arith.constant 2 : i32
        %mul3A_723 = arith.muli %mul3A_722, %while3A_705 : i32
        %add3A_724 = arith.constant 0 : i32
        %add3A_725 = arith.addi %mul3A_723, %add3A_724 : i32
        %lt3A_726 = arith.cmpi slt, %add3A_725, %select_n3A : i32
        %convert_element_type3A_727 = arith.extui %lt3A_726 : i1 to i32
        %cond3A_728 = arith.constant 0 : i32
        %cond3A_729 = arith.cmpi ne, %convert_element_type3A_727, %cond3A_728 : i32
        scf.if %cond3A_729 {
          %dma_wait3A_739 = arith.constant 0 : i32
          %dma_wait3A_740 = arith.constant 0 : i32
          %dma_wait3A_741 = tpu.memref_slice %arg4[%dma_wait3A_739, %dma_wait3A_740] : memref<51200x288xbf16, #tpu.memory_space<hbm>> -> memref<51200x288xbf16, #tpu.memory_space<hbm>>
          tpu.wait_indirect_dma semaphore(%arg22 : memref<!tpu.dma_semaphore, #tpu.memory_space<semaphore_mem>>) src(%dma_wait3A_741 : memref<51200x288xbf16, #tpu.memory_space<hbm>>) dst(%arg16 : memref<128x288xbf16, #tpu.memory_space<vmem>>)
          %dma_start3A_742 = arith.constant 0 : i32
          %dma_start3A_743 = arith.constant 0 : i32
          %dma_start3A_744 = tpu.memref_slice %arg19[%dma_start3A_742, %dma_start3A_743] : memref<5120x288xbf16, #tpu.memory_space<vmem_shared>> -> memref<5120x288xbf16, #tpu.memory_space<vmem_shared>>
          tpu.enqueue_indirect_dma source(%arg16 : memref<128x288xbf16, #tpu.memory_space<vmem>>) target(%dma_start3A_744 : memref<5120x288xbf16, #tpu.memory_space<vmem_shared>>) offsets(%arg13 : memref<128xi32, #tpu.memory_space<vmem>>) semaphore(%arg24 : memref<!tpu.dma_semaphore, #tpu.memory_space<semaphore_mem>>) {add = true}
        } else {
        }
        %mul3A_730 = arith.constant 2 : i32
        %mul3A_731 = arith.muli %mul3A_730, %while3A_705 : i32
        %add3A_732 = arith.constant 1 : i32
        %add3A_733 = arith.addi %mul3A_731, %add3A_732 : i32
        %lt3A_734 = arith.cmpi slt, %add3A_733, %select_n3A : i32
        %convert_element_type3A_735 = arith.extui %lt3A_734 : i1 to i32
        %cond3A_736 = arith.constant 0 : i32
        %cond3A_737 = arith.cmpi ne, %convert_element_type3A_735, %cond3A_736 : i32
        scf.if %cond3A_737 {
          %dma_wait3A_739 = arith.constant 0 : i32
          %dma_wait3A_740 = arith.constant 0 : i32
          %dma_wait3A_741 = tpu.memref_slice %arg4[%dma_wait3A_739, %dma_wait3A_740] : memref<51200x288xbf16, #tpu.memory_space<hbm>> -> memref<51200x288xbf16, #tpu.memory_space<hbm>>
          tpu.wait_indirect_dma semaphore(%arg23 : memref<!tpu.dma_semaphore, #tpu.memory_space<semaphore_mem>>) src(%dma_wait3A_741 : memref<51200x288xbf16, #tpu.memory_space<hbm>>) dst(%arg17 : memref<128x288xbf16, #tpu.memory_space<vmem>>)
          %dma_start3A_742 = arith.constant 0 : i32
          %dma_start3A_743 = arith.constant 0 : i32
          %dma_start3A_744 = tpu.memref_slice %arg19[%dma_start3A_742, %dma_start3A_743] : memref<5120x288xbf16, #tpu.memory_space<vmem_shared>> -> memref<5120x288xbf16, #tpu.memory_space<vmem_shared>>
          tpu.enqueue_indirect_dma source(%arg17 : memref<128x288xbf16, #tpu.memory_space<vmem>>) target(%dma_start3A_744 : memref<5120x288xbf16, #tpu.memory_space<vmem_shared>>) offsets(%arg15 : memref<128xi32, #tpu.memory_space<vmem>>) semaphore(%arg25 : memref<!tpu.dma_semaphore, #tpu.memory_space<semaphore_mem>>) {add = true}
        } else {
        }
        %while3A_738 = arith.constant 0 : i32
        scf.yield %while3A_738 : i32
      }
      %mul3A_518 = arith.constant 128 : i32
      %mul3A_519 = arith.muli %select_n3A, %mul3A_518 : i32
      %add3A_520 = arith.constant 0 : i32
      %add3A_521 = arith.addi %mul3A_519, %add3A_520 : i32
      %get3A = arith.index_cast %add3A_521 : i32 to index
      %get3A_522 = tpu.vector_load %arg10[%get3A] {strides = array<i32>} : memref<2176xi32, #tpu.memory_space<vmem>>, vector<16xi32>,
      %add3A_523 = arith.constant 0 : i32
      %add3A_524 = arith.addi %mul3A_519, %add3A_523 : i32
      %get3A_525 = arith.index_cast %add3A_524 : i32 to index
      %get3A_526 = tpu.vector_load %arg11[%get3A_525] {strides = array<i32>} : memref<2176xi32, #tpu.memory_space<vmem>>, vector<16xi32>,
      %swap3A = arith.constant 0 : index
      %swap3A_527 = tpu.vector_load %arg10[%swap3A] {strides = array<i32>} : memref<2176xi32, #tpu.memory_space<vmem>>, vector<16xi32>,
      tpu.vector_store %arg10[%swap3A], %get3A_522 {strides = array<i32>} : memref<2176xi32, #tpu.memory_space<vmem>>, vector<16xi32>,
      %swap3A_528 = arith.constant 0 : index
      %swap3A_529 = tpu.vector_load %arg11[%swap3A_528] {strides = array<i32>} : memref<2176xi32, #tpu.memory_space<vmem>>, vector<16xi32>,
      tpu.vector_store %arg11[%swap3A_528], %get3A_526 {strides = array<i32>} : memref<2176xi32, #tpu.memory_space<vmem>>, vector<16xi32>,
      %add3A_530 = arith.constant 16 : i32
      %add3A_531 = arith.addi %mul3A_519, %add3A_530 : i32
      %get3A_532 = arith.index_cast %add3A_531 : i32 to index
      %get3A_533 = tpu.vector_load %arg10[%get3A_532] {strides = array<i32>} : memref<2176xi32, #tpu.memory_space<vmem>>, vector<16xi32>,
      %add3A_534 = arith.constant 16 : i32
      %add3A_535 = arith.addi %mul3A_519, %add3A_534 : i32
      %get3A_536 = arith.index_cast %add3A_535 : i32 to index
      %get3A_537 = tpu.vector_load %arg11[%get3A_536] {strides = array<i32>} : memref<2176xi32, #tpu.memory_space<vmem>>, vector<16xi32>,
      %swap3A_538 = arith.constant 16 : index
      %swap3A_539 = tpu.vector_load %arg10[%swap3A_538] {strides = array<i32>} : memref<2176xi32, #tpu.memory_space<vmem>>, vector<16xi32>,
      tpu.vector_store %arg10[%swap3A_538], %get3A_533 {strides = array<i32>} : memref<2176xi32, #tpu.memory_space<vmem>>, vector<16xi32>,
      %swap3A_540 = arith.constant 16 : index
      %swap3A_541 = tpu.vector_load %arg11[%swap3A_540] {strides = array<i32>} : memref<2176xi32, #tpu.memory_space<vmem>>, vector<16xi32>,
      tpu.vector_store %arg11[%swap3A_540], %get3A_537 {strides = array<i32>} : memref<2176xi32, #tpu.memory_space<vmem>>, vector<16xi32>,
      %add3A_542 = arith.constant 32 : i32
      %add3A_543 = arith.addi %mul3A_519, %add3A_542 : i32
      %get3A_544 = arith.index_cast %add3A_543 : i32 to index
      %get3A_545 = tpu.vector_load %arg10[%get3A_544] {strides = array<i32>} : memref<2176xi32, #tpu.memory_space<vmem>>, vector<16xi32>,
      %add3A_546 = arith.constant 32 : i32
      %add3A_547 = arith.addi %mul3A_519, %add3A_546 : i32
      %get3A_548 = arith.index_cast %add3A_547 : i32 to index
      %get3A_549 = tpu.vector_load %arg11[%get3A_548] {strides = array<i32>} : memref<2176xi32, #tpu.memory_space<vmem>>, vector<16xi32>,
      %swap3A_550 = arith.constant 32 : index
      %swap3A_551 = tpu.vector_load %arg10[%swap3A_550] {strides = array<i32>} : memref<2176xi32, #tpu.memory_space<vmem>>, vector<16xi32>,
      tpu.vector_store %arg10[%swap3A_550], %get3A_545 {strides = array<i32>} : memref<2176xi32, #tpu.memory_space<vmem>>, vector<16xi32>,
      %swap3A_552 = arith.constant 32 : index
      %swap3A_553 = tpu.vector_load %arg11[%swap3A_552] {strides = array<i32>} : memref<2176xi32, #tpu.memory_space<vmem>>, vector<16xi32>,
      tpu.vector_store %arg11[%swap3A_552], %get3A_549 {strides = array<i32>} : memref<2176xi32, #tpu.memory_space<vmem>>, vector<16xi32>,
      %add3A_554 = arith.constant 48 : i32
      %add3A_555 = arith.addi %mul3A_519, %add3A_554 : i32
      %get3A_556 = arith.index_cast %add3A_555 : i32 to index
      %get3A_557 = tpu.vector_load %arg10[%get3A_556] {strides = array<i32>} : memref<2176xi32, #tpu.memory_space<vmem>>, vector<16xi32>,
      %add3A_558 = arith.constant 48 : i32
      %add3A_559 = arith.addi %mul3A_519, %add3A_558 : i32
      %get3A_560 = arith.index_cast %add3A_559 : i32 to index
      %get3A_561 = tpu.vector_load %arg11[%get3A_560] {strides = array<i32>} : memref<2176xi32, #tpu.memory_space<vmem>>, vector<16xi32>,
      %swap3A_562 = arith.constant 48 : index
      %swap3A_563 = tpu.vector_load %arg10[%swap3A_562] {strides = array<i32>} : memref<2176xi32, #tpu.memory_space<vmem>>, vector<16xi32>,
      tpu.vector_store %arg10[%swap3A_562], %get3A_557 {strides = array<i32>} : memref<2176xi32, #tpu.memory_space<vmem>>, vector<16xi32>,
      %swap3A_564 = arith.constant 48 : index
      %swap3A_565 = tpu.vector_load %arg11[%swap3A_564] {strides = array<i32>} : memref<2176xi32, #tpu.memory_space<vmem>>, vector<16xi32>,
      tpu.vector_store %arg11[%swap3A_564], %get3A_561 {strides = array<i32>} : memref<2176xi32, #tpu.memory_space<vmem>>, vector<16xi32>,
      %add3A_566 = arith.constant 64 : i32
      %add3A_567 = arith.addi %mul3A_519, %add3A_566 : i32
      %get3A_568 = arith.index_cast %add3A_567 : i32 to index
      %get3A_569 = tpu.vector_load %arg10[%get3A_568] {strides = array<i32>} : memref<2176xi32, #tpu.memory_space<vmem>>, vector<16xi32>,
      %add3A_570 = arith.constant 64 : i32
      %add3A_571 = arith.addi %mul3A_519, %add3A_570 : i32
      %get3A_572 = arith.index_cast %add3A_571 : i32 to index
      %get3A_573 = tpu.vector_load %arg11[%get3A_572] {strides = array<i32>} : memref<2176xi32, #tpu.memory_space<vmem>>, vector<16xi32>,
      %swap3A_574 = arith.constant 64 : index
      %swap3A_575 = tpu.vector_load %arg10[%swap3A_574] {strides = array<i32>} : memref<2176xi32, #tpu.memory_space<vmem>>, vector<16xi32>,
      tpu.vector_store %arg10[%swap3A_574], %get3A_569 {strides = array<i32>} : memref<2176xi32, #tpu.memory_space<vmem>>, vector<16xi32>,
      %swap3A_576 = arith.constant 64 : index
      %swap3A_577 = tpu.vector_load %arg11[%swap3A_576] {strides = array<i32>} : memref<2176xi32, #tpu.memory_space<vmem>>, vector<16xi32>,
      tpu.vector_store %arg11[%swap3A_576], %get3A_573 {strides = array<i32>} : memref<2176xi32, #tpu.memory_space<vmem>>, vector<16xi32>,
      %add3A_578 = arith.constant 80 : i32
      %add3A_579 = arith.addi %mul3A_519, %add3A_578 : i32
      %get3A_580 = arith.index_cast %add3A_579 : i32 to index
      %get3A_581 = tpu.vector_load %arg10[%get3A_580] {strides = array<i32>} : memref<2176xi32, #tpu.memory_space<vmem>>, vector<16xi32>,
      %add3A_582 = arith.constant 80 : i32
      %add3A_583 = arith.addi %mul3A_519, %add3A_582 : i32
      %get3A_584 = arith.index_cast %add3A_583 : i32 to index
      %get3A_585 = tpu.vector_load %arg11[%get3A_584] {strides = array<i32>} : memref<2176xi32, #tpu.memory_space<vmem>>, vector<16xi32>,
      %swap3A_586 = arith.constant 80 : index
      %swap3A_587 = tpu.vector_load %arg10[%swap3A_586] {strides = array<i32>} : memref<2176xi32, #tpu.memory_space<vmem>>, vector<16xi32>,
      tpu.vector_store %arg10[%swap3A_586], %get3A_581 {strides = array<i32>} : memref<2176xi32, #tpu.memory_space<vmem>>, vector<16xi32>,
      %swap3A_588 = arith.constant 80 : index
      %swap3A_589 = tpu.vector_load %arg11[%swap3A_588] {strides = array<i32>} : memref<2176xi32, #tpu.memory_space<vmem>>, vector<16xi32>,
      tpu.vector_store %arg11[%swap3A_588], %get3A_585 {strides = array<i32>} : memref<2176xi32, #tpu.memory_space<vmem>>, vector<16xi32>,
      %add3A_590 = arith.constant 96 : i32
      %add3A_591 = arith.addi %mul3A_519, %add3A_590 : i32
      %get3A_592 = arith.index_cast %add3A_591 : i32 to index
      %get3A_593 = tpu.vector_load %arg10[%get3A_592] {strides = array<i32>} : memref<2176xi32, #tpu.memory_space<vmem>>, vector<16xi32>,
      %add3A_594 = arith.constant 96 : i32
      %add3A_595 = arith.addi %mul3A_519, %add3A_594 : i32
      %get3A_596 = arith.index_cast %add3A_595 : i32 to index
      %get3A_597 = tpu.vector_load %arg11[%get3A_596] {strides = array<i32>} : memref<2176xi32, #tpu.memory_space<vmem>>, vector<16xi32>,
      %swap3A_598 = arith.constant 96 : index
      %swap3A_599 = tpu.vector_load %arg10[%swap3A_598] {strides = array<i32>} : memref<2176xi32, #tpu.memory_space<vmem>>, vector<16xi32>,
      tpu.vector_store %arg10[%swap3A_598], %get3A_593 {strides = array<i32>} : memref<2176xi32, #tpu.memory_space<vmem>>, vector<16xi32>,
      %swap3A_600 = arith.constant 96 : index
      %swap3A_601 = tpu.vector_load %arg11[%swap3A_600] {strides = array<i32>} : memref<2176xi32, #tpu.memory_space<vmem>>, vector<16xi32>,
      tpu.vector_store %arg11[%swap3A_600], %get3A_597 {strides = array<i32>} : memref<2176xi32, #tpu.memory_space<vmem>>, vector<16xi32>,
      %add3A_602 = arith.constant 112 : i32
      %add3A_603 = arith.addi %mul3A_519, %add3A_602 : i32
      %get3A_604 = arith.index_cast %add3A_603 : i32 to index
      %get3A_605 = tpu.vector_load %arg10[%get3A_604] {strides = array<i32>} : memref<2176xi32, #tpu.memory_space<vmem>>, vector<16xi32>,
      %add3A_606 = arith.constant 112 : i32
      %add3A_607 = arith.addi %mul3A_519, %add3A_606 : i32
      %get3A_608 = arith.index_cast %add3A_607 : i32 to index
      %get3A_609 = tpu.vector_load %arg11[%get3A_608] {strides = array<i32>} : memref<2176xi32, #tpu.memory_space<vmem>>, vector<16xi32>,
      %swap3A_610 = arith.constant 112 : index
      %swap3A_611 = tpu.vector_load %arg10[%swap3A_610] {strides = array<i32>} : memref<2176xi32, #tpu.memory_space<vmem>>, vector<16xi32>,
      tpu.vector_store %arg10[%swap3A_610], %get3A_605 {strides = array<i32>} : memref<2176xi32, #tpu.memory_space<vmem>>, vector<16xi32>,
      %swap3A_612 = arith.constant 112 : index
      %swap3A_613 = tpu.vector_load %arg11[%swap3A_612] {strides = array<i32>} : memref<2176xi32, #tpu.memory_space<vmem>>, vector<16xi32>,
      tpu.vector_store %arg11[%swap3A_612], %get3A_609 {strides = array<i32>} : memref<2176xi32, #tpu.memory_space<vmem>>, vector<16xi32>,
      %ge3A = arith.constant 1 : i32
      %ge3A_614 = arith.cmpi sge, %select_n3A, %ge3A : i32
      %jit3A_615 = arith.constant 1 : i32
      %select_n3A_616 = arith.select %ge3A_614, %jit3A_615, %scan3A_440#1 : i32
      %ge3A_617 = arith.constant 2 : i32
      %ge3A_618 = arith.cmpi sge, %select_n3A, %ge3A_617 : i32
      %jit3A_619 = arith.constant 1 : i32
      %select_n3A_620 = arith.select %ge3A_618, %jit3A_619, %scan3A_440#2 : i32
      %sub3A_621 = arith.subi %reduce_max3A_462, %mul3A_519 : i32
      %gt3A = arith.constant 0 : i32
      %gt3A_622 = arith.cmpi sgt, %select_n3A_616, %gt3A : i32
      %convert_element_type3A = arith.extui %gt3A_622 : i1 to i32
      %cond3A = arith.constant 0 : i32
      %cond3A_623 = arith.cmpi ne, %convert_element_type3A, %cond3A : i32
      scf.if %cond3A_623 {
        %dma_wait3A_705 = arith.constant 0 : i32
        %dma_wait3A_706 = arith.constant 0 : i32
        %dma_wait3A_707 = tpu.memref_slice %arg19[%dma_wait3A_705, %dma_wait3A_706] : memref<5120x288xbf16, #tpu.memory_space<vmem_shared>> -> memref<5120x288xbf16, #tpu.memory_space<vmem_shared>>
        tpu.wait_indirect_dma semaphore(%arg24 : memref<!tpu.dma_semaphore, #tpu.memory_space<semaphore_mem>>) src(%arg16 : memref<128x288xbf16, #tpu.memory_space<vmem>>) dst(%dma_wait3A_707 : memref<5120x288xbf16, #tpu.memory_space<vmem_shared>>)
      } else {
      }
      %gt3A_624 = arith.constant 0 : i32
      %gt3A_625 = arith.cmpi sgt, %select_n3A_620, %gt3A_624 : i32
      %convert_element_type3A_626 = arith.extui %gt3A_625 : i1 to i32
      %cond3A_627 = arith.constant 0 : i32
      %cond3A_628 = arith.cmpi ne, %convert_element_type3A_626, %cond3A_627 : i32
      scf.if %cond3A_628 {
        %dma_wait3A_705 = arith.constant 0 : i32
        %dma_wait3A_706 = arith.constant 0 : i32
        %dma_wait3A_707 = tpu.memref_slice %arg19[%dma_wait3A_705, %dma_wait3A_706] : memref<5120x288xbf16, #tpu.memory_space<vmem_shared>> -> memref<5120x288xbf16, #tpu.memory_space<vmem_shared>>
        tpu.wait_indirect_dma semaphore(%arg25 : memref<!tpu.dma_semaphore, #tpu.memory_space<semaphore_mem>>) src(%arg17 : memref<128x288xbf16, #tpu.memory_space<vmem>>) dst(%dma_wait3A_707 : memref<5120x288xbf16, #tpu.memory_space<vmem_shared>>)
      } else {
      }
      %add3A_629 = arith.constant 0 : i32
      %add3A_630 = arith.addi %sub3A_621, %add3A_629 : i32
      %swap3A_631 = arith.index_cast %add3A_630 : i32 to index
      %swap3A_632 = tpu.vector_load %arg10[%swap3A_631] {strides = array<i32>} : memref<2176xi32, #tpu.memory_space<vmem>>, vector<16xi32>,
      tpu.vector_store %arg10[%swap3A_631], %add3A_3 {strides = array<i32>} : memref<2176xi32, #tpu.memory_space<vmem>>, vector<16xi32>,
      %add3A_633 = arith.constant 0 : i32
      %add3A_634 = arith.addi %sub3A_621, %add3A_633 : i32
      %swap3A_635 = arith.index_cast %add3A_634 : i32 to index
      %swap3A_636 = tpu.vector_load %arg11[%swap3A_635] {strides = array<i32>} : memref<2176xi32, #tpu.memory_space<vmem>>, vector<16xi32>,
      tpu.vector_store %arg11[%swap3A_635], %iota3A {strides = array<i32>} : memref<2176xi32, #tpu.memory_space<vmem>>, vector<16xi32>,
      %add3A_637 = arith.constant 16 : i32
      %add3A_638 = arith.addi %sub3A_621, %add3A_637 : i32
      %swap3A_639 = arith.index_cast %add3A_638 : i32 to index
      %swap3A_640 = tpu.vector_load %arg10[%swap3A_639] {strides = array<i32>} : memref<2176xi32, #tpu.memory_space<vmem>>, vector<16xi32>,
      tpu.vector_store %arg10[%swap3A_639], %add3A_3 {strides = array<i32>} : memref<2176xi32, #tpu.memory_space<vmem>>, vector<16xi32>,
      %add3A_641 = arith.constant 16 : i32
      %add3A_642 = arith.addi %sub3A_621, %add3A_641 : i32
      %swap3A_643 = arith.index_cast %add3A_642 : i32 to index
      %swap3A_644 = tpu.vector_load %arg11[%swap3A_643] {strides = array<i32>} : memref<2176xi32, #tpu.memory_space<vmem>>, vector<16xi32>,
      tpu.vector_store %arg11[%swap3A_643], %iota3A {strides = array<i32>} : memref<2176xi32, #tpu.memory_space<vmem>>, vector<16xi32>,
      %add3A_645 = arith.constant 32 : i32
      %add3A_646 = arith.addi %sub3A_621, %add3A_645 : i32
      %swap3A_647 = arith.index_cast %add3A_646 : i32 to index
      %swap3A_648 = tpu.vector_load %arg10[%swap3A_647] {strides = array<i32>} : memref<2176xi32, #tpu.memory_space<vmem>>, vector<16xi32>,
      tpu.vector_store %arg10[%swap3A_647], %add3A_3 {strides = array<i32>} : memref<2176xi32, #tpu.memory_space<vmem>>, vector<16xi32>,
      %add3A_649 = arith.constant 32 : i32
      %add3A_650 = arith.addi %sub3A_621, %add3A_649 : i32
      %swap3A_651 = arith.index_cast %add3A_650 : i32 to index
      %swap3A_652 = tpu.vector_load %arg11[%swap3A_651] {strides = array<i32>} : memref<2176xi32, #tpu.memory_space<vmem>>, vector<16xi32>,
      tpu.vector_store %arg11[%swap3A_651], %iota3A {strides = array<i32>} : memref<2176xi32, #tpu.memory_space<vmem>>, vector<16xi32>,
      %add3A_653 = arith.constant 48 : i32
      %add3A_654 = arith.addi %sub3A_621, %add3A_653 : i32
      %swap3A_655 = arith.index_cast %add3A_654 : i32 to index
      %swap3A_656 = tpu.vector_load %arg10[%swap3A_655] {strides = array<i32>} : memref<2176xi32, #tpu.memory_space<vmem>>, vector<16xi32>,
      tpu.vector_store %arg10[%swap3A_655], %add3A_3 {strides = array<i32>} : memref<2176xi32, #tpu.memory_space<vmem>>, vector<16xi32>,
      %add3A_657 = arith.constant 48 : i32
      %add3A_658 = arith.addi %sub3A_621, %add3A_657 : i32
      %swap3A_659 = arith.index_cast %add3A_658 : i32 to index
      %swap3A_660 = tpu.vector_load %arg11[%swap3A_659] {strides = array<i32>} : memref<2176xi32, #tpu.memory_space<vmem>>, vector<16xi32>,
      tpu.vector_store %arg11[%swap3A_659], %iota3A {strides = array<i32>} : memref<2176xi32, #tpu.memory_space<vmem>>, vector<16xi32>,
      %add3A_661 = arith.constant 64 : i32
      %add3A_662 = arith.addi %sub3A_621, %add3A_661 : i32
      %swap3A_663 = arith.index_cast %add3A_662 : i32 to index
      %swap3A_664 = tpu.vector_load %arg10[%swap3A_663] {strides = array<i32>} : memref<2176xi32, #tpu.memory_space<vmem>>, vector<16xi32>,
      tpu.vector_store %arg10[%swap3A_663], %add3A_3 {strides = array<i32>} : memref<2176xi32, #tpu.memory_space<vmem>>, vector<16xi32>,
      %add3A_665 = arith.constant 64 : i32
      %add3A_666 = arith.addi %sub3A_621, %add3A_665 : i32
      %swap3A_667 = arith.index_cast %add3A_666 : i32 to index
      %swap3A_668 = tpu.vector_load %arg11[%swap3A_667] {strides = array<i32>} : memref<2176xi32, #tpu.memory_space<vmem>>, vector<16xi32>,
      tpu.vector_store %arg11[%swap3A_667], %iota3A {strides = array<i32>} : memref<2176xi32, #tpu.memory_space<vmem>>, vector<16xi32>,
      %add3A_669 = arith.constant 80 : i32
      %add3A_670 = arith.addi %sub3A_621, %add3A_669 : i32
      %swap3A_671 = arith.index_cast %add3A_670 : i32 to index
      %swap3A_672 = tpu.vector_load %arg10[%swap3A_671] {strides = array<i32>} : memref<2176xi32, #tpu.memory_space<vmem>>, vector<16xi32>,
      tpu.vector_store %arg10[%swap3A_671], %add3A_3 {strides = array<i32>} : memref<2176xi32, #tpu.memory_space<vmem>>, vector<16xi32>,
      %add3A_673 = arith.constant 80 : i32
      %add3A_674 = arith.addi %sub3A_621, %add3A_673 : i32
      %swap3A_675 = arith.index_cast %add3A_674 : i32 to index
      %swap3A_676 = tpu.vector_load %arg11[%swap3A_675] {strides = array<i32>} : memref<2176xi32, #tpu.memory_space<vmem>>, vector<16xi32>,
      tpu.vector_store %arg11[%swap3A_675], %iota3A {strides = array<i32>} : memref<2176xi32, #tpu.memory_space<vmem>>, vector<16xi32>,
      %add3A_677 = arith.constant 96 : i32
      %add3A_678 = arith.addi %sub3A_621, %add3A_677 : i32
      %swap3A_679 = arith.index_cast %add3A_678 : i32 to index
      %swap3A_680 = tpu.vector_load %arg10[%swap3A_679] {strides = array<i32>} : memref<2176xi32, #tpu.memory_space<vmem>>, vector<16xi32>,
      tpu.vector_store %arg10[%swap3A_679], %add3A_3 {strides = array<i32>} : memref<2176xi32, #tpu.memory_space<vmem>>, vector<16xi32>,
      %add3A_681 = arith.constant 96 : i32
      %add3A_682 = arith.addi %sub3A_621, %add3A_681 : i32
      %swap3A_683 = arith.index_cast %add3A_682 : i32 to index
      %swap3A_684 = tpu.vector_load %arg11[%swap3A_683] {strides = array<i32>} : memref<2176xi32, #tpu.memory_space<vmem>>, vector<16xi32>,
      tpu.vector_store %arg11[%swap3A_683], %iota3A {strides = array<i32>} : memref<2176xi32, #tpu.memory_space<vmem>>, vector<16xi32>,
      %add3A_685 = arith.constant 112 : i32
      %add3A_686 = arith.addi %sub3A_621, %add3A_685 : i32
      %swap3A_687 = arith.index_cast %add3A_686 : i32 to index
      %swap3A_688 = tpu.vector_load %arg10[%swap3A_687] {strides = array<i32>} : memref<2176xi32, #tpu.memory_space<vmem>>, vector<16xi32>,
      tpu.vector_store %arg10[%swap3A_687], %add3A_3 {strides = array<i32>} : memref<2176xi32, #tpu.memory_space<vmem>>, vector<16xi32>,
      %add3A_689 = arith.constant 112 : i32
      %add3A_690 = arith.addi %sub3A_621, %add3A_689 : i32
      %swap3A_691 = arith.index_cast %add3A_690 : i32 to index
      %swap3A_692 = tpu.vector_load %arg11[%swap3A_691] {strides = array<i32>} : memref<2176xi32, #tpu.memory_space<vmem>>, vector<16xi32>,
      tpu.vector_store %arg11[%swap3A_691], %iota3A {strides = array<i32>} : memref<2176xi32, #tpu.memory_space<vmem>>, vector<16xi32>,
      %gt3A_693 = arith.constant 0 : i32
      %gt3A_694 = arith.cmpi sgt, %sub3A_621, %gt3A_693 : i32
      %convert_element_type3A_695 = arith.extui %gt3A_694 : i1 to i32
      %cond3A_696 = arith.constant 0 : i32
      %cond3A_697 = arith.cmpi ne, %convert_element_type3A_695, %cond3A_696 : i32
      scf.if %cond3A_697 {
        %get3A_705 = arith.constant 0 : index
        %get3A_706 = tpu.vector_load %arg10[%get3A_705] {strides = array<i32>} : memref<2176xi32, #tpu.memory_space<vmem>>, vector<16xi32>,
        %swap3A_707 = arith.constant 0 : index
        %swap3A_708 = tpu.vector_load %arg12[%swap3A_707] {strides = array<i32>} : memref<128xi32, #tpu.memory_space<vmem>>, vector<16xi32>,
        tpu.vector_store %arg12[%swap3A_707], %get3A_706 {strides = array<i32>} : memref<128xi32, #tpu.memory_space<vmem>>, vector<16xi32>,
        %get3A_709 = arith.constant 0 : index
        %get3A_710 = tpu.vector_load %arg11[%get3A_709] {strides = array<i32>} : memref<2176xi32, #tpu.memory_space<vmem>>, vector<16xi32>,
        %swap3A_711 = arith.constant 0 : index
        %swap3A_712 = tpu.vector_load %arg13[%swap3A_711] {strides = array<i32>} : memref<128xi32, #tpu.memory_space<vmem>>, vector<16xi32>,
        tpu.vector_store %arg13[%swap3A_711], %get3A_710 {strides = array<i32>} : memref<128xi32, #tpu.memory_space<vmem>>, vector<16xi32>,
        %get3A_713 = arith.constant 16 : index
        %get3A_714 = tpu.vector_load %arg10[%get3A_713] {strides = array<i32>} : memref<2176xi32, #tpu.memory_space<vmem>>, vector<16xi32>,
        %swap3A_715 = arith.constant 16 : index
        %swap3A_716 = tpu.vector_load %arg12[%swap3A_715] {strides = array<i32>} : memref<128xi32, #tpu.memory_space<vmem>>, vector<16xi32>,
        tpu.vector_store %arg12[%swap3A_715], %get3A_714 {strides = array<i32>} : memref<128xi32, #tpu.memory_space<vmem>>, vector<16xi32>,
        %get3A_717 = arith.constant 16 : index
        %get3A_718 = tpu.vector_load %arg11[%get3A_717] {strides = array<i32>} : memref<2176xi32, #tpu.memory_space<vmem>>, vector<16xi32>,
        %swap3A_719 = arith.constant 16 : index
        %swap3A_720 = tpu.vector_load %arg13[%swap3A_719] {strides = array<i32>} : memref<128xi32, #tpu.memory_space<vmem>>, vector<16xi32>,
        tpu.vector_store %arg13[%swap3A_719], %get3A_718 {strides = array<i32>} : memref<128xi32, #tpu.memory_space<vmem>>, vector<16xi32>,
        %get3A_721 = arith.constant 32 : index
        %get3A_722 = tpu.vector_load %arg10[%get3A_721] {strides = array<i32>} : memref<2176xi32, #tpu.memory_space<vmem>>, vector<16xi32>,
        %swap3A_723 = arith.constant 32 : index
        %swap3A_724 = tpu.vector_load %arg12[%swap3A_723] {strides = array<i32>} : memref<128xi32, #tpu.memory_space<vmem>>, vector<16xi32>,
        tpu.vector_store %arg12[%swap3A_723], %get3A_722 {strides = array<i32>} : memref<128xi32, #tpu.memory_space<vmem>>, vector<16xi32>,
        %get3A_725 = arith.constant 32 : index
        %get3A_726 = tpu.vector_load %arg11[%get3A_725] {strides = array<i32>} : memref<2176xi32, #tpu.memory_space<vmem>>, vector<16xi32>,
        %swap3A_727 = arith.constant 32 : index
        %swap3A_728 = tpu.vector_load %arg13[%swap3A_727] {strides = array<i32>} : memref<128xi32, #tpu.memory_space<vmem>>, vector<16xi32>,
        tpu.vector_store %arg13[%swap3A_727], %get3A_726 {strides = array<i32>} : memref<128xi32, #tpu.memory_space<vmem>>, vector<16xi32>,
        %get3A_729 = arith.constant 48 : index
        %get3A_730 = tpu.vector_load %arg10[%get3A_729] {strides = array<i32>} : memref<2176xi32, #tpu.memory_space<vmem>>, vector<16xi32>,
        %swap3A_731 = arith.constant 48 : index
        %swap3A_732 = tpu.vector_load %arg12[%swap3A_731] {strides = array<i32>} : memref<128xi32, #tpu.memory_space<vmem>>, vector<16xi32>,
        tpu.vector_store %arg12[%swap3A_731], %get3A_730 {strides = array<i32>} : memref<128xi32, #tpu.memory_space<vmem>>, vector<16xi32>,
        %get3A_733 = arith.constant 48 : index
        %get3A_734 = tpu.vector_load %arg11[%get3A_733] {strides = array<i32>} : memref<2176xi32, #tpu.memory_space<vmem>>, vector<16xi32>,
        %swap3A_735 = arith.constant 48 : index
        %swap3A_736 = tpu.vector_load %arg13[%swap3A_735] {strides = array<i32>} : memref<128xi32, #tpu.memory_space<vmem>>, vector<16xi32>,
        tpu.vector_store %arg13[%swap3A_735], %get3A_734 {strides = array<i32>} : memref<128xi32, #tpu.memory_space<vmem>>, vector<16xi32>,
        %get3A_737 = arith.constant 64 : index
        %get3A_738 = tpu.vector_load %arg10[%get3A_737] {strides = array<i32>} : memref<2176xi32, #tpu.memory_space<vmem>>, vector<16xi32>,
        %swap3A_739 = arith.constant 64 : index
        %swap3A_740 = tpu.vector_load %arg12[%swap3A_739] {strides = array<i32>} : memref<128xi32, #tpu.memory_space<vmem>>, vector<16xi32>,
        tpu.vector_store %arg12[%swap3A_739], %get3A_738 {strides = array<i32>} : memref<128xi32, #tpu.memory_space<vmem>>, vector<16xi32>,
        %get3A_741 = arith.constant 64 : index
        %get3A_742 = tpu.vector_load %arg11[%get3A_741] {strides = array<i32>} : memref<2176xi32, #tpu.memory_space<vmem>>, vector<16xi32>,
        %swap3A_743 = arith.constant 64 : index
        %swap3A_744 = tpu.vector_load %arg13[%swap3A_743] {strides = array<i32>} : memref<128xi32, #tpu.memory_space<vmem>>, vector<16xi32>,
        tpu.vector_store %arg13[%swap3A_743], %get3A_742 {strides = array<i32>} : memref<128xi32, #tpu.memory_space<vmem>>, vector<16xi32>,
        %get3A_745 = arith.constant 80 : index
        %get3A_746 = tpu.vector_load %arg10[%get3A_745] {strides = array<i32>} : memref<2176xi32, #tpu.memory_space<vmem>>, vector<16xi32>,
        %swap3A_747 = arith.constant 80 : index
        %swap3A_748 = tpu.vector_load %arg12[%swap3A_747] {strides = array<i32>} : memref<128xi32, #tpu.memory_space<vmem>>, vector<16xi32>,
        tpu.vector_store %arg12[%swap3A_747], %get3A_746 {strides = array<i32>} : memref<128xi32, #tpu.memory_space<vmem>>, vector<16xi32>,
        %get3A_749 = arith.constant 80 : index
        %get3A_750 = tpu.vector_load %arg11[%get3A_749] {strides = array<i32>} : memref<2176xi32, #tpu.memory_space<vmem>>, vector<16xi32>,
        %swap3A_751 = arith.constant 80 : index
        %swap3A_752 = tpu.vector_load %arg13[%swap3A_751] {strides = array<i32>} : memref<128xi32, #tpu.memory_space<vmem>>, vector<16xi32>,
        tpu.vector_store %arg13[%swap3A_751], %get3A_750 {strides = array<i32>} : memref<128xi32, #tpu.memory_space<vmem>>, vector<16xi32>,
        %get3A_753 = arith.constant 96 : index
        %get3A_754 = tpu.vector_load %arg10[%get3A_753] {strides = array<i32>} : memref<2176xi32, #tpu.memory_space<vmem>>, vector<16xi32>,
        %swap3A_755 = arith.constant 96 : index
        %swap3A_756 = tpu.vector_load %arg12[%swap3A_755] {strides = array<i32>} : memref<128xi32, #tpu.memory_space<vmem>>, vector<16xi32>,
        tpu.vector_store %arg12[%swap3A_755], %get3A_754 {strides = array<i32>} : memref<128xi32, #tpu.memory_space<vmem>>, vector<16xi32>,
        %get3A_757 = arith.constant 96 : index
        %get3A_758 = tpu.vector_load %arg11[%get3A_757] {strides = array<i32>} : memref<2176xi32, #tpu.memory_space<vmem>>, vector<16xi32>,
        %swap3A_759 = arith.constant 96 : index
        %swap3A_760 = tpu.vector_load %arg13[%swap3A_759] {strides = array<i32>} : memref<128xi32, #tpu.memory_space<vmem>>, vector<16xi32>,
        tpu.vector_store %arg13[%swap3A_759], %get3A_758 {strides = array<i32>} : memref<128xi32, #tpu.memory_space<vmem>>, vector<16xi32>,
        %get3A_761 = arith.constant 112 : index
        %get3A_762 = tpu.vector_load %arg10[%get3A_761] {strides = array<i32>} : memref<2176xi32, #tpu.memory_space<vmem>>, vector<16xi32>,
        %swap3A_763 = arith.constant 112 : index
        %swap3A_764 = tpu.vector_load %arg12[%swap3A_763] {strides = array<i32>} : memref<128xi32, #tpu.memory_space<vmem>>, vector<16xi32>,
        tpu.vector_store %arg12[%swap3A_763], %get3A_762 {strides = array<i32>} : memref<128xi32, #tpu.memory_space<vmem>>, vector<16xi32>,
        %get3A_765 = arith.constant 112 : index
        %get3A_766 = tpu.vector_load %arg11[%get3A_765] {strides = array<i32>} : memref<2176xi32, #tpu.memory_space<vmem>>, vector<16xi32>,
        %swap3A_767 = arith.constant 112 : index
        %swap3A_768 = tpu.vector_load %arg13[%swap3A_767] {strides = array<i32>} : memref<128xi32, #tpu.memory_space<vmem>>, vector<16xi32>,
        tpu.vector_store %arg13[%swap3A_767], %get3A_766 {strides = array<i32>} : memref<128xi32, #tpu.memory_space<vmem>>, vector<16xi32>,
        %dma_start3A_769 = arith.constant 0 : i32
        %dma_start3A_770 = arith.constant 0 : i32
        %dma_start3A_771 = tpu.memref_slice %arg4[%dma_start3A_769, %dma_start3A_770] : memref<51200x288xbf16, #tpu.memory_space<hbm>> -> memref<51200x288xbf16, #tpu.memory_space<hbm>>
        tpu.enqueue_indirect_dma source(%dma_start3A_771 : memref<51200x288xbf16, #tpu.memory_space<hbm>>) target(%arg16 : memref<128x288xbf16, #tpu.memory_space<vmem>>) offsets(%arg12 : memref<128xi32, #tpu.memory_space<vmem>>) semaphore(%arg22 : memref<!tpu.dma_semaphore, #tpu.memory_space<semaphore_mem>>)
        %dma_wait3A_772 = arith.constant 0 : i32
        %dma_wait3A_773 = arith.constant 0 : i32
        %dma_wait3A_774 = tpu.memref_slice %arg4[%dma_wait3A_772, %dma_wait3A_773] : memref<51200x288xbf16, #tpu.memory_space<hbm>> -> memref<51200x288xbf16, #tpu.memory_space<hbm>>
        tpu.wait_indirect_dma semaphore(%arg22 : memref<!tpu.dma_semaphore, #tpu.memory_space<semaphore_mem>>) src(%dma_wait3A_774 : memref<51200x288xbf16, #tpu.memory_space<hbm>>) dst(%arg16 : memref<128x288xbf16, #tpu.memory_space<vmem>>)
        %dma_start3A_775 = arith.constant 0 : i32
        %dma_start3A_776 = arith.constant 0 : i32
        %dma_start3A_777 = tpu.memref_slice %arg19[%dma_start3A_775, %dma_start3A_776] : memref<5120x288xbf16, #tpu.memory_space<vmem_shared>> -> memref<5120x288xbf16, #tpu.memory_space<vmem_shared>>
        tpu.enqueue_indirect_dma source(%arg16 : memref<128x288xbf16, #tpu.memory_space<vmem>>) target(%dma_start3A_777 : memref<5120x288xbf16, #tpu.memory_space<vmem_shared>>) offsets(%arg13 : memref<128xi32, #tpu.memory_space<vmem>>) semaphore(%arg24 : memref<!tpu.dma_semaphore, #tpu.memory_space<semaphore_mem>>) {add = true}
        %dma_wait3A_778 = arith.constant 0 : i32
        %dma_wait3A_779 = arith.constant 0 : i32
        %dma_wait3A_780 = tpu.memref_slice %arg19[%dma_wait3A_778, %dma_wait3A_779] : memref<5120x288xbf16, #tpu.memory_space<vmem_shared>> -> memref<5120x288xbf16, #tpu.memory_space<vmem_shared>>
        tpu.wait_indirect_dma semaphore(%arg24 : memref<!tpu.dma_semaphore, #tpu.memory_space<semaphore_mem>>) src(%arg16 : memref<128x288xbf16, #tpu.memory_space<vmem>>) dst(%dma_wait3A_780 : memref<5120x288xbf16, #tpu.memory_space<vmem_shared>>)
      } else {
      }
      %barrier3A_698 = arith.constant 0 : index
      tpu.barrier barrier_id(%barrier3A_698)
      %mul3A_699 = arith.constant 320 : i32
      %mul3A_700 = arith.muli %arg1, %mul3A_699 : i32
      %mul3A_701 = arith.constant 320 : i32
      %mul3A_702 = arith.muli %arg1, %mul3A_701 : i32
      %add3A_703 = arith.addi %mul3A_23, %mul3A_702 : i32
      "tpu.region"() ({
        %run_scoped3A = tpu.sem_alloc : memref<!tpu.dma_semaphore, #tpu.memory_space<semaphore_mem>>
        %dma_start3A_705 = arith.constant 0 : i32
        %dma_start3A_706 = tpu.memref_slice %arg5[%add3A_703, %dma_start3A_705] : memref<51200x288xbf16, #tpu.memory_space<hbm>> -> memref<320x288xbf16, #tpu.memory_space<hbm>>
        %dma_start3A_707 = arith.constant 0 : i32
        %dma_start3A_708 = tpu.memref_slice %arg19[%mul3A_700, %dma_start3A_707] : memref<5120x288xbf16, #tpu.memory_space<vmem_shared>> -> memref<320x288xbf16, #tpu.memory_space<vmem_shared>>
        tpu.enqueue_dma source(%dma_start3A_708 : memref<320x288xbf16, #tpu.memory_space<vmem_shared>>) target(%dma_start3A_706 : memref<320x288xbf16, #tpu.memory_space<hbm>>) target_semaphore(%run_scoped3A : memref<!tpu.dma_semaphore, #tpu.memory_space<semaphore_mem>>)
        %dma_wait3A_709 = arith.constant 0 : i32
        %dma_wait3A_710 = tpu.memref_slice %arg5[%add3A_703, %dma_wait3A_709] : memref<51200x288xbf16, #tpu.memory_space<hbm>> -> memref<320x288xbf16, #tpu.memory_space<hbm>>
        %dma_wait3A_711 = arith.constant 0 : i32
        %dma_wait3A_712 = tpu.memref_slice %arg19[%mul3A_700, %dma_wait3A_711] : memref<5120x288xbf16, #tpu.memory_space<vmem_shared>> -> memref<320x288xbf16, #tpu.memory_space<vmem_shared>>
        tpu.wait_dma2 semaphore(%run_scoped3A : memref<!tpu.dma_semaphore, #tpu.memory_space<semaphore_mem>>) src(%dma_wait3A_712 : memref<320x288xbf16, #tpu.memory_space<vmem_shared>>) dst(%dma_wait3A_710 : memref<320x288xbf16, #tpu.memory_space<hbm>>)
        tpu.yield
      }) : () -> ()
      %scan3A_704 = arith.constant 0 : i32
      scf.yield %scan3A_704 : i32
    }
    %scan3A_16 = arith.constant 5 : i32
    return
  }
}

</mosaic_0001>

<sc_bundles>
// kernel: _sc_msgdeg.3.cloned.1.call-start
scs
__scs_entry_jumppad:
0x0: {  	(pc) =	sbr.rel $0x88, $3  }
0x1: {  	(tag) =	ssettag $0x0;
	lr =	simm.s32 $0x1  }
0x2: {  	[smem:$0x3F9E] =	sst lr;
	_ =	strace $0xD0000000  }
0x3: {  	_ = 	snop  }
0x4: {  	_ = 	snop  }
0x5: {  	_ = 	snop  }
0x6: {  	_ = 	snop  }
0x7: {  	_ = 	snop  }
__scs_overlays_trampoline_lowered:
0x8: {  	[smem:$0x3FAD] =	sst s0  }
0x9: {  	[smem:$0x3FAE] =	sst s1  }
0xa: {  	[smem:$0x3FAF] =	sst s2  }
0xb: {  	[smem:$0x3FB0] =	sst s3  }
0xc: {  	[smem:$0x3FB1] =	sst s4  }
0xd: {  	[smem:$0x3FB2] =	sst s5  }
0xe: {  	[smem:$0x3FB3] =	sst s6  }
0xf: {  	[smem:$0x3FB4] =	sst s7  }
0x10: {  	[smem:$0x3FB5] =	sst s8  }
0x11: {  	[smem:$0x3FB6] =	sst s9;
	s0 =	simm.s32 @!p0 $0x0  }
0x12: {  	s1 =	sld [smem:$0x3F9C];
	s0 =	simm.s32 @p0 $0x1  }
0x13: {  	[smem:$0x3FB7] =	sst s0;
	s0 =	simm.s32 @!p1 $0x0  }
0x14: {  	s2 =	sld [smem:$0x3F9B];
	s0 =	simm.s32 @p1 $0x1  }
0x15: {  	[smem:$0x3FB8] =	sst s0;
	s0 =	simm.s32 @!p2 $0x0  }
0x16: {  	s3 =	sld [smem:$0x3FDB];
	s0 =	simm.s32 @p2 $0x1  }
0x17: {  	s4 =	simm.s32 $0x1BF5;
	[smem:$0x3FBA] =	sst s0  }
0x18: {  	s0 =	sld [smem:$0x3F9D];
	_ =	swait.ge [sflag:s4], $0x0  }
0x19: {  	s7 =	sld [smem:$0x3F9E]  }
0x1a: {  	s8 =	sadd.s32 $0xFFFFE003, lr  }
0x1b: {  	s9 =	sadd.s32 $0xFFFFFEF7, lr;
	s5 =	simm.s32 $0xFFFFFFFF;
	p2 =	slt.u32 s8, $0xFFFFF086  }
0x1c: {  	p1 =	slt.u32 s9, $0xF7A;
	s5 =	simm.s32 @!p2 $0x0  }
0x1d: {  	s5 =	simm.s32 @p1 $0x1;
	p0 =	seq.s32 s7, s2  }
0x1e: {  	s7 =	smul.u32 @!p0 $0xF7A, s2;
	p2 =	seq.s32 @!p0 s5, $0x0  }
0x1f: {  	s9 =	smul.u32 $0xF7A, s1;
	s8 =	simm.s32 @!p0 $0x1BF5;
	p2 =	por !p2, p0  }
0x20: {  	[sflag:s8] =	ssyncset.s32 @!p0 $0xFFFFF086;
	s6 =	sadd.s32 @!p0 s3, s7;
	s7 =	simm.s32 @!p0 $0x108  }
0x21: {  	s3 =	sadd.s32 s3, s9;
	s6 =	sadd.s32 @!p0 $0x88, s6;
	s7 =	simm.s32 @p2 $0x1082  }
0x22: {  	[simem:s7], [sflag:s8] =	dma.local @!p0 [hbm:s6], $0xF7A  }
0x23: {  	s9 =	sor.u32 $0xD0000000, s2;
	s6 =	simm.s32 $0x108;
	_ =	swait.ge @!p0 [sflag:s8], $0x0  }
0x24: {  	s3 =	sadd.s32 $0x88, s3;
	s6 =	simm.s32 @!p1 $0x1082;
	[sflag:s4] =	ssyncset.s32 $0xFFFFF086  }
0x25: {  	[simem:s6], [sflag:s4] =	dma.local [hbm:s3], $0xF7A  }
0x26: {  	[smem:$0x3F9E] =	sst s1;
	(tag) =	ssettag s2;
	_ =	strace s9  }
0x27: {  	s1 =	sld [smem:$0x3FAE]  }
0x28: {  	s2 =	sld [smem:$0x3FAF]  }
0x29: {  	s4 =	sld [smem:$0x3FB1]  }
0x2a: {  	p0 =	seq.s32 s5, $0x0;
	s5 =	sld [smem:$0x3FB2]  }
0x2b: {  	s6 =	sld [smem:$0x3FB3]  }
0x2c: {  	s7 =	sld [smem:$0x3FB4]  }
0x2d: {  	s3 =	simm.s32 $0x108;
	s8 =	sld [smem:$0x3FB5]  }
0x2e: {  	s3 =	simm.s32 @!p0 $0x1082;
	s9 =	sld [smem:$0x3FB6]  }
0x2f: {  	lr =	sadd.s32 s0, s3;
	s0 =	sld [smem:$0x3FAD]  }
0x30: {  	s3 =	sld [smem:$0x3FB0]  }
0x31: {  	[smem:$0x3FB9] =	sst s10  }
0x32: {  	s10 =	sld [smem:$0x3FB7];
	_ =	sdelay $0x3  }
0x33: {  	p0 =	seq.s32 s10, $0x1;
	s10 =	sld [smem:$0x3FB9];
	_ =	sdelay $0x3  }
0x34: {  	[smem:$0x3FB9] =	sst s10  }
0x35: {  	s10 =	sld [smem:$0x3FB8];
	_ =	sdelay $0x3  }
0x36: {  	p1 =	seq.s32 s10, $0x1;
	s10 =	sld [smem:$0x3FB9];
	_ =	sdelay $0x3  }
0x37: {  	[smem:$0x3FB9] =	sst s10  }
0x38: {  	s10 =	sld [smem:$0x3FBA]  }
0x39: {  	_ = 	snop;
	(pc) =	sbr.ind lr, $3  }
0x3a: {  	_ = 	snop  }
0x3b: {  	_ = 	snop  }
0x3c: {  	p2 =	seq.s32 s10, $0x1;
	s10 =	sld [smem:$0x3FB9]  }
0x3d: {  	_ =	shalt  }
0x3e: {  	_ =	shalt  }
0x3f: {  	_ =	shalt  }
0x40: {  	_ =	shalt  }
0x41: {  	_ =	shalt  }
0x42: {  	_ =	shalt  }
0x43: {  	_ =	shalt  }
0x44: {  	_ =	shalt  }
0x45: {  	_ =	shalt  }
0x46: {  	_ =	shalt  }
0x47: {  	_ =	shalt  }
0x48: {  	_ =	shalt  }
0x49: {  	_ =	shalt  }
0x4a: {  	_ =	shalt  }
0x4b: {  	_ =	shalt  }
0x4c: {  	_ =	shalt  }
0x4d: {  	_ =	shalt  }
0x4e: {  	_ =	shalt  }
0x4f: {  	_ =	shalt  }
0x50: {  	_ =	shalt  }
0x51: {  	_ =	shalt  }
0x52: {  	_ =	shalt  }
0x53: {  	_ =	shalt  }
0x54: {  	_ =	shalt  }
0x55: {  	_ =	shalt  }
0x56: {  	_ =	shalt  }
0x57: {  	_ =	shalt  }
0x58: {  	_ =	shalt  }
0x59: {  	_ =	shalt  }
0x5a: {  	_ =	shalt  }
0x5b: {  	_ =	shalt  }
0x5c: {  	_ =	shalt  }
0x5d: {  	_ =	shalt  }
0x5e: {  	_ =	shalt  }
0x5f: {  	_ =	shalt  }
0x60: {  	_ =	shalt  }
0x61: {  	_ =	shalt  }
0x62: {  	_ =	shalt  }
0x63: {  	_ =	shalt  }
0x64: {  	_ =	shalt  }
0x65: {  	_ =	shalt  }
0x66: {  	_ =	shalt  }
0x67: {  	_ =	shalt  }
0x68: {  	_ =	shalt  }
0x69: {  	_ =	shalt  }
0x6a: {  	_ =	shalt  }
0x6b: {  	_ =	shalt  }
0x6c: {  	_ =	shalt  }
0x6d: {  	_ =	shalt  }
0x6e: {  	_ =	shalt  }
0x6f: {  	_ =	shalt  }
0x70: {  	_ =	shalt  }
0x71: {  	_ =	shalt  }
0x72: {  	_ =	shalt  }
0x73: {  	_ =	shalt  }
0x74: {  	_ =	shalt  }
0x75: {  	_ =	shalt  }
0x76: {  	_ =	shalt  }
0x77: {  	_ =	shalt  }
0x78: {  	_ =	shalt  }
0x79: {  	_ =	shalt  }
0x7a: {  	_ =	shalt  }
0x7b: {  	_ =	shalt  }
0x7c: {  	_ =	shalt  }
0x7d: {  	_ =	shalt  }
0x7e: {  	_ =	shalt  }
0x7f: {  	_ =	shalt  }
0x80: {  	_ =	shalt  }
0x81: {  	_ =	shalt  }
0x82: {  	_ =	shalt  }
0x83: {  	_ =	shalt  }
0x84: {  	_ =	shalt  }
0x85: {  	_ =	shalt  }
0x86: {  	_ =	shalt  }
0x87: {  	_ =	shalt  }
.Lfunc_end0:
.L_simem_size_0:
called_computation_lowered:
.L_overlay_start_0:
0x88: {  	s2 =	sld [smem:$0x3FD9]  }
0x89: {  	s3 =	sld [smem:$0x3FFE];
	_ =	sdelay $0x1  }
0x8a: {  	s1 =	srdreg.scid  }
0x8b: {  	s0 =	sand.u32 $0x1, s1  }
0x8c: {  	s17 =	sshll.u32 s0, $0xA;
	s2 =	sadd.s32 s3, s2  }
0x8d: {  	s2 =	sadd.s32 s2, s17  }
0x8e: {  	[smem:$0x3FC5] =	sst s2  }
0x8f: {  	_ = 	snop  }
0x90: {  	s2 =	sld [smem:$0x3FC9]  }
0x91: {  	s18 =	sld [smem:$0x3FC8]  }
0x92: {  	s4 =	sld [smem:$0x3FD0];
	(tm) =	ssettm $0x1  }
0x93: {  	s5 =	sld [smem:$0x3FFB];
	_ =	sdelay $0x3  }
0x94: {  	_ =	strace s5  }
0x95: {  	s5 =	sld [smem:$0x3FFC];
	_ =	sdelay $0x3  }
0x96: {  	_ =	strace s5  }
0x97: {  	s5 =	sld [smem:$0x3FFD];
	_ =	sdelay $0x3  }
0x98: {  	_ =	strace s5  }
0x99: {  	_ =	strace $0x8FFFFFFF  }
0x9a: {  	s19 =	sld [smem:$0x3FDB];
	_ =	sdelay $0x1  }
0x9b: {  	s6 =	simm.s32 $_scs_section_size  }
0x9c: {  	s7 =	simm.s32 $_size__tile_overlayer_lowered;
	s8 =	simm.s32 $_tile_overlayer_lowered  }
0x9d: {  	s22 =	simm.s32 $0x1BFF;
	s21 =	sshll.u32 s8, $0x1;
	s5 =	sadd.s32 s6, s19  }
0x9e: {  	s9 =	simm.s32 $0x0;
	s20 =	sshll.u32 s7, $0x1;
	s7 =	sadd.s32 s21, s5  }
0x9f: {  	[timem:s9], [sflag:s22] =	dma.local [hbm:s7], s20  }
0xa0: {  	_ =	swait.ge [sflag:s22], s20  }
0xa1: {  	s6 =	ssub.s32 $0x0, s20;
	[sflag:s22] =	ssyncset.done $0x0  }
0xa2: {  	[sflag:s22] =	ssyncadd.s32 s6;
	_ =	sdelay $0x1  }
0xa3: {  	s23 =	simm.s32 $0x1B8B  }
0xa4: {  	_ =	swait.ge [sflag:s23], $0x1  }
0xa5: {  	[sflag:s23] =	ssyncset.done $0x0  }
0xa6: {  	s25 =	simm.s32 $0x1B8E;
	s24 =	sld [smem:$0x3FFE];
	[sflag:s23] =	ssyncadd.s32 $0xFFFFFFFF  }
0xa7: {  	s26 =	simm.s32 $execute0_lowered;
	[smem:$0x3FD2] =	sst s25  }
0xa8: {  	s7 =	sshll.u32 s26, $0x1;
	_ =	strace $0x80000046;
	[dreg:$0x1] =	wrdreg $0xFFFFFFFF  }
0xa9: {  	s28 =	simm.s32 $_size_execute0_lowered;
	s5 =	sadd.s32 s5, s7;
	[dreg:$0x0] =	wrdreg $0x0  }
0xaa: {  	s7 =	sshll.u32 s28, $0x1;
	[dreg:$0x2] =	wrdreg s5  }
0xab: {  	[dreg:$0x3] =	wrdreg s7  }
0xac: {  	[dreg:$0x4] =	wrdreg $0xC0  }
0xad: {  	_ =	task [dreg:s9], $0x5FFFF  }
0xae: {  	[dreg:$0x1] =	wrdreg $0xFFFFFFFF  }
0xaf: {  	[dreg:$0x0] =	wrdreg $0x60  }
0xb0: {  	[dreg:$0x2] =	wrdreg s2  }
0xb1: {  	[dreg:$0x3] =	wrdreg s18  }
0xb2: {  	[dreg:$0x4] =	wrdreg s4  }
0xb3: {  	[dreg:$0x5] =	wrdreg s24  }
0xb4: {  	[dreg:$0x6] =	wrdreg $0xC6C00  }
0xb5: {  	[dreg:$0x7] =	wrdreg $0x9  }
0xb6: {  	_ =	task.clear_ibuf [dreg:s9], $0x8FFFF;
	_ =	strace $0x90000046  }
0xb7: {  	s29 =	simm.s32 $0x9;
	_ =	strace $0x80000048  }
0xb8: {  	_ =	swait.ge [sflag:s29], $0x1  }
0xb9: {  	[sflag:s29] =	ssyncadd.s32 $0xFFFFFFFF  }
0xba: {  	_ =	strace $0x90000048  }
0xbb: {  	_ =	sfence  }
0xbc: {  	s30 =	sld [smem:$0x0];
	_ =	sdelay $0x2  }
0xbd: {  	s31 =	sshll.u32 s1, $0xD;
	s1 =	sshrl.u32 s1, $0x2  }
0xbe: {  	s3 =	sand.u32 $0x4000, s31;
	s1 =	sadd.s32 s1, s30  }
0xbf: {  	s0 =	sor.u32 s3, s0;
	s1 =	sshll.u32 s1, $0x11  }
0xc0: {  	s0 =	sor.u32 s1, s0  }
0xc1: {  	s0 =	sadd.s32 $0x8F2B, s0  }
0xc2: {  	[sflag:s0] =	ssyncadd.remote.s32 $0x1  }
0xc3: {  	_ =	sfence.sel $0xFFFF  }
0xc4: {  	[dreg:$0x0] =	wrdreg $0xFFFFFFFF;
	(pc) =	sbr.abs _section_cstart, $3  }
0xc5: {  	[dreg:$0x1] =	wrdreg $0xFFFFFFFF  }
0xc6: {  	_ =	task.clear_ibuf [dreg:s9], $0x2FFFF;
	_ =	strace $0x9FFFFFFF  }
0xc7: {  	(tm) =	ssettm $0x7FFFFFFF  }
tec
execute0_lowered:
.L_overlay_start_1:
0x0: {  	(tag) =	ssettag $0x1  }
0x1: {  	s1 =	rddreg [dreg:$0x0]  }
0x2: {  	s7 =	rddreg [dreg:$0x1]  }
0x3: {  	s3 =	rddreg [dreg:$0x2]  }
0x4: {  	s0 =	rddreg [dreg:$0x3]  }
0x5: {  	s5 =	rddreg [dreg:$0x4];
	s10 =	simm.s32 $0x0;
	s4 =	srdreg.scid  }
0x6: {  	s2 =	stileid.u32;
	[smem:$0x7FF] =	sst s10  }
0x7: {  	s6 =	sand.u32 $0x1, s4;
	s0 =	sadd.s32 $0x400, s0;
	s8 =	smul.u32 $0x140, s2  }
0x8: {  	s14 =	smul.u32 $0xC350, s2;
	_ =	strace $0x80000047;
	[dreg:$0x7] =	wrdreg s6  }
0x9: {  	s30 =	smul.u32 $0x2D000, s2;
	[dreg:$0x8] =	wrdreg s0  }
0xa: {  	[dreg:$0x9] =	wrdreg s8;
	s21 =	sshrl.u32 s14, $0x3;
	s24 =	sadd.s32 $0x7D0, s14  }
0xb: {  	s2 =	smov.u32 s1;
	s1 =	sadd.s32 s1, s21;
	[dreg:$0x17] =	wrdreg s24  }
0xc: {  	s4 =	sshrl.u32 s30, $0x2;
	s22 =	sadd.s32 s7, s21;
	[dreg:$0x15] =	wrdreg s1  }
0xd: {  	s20 =	sadd.s32 s4, s5;
	[dreg:$0x16] =	wrdreg s22  }
0xe: {  	s4 =	sadd.s32 $0x480, s20;
	[dreg:$0xa] =	wrdreg s20  }
0xf: {  	s9 =	sadd.s32 $0x900, s20;
	[dreg:$0xb] =	wrdreg s4  }
0x10: {  	s11 =	sadd.s32 $0xD80, s20;
	[dreg:$0xc] =	wrdreg s9  }
0x11: {  	s12 =	sadd.s32 $0x1200, s20;
	[dreg:$0xd] =	wrdreg s11  }
0x12: {  	s13 =	sadd.s32 $0x1680, s20;
	[dreg:$0xe] =	wrdreg s12  }
0x13: {  	s15 =	sadd.s32 $0x1B00, s20;
	[dreg:$0xf] =	wrdreg s13  }
0x14: {  	s16 =	sadd.s32 $0x1F80, s20;
	[dreg:$0x10] =	wrdreg s15  }
0x15: {  	s6 =	ssub.s32 $0x2, s6;
	s17 =	sadd.s32 $0x2400, s20;
	[dreg:$0x11] =	wrdreg s16  }
0x16: {  	s31 =	sshrl.u32 s6, $0x1;
	s18 =	sadd.s32 $0x2880, s20;
	[dreg:$0x12] =	wrdreg s17  }
0x17: {  	s0 =	ssub.s32 s6, s31;
	s19 =	sadd.s32 $0x2D00, s20;
	[dreg:$0x13] =	wrdreg s18  }
0x18: {  	s0 =	smax.u32 s0, $0x1;
	[dreg:$0x14] =	wrdreg s19  }
0x19: {  	s25 =	sadd.s32 $0x3180, s20;
	[dreg:$0x18] =	wrdreg s0  }
0x1a: {  	s26 =	sadd.s32 $0x3600, s20;
	[dreg:$0x19] =	wrdreg s25  }
0x1b: {  	s28 =	sadd.s32 $0x3A80, s20;
	[dreg:$0x1a] =	wrdreg s26  }
0x1c: {  	s29 =	sadd.s32 $0x3F00, s20;
	[dreg:$0x1b] =	wrdreg s28  }
0x1d: {  	s30 =	sadd.s32 $0x4380, s20;
	[dreg:$0x1c] =	wrdreg s29  }
0x1e: {  	s31 =	sadd.s32 $0x4800, s20;
	[dreg:$0x1d] =	wrdreg s30  }
0x1f: {  	s1 =	sadd.s32 $0x4C80, s20;
	[dreg:$0x1e] =	wrdreg s31  }
0x20: {  	s6 =	sadd.s32 $0x5580, s20;
	[dreg:$0x1f] =	wrdreg s1  }
0x21: {  	s23 =	smov.u32 s7;
	s7 =	sadd.s32 $0x5A00, s20;
	[smem:$0x7E9] =	sst s6  }
0x22: {  	s8 =	sadd.s32 $0x5E80, s20;
	[smem:$0x7EA] =	sst s7  }
0x23: {  	s24 =	sadd.s32 $0xFA0, s14;
	s14 =	sadd.s32 $0x7500, s20;
	[smem:$0x7EB] =	sst s8  }
0x24: {  	s21 =	sadd.s32 $0x9000, s20;
	[smem:$0x7F0] =	sst s14  }
0x25: {  	s22 =	sadd.s32 $0x9480, s20;
	[smem:$0x7F6] =	sst s21  }
0x26: {  	s4 =	sadd.s32 $0x5100, s20;
	[smem:$0x7F7] =	sst s22  }
0x27: {  	s9 =	sadd.s32 $0x6300, s20;
	[smem:$0x7E8] =	sst s4  }
0x28: {  	s11 =	sadd.s32 $0x6780, s20;
	[smem:$0x7EC] =	sst s9  }
0x29: {  	s12 =	sadd.s32 $0x6C00, s20;
	[smem:$0x7ED] =	sst s11  }
0x2a: {  	s13 =	sadd.s32 $0x7080, s20;
	[smem:$0x7EE] =	sst s12  }
0x2b: {  	s15 =	sadd.s32 $0x7980, s20;
	[smem:$0x7EF] =	sst s13  }
0x2c: {  	s16 =	sadd.s32 $0x7E00, s20;
	[smem:$0x7F1] =	sst s15  }
0x2d: {  	s17 =	sadd.s32 $0x8280, s20;
	[smem:$0x7F2] =	sst s16  }
0x2e: {  	s18 =	sadd.s32 $0x8700, s20;
	[smem:$0x7F3] =	sst s17  }
0x2f: {  	s19 =	sadd.s32 $0x8B80, s20;
	[smem:$0x7F4] =	sst s18  }
0x30: {  	s25 =	sadd.s32 $0x9900, s20;
	[smem:$0x7F5] =	sst s19  }
0x31: {  	s26 =	sadd.s32 $0x9D80, s20;
	[smem:$0x7F8] =	sst s25  }
0x32: {  	s28 =	sadd.s32 $0xA200, s20;
	[smem:$0x7F9] =	sst s26  }
0x33: {  	s29 =	sadd.s32 $0xA680, s20;
	s30 =	sadd.s32 $0xAB00, s20;
	[smem:$0x7FA] =	sst s28  }
0x34: {  	s31 =	sadd.s32 $0xAF80, s20;
	s8 =	simm.s32 $0x1;
	[smem:$0x7FB] =	sst s29  }
.Ltmp0:
0x35: {  	s14 =	simm.s32 $0x3040;
	[smem:$0x7FC] =	sst s30;
	(pc) =	sbr.rel .LBB2_1-.Ltmp0, $4  }
0x36: {  	v0 =	vlaneseq.u32;
	s21 =	simm.s32 $0x0;
	[smem:$0x7FD] =	sst s31;
	s25 =	simm.s32 $0x7  }
0x37: {  	v3 =	vmul.u32 $0x8, v0;
	s9 =	simm.s32 $0x27C0;
	s11 =	simm.s32 $0x1F40;
	s12 =	simm.s32 $0x5  }
0x38: {  	s13 =	simm.s32 $0x80;
	s15 =	simm.s32 $0x3240;
	s16 =	simm.s32 $0x6  }
0x39: {  	v1 =	vimm.bf16 $0.0e+00;
	v2 =	vimm.s32 $0x0;
	v3 =	vadd.s32 $0xC350, v3;
	s17 =	simm.s32 $0x3140;
	s18 =	simm.s32 $0x7A40;
	s19 =	simm.s32 $0x2  }
.LBB2_34:
0x3a: {  	s10 =	rddreg [dreg:$0x6]  }
0x3b: {  	s0 =	rddreg [dreg:$0x18];
	s10 =	sadd.s32 $0x1, s10  }
0x3c: {  	p0 =	sne.s32 s10, s0  }
.Ltmp1:
0x3d: {  	_ = 	snop;
	(pc) =	sbr.rel @!p0 .LBB2_35-.Ltmp1, $1  }
0x3e: {  	_ =	sdelay $0x3  }
.LBB2_1:
0x3f: {  	s0 =	simm.s32 $0xC240  }
0x40: {  	[dreg:$0x6] =	wrdreg s10;
	s4 =	simm.s32 $0x1;
	s7 =	simm.s32 $0xC240;
	[tilespmem:s0+$0x0] =	vst v1  }
.LBB2_2:
0x41: {  	p0 =	sne.s32 s4, $0x47;
	s4 =	sadd.s32 $0x1, s4;
	s7 =	sadd.s32 $0x10, s7  }
.Ltmp2:
0x42: {  	[tilespmem:s7+$0x0] =	vst v1;
	(pc) =	sbr.rel @p0 .LBB2_2-.Ltmp2, $1  }
0x43: {  	_ =	sdelay $0x3  }
.Ltmp3:
0x44: {  	(pc) =	sbr.rel .LBB2_4-.Ltmp3, $2  }
0x45: {  	_ =	sdelay $0x2  }
0x46: {  	s4 =	simm.s32 $0x0  }
.LBB2_33:
0x47: {  	s4 =	sshll.u32 s10, $0x7  }
0x48: {  	v4 =	vld [tilespmem:s4+$0x1F40]  }
0x49: {  	v5 =	vld [tilespmem:s4+$0x27C0];
	_ =	sdelay $0x3  }
0x4a: {  	[tilespmem:$0x1F40] =	vst v4  }
0x4b: {  	[tilespmem:$0x27C0] =	vst v5  }
0x4c: {  	v4 =	vld [tilespmem:s4+$0x1F50]  }
0x4d: {  	v5 =	vld [tilespmem:s4+$0x27D0];
	_ =	sdelay $0x3  }
0x4e: {  	[tilespmem:$0x1F50] =	vst v4  }
0x4f: {  	[tilespmem:$0x27D0] =	vst v5  }
0x50: {  	v4 =	vld [tilespmem:s4+$0x1F60]  }
0x51: {  	v5 =	vld [tilespmem:s4+$0x27E0];
	_ =	sdelay $0x3  }
0x52: {  	[tilespmem:$0x1F60] =	vst v4  }
0x53: {  	[tilespmem:$0x27E0] =	vst v5  }
0x54: {  	v4 =	vld [tilespmem:s4+$0x1F70]  }
0x55: {  	v5 =	vld [tilespmem:s4+$0x27F0];
	_ =	sdelay $0x3  }
0x56: {  	[tilespmem:$0x1F70] =	vst v4  }
0x57: {  	[tilespmem:$0x27F0] =	vst v5  }
0x58: {  	v4 =	vld [tilespmem:s4+$0x1F80]  }
0x59: {  	v5 =	vld [tilespmem:s4+$0x2800];
	_ =	sdelay $0x3  }
0x5a: {  	[tilespmem:$0x1F80] =	vst v4  }
0x5b: {  	[tilespmem:$0x2800] =	vst v5  }
0x5c: {  	v4 =	vld [tilespmem:s4+$0x1F90]  }
0x5d: {  	v5 =	vld [tilespmem:s4+$0x2810];
	_ =	sdelay $0x3  }
0x5e: {  	[tilespmem:$0x1F90] =	vst v4  }
0x5f: {  	[tilespmem:$0x2810] =	vst v5  }
0x60: {  	v4 =	vld [tilespmem:s4+$0x1FA0]  }
0x61: {  	v5 =	vld [tilespmem:s4+$0x2820];
	_ =	sdelay $0x3  }
0x62: {  	[tilespmem:$0x1FA0] =	vst v4  }
0x63: {  	[tilespmem:$0x2820] =	vst v5  }
0x64: {  	v4 =	vld [tilespmem:s4+$0x1FB0]  }
0x65: {  	v5 =	vld [tilespmem:s4+$0x2830];
	_ =	sdelay $0x2  }
0x66: {  	p0 =	sgt.s32 s10, $0x0  }
0x67: {  	p1 =	slt.s32 @!p0 s29, $0x1;
	[tilespmem:$0x1FB0] =	vst v4  }
0x68: {  	p0 =	por p0, !p1;
	[tilespmem:$0x2830] =	vst v5  }
0x69: {  	_ =	swait.ge @p0 [sflag:s12], $0x4800  }
0x6a: {  	[sflag:s12] =	ssyncset.done @p0 $0x0  }
0x6b: {  	[sflag:s12] =	ssyncadd.s32 @p0 $0xFFFFB800;
	p0 =	sgt.s32 s10, $0x1  }
0x6c: {  	p1 =	slt.s32 @!p0 s28, $0x1  }
0x6d: {  	p0 =	por p0, !p1  }
0x6e: {  	s0 =	ssub.s32 s30, s4;
	_ =	swait.ge @p0 [sflag:s16], $0x4800  }
0x6f: {  	s7 =	sand.u32 $0x7, s20;
	s1 =	sand.u32 $0xFFFFFFF8, s0;
	[sflag:s16] =	ssyncset.done @p0 $0x0  }
0x70: {  	s1 =	sor.u32 s7, s1;
	[sflag:s16] =	ssyncadd.s32 @p0 $0xFFFFB800  }
0x71: {  	[tilespmem:s1+$0x1F40] =	vst v3  }
0x72: {  	[tilespmem:s1+$0x27C0] =	vst v0  }
0x73: {  	[tilespmem:s1+$0x1F50] =	vst v3  }
0x74: {  	[tilespmem:s1+$0x27D0] =	vst v0  }
0x75: {  	[tilespmem:s1+$0x1F60] =	vst v3  }
0x76: {  	[tilespmem:s1+$0x27E0] =	vst v0  }
0x77: {  	[tilespmem:s1+$0x1F70] =	vst v3  }
0x78: {  	[tilespmem:s1+$0x27F0] =	vst v0  }
0x79: {  	[tilespmem:s1+$0x1F80] =	vst v3  }
0x7a: {  	[tilespmem:s1+$0x2800] =	vst v0  }
0x7b: {  	[tilespmem:s1+$0x1F90] =	vst v3  }
0x7c: {  	[tilespmem:s1+$0x2810] =	vst v0  }
0x7d: {  	[tilespmem:s1+$0x1FA0] =	vst v3  }
0x7e: {  	[tilespmem:s1+$0x2820] =	vst v0  }
0x7f: {  	[tilespmem:s1+$0x1FB0] =	vst v3  }
0x80: {  	p0 =	slt.s32 s0, $0x1;
	[tilespmem:s1+$0x2830] =	vst v0  }
0x81: {  	v4 =	vld @!p0 [tilespmem:$0x1F40]  }
0x82: {  	v5 =	vld @!p0 [tilespmem:$0x27C0]  }
0x83: {  	v6 =	vld @!p0 [tilespmem:$0x1F50]  }
0x84: {  	v7 =	vld @!p0 [tilespmem:$0x27D0]  }
0x85: {  	v8 =	vld @!p0 [tilespmem:$0x1F60]  }
0x86: {  	[tilespmem:$0x3040] =	vst @!p0 v4;
	v4 =	vld @!p0 [tilespmem:$0x27E0]  }
0x87: {  	[tilespmem:$0x30C0] =	vst @!p0 v5;
	v5 =	vld @!p0 [tilespmem:$0x1F70]  }
0x88: {  	[tilespmem:$0x3050] =	vst @!p0 v6;
	v6 =	vld @!p0 [tilespmem:$0x27F0]  }
0x89: {  	[tilespmem:$0x30D0] =	vst @!p0 v7;
	v7 =	vld @!p0 [tilespmem:$0x1F80]  }
0x8a: {  	[tilespmem:$0x3060] =	vst @!p0 v8;
	v8 =	vld @!p0 [tilespmem:$0x2800]  }
0x8b: {  	[tilespmem:$0x30E0] =	vst @!p0 v4;
	v4 =	vld @!p0 [tilespmem:$0x1F90]  }
0x8c: {  	[tilespmem:$0x3070] =	vst @!p0 v5;
	v5 =	vld @!p0 [tilespmem:$0x2810]  }
0x8d: {  	[tilespmem:$0x30F0] =	vst @!p0 v6;
	v6 =	vld @!p0 [tilespmem:$0x1FA0]  }
0x8e: {  	[tilespmem:$0x3080] =	vst @!p0 v7;
	v7 =	vld @!p0 [tilespmem:$0x2820]  }
0x8f: {  	[tilespmem:$0x3100] =	vst @!p0 v8;
	v8 =	vld @!p0 [tilespmem:$0x1FB0]  }
0x90: {  	[tilespmem:$0x3090] =	vst @!p0 v4;
	v4 =	vld @!p0 [tilespmem:$0x2830]  }
0x91: {  	[tilespmem:$0x3110] =	vst @!p0 v5  }
0x92: {  	[tilespmem:$0x30A0] =	vst @!p0 v6  }
0x93: {  	[tilespmem:$0x3120] =	vst @!p0 v7  }
0x94: {  	[tilespmem:$0x30B0] =	vst @!p0 v8  }
0x95: {  	s0 =	simm.s32 @!p0 $0x80;
	s1 =	simm.s32 @!p0 $0x3040;
	s4 =	simm.s32 @!p0 $0x3240;
	[tilespmem:$0x3130] =	vst @!p0 v4  }
0x96: {  	[tilespmem:s4], [sflag:$0x3] =	stream.indirect.gather @!p0 [hbm4b:s3+s0], $0x90, s1, s0, $0xb8;
	[tilespmem:$0x17AC0] =	vst v63  }
0x97: {  	s1 =	simm.s32 @!p0 $0x3  }
0x98: {  	_ =	swait.ge @!p0 [sflag:s1], $0x4800  }
0x99: {  	[sflag:s1] =	ssyncset.done @!p0 $0x0  }
0x9a: {  	[sflag:s1] =	ssyncadd.s32 @!p0 $0xFFFFB800;
	s1 =	simm.s32 @!p0 $0x30C0  }
0x9b: {  	[spmem:s5] =	stream.indirect.scatter.add.bf16 @!p0 [tilespmem:s4], [sflag:$0x5], $0x90, s1, s0, $0xb8;
	[tilespmem:$0x17AC0] =	vst v63  }
0x9c: {  	s0 =	simm.s32 @!p0 $0x5  }
0x9d: {  	_ =	swait.ge @!p0 [sflag:s0], $0x4800  }
0x9e: {  	s20 =	sld [smem:$0x7E7]  }
0x9f: {  	[sflag:s0] =	ssyncset.done @!p0 $0x0  }
0xa0: {  	s10 =	rddreg [dreg:$0x9];
	[sflag:s0] =	ssyncadd.s32 @!p0 $0xFFFFB800  }
0xa1: {  	s26 =	stileid.u32;
	[bflag:$0x0] =	sbarrier.arrive $0xFFFF;
	s1 =	sadd.s32 s10, s20  }
0xa2: {  	s28 =	rddreg [dreg:$0x8];
	s22 =	smul.u32 $0x12, s1  }
0xa3: {  	s30 =	simm.s32 $0x8;
	s20 =	rddreg [dreg:$0xa];
	s1 =	sshll.u32 s26, $0x6  }
0xa4: {  	s29 =	sshrl.u32 s20, $0x3;
	s1 =	sor.u32 $0x1C08, s1;
	s0 =	sadd.s32 s28, s22  }
0xa5: {  	[hbm:s0], [sflag:s1] =	dma.local [spmem:s29], $0x1680  }
0xa6: {  	_ =	swait.ge [sflag:s30], $0x1680  }
0xa7: {  	s31 =	sld [smem:$0x7E6];
	_ =	sdelay $0x2  }
0xa8: {  	s4 =	sadd.s32 $0x1, s31  }
0xa9: {  	p0 =	sne.s32 s4, $0x5  }
.Ltmp4:
0xaa: {  	_ = 	snop;
	(pc) =	sbr.rel @!p0 .LBB2_34-.Ltmp4, $3  }
0xab: {  	_ =	sdelay $0x1  }
0xac: {  	[sflag:s30] =	ssyncset.done $0x0  }
0xad: {  	[sflag:s30] =	ssyncadd.s32 $0xFFFFE980  }
.LBB2_4:
0xae: {  	[bflag:$0x0] =	sbarrier.arrive $0xFFFF;
	s1 =	simm.s32 $0xC240  }
0xaf: {  	[spmem:s20] =	stream.linear.scatter [tilespmem:s1], [sflag:$0x7], $0x480, $0x38;
	[tilespmem:$0x17AC0] =	vst v63  }
0xb0: {  	s0 =	rddreg [dreg:$0xb]  }
0xb1: {  	s31 =	rddreg [dreg:$0xc]  }
0xb2: {  	[spmem:s0] =	stream.linear.scatter [tilespmem:s1], [sflag:$0x7], $0x480, $0x38;
	[tilespmem:$0x17AC0] =	vst v63  }
0xb3: {  	s6 =	rddreg [dreg:$0xd]  }
0xb4: {  	[spmem:s31] =	stream.linear.scatter [tilespmem:s1], [sflag:$0x7], $0x480, $0x38;
	[tilespmem:$0x17AC0] =	vst v63  }
0xb5: {  	s7 =	rddreg [dreg:$0xe]  }
0xb6: {  	[spmem:s6] =	stream.linear.scatter [tilespmem:s1], [sflag:$0x7], $0x480, $0x38;
	[tilespmem:$0x17AC0] =	vst v63  }
0xb7: {  	s10 =	rddreg [dreg:$0xf]  }
0xb8: {  	[spmem:s7] =	stream.linear.scatter [tilespmem:s1], [sflag:$0x7], $0x480, $0x38;
	[tilespmem:$0x17AC0] =	vst v63  }
0xb9: {  	s20 =	rddreg [dreg:$0x10]  }
0xba: {  	[spmem:s10] =	stream.linear.scatter [tilespmem:s1], [sflag:$0x7], $0x480, $0x38;
	[tilespmem:$0x17AC0] =	vst v63  }
0xbb: {  	s22 =	rddreg [dreg:$0x11]  }
0xbc: {  	[spmem:s20] =	stream.linear.scatter [tilespmem:s1], [sflag:$0x7], $0x480, $0x38;
	[tilespmem:$0x17AC0] =	vst v63  }
0xbd: {  	s26 =	rddreg [dreg:$0x12]  }
0xbe: {  	[spmem:s22] =	stream.linear.scatter [tilespmem:s1], [sflag:$0x7], $0x480, $0x38;
	[tilespmem:$0x17AC0] =	vst v63  }
0xbf: {  	s31 =	rddreg [dreg:$0x13]  }
0xc0: {  	[spmem:s26] =	stream.linear.scatter [tilespmem:s1], [sflag:$0x7], $0x480, $0x38;
	[tilespmem:$0x17AC0] =	vst v63  }
0xc1: {  	s6 =	rddreg [dreg:$0x14]  }
0xc2: {  	[spmem:s31] =	stream.linear.scatter [tilespmem:s1], [sflag:$0x7], $0x480, $0x38;
	[tilespmem:$0x17AC0] =	vst v63  }
0xc3: {  	s7 =	rddreg [dreg:$0x19]  }
0xc4: {  	[spmem:s6] =	stream.linear.scatter [tilespmem:s1], [sflag:$0x7], $0x480, $0x38;
	[tilespmem:$0x17AC0] =	vst v63  }
0xc5: {  	s10 =	rddreg [dreg:$0x1a]  }
0xc6: {  	[spmem:s7] =	stream.linear.scatter [tilespmem:s1], [sflag:$0x7], $0x480, $0x38;
	[tilespmem:$0x17AC0] =	vst v63  }
0xc7: {  	s20 =	rddreg [dreg:$0x1b]  }
0xc8: {  	[spmem:s10] =	stream.linear.scatter [tilespmem:s1], [sflag:$0x7], $0x480, $0x38;
	[tilespmem:$0x17AC0] =	vst v63  }
0xc9: {  	s22 =	rddreg [dreg:$0x1c]  }
0xca: {  	[spmem:s20] =	stream.linear.scatter [tilespmem:s1], [sflag:$0x7], $0x480, $0x38;
	[tilespmem:$0x17AC0] =	vst v63  }
0xcb: {  	s26 =	rddreg [dreg:$0x1d]  }
0xcc: {  	[spmem:s22] =	stream.linear.scatter [tilespmem:s1], [sflag:$0x7], $0x480, $0x38;
	[tilespmem:$0x17AC0] =	vst v63  }
0xcd: {  	s31 =	rddreg [dreg:$0x1e]  }
0xce: {  	[spmem:s26] =	stream.linear.scatter [tilespmem:s1], [sflag:$0x7], $0x480, $0x38;
	[tilespmem:$0x17AC0] =	vst v63  }
0xcf: {  	s6 =	rddreg [dreg:$0x1f]  }
0xd0: {  	[spmem:s31] =	stream.linear.scatter [tilespmem:s1], [sflag:$0x7], $0x480, $0x38;
	[tilespmem:$0x17AC0] =	vst v63  }
0xd1: {  	s7 =	sld [smem:$0x7E8]  }
0xd2: {  	[spmem:s6] =	stream.linear.scatter [tilespmem:s1], [sflag:$0x7], $0x480, $0x38;
	[tilespmem:$0x17AC0] =	vst v63  }
0xd3: {  	s10 =	sld [smem:$0x7E9]  }
0xd4: {  	[spmem:s7] =	stream.linear.scatter [tilespmem:s1], [sflag:$0x7], $0x480, $0x38;
	[tilespmem:$0x17AC0] =	vst v63  }
0xd5: {  	s20 =	sld [smem:$0x7EA]  }
0xd6: {  	[spmem:s10] =	stream.linear.scatter [tilespmem:s1], [sflag:$0x7], $0x480, $0x38;
	[tilespmem:$0x17AC0] =	vst v63  }
0xd7: {  	s22 =	sld [smem:$0x7EB]  }
0xd8: {  	[spmem:s20] =	stream.linear.scatter [tilespmem:s1], [sflag:$0x7], $0x480, $0x38;
	[tilespmem:$0x17AC0] =	vst v63  }
0xd9: {  	s26 =	sld [smem:$0x7EC]  }
0xda: {  	[spmem:s22] =	stream.linear.scatter [tilespmem:s1], [sflag:$0x7], $0x480, $0x38;
	[tilespmem:$0x17AC0] =	vst v63  }
0xdb: {  	s31 =	sld [smem:$0x7ED]  }
0xdc: {  	[spmem:s26] =	stream.linear.scatter [tilespmem:s1], [sflag:$0x7], $0x480, $0x38;
	[tilespmem:$0x17AC0] =	vst v63  }
0xdd: {  	s6 =	sld [smem:$0x7EE]  }
0xde: {  	[spmem:s31] =	stream.linear.scatter [tilespmem:s1], [sflag:$0x7], $0x480, $0x38;
	[tilespmem:$0x17AC0] =	vst v63  }
0xdf: {  	s7 =	sld [smem:$0x7EF]  }
0xe0: {  	[spmem:s6] =	stream.linear.scatter [tilespmem:s1], [sflag:$0x7], $0x480, $0x38;
	[tilespmem:$0x17AC0] =	vst v63  }
0xe1: {  	s10 =	sld [smem:$0x7F0]  }
0xe2: {  	[spmem:s7] =	stream.linear.scatter [tilespmem:s1], [sflag:$0x7], $0x480, $0x38;
	[tilespmem:$0x17AC0] =	vst v63  }
0xe3: {  	s20 =	sld [smem:$0x7F1]  }
0xe4: {  	[spmem:s10] =	stream.linear.scatter [tilespmem:s1], [sflag:$0x7], $0x480, $0x38;
	[tilespmem:$0x17AC0] =	vst v63  }
0xe5: {  	s22 =	sld [smem:$0x7F2]  }
0xe6: {  	[spmem:s20] =	stream.linear.scatter [tilespmem:s1], [sflag:$0x7], $0x480, $0x38;
	[tilespmem:$0x17AC0] =	vst v63  }
0xe7: {  	s26 =	sld [smem:$0x7F3]  }
0xe8: {  	[spmem:s22] =	stream.linear.scatter [tilespmem:s1], [sflag:$0x7], $0x480, $0x38;
	[tilespmem:$0x17AC0] =	vst v63  }
0xe9: {  	s31 =	sld [smem:$0x7F4]  }
0xea: {  	[spmem:s26] =	stream.linear.scatter [tilespmem:s1], [sflag:$0x7], $0x480, $0x38;
	[tilespmem:$0x17AC0] =	vst v63  }
0xeb: {  	s6 =	sld [smem:$0x7F5]  }
0xec: {  	[spmem:s31] =	stream.linear.scatter [tilespmem:s1], [sflag:$0x7], $0x480, $0x38;
	[tilespmem:$0x17AC0] =	vst v63  }
0xed: {  	s7 =	sld [smem:$0x7F6]  }
0xee: {  	[spmem:s6] =	stream.linear.scatter [tilespmem:s1], [sflag:$0x7], $0x480, $0x38;
	[tilespmem:$0x17AC0] =	vst v63  }
0xef: {  	s10 =	sld [smem:$0x7F7]  }
0xf0: {  	[spmem:s7] =	stream.linear.scatter [tilespmem:s1], [sflag:$0x7], $0x480, $0x38;
	[tilespmem:$0x17AC0] =	vst v63  }
0xf1: {  	s20 =	sld [smem:$0x7F8]  }
0xf2: {  	[spmem:s10] =	stream.linear.scatter [tilespmem:s1], [sflag:$0x7], $0x480, $0x38;
	[tilespmem:$0x17AC0] =	vst v63  }
0xf3: {  	s22 =	sld [smem:$0x7F9]  }
0xf4: {  	[spmem:s20] =	stream.linear.scatter [tilespmem:s1], [sflag:$0x7], $0x480, $0x38;
	[tilespmem:$0x17AC0] =	vst v63  }
0xf5: {  	s26 =	sld [smem:$0x7FA]  }
0xf6: {  	[spmem:s22] =	stream.linear.scatter [tilespmem:s1], [sflag:$0x7], $0x480, $0x38;
	[tilespmem:$0x17AC0] =	vst v63  }
0xf7: {  	s31 =	sld [smem:$0x7FB]  }
0xf8: {  	[spmem:s26] =	stream.linear.scatter [tilespmem:s1], [sflag:$0x7], $0x480, $0x38;
	[tilespmem:$0x17AC0] =	vst v63  }
0xf9: {  	s6 =	sld [smem:$0x7FC]  }
0xfa: {  	[spmem:s31] =	stream.linear.scatter [tilespmem:s1], [sflag:$0x7], $0x480, $0x38;
	[tilespmem:$0x17AC0] =	vst v63  }
0xfb: {  	s7 =	sld [smem:$0x7FD]  }
0xfc: {  	[spmem:s6] =	stream.linear.scatter [tilespmem:s1], [sflag:$0x7], $0x480, $0x38;
	[tilespmem:$0x17AC0] =	vst v63  }
0xfd: {  	_ = 	snop  }
0xfe: {  	[spmem:s7] =	stream.linear.scatter [tilespmem:s1], [sflag:$0x7], $0x480, $0x38;
	[tilespmem:$0x17AC0] =	vst v63  }
0xff: {  	_ =	swait.ge [sflag:s25], $0x480  }
0x100: {  	[sflag:s25] =	ssyncset.done $0x0  }
0x101: {  	[sflag:s25] =	ssyncadd.s32 $0xFFFFFB80  }
0x102: {  	_ =	swait.ge [sflag:s25], $0x480  }
0x103: {  	[sflag:s25] =	ssyncset.done $0x0  }
0x104: {  	[sflag:s25] =	ssyncadd.s32 $0xFFFFFB80  }
0x105: {  	_ =	swait.ge [sflag:s25], $0x480  }
0x106: {  	[sflag:s25] =	ssyncset.done $0x0  }
0x107: {  	[sflag:s25] =	ssyncadd.s32 $0xFFFFFB80  }
0x108: {  	_ =	swait.ge [sflag:s25], $0x480  }
0x109: {  	[sflag:s25] =	ssyncset.done $0x0  }
0x10a: {  	[sflag:s25] =	ssyncadd.s32 $0xFFFFFB80  }
0x10b: {  	_ =	swait.ge [sflag:s25], $0x480  }
0x10c: {  	[sflag:s25] =	ssyncset.done $0x0  }
0x10d: {  	[sflag:s25] =	ssyncadd.s32 $0xFFFFFB80  }
0x10e: {  	_ =	swait.ge [sflag:s25], $0x480  }
0x10f: {  	[sflag:s25] =	ssyncset.done $0x0  }
0x110: {  	[sflag:s25] =	ssyncadd.s32 $0xFFFFFB80  }
0x111: {  	_ =	swait.ge [sflag:s25], $0x480  }
0x112: {  	[sflag:s25] =	ssyncset.done $0x0  }
0x113: {  	[sflag:s25] =	ssyncadd.s32 $0xFFFFFB80  }
0x114: {  	_ =	swait.ge [sflag:s25], $0x480  }
0x115: {  	[sflag:s25] =	ssyncset.done $0x0  }
0x116: {  	[sflag:s25] =	ssyncadd.s32 $0xFFFFFB80  }
0x117: {  	_ =	swait.ge [sflag:s25], $0x480  }
0x118: {  	[sflag:s25] =	ssyncset.done $0x0  }
0x119: {  	[sflag:s25] =	ssyncadd.s32 $0xFFFFFB80  }
0x11a: {  	_ =	swait.ge [sflag:s25], $0x480  }
0x11b: {  	[sflag:s25] =	ssyncset.done $0x0  }
0x11c: {  	[sflag:s25] =	ssyncadd.s32 $0xFFFFFB80  }
0x11d: {  	_ =	swait.ge [sflag:s25], $0x480  }
0x11e: {  	[sflag:s25] =	ssyncset.done $0x0  }
0x11f: {  	[sflag:s25] =	ssyncadd.s32 $0xFFFFFB80  }
0x120: {  	_ =	swait.ge [sflag:s25], $0x480  }
0x121: {  	[sflag:s25] =	ssyncset.done $0x0  }
0x122: {  	[sflag:s25] =	ssyncadd.s32 $0xFFFFFB80  }
0x123: {  	_ =	swait.ge [sflag:s25], $0x480  }
0x124: {  	[sflag:s25] =	ssyncset.done $0x0  }
0x125: {  	[sflag:s25] =	ssyncadd.s32 $0xFFFFFB80  }
0x126: {  	_ =	swait.ge [sflag:s25], $0x480  }
0x127: {  	[sflag:s25] =	ssyncset.done $0x0  }
0x128: {  	[sflag:s25] =	ssyncadd.s32 $0xFFFFFB80  }
0x129: {  	_ =	swait.ge [sflag:s25], $0x480  }
0x12a: {  	[sflag:s25] =	ssyncset.done $0x0  }
0x12b: {  	[sflag:s25] =	ssyncadd.s32 $0xFFFFFB80  }
0x12c: {  	_ =	swait.ge [sflag:s25], $0x480  }
0x12d: {  	[sflag:s25] =	ssyncset.done $0x0  }
0x12e: {  	[sflag:s25] =	ssyncadd.s32 $0xFFFFFB80  }
0x12f: {  	_ =	swait.ge [sflag:s25], $0x480  }
0x130: {  	[sflag:s25] =	ssyncset.done $0x0  }
0x131: {  	[sflag:s25] =	ssyncadd.s32 $0xFFFFFB80  }
0x132: {  	_ =	swait.ge [sflag:s25], $0x480  }
0x133: {  	[sflag:s25] =	ssyncset.done $0x0  }
0x134: {  	[sflag:s25] =	ssyncadd.s32 $0xFFFFFB80  }
0x135: {  	_ =	swait.ge [sflag:s25], $0x480  }
0x136: {  	[sflag:s25] =	ssyncset.done $0x0  }
0x137: {  	[sflag:s25] =	ssyncadd.s32 $0xFFFFFB80  }
0x138: {  	_ =	swait.ge [sflag:s25], $0x480  }
0x139: {  	[sflag:s25] =	ssyncset.done $0x0  }
0x13a: {  	[sflag:s25] =	ssyncadd.s32 $0xFFFFFB80  }
0x13b: {  	_ =	swait.ge [sflag:s25], $0x480  }
0x13c: {  	[sflag:s25] =	ssyncset.done $0x0  }
0x13d: {  	[sflag:s25] =	ssyncadd.s32 $0xFFFFFB80  }
0x13e: {  	_ =	swait.ge [sflag:s25], $0x480  }
0x13f: {  	[sflag:s25] =	ssyncset.done $0x0  }
0x140: {  	[sflag:s25] =	ssyncadd.s32 $0xFFFFFB80  }
0x141: {  	_ =	swait.ge [sflag:s25], $0x480  }
0x142: {  	[sflag:s25] =	ssyncset.done $0x0  }
0x143: {  	[sflag:s25] =	ssyncadd.s32 $0xFFFFFB80  }
0x144: {  	_ =	swait.ge [sflag:s25], $0x480  }
0x145: {  	[sflag:s25] =	ssyncset.done $0x0  }
0x146: {  	[sflag:s25] =	ssyncadd.s32 $0xFFFFFB80  }
0x147: {  	_ =	swait.ge [sflag:s25], $0x480  }
0x148: {  	[sflag:s25] =	ssyncset.done $0x0  }
0x149: {  	[sflag:s25] =	ssyncadd.s32 $0xFFFFFB80  }
0x14a: {  	_ =	swait.ge [sflag:s25], $0x480  }
0x14b: {  	[sflag:s25] =	ssyncset.done $0x0  }
0x14c: {  	[sflag:s25] =	ssyncadd.s32 $0xFFFFFB80  }
0x14d: {  	_ =	swait.ge [sflag:s25], $0x480  }
0x14e: {  	[sflag:s25] =	ssyncset.done $0x0  }
0x14f: {  	[sflag:s25] =	ssyncadd.s32 $0xFFFFFB80  }
0x150: {  	_ =	swait.ge [sflag:s25], $0x480  }
0x151: {  	[sflag:s25] =	ssyncset.done $0x0  }
0x152: {  	[sflag:s25] =	ssyncadd.s32 $0xFFFFFB80  }
0x153: {  	_ =	swait.ge [sflag:s25], $0x480  }
0x154: {  	[sflag:s25] =	ssyncset.done $0x0  }
0x155: {  	[sflag:s25] =	ssyncadd.s32 $0xFFFFFB80  }
0x156: {  	_ =	swait.ge [sflag:s25], $0x480  }
0x157: {  	[sflag:s25] =	ssyncset.done $0x0  }
0x158: {  	[sflag:s25] =	ssyncadd.s32 $0xFFFFFB80  }
0x159: {  	_ =	swait.ge [sflag:s25], $0x480  }
0x15a: {  	[sflag:s25] =	ssyncset.done $0x0  }
0x15b: {  	[sflag:s25] =	ssyncadd.s32 $0xFFFFFB80  }
0x15c: {  	_ =	swait.ge [sflag:s25], $0x480  }
0x15d: {  	[sflag:s25] =	ssyncset.done $0x0  }
0x15e: {  	[sflag:s25] =	ssyncadd.s32 $0xFFFFFB80  }
0x15f: {  	_ =	swait.ge [sflag:s25], $0x480  }
0x160: {  	[sflag:s25] =	ssyncset.done $0x0  }
0x161: {  	[sflag:s25] =	ssyncadd.s32 $0xFFFFFB80  }
0x162: {  	_ =	swait.ge [sflag:s25], $0x480  }
0x163: {  	[sflag:s25] =	ssyncset.done $0x0  }
0x164: {  	[sflag:s25] =	ssyncadd.s32 $0xFFFFFB80  }
0x165: {  	_ =	swait.ge [sflag:s25], $0x480  }
0x166: {  	[sflag:s25] =	ssyncset.done $0x0  }
0x167: {  	[sflag:s25] =	ssyncadd.s32 $0xFFFFFB80  }
0x168: {  	_ =	swait.ge [sflag:s25], $0x480  }
0x169: {  	[sflag:s25] =	ssyncset.done $0x0  }
0x16a: {  	[sflag:s25] =	ssyncadd.s32 $0xFFFFFB80  }
0x16b: {  	_ =	swait.ge [sflag:s25], $0x480  }
0x16c: {  	[sflag:s25] =	ssyncset.done $0x0  }
0x16d: {  	[sflag:s25] =	ssyncadd.s32 $0xFFFFFB80  }
0x16e: {  	_ =	swait.ge [sflag:s25], $0x480  }
0x16f: {  	[sflag:s25] =	ssyncset.done $0x0  }
0x170: {  	[sflag:s25] =	ssyncadd.s32 $0xFFFFFB80  }
0x171: {  	_ =	swait.ge [sflag:s25], $0x480  }
0x172: {  	[sflag:s25] =	ssyncset.done $0x0  }
0x173: {  	[sflag:s25] =	ssyncadd.s32 $0xFFFFFB80  }
0x174: {  	_ =	swait.ge [sflag:s25], $0x480  }
0x175: {  	s28 =	simm.s32 $0x0;
	[sflag:s25] =	ssyncset.done $0x0  }
0x176: {  	s29 =	simm.s32 $0x0;
	[smem:$0x7E6] =	sst s4;
	[sflag:s25] =	ssyncadd.s32 $0xFFFFFB80  }
0x177: {  	s10 =	sshll.u32 s4, $0x1;
	s20 =	rddreg [dreg:$0x7];
	[bflag:$0x0] =	sbarrier.arrive $0xFFFF  }
.Ltmp5:
0x178: {  	s4 =	sor.u32 s20, s10;
	s22 =	rddreg [dreg:$0x15];
	(pc) =	sbr.rel .LBB2_5-.Ltmp5, $4  }
0x179: {  	s30 =	simm.s32 $0x0;
	s4 =	smul.u32 $0x1400, s4;
	s26 =	rddreg [dreg:$0x16]  }
0x17a: {  	[tilespmem:s21], [sflag:$0x1] =	stream.linear.gather [hbm4b:s22+s21], $0x7D0, $0x38;
	[tilespmem:$0x17AC0] =	vst v63  }
0x17b: {  	s31 =	simm.s32 $0x7D0;
	[smem:$0x7E7] =	sst s4;
	v4 =	vmov s4;
	s4 =	simm.s32 $0x0  }
0x17c: {  	[tilespmem:s31], [sflag:$0x1] =	stream.linear.gather [hbm4b:s26+s21], $0x7D0, $0x38;
	[tilespmem:$0x17AC0] =	vst v63  }
.LBB2_23:
0x17d: {  	s0 =	sshll.u32 s20, $0x7  }
0x17e: {  	v5 =	vld [tilespmem:s0+$0x1F40]  }
0x17f: {  	v6 =	vld [tilespmem:s0+$0x27C0];
	_ =	sdelay $0x3  }
0x180: {  	[tilespmem:$0x1F40] =	vst v5  }
0x181: {  	[tilespmem:$0x27C0] =	vst v6  }
0x182: {  	v5 =	vld [tilespmem:s0+$0x1F50]  }
0x183: {  	v6 =	vld [tilespmem:s0+$0x27D0];
	_ =	sdelay $0x3  }
0x184: {  	[tilespmem:$0x1F50] =	vst v5  }
0x185: {  	[tilespmem:$0x27D0] =	vst v6  }
0x186: {  	v5 =	vld [tilespmem:s0+$0x1F60]  }
0x187: {  	v6 =	vld [tilespmem:s0+$0x27E0];
	_ =	sdelay $0x3  }
0x188: {  	[tilespmem:$0x1F60] =	vst v5  }
0x189: {  	[tilespmem:$0x27E0] =	vst v6  }
0x18a: {  	v5 =	vld [tilespmem:s0+$0x1F70]  }
0x18b: {  	v6 =	vld [tilespmem:s0+$0x27F0];
	_ =	sdelay $0x3  }
0x18c: {  	[tilespmem:$0x1F70] =	vst v5  }
0x18d: {  	[tilespmem:$0x27F0] =	vst v6  }
0x18e: {  	v5 =	vld [tilespmem:s0+$0x1F80]  }
0x18f: {  	v6 =	vld [tilespmem:s0+$0x2800];
	_ =	sdelay $0x3  }
0x190: {  	[tilespmem:$0x1F80] =	vst v5  }
0x191: {  	[tilespmem:$0x2800] =	vst v6  }
0x192: {  	v5 =	vld [tilespmem:s0+$0x1F90]  }
0x193: {  	v6 =	vld [tilespmem:s0+$0x2810];
	_ =	sdelay $0x3  }
0x194: {  	[tilespmem:$0x1F90] =	vst v5  }
0x195: {  	[tilespmem:$0x2810] =	vst v6  }
0x196: {  	v5 =	vld [tilespmem:s0+$0x1FA0]  }
0x197: {  	v6 =	vld [tilespmem:s0+$0x2820];
	_ =	sdelay $0x3  }
0x198: {  	[tilespmem:$0x1FA0] =	vst v5  }
0x199: {  	[tilespmem:$0x2820] =	vst v6  }
0x19a: {  	s30 =	sadd.s32 $0x1, s30;
	v5 =	vld [tilespmem:s0+$0x1FB0]  }
0x19b: {  	p2 =	sne.s32 s30, $0xC;
	v6 =	vld [tilespmem:s0+$0x2830]  }
.Ltmp6:
0x19c: {  	_ = 	snop;
	(pc) =	sbr.rel @!p2 .LBB2_24-.Ltmp6, $3  }
0x19d: {  	_ =	sdelay $0x1  }
0x19e: {  	p0 =	slt.s32 s20, $0x1;
	p1 =	sgt.s32 s20, $0x1;
	[tilespmem:$0x1FB0] =	vst v5  }
0x19f: {  	s29 =	simm.s32 @!p0 $0x1;
	s28 =	simm.s32 @p1 $0x1;
	s4 =	ssub.s32 s10, s0;
	[tilespmem:$0x2830] =	vst v6  }
.LBB2_5:
0x1a0: {  	s20 =	smul.u32 $0xFA0, s30  }
0x1a1: {  	s0 =	rddreg [dreg:$0x17]  }
0x1a2: {  	s7 =	sadd.s32 s20, s0  }
0x1a3: {  	s7 =	sshrl.u32 s7, $0x3  }
0x1a4: {  	s22 =	simm.s32 $0x0;
	s26 =	simm.s32 $0xFA0;
	s10 =	sadd.s32 s2, s7  }
0x1a5: {  	[tilespmem:s26], [sflag:$0x2] =	stream.linear.gather [hbm4b:s10+s22], $0x7D0, $0x38;
	[tilespmem:$0x17AC0] =	vst v63  }
0x1a6: {  	s31 =	simm.s32 $0x1770;
	s7 =	sadd.s32 s23, s7  }
0x1a7: {  	[tilespmem:s31], [sflag:$0x2] =	stream.linear.gather [hbm4b:s7+s22], $0x7D0, $0x38;
	[tilespmem:$0x17AC0] =	vst v63  }
0x1a8: {  	_ =	swait.ge [sflag:s8], $0x7D0  }
0x1a9: {  	[sflag:s8] =	ssyncset.done $0x0  }
0x1aa: {  	[sflag:s8] =	ssyncadd.s32 $0xFFFFF830  }
0x1ab: {  	_ =	swait.ge [sflag:s8], $0x7D0  }
0x1ac: {  	[sflag:s8] =	ssyncset.done $0x0  }
0x1ad: {  	v6 =	vmov s4;
	s4 =	simm.s32 $0x0;
	[sflag:s8] =	ssyncadd.s32 $0xFFFFF830  }
0x1ae: {  	v5 =	vmov v6;
	s7 =	simm.s32 $0x40;
	v7 =	vld [tilespmem:s4+$0x7D0]  }
.LBB2_6:
0x1af: {  	p0 =	sne.s32 s7, $0x1F00;
	_ =	sdelay $0x3  }
0x1b0: {  	v7 =	vsub.s32 v7, v4  }
0x1b1: {  	vm0 =	vlt.u32 v7, $0x1400  }
0x1b2: {  	v8 =	vsel vm0, $0x1, v2;
	v9 =	vmpcnt.ones.xlane vm0  }
0x1b3: {  	(xrf0) =	vadd.scan.msk.s32 $0xffff, v8  }
0x1b4: {  	v6 =	vadd.s32 v6, v9;
	_ =	sdelay $0x4  }
0x1b5: {  	v9, _, _ =	vpop (xrf0)  }
0x1b6: {  	v8 =	vsub.s32 v9, v8  }
0x1b7: {  	v8 =	vadd.s32 v5, v8;
	v5 =	vmov v6  }
0x1b8: {  	v9 =	vld [tilespmem:s4+$0x0];
	_ =	sdelay $0x1  }
.Ltmp7:
0x1b9: {  	(pc) =	sbr.rel @p0 .LBB2_6-.Ltmp7, $4  }
0x1ba: {  	_ = 	snop  }
0x1bb: {  	[tilespmem:v8+s9+$0x0] =	vst.idx.msk vm0, v7  }
0x1bc: {  	s4 =	sshra.s32 s7, $0x2;
	[tilespmem:v8+s11+$0x0] =	vst.idx.msk vm0, v9  }
0x1bd: {  	s7 =	sadd.s32 $0x40, s7;
	v7 =	vld [tilespmem:s4+$0x7D0]  }
0x1be: {  	_ =	sdelay $0x3  }
0x1bf: {  	v7 =	vsub.s32 v7, v4  }
0x1c0: {  	vm0 =	vlt.u32 v7, $0x1400  }
0x1c1: {  	v8 =	vmpcnt.ones.xlane vm0;
	_ =	sdelay $0x1  }
0x1c2: {  	v9 =	vsel vm0, $0x1, v2;
	v6 =	vadd.s32 v6, v8  }
0x1c3: {  	(xrf0) =	vadd.scan.msk.s32 $0xffff, v9;
	v6 =	vxor.u32 $0x80000000, v6  }
0x1c4: {  	(xrf0) =	vmax.scan.msk.u32 $0xffff, v6;
	_ =	sdelay $0x4  }
0x1c5: {  	v6, _, _ =	vpop (xrf0)  }
0x1c6: {  	v63, _, _ =	vpop (xrf0)  }
0x1c7: {  	(v2sf) =	vpush v63, $0xF;
	_ =	sdelay $0xe  }
0x1c8: {  	s7 =	spop (v2sf)  }
0x1c9: {  	s10 =	sxor.u32 $0x80000000, s7  }
0x1ca: {  	p1 =	sgt.s32 s7, $0xFFFFFFFF;
	s7 =	sand.u32 $0x7F, s7;
	p0 =	slt.s32 s10, $0x1  }
0x1cb: {  	s22 =	sshra.s32 s10, $0x1F;
	p4 =	sne.s32 s7, $0x0;
	p0 =	por p1, p0  }
0x1cc: {  	s1 =	sshrl.u32 s22, $0x19;
	p0 =	por !p4, !p0  }
0x1cd: {  	s22 =	simm.s32 $0x1;
	s7 =	sadd.s32 s1, s10;
	p0 =	por !p0, !p0  }
0x1ce: {  	s7 =	sshra.s32 s7, $0x7;
	s22 =	simm.s32 @!p0 $0x0  }
0x1cf: {  	s31 =	ssub.s32 s7, s22  }
0x1d0: {  	s7 =	sadd.s32 $0x1, s31  }
0x1d1: {  	s6 =	sand.u32 $0x1, s7  }
0x1d2: {  	p6 =	slt.s32 s31, $0x0;
	p5 =	seq.s32 s6, $0x1  }
0x1d3: {  	v6 =	vsub.s32 v6, v9;
	s26 =	sshrl.u32 s7, $0x1F;
	p0 =	por !p6, !p5  }
0x1d4: {  	v5 =	vadd.s32 v5, v6;
	v6 =	vld [tilespmem:s4+$0x0];
	s4 =	sadd.s32 s26, s7;
	s7 =	simm.s32 $0x1;
	p0 =	por !p0, !p0  }
0x1d5: {  	s4 =	sshra.s32 s4, $0x1;
	s7 =	simm.s32 @!p0 $0x0  }
0x1d6: {  	s4 =	ssub.s32 s4, s7  }
0x1d7: {  	p0 =	slt.s32 s4, $0x1  }
.Ltmp8:
0x1d8: {  	_ = 	snop;
	(pc) =	sbr.rel @p0 .LBB2_14-.Ltmp8, $3  }
0x1d9: {  	_ =	sdelay $0x1  }
0x1da: {  	[tilespmem:v5+s9+$0x0] =	vst.idx.msk vm0, v7  }
0x1db: {  	[tilespmem:v5+s11+$0x0] =	vst.idx.msk vm0, v6  }
.Ltmp9:
0x1dc: {  	(pc) =	sbr.rel .LBB2_9-.Ltmp9, $3  }
0x1dd: {  	_ =	sdelay $0x1  }
0x1de: {  	s26 =	ssub.s32 $0x0, s4;
	s22 =	simm.s32 $0x0;
	s4 =	simm.s32 $0x2840  }
0x1df: {  	s7 =	simm.s32 $0x1FC0;
	p0 =	sgt.s32 s29, $0x0;
	p1 =	sgt.s32 s28, $0x0  }
.LBB2_13:
0x1e0: {  	s6 =	simm.s32 @!p2 $0x3  }
0x1e1: {  	_ =	swait.ge @!p2 [sflag:s6], $0x4800  }
0x1e2: {  	s0 =	simm.s32 @!p2 $0x30C0;
	s1 =	simm.s32 @!p2 $0x3240;
	[sflag:s6] =	ssyncset.done @!p2 $0x0  }
0x1e3: {  	s26 =	sadd.s32 $0x1, s26;
	[sflag:s6] =	ssyncadd.s32 @!p2 $0xFFFFB800;
	s6 =	simm.s32 @!p2 $0x80  }
0x1e4: {  	[spmem:s5] =	stream.indirect.scatter.add.bf16 @!p2 [tilespmem:s1], [sflag:$0x5], $0x90, s0, s6, $0xb8;
	[tilespmem:$0x17AC0] =	vst v63  }
0x1e5: {  	p2 =	seq.s32 s26, $0x0  }
.Ltmp10:
0x1e6: {  	s0 =	simm.s32 @!p3 $0x4;
	(pc) =	sbr.rel @p2 .LBB2_14-.Ltmp10, $4  }
0x1e7: {  	s22 =	sadd.s32 $0x2, s22;
	s4 =	sadd.s32 $0x100, s4;
	_ =	swait.ge @!p3 [sflag:s0], $0x4800  }
0x1e8: {  	s7 =	sadd.s32 $0x100, s7;
	s1 =	simm.s32 @!p3 $0x31C0;
	[sflag:s0] =	ssyncset.done @!p3 $0x0  }
0x1e9: {  	s6 =	simm.s32 @!p3 $0x7A40;
	[sflag:s0] =	ssyncadd.s32 @!p3 $0xFFFFB800;
	s0 =	simm.s32 @!p3 $0x80  }
0x1ea: {  	[spmem:s5] =	stream.indirect.scatter.add.bf16 @!p3 [tilespmem:s6], [sflag:$0x6], $0x90, s1, s0, $0xb8;
	[tilespmem:$0x17AC0] =	vst v63  }
.LBB2_9:
0x1eb: {  	p2 =	sge.s32 s22, s31  }
.Ltmp11:
0x1ec: {  	_ = 	snop;
	(pc) =	sbr.rel @p2 .LBB2_11-.Ltmp11, $1  }
0x1ed: {  	_ =	sdelay $0x3  }
0x1ee: {  	p3 =	seq.s32 @!p0 s22, $0x0  }
0x1ef: {  	p3 =	por p0, !p3  }
0x1f0: {  	_ =	swait.ge @p3 [sflag:s12], $0x4800  }
0x1f1: {  	[sflag:s12] =	ssyncset.done @p3 $0x0  }
0x1f2: {  	[sflag:s12] =	ssyncadd.s32 @p3 $0xFFFFB800  }
0x1f3: {  	v5 =	vld [tilespmem:s7+$0xFFFFFF80];
	_ =	sdelay $0x4  }
0x1f4: {  	[tilespmem:$0x3040] =	vst v5  }
0x1f5: {  	v5 =	vld [tilespmem:s4+$0xFFFFFF80];
	_ =	sdelay $0x4  }
0x1f6: {  	[tilespmem:$0x30C0] =	vst v5  }
0x1f7: {  	v5 =	vld [tilespmem:s7+$0xFFFFFF90];
	_ =	sdelay $0x4  }
0x1f8: {  	[tilespmem:$0x3050] =	vst v5  }
0x1f9: {  	v5 =	vld [tilespmem:s4+$0xFFFFFF90];
	_ =	sdelay $0x4  }
0x1fa: {  	[tilespmem:$0x30D0] =	vst v5  }
0x1fb: {  	v5 =	vld [tilespmem:s7+$0xFFFFFFA0];
	_ =	sdelay $0x4  }
0x1fc: {  	[tilespmem:$0x3060] =	vst v5  }
0x1fd: {  	v5 =	vld [tilespmem:s4+$0xFFFFFFA0];
	_ =	sdelay $0x4  }
0x1fe: {  	[tilespmem:$0x30E0] =	vst v5  }
0x1ff: {  	v5 =	vld [tilespmem:s7+$0xFFFFFFB0];
	_ =	sdelay $0x4  }
0x200: {  	[tilespmem:$0x3070] =	vst v5  }
0x201: {  	v5 =	vld [tilespmem:s4+$0xFFFFFFB0];
	_ =	sdelay $0x4  }
0x202: {  	[tilespmem:$0x30F0] =	vst v5  }
0x203: {  	v5 =	vld [tilespmem:s7+$0xFFFFFFC0];
	_ =	sdelay $0x4  }
0x204: {  	[tilespmem:$0x3080] =	vst v5  }
0x205: {  	v5 =	vld [tilespmem:s4+$0xFFFFFFC0];
	_ =	sdelay $0x4  }
0x206: {  	[tilespmem:$0x3100] =	vst v5  }
0x207: {  	v5 =	vld [tilespmem:s7+$0xFFFFFFD0];
	_ =	sdelay $0x4  }
0x208: {  	[tilespmem:$0x3090] =	vst v5  }
0x209: {  	v5 =	vld [tilespmem:s4+$0xFFFFFFD0];
	_ =	sdelay $0x4  }
0x20a: {  	[tilespmem:$0x3110] =	vst v5  }
0x20b: {  	v5 =	vld [tilespmem:s7+$0xFFFFFFE0];
	_ =	sdelay $0x4  }
0x20c: {  	[tilespmem:$0x30A0] =	vst v5  }
0x20d: {  	v5 =	vld [tilespmem:s4+$0xFFFFFFE0];
	_ =	sdelay $0x4  }
0x20e: {  	[tilespmem:$0x3120] =	vst v5  }
0x20f: {  	v5 =	vld [tilespmem:s7+$0xFFFFFFF0];
	_ =	sdelay $0x4  }
0x210: {  	[tilespmem:$0x30B0] =	vst v5  }
0x211: {  	v5 =	vld [tilespmem:s4+$0xFFFFFFF0];
	_ =	sdelay $0x4  }
0x212: {  	[tilespmem:$0x3130] =	vst v5  }
0x213: {  	[tilespmem:s15], [sflag:$0x3] =	stream.indirect.gather [hbm4b:s3+s13], $0x90, s14, s13, $0xb8;
	[tilespmem:$0x17AC0] =	vst v63  }
.LBB2_11:
0x214: {  	s6 =	sadd.s32 $0x1, s22  }
0x215: {  	p3 =	sge.s32 s6, s31  }
.Ltmp12:
0x216: {  	_ = 	snop;
	(pc) =	sbr.rel @p3 .LBB2_13-.Ltmp12, $1  }
0x217: {  	_ =	sdelay $0x3  }
0x218: {  	p4 =	seq.s32 @!p1 s22, $0x0  }
0x219: {  	p4 =	por p1, !p4  }
0x21a: {  	_ =	swait.ge @p4 [sflag:s16], $0x4800  }
0x21b: {  	[sflag:s16] =	ssyncset.done @p4 $0x0  }
0x21c: {  	[sflag:s16] =	ssyncadd.s32 @p4 $0xFFFFB800  }
0x21d: {  	v5 =	vld [tilespmem:s7+$0x0];
	_ =	sdelay $0x4  }
0x21e: {  	[tilespmem:$0x3140] =	vst v5  }
0x21f: {  	v5 =	vld [tilespmem:s4+$0x0];
	_ =	sdelay $0x4  }
0x220: {  	[tilespmem:$0x31C0] =	vst v5  }
0x221: {  	v5 =	vld [tilespmem:s7+$0x10];
	_ =	sdelay $0x4  }
0x222: {  	[tilespmem:$0x3150] =	vst v5  }
0x223: {  	v5 =	vld [tilespmem:s4+$0x10];
	_ =	sdelay $0x4  }
0x224: {  	[tilespmem:$0x31D0] =	vst v5  }
0x225: {  	v5 =	vld [tilespmem:s7+$0x20];
	_ =	sdelay $0x4  }
0x226: {  	[tilespmem:$0x3160] =	vst v5  }
0x227: {  	v5 =	vld [tilespmem:s4+$0x20];
	_ =	sdelay $0x4  }
0x228: {  	[tilespmem:$0x31E0] =	vst v5  }
0x229: {  	v5 =	vld [tilespmem:s7+$0x30];
	_ =	sdelay $0x4  }
0x22a: {  	[tilespmem:$0x3170] =	vst v5  }
0x22b: {  	v5 =	vld [tilespmem:s4+$0x30];
	_ =	sdelay $0x4  }
0x22c: {  	[tilespmem:$0x31F0] =	vst v5  }
0x22d: {  	v5 =	vld [tilespmem:s7+$0x40];
	_ =	sdelay $0x4  }
0x22e: {  	[tilespmem:$0x3180] =	vst v5  }
0x22f: {  	v5 =	vld [tilespmem:s4+$0x40];
	_ =	sdelay $0x4  }
0x230: {  	[tilespmem:$0x3200] =	vst v5  }
0x231: {  	v5 =	vld [tilespmem:s7+$0x50];
	_ =	sdelay $0x4  }
0x232: {  	[tilespmem:$0x3190] =	vst v5  }
0x233: {  	v5 =	vld [tilespmem:s4+$0x50];
	_ =	sdelay $0x4  }
0x234: {  	[tilespmem:$0x3210] =	vst v5  }
0x235: {  	v5 =	vld [tilespmem:s7+$0x60];
	_ =	sdelay $0x4  }
0x236: {  	[tilespmem:$0x31A0] =	vst v5  }
0x237: {  	v5 =	vld [tilespmem:s4+$0x60];
	_ =	sdelay $0x4  }
0x238: {  	[tilespmem:$0x3220] =	vst v5  }
0x239: {  	v5 =	vld [tilespmem:s7+$0x70];
	_ =	sdelay $0x4  }
0x23a: {  	[tilespmem:$0x31B0] =	vst v5  }
0x23b: {  	v5 =	vld [tilespmem:s4+$0x70];
	_ =	sdelay $0x1  }
.Ltmp13:
0x23c: {  	_ = 	snop;
	(pc) =	sbr.rel .LBB2_13-.Ltmp13, $3  }
0x23d: {  	_ =	sdelay $0x1  }
0x23e: {  	[tilespmem:$0x3230] =	vst v5  }
0x23f: {  	[tilespmem:s18], [sflag:$0x4] =	stream.indirect.gather [hbm4b:s3+s13], $0x90, s17, s13, $0xb8;
	[tilespmem:$0x17AC0] =	vst v63  }
.LBB2_14:
0x240: {  	s0 =	sshll.u32 s31, $0x7  }
0x241: {  	v5 =	vld [tilespmem:s0+$0x1F40]  }
0x242: {  	v6 =	vld [tilespmem:s0+$0x27C0];
	_ =	sdelay $0x3  }
0x243: {  	[tilespmem:$0x1F40] =	vst v5  }
0x244: {  	[tilespmem:$0x27C0] =	vst v6  }
0x245: {  	v5 =	vld [tilespmem:s0+$0x1F50]  }
0x246: {  	v6 =	vld [tilespmem:s0+$0x27D0];
	_ =	sdelay $0x3  }
0x247: {  	[tilespmem:$0x1F50] =	vst v5  }
0x248: {  	[tilespmem:$0x27D0] =	vst v6  }
0x249: {  	v5 =	vld [tilespmem:s0+$0x1F60]  }
0x24a: {  	v6 =	vld [tilespmem:s0+$0x27E0];
	_ =	sdelay $0x3  }
0x24b: {  	[tilespmem:$0x1F60] =	vst v5  }
0x24c: {  	[tilespmem:$0x27E0] =	vst v6  }
0x24d: {  	v5 =	vld [tilespmem:s0+$0x1F70]  }
0x24e: {  	v6 =	vld [tilespmem:s0+$0x27F0];
	_ =	sdelay $0x3  }
0x24f: {  	[tilespmem:$0x1F70] =	vst v5  }
0x250: {  	[tilespmem:$0x27F0] =	vst v6  }
0x251: {  	v5 =	vld [tilespmem:s0+$0x1F80]  }
0x252: {  	v6 =	vld [tilespmem:s0+$0x2800];
	_ =	sdelay $0x3  }
0x253: {  	[tilespmem:$0x1F80] =	vst v5  }
0x254: {  	[tilespmem:$0x2800] =	vst v6  }
0x255: {  	v5 =	vld [tilespmem:s0+$0x1F90]  }
0x256: {  	v6 =	vld [tilespmem:s0+$0x2810];
	_ =	sdelay $0x3  }
0x257: {  	[tilespmem:$0x1F90] =	vst v5  }
0x258: {  	[tilespmem:$0x2810] =	vst v6  }
0x259: {  	v5 =	vld [tilespmem:s0+$0x1FA0]  }
0x25a: {  	v6 =	vld [tilespmem:s0+$0x2820];
	_ =	sdelay $0x3  }
0x25b: {  	[tilespmem:$0x1FA0] =	vst v5  }
0x25c: {  	[tilespmem:$0x2820] =	vst v6  }
0x25d: {  	v5 =	vld [tilespmem:s0+$0x1FB0]  }
0x25e: {  	v6 =	vld [tilespmem:s0+$0x2830];
	_ =	sdelay $0x2  }
0x25f: {  	s1 =	sadd.s32 s20, s24  }
0x260: {  	s1 =	sshrl.u32 s1, $0x3;
	[tilespmem:$0x1FB0] =	vst v5  }
0x261: {  	s6 =	simm.s32 $0x0;
	s4 =	sadd.s32 s2, s1;
	[tilespmem:$0x2830] =	vst v6  }
0x262: {  	[tilespmem:s6], [sflag:$0x1] =	stream.linear.gather [hbm4b:s4+s6], $0x7D0, $0x38;
	[tilespmem:$0x17AC0] =	vst v63  }
0x263: {  	s26 =	simm.s32 $0x7D0;
	s1 =	sadd.s32 s23, s1  }
0x264: {  	[tilespmem:s26], [sflag:$0x1] =	stream.linear.gather [hbm4b:s1+s6], $0x7D0, $0x38;
	[tilespmem:$0x17AC0] =	vst v63  }
0x265: {  	_ =	swait.ge [sflag:s19], $0x7D0  }
0x266: {  	[sflag:s19] =	ssyncset.done $0x0  }
0x267: {  	[sflag:s19] =	ssyncadd.s32 $0xFFFFF830  }
0x268: {  	_ =	swait.ge [sflag:s19], $0x7D0  }
0x269: {  	s0 =	ssub.s32 s10, s0;
	[sflag:s19] =	ssyncset.done $0x0  }
0x26a: {  	v6 =	vmov s0;
	s4 =	simm.s32 $0x0;
	[sflag:s19] =	ssyncadd.s32 $0xFFFFF830  }
0x26b: {  	s7 =	simm.s32 $0x40;
	v5 =	vmov v6;
	v7 =	vld [tilespmem:s4+$0x1770]  }
.LBB2_15:
0x26c: {  	p0 =	sne.s32 s7, $0x1F00;
	_ =	sdelay $0x3  }
0x26d: {  	v7 =	vsub.s32 v7, v4  }
0x26e: {  	vm0 =	vlt.u32 v7, $0x1400  }
0x26f: {  	v8 =	vsel vm0, $0x1, v2;
	v9 =	vmpcnt.ones.xlane vm0  }
0x270: {  	(xrf0) =	vadd.scan.msk.s32 $0xffff, v8  }
0x271: {  	v6 =	vadd.s32 v6, v9;
	_ =	sdelay $0x4  }
0x272: {  	v9, _, _ =	vpop (xrf0)  }
0x273: {  	v8 =	vsub.s32 v9, v8  }
0x274: {  	v8 =	vadd.s32 v5, v8;
	v5 =	vmov v6  }
0x275: {  	v9 =	vld [tilespmem:s4+$0xFA0];
	_ =	sdelay $0x1  }
.Ltmp14:
0x276: {  	(pc) =	sbr.rel @p0 .LBB2_15-.Ltmp14, $4  }
0x277: {  	_ = 	snop  }
0x278: {  	[tilespmem:v8+s9+$0x0] =	vst.idx.msk vm0, v7  }
0x279: {  	s4 =	sshra.s32 s7, $0x2;
	[tilespmem:v8+s11+$0x0] =	vst.idx.msk vm0, v9  }
0x27a: {  	s7 =	sadd.s32 $0x40, s7;
	v7 =	vld [tilespmem:s4+$0x1770]  }
0x27b: {  	_ =	sdelay $0x3  }
0x27c: {  	v7 =	vsub.s32 v7, v4  }
0x27d: {  	vm0 =	vlt.u32 v7, $0x1400  }
0x27e: {  	v8 =	vmpcnt.ones.xlane vm0;
	_ =	sdelay $0x1  }
0x27f: {  	v9 =	vsel vm0, $0x1, v2;
	v6 =	vadd.s32 v6, v8  }
0x280: {  	(xrf0) =	vadd.scan.msk.s32 $0xffff, v9;
	v6 =	vxor.u32 $0x80000000, v6  }
0x281: {  	(xrf0) =	vmax.scan.msk.u32 $0xffff, v6;
	_ =	sdelay $0x4  }
0x282: {  	v6, _, _ =	vpop (xrf0)  }
0x283: {  	v63, _, _ =	vpop (xrf0)  }
0x284: {  	(v2sf) =	vpush v63, $0xF;
	_ =	sdelay $0xe  }
0x285: {  	s0 =	spop (v2sf)  }
0x286: {  	s10 =	sxor.u32 $0x80000000, s0  }
0x287: {  	p1 =	sgt.s32 s0, $0xFFFFFFFF;
	s0 =	sand.u32 $0x7F, s0;
	p0 =	slt.s32 s10, $0x1  }
0x288: {  	s1 =	sshra.s32 s10, $0x1F;
	p4 =	sne.s32 s0, $0x0;
	p0 =	por p1, p0  }
0x289: {  	s20 =	sshrl.u32 s1, $0x19;
	p0 =	por !p4, !p0  }
0x28a: {  	s1 =	simm.s32 $0x1;
	s0 =	sadd.s32 s20, s10;
	p0 =	por !p0, !p0  }
0x28b: {  	s0 =	sshra.s32 s0, $0x7;
	s1 =	simm.s32 @!p0 $0x0  }
0x28c: {  	s20 =	ssub.s32 s0, s1  }
0x28d: {  	s0 =	sadd.s32 $0x1, s20  }
0x28e: {  	s22 =	sand.u32 $0x1, s0  }
0x28f: {  	p6 =	slt.s32 s20, $0x0;
	p5 =	seq.s32 s22, $0x1  }
0x290: {  	s26 =	sshrl.u32 s0, $0x1F;
	p0 =	por !p6, !p5  }
0x291: {  	s1 =	simm.s32 $0x1;
	s0 =	sadd.s32 s26, s0;
	p0 =	por !p0, !p0  }
0x292: {  	v6 =	vsub.s32 v6, v9;
	s0 =	sshra.s32 s0, $0x1;
	s1 =	simm.s32 @!p0 $0x0  }
0x293: {  	v5 =	vadd.s32 v5, v6;
	v6 =	vld [tilespmem:s4+$0xFA0];
	s4 =	ssub.s32 s0, s1  }
0x294: {  	p2 =	slt.s32 s4, $0x1  }
.Ltmp15:
0x295: {  	_ = 	snop;
	(pc) =	sbr.rel @p2 .LBB2_23-.Ltmp15, $3  }
0x296: {  	_ =	sdelay $0x1  }
0x297: {  	[tilespmem:v5+s9+$0x0] =	vst.idx.msk vm0, v7;
	p1 =	sgt.s32 s31, $0x1;
	p0 =	slt.s32 s31, $0x1  }
0x298: {  	[tilespmem:v5+s11+$0x0] =	vst.idx.msk vm0, v6;
	s28 =	simm.s32 @p1 $0x1;
	s29 =	simm.s32 @!p0 $0x1  }
.Ltmp16:
0x299: {  	(pc) =	sbr.rel .LBB2_18-.Ltmp16, $3  }
0x29a: {  	_ =	sdelay $0x1  }
0x29b: {  	s26 =	ssub.s32 $0x0, s4;
	s22 =	simm.s32 $0x0;
	s4 =	simm.s32 $0x2840  }
0x29c: {  	s7 =	simm.s32 $0x1FC0;
	p0 =	sgt.s32 s29, $0x0;
	p1 =	sgt.s32 s28, $0x0  }
.LBB2_22:
0x29d: {  	s0 =	simm.s32 @!p2 $0x3  }
0x29e: {  	_ =	swait.ge @!p2 [sflag:s0], $0x4800  }
0x29f: {  	s1 =	simm.s32 @!p2 $0x30C0;
	s6 =	simm.s32 @!p2 $0x3240;
	[sflag:s0] =	ssyncset.done @!p2 $0x0  }
0x2a0: {  	s26 =	sadd.s32 $0x1, s26;
	[sflag:s0] =	ssyncadd.s32 @!p2 $0xFFFFB800;
	s0 =	simm.s32 @!p2 $0x80  }
0x2a1: {  	[spmem:s5] =	stream.indirect.scatter.add.bf16 @!p2 [tilespmem:s6], [sflag:$0x5], $0x90, s1, s0, $0xb8;
	[tilespmem:$0x17AC0] =	vst v63  }
0x2a2: {  	p2 =	seq.s32 s26, $0x0  }
.Ltmp17:
0x2a3: {  	s0 =	simm.s32 @!p3 $0x4;
	(pc) =	sbr.rel @p2 .LBB2_23-.Ltmp17, $4  }
0x2a4: {  	s22 =	sadd.s32 $0x2, s22;
	s4 =	sadd.s32 $0x100, s4;
	_ =	swait.ge @!p3 [sflag:s0], $0x4800  }
0x2a5: {  	s7 =	sadd.s32 $0x100, s7;
	s1 =	simm.s32 @!p3 $0x31C0;
	[sflag:s0] =	ssyncset.done @!p3 $0x0  }
0x2a6: {  	s6 =	simm.s32 @!p3 $0x7A40;
	[sflag:s0] =	ssyncadd.s32 @!p3 $0xFFFFB800;
	s0 =	simm.s32 @!p3 $0x80  }
0x2a7: {  	[spmem:s5] =	stream.indirect.scatter.add.bf16 @!p3 [tilespmem:s6], [sflag:$0x6], $0x90, s1, s0, $0xb8;
	[tilespmem:$0x17AC0] =	vst v63  }
.LBB2_18:
0x2a8: {  	p2 =	sge.s32 s22, s20  }
.Ltmp18:
0x2a9: {  	_ = 	snop;
	(pc) =	sbr.rel @p2 .LBB2_20-.Ltmp18, $1  }
0x2aa: {  	_ =	sdelay $0x3  }
0x2ab: {  	p3 =	seq.s32 @!p0 s22, $0x0  }
0x2ac: {  	p3 =	por p0, !p3  }
0x2ad: {  	_ =	swait.ge @p3 [sflag:s12], $0x4800  }
0x2ae: {  	[sflag:s12] =	ssyncset.done @p3 $0x0  }
0x2af: {  	[sflag:s12] =	ssyncadd.s32 @p3 $0xFFFFB800  }
0x2b0: {  	v5 =	vld [tilespmem:s7+$0xFFFFFF80];
	_ =	sdelay $0x4  }
0x2b1: {  	[tilespmem:$0x3040] =	vst v5  }
0x2b2: {  	v5 =	vld [tilespmem:s4+$0xFFFFFF80];
	_ =	sdelay $0x4  }
0x2b3: {  	[tilespmem:$0x30C0] =	vst v5  }
0x2b4: {  	v5 =	vld [tilespmem:s7+$0xFFFFFF90];
	_ =	sdelay $0x4  }
0x2b5: {  	[tilespmem:$0x3050] =	vst v5  }
0x2b6: {  	v5 =	vld [tilespmem:s4+$0xFFFFFF90];
	_ =	sdelay $0x4  }
0x2b7: {  	[tilespmem:$0x30D0] =	vst v5  }
0x2b8: {  	v5 =	vld [tilespmem:s7+$0xFFFFFFA0];
	_ =	sdelay $0x4  }
0x2b9: {  	[tilespmem:$0x3060] =	vst v5  }
0x2ba: {  	v5 =	vld [tilespmem:s4+$0xFFFFFFA0];
	_ =	sdelay $0x4  }
0x2bb: {  	[tilespmem:$0x30E0] =	vst v5  }
0x2bc: {  	v5 =	vld [tilespmem:s7+$0xFFFFFFB0];
	_ =	sdelay $0x4  }
0x2bd: {  	[tilespmem:$0x3070] =	vst v5  }
0x2be: {  	v5 =	vld [tilespmem:s4+$0xFFFFFFB0];
	_ =	sdelay $0x4  }
0x2bf: {  	[tilespmem:$0x30F0] =	vst v5  }
0x2c0: {  	v5 =	vld [tilespmem:s7+$0xFFFFFFC0];
	_ =	sdelay $0x4  }
0x2c1: {  	[tilespmem:$0x3080] =	vst v5  }
0x2c2: {  	v5 =	vld [tilespmem:s4+$0xFFFFFFC0];
	_ =	sdelay $0x4  }
0x2c3: {  	[tilespmem:$0x3100] =	vst v5  }
0x2c4: {  	v5 =	vld [tilespmem:s7+$0xFFFFFFD0];
	_ =	sdelay $0x4  }
0x2c5: {  	[tilespmem:$0x3090] =	vst v5  }
0x2c6: {  	v5 =	vld [tilespmem:s4+$0xFFFFFFD0];
	_ =	sdelay $0x4  }
0x2c7: {  	[tilespmem:$0x3110] =	vst v5  }
0x2c8: {  	v5 =	vld [tilespmem:s7+$0xFFFFFFE0];
	_ =	sdelay $0x4  }
0x2c9: {  	[tilespmem:$0x30A0] =	vst v5  }
0x2ca: {  	v5 =	vld [tilespmem:s4+$0xFFFFFFE0];
	_ =	sdelay $0x4  }
0x2cb: {  	[tilespmem:$0x3120] =	vst v5  }
0x2cc: {  	v5 =	vld [tilespmem:s7+$0xFFFFFFF0];
	_ =	sdelay $0x4  }
0x2cd: {  	[tilespmem:$0x30B0] =	vst v5  }
0x2ce: {  	v5 =	vld [tilespmem:s4+$0xFFFFFFF0];
	_ =	sdelay $0x4  }
0x2cf: {  	[tilespmem:$0x3130] =	vst v5  }
0x2d0: {  	[tilespmem:s15], [sflag:$0x3] =	stream.indirect.gather [hbm4b:s3+s13], $0x90, s14, s13, $0xb8;
	[tilespmem:$0x17AC0] =	vst v63  }
.LBB2_20:
0x2d1: {  	s0 =	sadd.s32 $0x1, s22  }
0x2d2: {  	p3 =	sge.s32 s0, s20  }
.Ltmp19:
0x2d3: {  	_ = 	snop;
	(pc) =	sbr.rel @p3 .LBB2_22-.Ltmp19, $1  }
0x2d4: {  	_ =	sdelay $0x3  }
0x2d5: {  	p4 =	seq.s32 @!p1 s22, $0x0  }
0x2d6: {  	p4 =	por p1, !p4  }
0x2d7: {  	_ =	swait.ge @p4 [sflag:s16], $0x4800  }
0x2d8: {  	[sflag:s16] =	ssyncset.done @p4 $0x0  }
0x2d9: {  	[sflag:s16] =	ssyncadd.s32 @p4 $0xFFFFB800  }
0x2da: {  	v5 =	vld [tilespmem:s7+$0x0];
	_ =	sdelay $0x4  }
0x2db: {  	[tilespmem:$0x3140] =	vst v5  }
0x2dc: {  	v5 =	vld [tilespmem:s4+$0x0];
	_ =	sdelay $0x4  }
0x2dd: {  	[tilespmem:$0x31C0] =	vst v5  }
0x2de: {  	v5 =	vld [tilespmem:s7+$0x10];
	_ =	sdelay $0x4  }
0x2df: {  	[tilespmem:$0x3150] =	vst v5  }
0x2e0: {  	v5 =	vld [tilespmem:s4+$0x10];
	_ =	sdelay $0x4  }
0x2e1: {  	[tilespmem:$0x31D0] =	vst v5  }
0x2e2: {  	v5 =	vld [tilespmem:s7+$0x20];
	_ =	sdelay $0x4  }
0x2e3: {  	[tilespmem:$0x3160] =	vst v5  }
0x2e4: {  	v5 =	vld [tilespmem:s4+$0x20];
	_ =	sdelay $0x4  }
0x2e5: {  	[tilespmem:$0x31E0] =	vst v5  }
0x2e6: {  	v5 =	vld [tilespmem:s7+$0x30];
	_ =	sdelay $0x4  }
0x2e7: {  	[tilespmem:$0x3170] =	vst v5  }
0x2e8: {  	v5 =	vld [tilespmem:s4+$0x30];
	_ =	sdelay $0x4  }
0x2e9: {  	[tilespmem:$0x31F0] =	vst v5  }
0x2ea: {  	v5 =	vld [tilespmem:s7+$0x40];
	_ =	sdelay $0x4  }
0x2eb: {  	[tilespmem:$0x3180] =	vst v5  }
0x2ec: {  	v5 =	vld [tilespmem:s4+$0x40];
	_ =	sdelay $0x4  }
0x2ed: {  	[tilespmem:$0x3200] =	vst v5  }
0x2ee: {  	v5 =	vld [tilespmem:s7+$0x50];
	_ =	sdelay $0x4  }
0x2ef: {  	[tilespmem:$0x3190] =	vst v5  }
0x2f0: {  	v5 =	vld [tilespmem:s4+$0x50];
	_ =	sdelay $0x4  }
0x2f1: {  	[tilespmem:$0x3210] =	vst v5  }
0x2f2: {  	v5 =	vld [tilespmem:s7+$0x60];
	_ =	sdelay $0x4  }
0x2f3: {  	[tilespmem:$0x31A0] =	vst v5  }
0x2f4: {  	v5 =	vld [tilespmem:s4+$0x60];
	_ =	sdelay $0x4  }
0x2f5: {  	[tilespmem:$0x3220] =	vst v5  }
0x2f6: {  	v5 =	vld [tilespmem:s7+$0x70];
	_ =	sdelay $0x4  }
0x2f7: {  	[tilespmem:$0x31B0] =	vst v5  }
0x2f8: {  	v5 =	vld [tilespmem:s4+$0x70];
	_ =	sdelay $0x1  }
.Ltmp20:
0x2f9: {  	_ = 	snop;
	(pc) =	sbr.rel .LBB2_22-.Ltmp20, $3  }
0x2fa: {  	_ =	sdelay $0x1  }
0x2fb: {  	[tilespmem:$0x3230] =	vst v5  }
0x2fc: {  	[tilespmem:s18], [sflag:$0x4] =	stream.indirect.gather [hbm4b:s3+s13], $0x90, s17, s13, $0xb8;
	[tilespmem:$0x17AC0] =	vst v63  }
.LBB2_24:
0x2fd: {  	_ =	swait.ge [sflag:s8], $0x7D0  }
0x2fe: {  	[sflag:s8] =	ssyncset.done $0x0  }
0x2ff: {  	[sflag:s8] =	ssyncadd.s32 $0xFFFFF830  }
0x300: {  	_ =	swait.ge [sflag:s8], $0x7D0  }
0x301: {  	[sflag:s8] =	ssyncset.done $0x0  }
0x302: {  	v6 =	vmov s4;
	s4 =	simm.s32 $0x0;
	[sflag:s8] =	ssyncadd.s32 $0xFFFFF830  }
0x303: {  	s7 =	simm.s32 $0x40;
	v5 =	vmov v6;
	v7 =	vld [tilespmem:s4+$0x7D0]  }
.LBB2_25:
0x304: {  	p0 =	sne.s32 s7, $0x1F00;
	_ =	sdelay $0x3  }
0x305: {  	v7 =	vsub.s32 v7, v4  }
0x306: {  	vm0 =	vlt.u32 v7, $0x1400  }
0x307: {  	v8 =	vsel vm0, $0x1, v2;
	v9 =	vmpcnt.ones.xlane vm0  }
0x308: {  	(xrf0) =	vadd.scan.msk.s32 $0xffff, v8  }
0x309: {  	v6 =	vadd.s32 v6, v9;
	_ =	sdelay $0x4  }
0x30a: {  	v9, _, _ =	vpop (xrf0)  }
0x30b: {  	v8 =	vsub.s32 v9, v8  }
0x30c: {  	v8 =	vadd.s32 v5, v8;
	v5 =	vmov v6  }
0x30d: {  	v9 =	vld [tilespmem:s4+$0x0];
	_ =	sdelay $0x1  }
.Ltmp21:
0x30e: {  	(pc) =	sbr.rel @p0 .LBB2_25-.Ltmp21, $4  }
0x30f: {  	_ = 	snop  }
0x310: {  	[tilespmem:v8+s9+$0x0] =	vst.idx.msk vm0, v7  }
0x311: {  	s4 =	sshra.s32 s7, $0x2;
	[tilespmem:v8+s11+$0x0] =	vst.idx.msk vm0, v9  }
0x312: {  	s7 =	sadd.s32 $0x40, s7;
	v7 =	vld [tilespmem:s4+$0x7D0]  }
0x313: {  	_ =	sdelay $0x3  }
0x314: {  	v4 =	vsub.s32 v7, v4  }
0x315: {  	vm0 =	vlt.u32 v4, $0x1400  }
0x316: {  	v60 =	vmpcnt.ones.xlane vm0;
	_ =	sdelay $0x1  }
0x317: {  	v8 =	vsel vm0, $0x1, v2;
	v6 =	vadd.s32 v6, v60  }
0x318: {  	(xrf0) =	vadd.scan.msk.s32 $0xffff, v8;
	v6 =	vxor.u32 $0x80000000, v6  }
0x319: {  	(xrf0) =	vmax.scan.msk.u32 $0xffff, v6;
	_ =	sdelay $0x4  }
0x31a: {  	v61, _, _ =	vpop (xrf0)  }
0x31b: {  	v62, _, _ =	vpop (xrf0)  }
0x31c: {  	(v2sf) =	vpush v62, $0xF;
	_ =	sdelay $0xe  }
0x31d: {  	s20 =	spop (v2sf)  }
0x31e: {  	s30 =	sxor.u32 $0x80000000, s20  }
0x31f: {  	p1 =	sgt.s32 s20, $0xFFFFFFFF;
	s0 =	sand.u32 $0x7F, s20;
	p0 =	slt.s32 s30, $0x1  }
0x320: {  	s1 =	sshra.s32 s30, $0x1F;
	p4 =	sne.s32 s0, $0x0;
	p0 =	por p1, p0  }
0x321: {  	s22 =	sshrl.u32 s1, $0x19;
	p0 =	por !p4, !p0  }
0x322: {  	s1 =	simm.s32 $0x1;
	s0 =	sadd.s32 s22, s30;
	p0 =	por !p0, !p0  }
0x323: {  	s0 =	sshra.s32 s0, $0x7;
	s1 =	simm.s32 @!p0 $0x0  }
0x324: {  	s10 =	ssub.s32 s0, s1  }
0x325: {  	s0 =	sadd.s32 $0x1, s10  }
0x326: {  	s26 =	sand.u32 $0x1, s0  }
0x327: {  	p6 =	slt.s32 s10, $0x0;
	p5 =	seq.s32 s26, $0x1  }
0x328: {  	s31 =	sshrl.u32 s0, $0x1F;
	p0 =	por !p6, !p5  }
0x329: {  	s1 =	simm.s32 $0x1;
	s0 =	sadd.s32 s31, s0;
	p0 =	por !p0, !p0  }
0x32a: {  	v6 =	vsub.s32 v61, v8;
	s0 =	sshra.s32 s0, $0x1;
	s1 =	simm.s32 @!p0 $0x0  }
0x32b: {  	v63 =	vld [tilespmem:s4+$0x0];
	v5 =	vadd.s32 v5, v6;
	s4 =	ssub.s32 s0, s1  }
0x32c: {  	p0 =	slt.s32 s4, $0x1  }
.Ltmp22:
0x32d: {  	_ = 	snop;
	(pc) =	sbr.rel @p0 .LBB2_33-.Ltmp22, $3  }
0x32e: {  	_ =	sdelay $0x1  }
0x32f: {  	[tilespmem:v5+s9+$0x0] =	vst.idx.msk vm0, v4  }
0x330: {  	[tilespmem:v5+s11+$0x0] =	vst.idx.msk vm0, v63  }
.Ltmp23:
0x331: {  	(pc) =	sbr.rel .LBB2_28-.Ltmp23, $3  }
0x332: {  	_ =	sdelay $0x1  }
0x333: {  	s26 =	ssub.s32 $0x0, s4;
	s22 =	simm.s32 $0x0;
	s4 =	simm.s32 $0x2840  }
0x334: {  	s7 =	simm.s32 $0x1FC0;
	p0 =	sgt.s32 s29, $0x0;
	p1 =	sgt.s32 s28, $0x0  }
.LBB2_32:
0x335: {  	s0 =	simm.s32 @!p2 $0x3  }
0x336: {  	_ =	swait.ge @!p2 [sflag:s0], $0x4800  }
0x337: {  	s1 =	simm.s32 @!p2 $0x30C0;
	s6 =	simm.s32 @!p2 $0x3240;
	[sflag:s0] =	ssyncset.done @!p2 $0x0  }
0x338: {  	s26 =	sadd.s32 $0x1, s26;
	[sflag:s0] =	ssyncadd.s32 @!p2 $0xFFFFB800;
	s0 =	simm.s32 @!p2 $0x80  }
0x339: {  	[spmem:s5] =	stream.indirect.scatter.add.bf16 @!p2 [tilespmem:s6], [sflag:$0x5], $0x90, s1, s0, $0xb8;
	[tilespmem:$0x17AC0] =	vst v63  }
0x33a: {  	p2 =	seq.s32 s26, $0x0  }
.Ltmp24:
0x33b: {  	s0 =	simm.s32 @!p3 $0x4;
	(pc) =	sbr.rel @p2 .LBB2_33-.Ltmp24, $4  }
0x33c: {  	s22 =	sadd.s32 $0x2, s22;
	s4 =	sadd.s32 $0x100, s4;
	_ =	swait.ge @!p3 [sflag:s0], $0x4800  }
0x33d: {  	s7 =	sadd.s32 $0x100, s7;
	s1 =	simm.s32 @!p3 $0x31C0;
	[sflag:s0] =	ssyncset.done @!p3 $0x0  }
0x33e: {  	s6 =	simm.s32 @!p3 $0x7A40;
	[sflag:s0] =	ssyncadd.s32 @!p3 $0xFFFFB800;
	s0 =	simm.s32 @!p3 $0x80  }
0x33f: {  	[spmem:s5] =	stream.indirect.scatter.add.bf16 @!p3 [tilespmem:s6], [sflag:$0x6], $0x90, s1, s0, $0xb8;
	[tilespmem:$0x17AC0] =	vst v63  }
.LBB2_28:
0x340: {  	p2 =	sge.s32 s22, s10  }
.Ltmp25:
0x341: {  	_ = 	snop;
	(pc) =	sbr.rel @p2 .LBB2_30-.Ltmp25, $1  }
0x342: {  	_ =	sdelay $0x3  }
0x343: {  	p3 =	seq.s32 @!p0 s22, $0x0  }
0x344: {  	p3 =	por p0, !p3  }
0x345: {  	_ =	swait.ge @p3 [sflag:s12], $0x4800  }
0x346: {  	[sflag:s12] =	ssyncset.done @p3 $0x0  }
0x347: {  	[sflag:s12] =	ssyncadd.s32 @p3 $0xFFFFB800  }
0x348: {  	v4 =	vld [tilespmem:s7+$0xFFFFFF80];
	_ =	sdelay $0x4  }
0x349: {  	[tilespmem:$0x3040] =	vst v4  }
0x34a: {  	v4 =	vld [tilespmem:s4+$0xFFFFFF80];
	_ =	sdelay $0x4  }
0x34b: {  	[tilespmem:$0x30C0] =	vst v4  }
0x34c: {  	v4 =	vld [tilespmem:s7+$0xFFFFFF90];
	_ =	sdelay $0x4  }
0x34d: {  	[tilespmem:$0x3050] =	vst v4  }
0x34e: {  	v4 =	vld [tilespmem:s4+$0xFFFFFF90];
	_ =	sdelay $0x4  }
0x34f: {  	[tilespmem:$0x30D0] =	vst v4  }
0x350: {  	v4 =	vld [tilespmem:s7+$0xFFFFFFA0];
	_ =	sdelay $0x4  }
0x351: {  	[tilespmem:$0x3060] =	vst v4  }
0x352: {  	v4 =	vld [tilespmem:s4+$0xFFFFFFA0];
	_ =	sdelay $0x4  }
0x353: {  	[tilespmem:$0x30E0] =	vst v4  }
0x354: {  	v4 =	vld [tilespmem:s7+$0xFFFFFFB0];
	_ =	sdelay $0x4  }
0x355: {  	[tilespmem:$0x3070] =	vst v4  }
0x356: {  	v4 =	vld [tilespmem:s4+$0xFFFFFFB0];
	_ =	sdelay $0x4  }
0x357: {  	[tilespmem:$0x30F0] =	vst v4  }
0x358: {  	v4 =	vld [tilespmem:s7+$0xFFFFFFC0];
	_ =	sdelay $0x4  }
0x359: {  	[tilespmem:$0x3080] =	vst v4  }
0x35a: {  	v4 =	vld [tilespmem:s4+$0xFFFFFFC0];
	_ =	sdelay $0x4  }
0x35b: {  	[tilespmem:$0x3100] =	vst v4  }
0x35c: {  	v4 =	vld [tilespmem:s7+$0xFFFFFFD0];
	_ =	sdelay $0x4  }
0x35d: {  	[tilespmem:$0x3090] =	vst v4  }
0x35e: {  	v4 =	vld [tilespmem:s4+$0xFFFFFFD0];
	_ =	sdelay $0x4  }
0x35f: {  	[tilespmem:$0x3110] =	vst v4  }
0x360: {  	v4 =	vld [tilespmem:s7+$0xFFFFFFE0];
	_ =	sdelay $0x4  }
0x361: {  	[tilespmem:$0x30A0] =	vst v4  }
0x362: {  	v4 =	vld [tilespmem:s4+$0xFFFFFFE0];
	_ =	sdelay $0x4  }
0x363: {  	[tilespmem:$0x3120] =	vst v4  }
0x364: {  	v4 =	vld [tilespmem:s7+$0xFFFFFFF0];
	_ =	sdelay $0x4  }
0x365: {  	[tilespmem:$0x30B0] =	vst v4  }
0x366: {  	v4 =	vld [tilespmem:s4+$0xFFFFFFF0];
	_ =	sdelay $0x4  }
0x367: {  	[tilespmem:$0x3130] =	vst v4  }
0x368: {  	[tilespmem:s15], [sflag:$0x3] =	stream.indirect.gather [hbm4b:s3+s13], $0x90, s14, s13, $0xb8;
	[tilespmem:$0x17AC0] =	vst v63  }
.LBB2_30:
0x369: {  	s0 =	sadd.s32 $0x1, s22  }
0x36a: {  	p3 =	sge.s32 s0, s10  }
.Ltmp26:
0x36b: {  	_ = 	snop;
	(pc) =	sbr.rel @p3 .LBB2_32-.Ltmp26, $1  }
0x36c: {  	_ =	sdelay $0x3  }
0x36d: {  	p4 =	seq.s32 @!p1 s22, $0x0  }
0x36e: {  	p4 =	por p1, !p4  }
0x36f: {  	_ =	swait.ge @p4 [sflag:s16], $0x4800  }
0x370: {  	[sflag:s16] =	ssyncset.done @p4 $0x0  }
0x371: {  	[sflag:s16] =	ssyncadd.s32 @p4 $0xFFFFB800  }
0x372: {  	v4 =	vld [tilespmem:s7+$0x0];
	_ =	sdelay $0x4  }
0x373: {  	[tilespmem:$0x3140] =	vst v4  }
0x374: {  	v4 =	vld [tilespmem:s4+$0x0];
	_ =	sdelay $0x4  }
0x375: {  	[tilespmem:$0x31C0] =	vst v4  }
0x376: {  	v4 =	vld [tilespmem:s7+$0x10];
	_ =	sdelay $0x4  }
0x377: {  	[tilespmem:$0x3150] =	vst v4  }
0x378: {  	v4 =	vld [tilespmem:s4+$0x10];
	_ =	sdelay $0x4  }
0x379: {  	[tilespmem:$0x31D0] =	vst v4  }
0x37a: {  	v4 =	vld [tilespmem:s7+$0x20];
	_ =	sdelay $0x4  }
0x37b: {  	[tilespmem:$0x3160] =	vst v4  }
0x37c: {  	v4 =	vld [tilespmem:s4+$0x20];
	_ =	sdelay $0x4  }
0x37d: {  	[tilespmem:$0x31E0] =	vst v4  }
0x37e: {  	v4 =	vld [tilespmem:s7+$0x30];
	_ =	sdelay $0x4  }
0x37f: {  	[tilespmem:$0x3170] =	vst v4  }
0x380: {  	v4 =	vld [tilespmem:s4+$0x30];
	_ =	sdelay $0x4  }
0x381: {  	[tilespmem:$0x31F0] =	vst v4  }
0x382: {  	v4 =	vld [tilespmem:s7+$0x40];
	_ =	sdelay $0x4  }
0x383: {  	[tilespmem:$0x3180] =	vst v4  }
0x384: {  	v4 =	vld [tilespmem:s4+$0x40];
	_ =	sdelay $0x4  }
0x385: {  	[tilespmem:$0x3200] =	vst v4  }
0x386: {  	v4 =	vld [tilespmem:s7+$0x50];
	_ =	sdelay $0x4  }
0x387: {  	[tilespmem:$0x3190] =	vst v4  }
0x388: {  	v4 =	vld [tilespmem:s4+$0x50];
	_ =	sdelay $0x4  }
0x389: {  	[tilespmem:$0x3210] =	vst v4  }
0x38a: {  	v4 =	vld [tilespmem:s7+$0x60];
	_ =	sdelay $0x4  }
0x38b: {  	[tilespmem:$0x31A0] =	vst v4  }
0x38c: {  	v4 =	vld [tilespmem:s4+$0x60];
	_ =	sdelay $0x4  }
0x38d: {  	[tilespmem:$0x3220] =	vst v4  }
0x38e: {  	v4 =	vld [tilespmem:s7+$0x70];
	_ =	sdelay $0x4  }
0x38f: {  	[tilespmem:$0x31B0] =	vst v4  }
0x390: {  	v4 =	vld [tilespmem:s4+$0x70];
	_ =	sdelay $0x1  }
.Ltmp27:
0x391: {  	_ = 	snop;
	(pc) =	sbr.rel .LBB2_32-.Ltmp27, $3  }
0x392: {  	_ =	sdelay $0x1  }
0x393: {  	[tilespmem:$0x3230] =	vst v4  }
0x394: {  	[tilespmem:s18], [sflag:$0x4] =	stream.indirect.gather [hbm4b:s3+s13], $0x90, s17, s13, $0xb8;
	[tilespmem:$0x17AC0] =	vst v63  }
.LBB2_35:
0x395: {  	_ =	sfence.sel $0x180000  }
0x396: {  	[bflag:$0x0] =	sbarrier.arrive $0xFFFF  }
0x397: {  	_ =	strace $0x90000047  }
0x398: {  	s0 =	stileid.u32;
	[bflag:$0x2] =	sbarrier.arrive $0xFFFF  }
0x399: {  	p0 =	sne.s32 s0, $0x0;
	s0 =	rddreg [dreg:$0x5]  }
0x39a: {  	s0 =	sadd.s32 @!p0 $0x100000, s0  }
0x39b: {  	[sflag:s0] =	ssyncadd.tile.s32 @!p0 $0x1;
	_ =	shalt  }
.Lfunc_end2:
_tile_overlayer_lowered:
.L_overlay_start_2:
0x39c: {  	(tag) =	ssettag $0x2  }
0x39d: {  	s0 =	rddreg [dreg:$0x0];
	s2 =	stileid.u32  }
0x39e: {  	s1 =	rddreg [dreg:$0x1];
	p0 =	sne.s32 s2, $0x0  }
0x39f: {  	s3 =	rddreg [dreg:$0x2];
	[bflag:$0x3] =	sbarrier.arrive $0xFFFF;
	s2 =	simm.s32 @!p0 $0x1C08  }
0x3a0: {  	[timem:s3], [sflag:s2] =	dma.local @!p0 [hbm:s0], s1  }
0x3a1: {  	s0 =	simm.s32 @!p0 $0x8  }
0x3a2: {  	_ =	swait.ge @!p0 [sflag:s0], s1  }
0x3a3: {  	s1 =	ssub.s32 @!p0 $0x0, s1;
	[sflag:s0] =	ssyncset.done @!p0 $0x0  }
0x3a4: {  	[sflag:s0] =	ssyncadd.s32 @!p0 s1  }
0x3a5: {  	[bflag:$0x3] =	sbarrier.arrive $0xFFFF  }
0x3a6: {  	_ =	shalt  }

</sc_bundles>
